<compile_context>
chip_gen: v7x
topology: tpu7x:2x2x1
jax: 0.10.2.dev20260603
libtpu: 0.0.44.dev20260713+nightly
codegen_flags: <defaults>
</compile_context>

<pallas_src>
import functools

import jax
import jax.numpy as jnp
from jax import lax
from jax.experimental import pallas as pl
from jax.experimental.pallas import tpu as pltpu
from jax.experimental.pallas import tpu_sc as plsc

N = 10000
E = 640000
ATOM = 101
BOND = 11
D = 128
L = 3
G = 256

NC = 2
NS = 16
NW = NC * NS
CH = 64
EPAD = 643072
TPT = EPAD // NW
NCHUNK = TPT // CH
NPAIR = NCHUNK // 2
NP = 10240
RPT = NP // NS
ZCHUNKS = [64] * 10
F32 = jnp.float32



def _embed(x, w, b):
    def body(x_ref, w_ref, b_ref, o_ref):
        o_ref[:] = (
            jnp.dot(x_ref[:], w_ref[:], preferred_element_type=F32) + b_ref[:]
        )

    R = 1000
    return pl.pallas_call(
        body,
        grid=(N // R,),
        in_specs=[
            pl.BlockSpec((R, ATOM), lambda i: (i, 0)),
            pl.BlockSpec((ATOM, D), lambda i: (0, 0)),
            pl.BlockSpec((1, D), lambda i: (0, 0)),
        ],
        out_specs=pl.BlockSpec((R, D), lambda i: (i, 0)),
        out_shape=jax.ShapeDtypeStruct((N, D), F32),
    )(x, w, b)


def _bond(attr, w, b):
    B = 4096

    def body(a_ref, w_ref, b_ref, o_ref):
        o_ref[:] = (
            jnp.dot(a_ref[:], w_ref[:], preferred_element_type=F32) + b_ref[:]
        )

    return pl.pallas_call(
        body,
        grid=(EPAD // B,),
        in_specs=[
            pl.BlockSpec((B, BOND), lambda j: (j, 0)),
            pl.BlockSpec((BOND, D), lambda j: (0, 0)),
            pl.BlockSpec((1, D), lambda j: (0, 0)),
        ],
        out_specs=pl.BlockSpec((B, D), lambda j: (j, 0)),
        out_shape=jax.ShapeDtypeStruct((EPAD, D), F32),
    )(attr, w, b)



def _mlp_fused(h, aggr, w1, b1, g1, be1, w2, b2, g2, be2, relu_last):
    def bn(v, g, be):
        m = jnp.mean(v, axis=0, keepdims=True)
        c = v - m
        var = jnp.mean(c * c, axis=0, keepdims=True)
        return c * lax.rsqrt(var + 1e-5) * g + be

    def body(h_ref, a_ref, w1_ref, b1_ref, g1_ref, be1_ref,
             w2_ref, b2_ref, g2_ref, be2_ref, o_ref):
        z = h_ref[:] + a_ref[0, :N] + a_ref[1, :N]
        z1 = jnp.dot(z, w1_ref[:], preferred_element_type=F32) + b1_ref[:]
        z1n = jnp.maximum(bn(z1, g1_ref[:], be1_ref[:]), 0.0)
        z2 = jnp.dot(z1n, w2_ref[:], preferred_element_type=F32) + b2_ref[:]
        hn = bn(z2, g2_ref[:], be2_ref[:])
        if relu_last:
            hn = jnp.maximum(hn, 0.0)
        o_ref[:] = hn

    return pl.pallas_call(
        body,
        out_shape=jax.ShapeDtypeStruct((N, D), F32),
    )(h, aggr, w1, b1, g1, be1, w2, b2, g2, be2)


def _pool(h, batch2d):
    GB = 64

    def body(h_ref, b_ref, o_ref):
        gbase = pl.program_id(0) * GB
        rows = lax.broadcasted_iota(jnp.int32, (GB, N), 0) + gbase
        mask = (rows == b_ref[:]).astype(F32)
        sums = jnp.dot(mask, h_ref[:], preferred_element_type=F32)
        counts = jnp.sum(mask, axis=1, keepdims=True)
        o_ref[:] = sums / jnp.maximum(counts, 1.0)

    return pl.pallas_call(
        body,
        grid=(G // GB,),
        in_specs=[
            pl.BlockSpec((N, D), lambda i: (0, 0)),
            pl.BlockSpec((1, N), lambda i: (0, 0)),
        ],
        out_specs=pl.BlockSpec((GB, D), lambda i: (i, 0)),
        out_shape=jax.ShapeDtypeStruct((G, D), F32),
    )(h, batch2d)



def _messages(h, e, src2, dst2):
    mesh = plsc.VectorSubcoreMesh(core_axis_name="c", subcore_axis_name="s")

    @functools.partial(
        pl.kernel,
        mesh=mesh,
        out_type=jax.ShapeDtypeStruct((NC, NP, D), F32),
        scratch_types=[
            pltpu.VMEM((CH,), jnp.int32),
            pltpu.VMEM((CH,), jnp.int32),
            pltpu.VMEM((CH,), jnp.int32),
            pltpu.VMEM((CH,), jnp.int32),
            pltpu.VMEM((CH, D), F32),
            pltpu.VMEM((CH, D), F32),
            pltpu.VMEM((CH, D), F32),
            pltpu.VMEM((CH, D), F32),
            pltpu.VMEM_SHARED((NP, D), F32),
        ] + [pltpu.SemaphoreType.DMA] * 8,
    )
    def k(h_hbm, e_hbm, src_hbm, dst_hbm, out_hbm,
          sv0, dv0, sv1, dv1, h0, e0, h1, e1, aggr_sh,
          is0, id0, ig0, ie0, is1, id1, ig1, ie1):
        cid = lax.axis_index("c")
        sid = lax.axis_index("s")
        base = (cid * NS + sid) * TPT

        def zb(r, carry):
            for j in range(D // 16):
                e0[r, pl.ds(j * 16, 16)] = jnp.zeros((16,), F32)
            return carry

        lax.fori_loop(0, CH, zb, 0)
        zoff = 0
        for zc in ZCHUNKS:
            pltpu.sync_copy(e0.at[pl.ds(0, zc)],
                            aggr_sh.at[pl.ds(sid * RPT + zoff, zc)])
            zoff += zc
        plsc.subcore_barrier()

        def s_copy(c, sv, sem):
            off = base + c * CH
            return pltpu.make_async_copy(src_hbm.at[pl.ds(off, CH)], sv, sem)

        def d_copy(c, dv, sem):
            off = base + c * CH
            return pltpu.make_async_copy(dst_hbm.at[pl.ds(off, CH)], dv, sem)

        def e_copy(c, eb, sem):
            off = base + c * CH
            return pltpu.make_async_copy(e_hbm.at[pl.ds(off, CH)], eb, sem)

        def g_copy(sv, hb, sem):
            return pltpu.make_async_copy(h_hbm.at[sv], hb, sem)

        def process(p, c, sv, dv, hb, eb, s_is, s_id, s_ig, s_ie):
            g_copy(sv, hb, s_ig).wait()
            e_copy(c, eb, s_ie).wait()

            @pl.when(p < NPAIR - 1)
            def _():
                s_copy(c + 2, sv, s_is).start()

            def msg(r, c2):
                for j in range(D // 16):
                    s = pl.ds(j * 16, 16)
                    eb[r, s] = jnp.maximum(hb[r, s] + eb[r, s], 0.0)
                return c2

            lax.fori_loop(0, CH, msg, 0)

            @pl.when(p < NPAIR - 1)
            def _():
                s_copy(c + 2, sv, s_is).wait()
                g_copy(sv, hb, s_ig).start()

            d_copy(c, dv, s_id).wait()
            pltpu.sync_copy(eb, aggr_sh.at[dv], add=True)

            @pl.when(p < NPAIR - 1)
            def _():
                d_copy(c + 2, dv, s_id).start()
                e_copy(c + 2, eb, s_ie).start()

        s_copy(0, sv0, is0).start()
        d_copy(0, dv0, id0).start()
        e_copy(0, e0, ie0).start()
        s_copy(1, sv1, is1).start()
        d_copy(1, dv1, id1).start()
        e_copy(1, e1, ie1).start()
        s_copy(0, sv0, is0).wait()
        g_copy(sv0, h0, ig0).start()
        s_copy(1, sv1, is1).wait()
        g_copy(sv1, h1, ig1).start()

        def pair(p, carry):
            process(p, 2 * p, sv0, dv0, h0, e0, is0, id0, ig0, ie0)
            process(p, 2 * p + 1, sv1, dv1, h1, e1, is1, id1, ig1, ie1)
            return carry

        lax.fori_loop(0, NPAIR, pair, 0)
        plsc.subcore_barrier()
        zoff = 0
        for zc in ZCHUNKS:
            r0 = sid * RPT + zoff
            pltpu.sync_copy(aggr_sh.at[pl.ds(r0, zc)],
                            out_hbm.at[cid, pl.ds(r0, zc)])
            zoff += zc

    return k(h, e, src2, dst2)



def kernel(x, edge_index, edge_attr, batch, W_emb, b_emb, bond_W, bond_b,
           mlp_W1, mlp_b1, mlp_g, mlp_beta, mlp_W2, mlp_b2, bn_g, bn_beta):
    pad = EPAD - E
    src = jnp.concatenate([edge_index[0], jnp.zeros((pad,), jnp.int32)])
    dst = jnp.concatenate([edge_index[1], jnp.full((pad,), N, jnp.int32)])
    attr = jnp.concatenate(
        [edge_attr, jnp.zeros((pad, BOND), F32)], axis=0)

    h = _embed(x, W_emb, b_emb.reshape(1, D))
    e = _bond(attr, bond_W[0], bond_b[0].reshape(1, D))

    for i in range(L):
        aggr = _messages(h, e, src, dst)
        if i + 1 < L:
            e = _bond(attr, bond_W[i + 1], bond_b[i + 1].reshape(1, D))
        h = _mlp_fused(h, aggr, mlp_W1[i], mlp_b1[i].reshape(1, 2 * D),
                       mlp_g[i].reshape(1, 2 * D),
                       mlp_beta[i].reshape(1, 2 * D), mlp_W2[i],
                       mlp_b2[i].reshape(1, D), bn_g[i].reshape(1, D),
                       bn_beta[i].reshape(1, D), relu_last=(i < L - 1))

    return _pool(h, batch.reshape(1, N))

# --- scband reference (transcript-rebuilt; emitter-appended) ---
"""Pipeline reference for scband-atom-graph-gine-40750649704710 (READ-ONLY COPY).

The authoritative reference and input builder live on the scoring server;
editing this copy changes nothing except your own understanding.
"""

import jax, jax.numpy as jnp
import numpy as np

N = 10000
E = 640000
ATOM = 101
BOND = 11
D = 128
L = 3
G = 256


def _p(key, shape, fan_in):
    return jax.random.normal(key, shape, dtype=jnp.float32) * (1.0 / np.sqrt(fan_in))


def setup_inputs(seed: int = 0) -> dict:
    key = jax.random.key(seed)
    ks = jax.random.split(key, 18)
    x = jax.random.normal(ks[0], (N, ATOM), dtype=jnp.float32)
    edge_index = jax.random.randint(ks[1], (2, E), 0, N, dtype=jnp.int32)
    edge_attr = jax.random.normal(ks[2], (E, BOND), dtype=jnp.float32)
    batch = jnp.sort(jax.random.randint(ks[3], (N,), 0, G, dtype=jnp.int32))
    return {
        "x": x,
        "edge_index": edge_index,
        "edge_attr": edge_attr,
        "batch": batch,
        "W_emb": _p(ks[4], (ATOM, D), ATOM),
        "b_emb": jnp.zeros((D,), jnp.float32),
        "bond_W": _p(ks[5], (L, BOND, D), BOND),
        "bond_b": jnp.zeros((L, D), jnp.float32),
        "mlp_W1": _p(ks[6], (L, D, 2 * D), D),
        "mlp_b1": jnp.zeros((L, 2 * D), jnp.float32),
        "mlp_g": jnp.ones((L, 2 * D), jnp.float32),
        "mlp_beta": jnp.zeros((L, 2 * D), jnp.float32),
        "mlp_W2": _p(ks[7], (L, 2 * D, D), 2 * D),
        "mlp_b2": jnp.zeros((L, D), jnp.float32),
        "bn_g": jnp.ones((L, D), jnp.float32),
        "bn_beta": jnp.zeros((L, D), jnp.float32),
    }


def _batchnorm(h, g, b):
    m = jnp.mean(h, axis=0)
    v = jnp.var(h, axis=0)
    return (h - m) * jax.lax.rsqrt(v + 1e-5) * g + b


def reference(x, edge_index, edge_attr, batch, W_emb, b_emb, bond_W, bond_b,
              mlp_W1, mlp_b1, mlp_g, mlp_beta, mlp_W2, mlp_b2, bn_g, bn_beta):
    src = edge_index[0]
    dst = edge_index[1]
    # atom embedding
    h = x @ W_emb + b_emb
    for i in range(L):
        # bond embedding for this layer
        e = edge_attr @ bond_W[i] + bond_b[i]
        # GINEConv: message = relu(x_j + e), sum-aggregate to dst
        msg = jax.nn.relu(h[src] + e)
        aggr = jnp.zeros_like(h).at[dst].add(msg)
        z = (1.0 + 0.0) * h + aggr  # eps=0 (GINEConv default)
        # nn: Linear -> BatchNorm1d -> ReLU -> Linear
        z = z @ mlp_W1[i] + mlp_b1[i]
        z = _batchnorm(z, mlp_g[i], mlp_beta[i])
        z = jax.nn.relu(z)
        z = z @ mlp_W2[i] + mlp_b2[i]
        # outer BatchNorm1d
        h = _batchnorm(z, bn_g[i], bn_beta[i])
        if i != L - 1:
            h = jax.nn.relu(h)
        # dropout p=0 -> identity
    # global_mean_pool over batch segment ids
    sums = jnp.zeros((G, h.shape[1]), h.dtype).at[batch].add(h)
    counts = jnp.bincount(batch, length=G).astype(h.dtype)
    return sums / jnp.clip(counts, 1.0)[:, None]

if __name__ == "__main__":
    import jax
    _d = setup_inputs()
    print(jax.jit(kernel)(*tuple(_d.values())))

</pallas_src>

<mosaic_0001>
#map = affine_map<(d0, d1) -> (0, 0)>
#map1 = affine_map<(d0, d1) -> (0)>
#map2 = affine_map<(d0, d1) -> (0, 0, 0)>
module attributes {stable_mosaic.version = 14 : i64} {
  func.func @k(%arg0: i32, %arg1: i32, %arg2: memref<10000x128xf32, #tpu.memory_space<hbm>>, %arg3: memref<643072x128xf32, #tpu.memory_space<hbm>>, %arg4: memref<643072xi32, #tpu.memory_space<hbm>>, %arg5: memref<643072xi32, #tpu.memory_space<hbm>>, %arg6: memref<2x10240x128xf32, #tpu.memory_space<hbm>>, %arg7: memref<64xi32, #tpu.memory_space<vmem>>, %arg8: memref<64xi32, #tpu.memory_space<vmem>>, %arg9: memref<64xi32, #tpu.memory_space<vmem>>, %arg10: memref<64xi32, #tpu.memory_space<vmem>>, %arg11: memref<64x128xf32, #tpu.memory_space<vmem>>, %arg12: memref<64x128xf32, #tpu.memory_space<vmem>>, %arg13: memref<64x128xf32, #tpu.memory_space<vmem>>, %arg14: memref<64x128xf32, #tpu.memory_space<vmem>>, %arg15: memref<10240x128xf32, #tpu.memory_space<vmem_shared>>, %arg16: memref<!tpu.dma_semaphore, #tpu.memory_space<semaphore_mem>>, %arg17: memref<!tpu.dma_semaphore, #tpu.memory_space<semaphore_mem>>, %arg18: memref<!tpu.dma_semaphore, #tpu.memory_space<semaphore_mem>>, %arg19: memref<!tpu.dma_semaphore, #tpu.memory_space<semaphore_mem>>, %arg20: memref<!tpu.dma_semaphore, #tpu.memory_space<semaphore_mem>>, %arg21: memref<!tpu.dma_semaphore, #tpu.memory_space<semaphore_mem>>, %arg22: memref<!tpu.dma_semaphore, #tpu.memory_space<semaphore_mem>>, %arg23: memref<!tpu.dma_semaphore, #tpu.memory_space<semaphore_mem>>) attributes {dimension_semantics = [#tpu.dimension_semantics<core_parallel>, #tpu.dimension_semantics<subcore_parallel>], iteration_bounds = array<i64: 2, 16>, scalar_prefetch = 0 : i64, scratch_operands = 17 : i64, tpu.core_type = #tpu.core_type<sc_vector_subcore>, window_params = [{transform_indices = #map}, {transform_indices = #map}, {transform_indices = #map1}, {transform_indices = #map1}, {transform_indices = #map2}]} {
    %mul3A = arith.constant 16 : i32
    %mul3A_0 = arith.muli %arg0, %mul3A : i32
    %add3A = arith.addi %mul3A_0, %arg1 : i32
    %mul3A_1 = arith.constant 20096 : i32
    %mul3A_2 = arith.muli %add3A, %mul3A_1 : i32
    %scan3A = arith.constant 0 : i32
    %scan3A_3 = arith.constant 0 : i32
    %scan3A_4 = arith.constant 64 : i32
    %scan3A_5 = arith.addi %scan3A_3, %scan3A_4 : i32
    %scan3A_6 = arith.constant 1 : i32
    scf.for %scan3A_135 = %scan3A_3 to %scan3A_5 step %scan3A_6  : i32 {
      %broadcast_in_dim3A = arith.constant 0.000000e+00 : f32
      %broadcast_in_dim3A_136 = vector.broadcast %broadcast_in_dim3A : f32 to vector<16xf32>
      %swap3A = arith.index_cast %scan3A_135 : i32 to index
      %swap3A_137 = arith.constant 0 : index
      %swap3A_138 = tpu.vector_load %arg12[%swap3A, %swap3A_137] {strides = array<i32>} : memref<64x128xf32, #tpu.memory_space<vmem>>, vector<1x16xf32>,
      %swap3A_139 = vector.shape_cast %swap3A_138 : vector<1x16xf32> to vector<16xf32>
      %swap3A_140 = vector.shape_cast %broadcast_in_dim3A_136 : vector<16xf32> to vector<1x16xf32>
      tpu.vector_store %arg12[%swap3A, %swap3A_137], %swap3A_140 {strides = array<i32>} : memref<64x128xf32, #tpu.memory_space<vmem>>, vector<1x16xf32>,
      %broadcast_in_dim3A_141 = arith.constant 0.000000e+00 : f32
      %broadcast_in_dim3A_142 = vector.broadcast %broadcast_in_dim3A_141 : f32 to vector<16xf32>
      %swap3A_143 = arith.index_cast %scan3A_135 : i32 to index
      %swap3A_144 = arith.constant 16 : index
      %swap3A_145 = tpu.vector_load %arg12[%swap3A_143, %swap3A_144] {strides = array<i32>} : memref<64x128xf32, #tpu.memory_space<vmem>>, vector<1x16xf32>,
      %swap3A_146 = vector.shape_cast %swap3A_145 : vector<1x16xf32> to vector<16xf32>
      %swap3A_147 = vector.shape_cast %broadcast_in_dim3A_142 : vector<16xf32> to vector<1x16xf32>
      tpu.vector_store %arg12[%swap3A_143, %swap3A_144], %swap3A_147 {strides = array<i32>} : memref<64x128xf32, #tpu.memory_space<vmem>>, vector<1x16xf32>,
      %broadcast_in_dim3A_148 = arith.constant 0.000000e+00 : f32
      %broadcast_in_dim3A_149 = vector.broadcast %broadcast_in_dim3A_148 : f32 to vector<16xf32>
      %swap3A_150 = arith.index_cast %scan3A_135 : i32 to index
      %swap3A_151 = arith.constant 32 : index
      %swap3A_152 = tpu.vector_load %arg12[%swap3A_150, %swap3A_151] {strides = array<i32>} : memref<64x128xf32, #tpu.memory_space<vmem>>, vector<1x16xf32>,
      %swap3A_153 = vector.shape_cast %swap3A_152 : vector<1x16xf32> to vector<16xf32>
      %swap3A_154 = vector.shape_cast %broadcast_in_dim3A_149 : vector<16xf32> to vector<1x16xf32>
      tpu.vector_store %arg12[%swap3A_150, %swap3A_151], %swap3A_154 {strides = array<i32>} : memref<64x128xf32, #tpu.memory_space<vmem>>, vector<1x16xf32>,
      %broadcast_in_dim3A_155 = arith.constant 0.000000e+00 : f32
      %broadcast_in_dim3A_156 = vector.broadcast %broadcast_in_dim3A_155 : f32 to vector<16xf32>
      %swap3A_157 = arith.index_cast %scan3A_135 : i32 to index
      %swap3A_158 = arith.constant 48 : index
      %swap3A_159 = tpu.vector_load %arg12[%swap3A_157, %swap3A_158] {strides = array<i32>} : memref<64x128xf32, #tpu.memory_space<vmem>>, vector<1x16xf32>,
      %swap3A_160 = vector.shape_cast %swap3A_159 : vector<1x16xf32> to vector<16xf32>
      %swap3A_161 = vector.shape_cast %broadcast_in_dim3A_156 : vector<16xf32> to vector<1x16xf32>
      tpu.vector_store %arg12[%swap3A_157, %swap3A_158], %swap3A_161 {strides = array<i32>} : memref<64x128xf32, #tpu.memory_space<vmem>>, vector<1x16xf32>,
      %broadcast_in_dim3A_162 = arith.constant 0.000000e+00 : f32
      %broadcast_in_dim3A_163 = vector.broadcast %broadcast_in_dim3A_162 : f32 to vector<16xf32>
      %swap3A_164 = arith.index_cast %scan3A_135 : i32 to index
      %swap3A_165 = arith.constant 64 : index
      %swap3A_166 = tpu.vector_load %arg12[%swap3A_164, %swap3A_165] {strides = array<i32>} : memref<64x128xf32, #tpu.memory_space<vmem>>, vector<1x16xf32>,
      %swap3A_167 = vector.shape_cast %swap3A_166 : vector<1x16xf32> to vector<16xf32>
      %swap3A_168 = vector.shape_cast %broadcast_in_dim3A_163 : vector<16xf32> to vector<1x16xf32>
      tpu.vector_store %arg12[%swap3A_164, %swap3A_165], %swap3A_168 {strides = array<i32>} : memref<64x128xf32, #tpu.memory_space<vmem>>, vector<1x16xf32>,
      %broadcast_in_dim3A_169 = arith.constant 0.000000e+00 : f32
      %broadcast_in_dim3A_170 = vector.broadcast %broadcast_in_dim3A_169 : f32 to vector<16xf32>
      %swap3A_171 = arith.index_cast %scan3A_135 : i32 to index
      %swap3A_172 = arith.constant 80 : index
      %swap3A_173 = tpu.vector_load %arg12[%swap3A_171, %swap3A_172] {strides = array<i32>} : memref<64x128xf32, #tpu.memory_space<vmem>>, vector<1x16xf32>,
      %swap3A_174 = vector.shape_cast %swap3A_173 : vector<1x16xf32> to vector<16xf32>
      %swap3A_175 = vector.shape_cast %broadcast_in_dim3A_170 : vector<16xf32> to vector<1x16xf32>
      tpu.vector_store %arg12[%swap3A_171, %swap3A_172], %swap3A_175 {strides = array<i32>} : memref<64x128xf32, #tpu.memory_space<vmem>>, vector<1x16xf32>,
      %broadcast_in_dim3A_176 = arith.constant 0.000000e+00 : f32
      %broadcast_in_dim3A_177 = vector.broadcast %broadcast_in_dim3A_176 : f32 to vector<16xf32>
      %swap3A_178 = arith.index_cast %scan3A_135 : i32 to index
      %swap3A_179 = arith.constant 96 : index
      %swap3A_180 = tpu.vector_load %arg12[%swap3A_178, %swap3A_179] {strides = array<i32>} : memref<64x128xf32, #tpu.memory_space<vmem>>, vector<1x16xf32>,
      %swap3A_181 = vector.shape_cast %swap3A_180 : vector<1x16xf32> to vector<16xf32>
      %swap3A_182 = vector.shape_cast %broadcast_in_dim3A_177 : vector<16xf32> to vector<1x16xf32>
      tpu.vector_store %arg12[%swap3A_178, %swap3A_179], %swap3A_182 {strides = array<i32>} : memref<64x128xf32, #tpu.memory_space<vmem>>, vector<1x16xf32>,
      %broadcast_in_dim3A_183 = arith.constant 0.000000e+00 : f32
      %broadcast_in_dim3A_184 = vector.broadcast %broadcast_in_dim3A_183 : f32 to vector<16xf32>
      %swap3A_185 = arith.index_cast %scan3A_135 : i32 to index
      %swap3A_186 = arith.constant 112 : index
      %swap3A_187 = tpu.vector_load %arg12[%swap3A_185, %swap3A_186] {strides = array<i32>} : memref<64x128xf32, #tpu.memory_space<vmem>>, vector<1x16xf32>,
      %swap3A_188 = vector.shape_cast %swap3A_187 : vector<1x16xf32> to vector<16xf32>
      %swap3A_189 = vector.shape_cast %broadcast_in_dim3A_184 : vector<16xf32> to vector<1x16xf32>
      tpu.vector_store %arg12[%swap3A_185, %swap3A_186], %swap3A_189 {strides = array<i32>} : memref<64x128xf32, #tpu.memory_space<vmem>>, vector<1x16xf32>,
    }
    %scan3A_7 = arith.constant 64 : i32
    %mul3A_8 = arith.constant 640 : i32
    %mul3A_9 = arith.muli %arg1, %mul3A_8 : i32
    %add3A_10 = arith.constant 0 : i32
    %add3A_11 = arith.addi %mul3A_9, %add3A_10 : i32
    "tpu.region"() ({
      %run_scoped3A = tpu.sem_alloc : memref<!tpu.dma_semaphore, #tpu.memory_space<semaphore_mem>>
      %dma_start3A_135 = arith.constant 0 : i32
      %dma_start3A_136 = arith.constant 0 : i32
      %dma_start3A_137 = tpu.memref_slice %arg12[%dma_start3A_135, %dma_start3A_136] : memref<64x128xf32, #tpu.memory_space<vmem>> -> memref<64x128xf32, #tpu.memory_space<vmem>>
      %dma_start3A_138 = arith.constant 0 : i32
      %dma_start3A_139 = tpu.memref_slice %arg15[%add3A_11, %dma_start3A_138] : memref<10240x128xf32, #tpu.memory_space<vmem_shared>> -> memref<64x128xf32, #tpu.memory_space<vmem_shared>>
      %dma_start3A_140 = arith.constant 0 : i32
      %dma_start3A_141 = tpu.memref_slice %arg15[%add3A_11, %dma_start3A_140] : memref<10240x128xf32, #tpu.memory_space<vmem_shared>> -> memref<64x128xf32, #tpu.memory_space<vmem_shared>>
      %dma_start3A_142 = arith.constant 0 : i32
      %dma_start3A_143 = arith.constant 0 : i32
      %dma_start3A_144 = tpu.memref_slice %arg12[%dma_start3A_142, %dma_start3A_143] : memref<64x128xf32, #tpu.memory_space<vmem>> -> memref<64x128xf32, #tpu.memory_space<vmem>>
      tpu.enqueue_dma source(%dma_start3A_144 : memref<64x128xf32, #tpu.memory_space<vmem>>) target(%dma_start3A_141 : memref<64x128xf32, #tpu.memory_space<vmem_shared>>) target_semaphore(%run_scoped3A : memref<!tpu.dma_semaphore, #tpu.memory_space<semaphore_mem>>)
      %dma_wait3A_145 = arith.constant 0 : i32
      %dma_wait3A_146 = arith.constant 0 : i32
      %dma_wait3A_147 = tpu.memref_slice %arg12[%dma_wait3A_145, %dma_wait3A_146] : memref<64x128xf32, #tpu.memory_space<vmem>> -> memref<64x128xf32, #tpu.memory_space<vmem>>
      %dma_wait3A_148 = arith.constant 0 : i32
      %dma_wait3A_149 = tpu.memref_slice %arg15[%add3A_11, %dma_wait3A_148] : memref<10240x128xf32, #tpu.memory_space<vmem_shared>> -> memref<64x128xf32, #tpu.memory_space<vmem_shared>>
      %dma_wait3A_150 = arith.constant 0 : i32
      %dma_wait3A_151 = tpu.memref_slice %arg15[%add3A_11, %dma_wait3A_150] : memref<10240x128xf32, #tpu.memory_space<vmem_shared>> -> memref<64x128xf32, #tpu.memory_space<vmem_shared>>
      %dma_wait3A_152 = arith.constant 0 : i32
      %dma_wait3A_153 = arith.constant 0 : i32
      %dma_wait3A_154 = tpu.memref_slice %arg12[%dma_wait3A_152, %dma_wait3A_153] : memref<64x128xf32, #tpu.memory_space<vmem>> -> memref<64x128xf32, #tpu.memory_space<vmem>>
      tpu.wait_dma2 semaphore(%run_scoped3A : memref<!tpu.dma_semaphore, #tpu.memory_space<semaphore_mem>>) src(%dma_wait3A_154 : memref<64x128xf32, #tpu.memory_space<vmem>>) dst(%dma_wait3A_151 : memref<64x128xf32, #tpu.memory_space<vmem_shared>>)
      tpu.yield
    }) : () -> ()
    %mul3A_12 = arith.constant 640 : i32
    %mul3A_13 = arith.muli %arg1, %mul3A_12 : i32
    %add3A_14 = arith.constant 64 : i32
    %add3A_15 = arith.addi %mul3A_13, %add3A_14 : i32
    "tpu.region"() ({
      %run_scoped3A = tpu.sem_alloc : memref<!tpu.dma_semaphore, #tpu.memory_space<semaphore_mem>>
      %dma_start3A_135 = arith.constant 0 : i32
      %dma_start3A_136 = arith.constant 0 : i32
      %dma_start3A_137 = tpu.memref_slice %arg12[%dma_start3A_135, %dma_start3A_136] : memref<64x128xf32, #tpu.memory_space<vmem>> -> memref<64x128xf32, #tpu.memory_space<vmem>>
      %dma_start3A_138 = arith.constant 0 : i32
      %dma_start3A_139 = tpu.memref_slice %arg15[%add3A_15, %dma_start3A_138] : memref<10240x128xf32, #tpu.memory_space<vmem_shared>> -> memref<64x128xf32, #tpu.memory_space<vmem_shared>>
      %dma_start3A_140 = arith.constant 0 : i32
      %dma_start3A_141 = tpu.memref_slice %arg15[%add3A_15, %dma_start3A_140] : memref<10240x128xf32, #tpu.memory_space<vmem_shared>> -> memref<64x128xf32, #tpu.memory_space<vmem_shared>>
      %dma_start3A_142 = arith.constant 0 : i32
      %dma_start3A_143 = arith.constant 0 : i32
      %dma_start3A_144 = tpu.memref_slice %arg12[%dma_start3A_142, %dma_start3A_143] : memref<64x128xf32, #tpu.memory_space<vmem>> -> memref<64x128xf32, #tpu.memory_space<vmem>>
      tpu.enqueue_dma source(%dma_start3A_144 : memref<64x128xf32, #tpu.memory_space<vmem>>) target(%dma_start3A_141 : memref<64x128xf32, #tpu.memory_space<vmem_shared>>) target_semaphore(%run_scoped3A : memref<!tpu.dma_semaphore, #tpu.memory_space<semaphore_mem>>)
      %dma_wait3A_145 = arith.constant 0 : i32
      %dma_wait3A_146 = arith.constant 0 : i32
      %dma_wait3A_147 = tpu.memref_slice %arg12[%dma_wait3A_145, %dma_wait3A_146] : memref<64x128xf32, #tpu.memory_space<vmem>> -> memref<64x128xf32, #tpu.memory_space<vmem>>
      %dma_wait3A_148 = arith.constant 0 : i32
      %dma_wait3A_149 = tpu.memref_slice %arg15[%add3A_15, %dma_wait3A_148] : memref<10240x128xf32, #tpu.memory_space<vmem_shared>> -> memref<64x128xf32, #tpu.memory_space<vmem_shared>>
      %dma_wait3A_150 = arith.constant 0 : i32
      %dma_wait3A_151 = tpu.memref_slice %arg15[%add3A_15, %dma_wait3A_150] : memref<10240x128xf32, #tpu.memory_space<vmem_shared>> -> memref<64x128xf32, #tpu.memory_space<vmem_shared>>
      %dma_wait3A_152 = arith.constant 0 : i32
      %dma_wait3A_153 = arith.constant 0 : i32
      %dma_wait3A_154 = tpu.memref_slice %arg12[%dma_wait3A_152, %dma_wait3A_153] : memref<64x128xf32, #tpu.memory_space<vmem>> -> memref<64x128xf32, #tpu.memory_space<vmem>>
      tpu.wait_dma2 semaphore(%run_scoped3A : memref<!tpu.dma_semaphore, #tpu.memory_space<semaphore_mem>>) src(%dma_wait3A_154 : memref<64x128xf32, #tpu.memory_space<vmem>>) dst(%dma_wait3A_151 : memref<64x128xf32, #tpu.memory_space<vmem_shared>>)
      tpu.yield
    }) : () -> ()
    %mul3A_16 = arith.constant 640 : i32
    %mul3A_17 = arith.muli %arg1, %mul3A_16 : i32
    %add3A_18 = arith.constant 128 : i32
    %add3A_19 = arith.addi %mul3A_17, %add3A_18 : i32
    "tpu.region"() ({
      %run_scoped3A = tpu.sem_alloc : memref<!tpu.dma_semaphore, #tpu.memory_space<semaphore_mem>>
      %dma_start3A_135 = arith.constant 0 : i32
      %dma_start3A_136 = arith.constant 0 : i32
      %dma_start3A_137 = tpu.memref_slice %arg12[%dma_start3A_135, %dma_start3A_136] : memref<64x128xf32, #tpu.memory_space<vmem>> -> memref<64x128xf32, #tpu.memory_space<vmem>>
      %dma_start3A_138 = arith.constant 0 : i32
      %dma_start3A_139 = tpu.memref_slice %arg15[%add3A_19, %dma_start3A_138] : memref<10240x128xf32, #tpu.memory_space<vmem_shared>> -> memref<64x128xf32, #tpu.memory_space<vmem_shared>>
      %dma_start3A_140 = arith.constant 0 : i32
      %dma_start3A_141 = tpu.memref_slice %arg15[%add3A_19, %dma_start3A_140] : memref<10240x128xf32, #tpu.memory_space<vmem_shared>> -> memref<64x128xf32, #tpu.memory_space<vmem_shared>>
      %dma_start3A_142 = arith.constant 0 : i32
      %dma_start3A_143 = arith.constant 0 : i32
      %dma_start3A_144 = tpu.memref_slice %arg12[%dma_start3A_142, %dma_start3A_143] : memref<64x128xf32, #tpu.memory_space<vmem>> -> memref<64x128xf32, #tpu.memory_space<vmem>>
      tpu.enqueue_dma source(%dma_start3A_144 : memref<64x128xf32, #tpu.memory_space<vmem>>) target(%dma_start3A_141 : memref<64x128xf32, #tpu.memory_space<vmem_shared>>) target_semaphore(%run_scoped3A : memref<!tpu.dma_semaphore, #tpu.memory_space<semaphore_mem>>)
      %dma_wait3A_145 = arith.constant 0 : i32
      %dma_wait3A_146 = arith.constant 0 : i32
      %dma_wait3A_147 = tpu.memref_slice %arg12[%dma_wait3A_145, %dma_wait3A_146] : memref<64x128xf32, #tpu.memory_space<vmem>> -> memref<64x128xf32, #tpu.memory_space<vmem>>
      %dma_wait3A_148 = arith.constant 0 : i32
      %dma_wait3A_149 = tpu.memref_slice %arg15[%add3A_19, %dma_wait3A_148] : memref<10240x128xf32, #tpu.memory_space<vmem_shared>> -> memref<64x128xf32, #tpu.memory_space<vmem_shared>>
      %dma_wait3A_150 = arith.constant 0 : i32
      %dma_wait3A_151 = tpu.memref_slice %arg15[%add3A_19, %dma_wait3A_150] : memref<10240x128xf32, #tpu.memory_space<vmem_shared>> -> memref<64x128xf32, #tpu.memory_space<vmem_shared>>
      %dma_wait3A_152 = arith.constant 0 : i32
      %dma_wait3A_153 = arith.constant 0 : i32
      %dma_wait3A_154 = tpu.memref_slice %arg12[%dma_wait3A_152, %dma_wait3A_153] : memref<64x128xf32, #tpu.memory_space<vmem>> -> memref<64x128xf32, #tpu.memory_space<vmem>>
      tpu.wait_dma2 semaphore(%run_scoped3A : memref<!tpu.dma_semaphore, #tpu.memory_space<semaphore_mem>>) src(%dma_wait3A_154 : memref<64x128xf32, #tpu.memory_space<vmem>>) dst(%dma_wait3A_151 : memref<64x128xf32, #tpu.memory_space<vmem_shared>>)
      tpu.yield
    }) : () -> ()
    %mul3A_20 = arith.constant 640 : i32
    %mul3A_21 = arith.muli %arg1, %mul3A_20 : i32
    %add3A_22 = arith.constant 192 : i32
    %add3A_23 = arith.addi %mul3A_21, %add3A_22 : i32
    "tpu.region"() ({
      %run_scoped3A = tpu.sem_alloc : memref<!tpu.dma_semaphore, #tpu.memory_space<semaphore_mem>>
      %dma_start3A_135 = arith.constant 0 : i32
      %dma_start3A_136 = arith.constant 0 : i32
      %dma_start3A_137 = tpu.memref_slice %arg12[%dma_start3A_135, %dma_start3A_136] : memref<64x128xf32, #tpu.memory_space<vmem>> -> memref<64x128xf32, #tpu.memory_space<vmem>>
      %dma_start3A_138 = arith.constant 0 : i32
      %dma_start3A_139 = tpu.memref_slice %arg15[%add3A_23, %dma_start3A_138] : memref<10240x128xf32, #tpu.memory_space<vmem_shared>> -> memref<64x128xf32, #tpu.memory_space<vmem_shared>>
      %dma_start3A_140 = arith.constant 0 : i32
      %dma_start3A_141 = tpu.memref_slice %arg15[%add3A_23, %dma_start3A_140] : memref<10240x128xf32, #tpu.memory_space<vmem_shared>> -> memref<64x128xf32, #tpu.memory_space<vmem_shared>>
      %dma_start3A_142 = arith.constant 0 : i32
      %dma_start3A_143 = arith.constant 0 : i32
      %dma_start3A_144 = tpu.memref_slice %arg12[%dma_start3A_142, %dma_start3A_143] : memref<64x128xf32, #tpu.memory_space<vmem>> -> memref<64x128xf32, #tpu.memory_space<vmem>>
      tpu.enqueue_dma source(%dma_start3A_144 : memref<64x128xf32, #tpu.memory_space<vmem>>) target(%dma_start3A_141 : memref<64x128xf32, #tpu.memory_space<vmem_shared>>) target_semaphore(%run_scoped3A : memref<!tpu.dma_semaphore, #tpu.memory_space<semaphore_mem>>)
      %dma_wait3A_145 = arith.constant 0 : i32
      %dma_wait3A_146 = arith.constant 0 : i32
      %dma_wait3A_147 = tpu.memref_slice %arg12[%dma_wait3A_145, %dma_wait3A_146] : memref<64x128xf32, #tpu.memory_space<vmem>> -> memref<64x128xf32, #tpu.memory_space<vmem>>
      %dma_wait3A_148 = arith.constant 0 : i32
      %dma_wait3A_149 = tpu.memref_slice %arg15[%add3A_23, %dma_wait3A_148] : memref<10240x128xf32, #tpu.memory_space<vmem_shared>> -> memref<64x128xf32, #tpu.memory_space<vmem_shared>>
      %dma_wait3A_150 = arith.constant 0 : i32
      %dma_wait3A_151 = tpu.memref_slice %arg15[%add3A_23, %dma_wait3A_150] : memref<10240x128xf32, #tpu.memory_space<vmem_shared>> -> memref<64x128xf32, #tpu.memory_space<vmem_shared>>
      %dma_wait3A_152 = arith.constant 0 : i32
      %dma_wait3A_153 = arith.constant 0 : i32
      %dma_wait3A_154 = tpu.memref_slice %arg12[%dma_wait3A_152, %dma_wait3A_153] : memref<64x128xf32, #tpu.memory_space<vmem>> -> memref<64x128xf32, #tpu.memory_space<vmem>>
      tpu.wait_dma2 semaphore(%run_scoped3A : memref<!tpu.dma_semaphore, #tpu.memory_space<semaphore_mem>>) src(%dma_wait3A_154 : memref<64x128xf32, #tpu.memory_space<vmem>>) dst(%dma_wait3A_151 : memref<64x128xf32, #tpu.memory_space<vmem_shared>>)
      tpu.yield
    }) : () -> ()
    %mul3A_24 = arith.constant 640 : i32
    %mul3A_25 = arith.muli %arg1, %mul3A_24 : i32
    %add3A_26 = arith.constant 256 : i32
    %add3A_27 = arith.addi %mul3A_25, %add3A_26 : i32
    "tpu.region"() ({
      %run_scoped3A = tpu.sem_alloc : memref<!tpu.dma_semaphore, #tpu.memory_space<semaphore_mem>>
      %dma_start3A_135 = arith.constant 0 : i32
      %dma_start3A_136 = arith.constant 0 : i32
      %dma_start3A_137 = tpu.memref_slice %arg12[%dma_start3A_135, %dma_start3A_136] : memref<64x128xf32, #tpu.memory_space<vmem>> -> memref<64x128xf32, #tpu.memory_space<vmem>>
      %dma_start3A_138 = arith.constant 0 : i32
      %dma_start3A_139 = tpu.memref_slice %arg15[%add3A_27, %dma_start3A_138] : memref<10240x128xf32, #tpu.memory_space<vmem_shared>> -> memref<64x128xf32, #tpu.memory_space<vmem_shared>>
      %dma_start3A_140 = arith.constant 0 : i32
      %dma_start3A_141 = tpu.memref_slice %arg15[%add3A_27, %dma_start3A_140] : memref<10240x128xf32, #tpu.memory_space<vmem_shared>> -> memref<64x128xf32, #tpu.memory_space<vmem_shared>>
      %dma_start3A_142 = arith.constant 0 : i32
      %dma_start3A_143 = arith.constant 0 : i32
      %dma_start3A_144 = tpu.memref_slice %arg12[%dma_start3A_142, %dma_start3A_143] : memref<64x128xf32, #tpu.memory_space<vmem>> -> memref<64x128xf32, #tpu.memory_space<vmem>>
      tpu.enqueue_dma source(%dma_start3A_144 : memref<64x128xf32, #tpu.memory_space<vmem>>) target(%dma_start3A_141 : memref<64x128xf32, #tpu.memory_space<vmem_shared>>) target_semaphore(%run_scoped3A : memref<!tpu.dma_semaphore, #tpu.memory_space<semaphore_mem>>)
      %dma_wait3A_145 = arith.constant 0 : i32
      %dma_wait3A_146 = arith.constant 0 : i32
      %dma_wait3A_147 = tpu.memref_slice %arg12[%dma_wait3A_145, %dma_wait3A_146] : memref<64x128xf32, #tpu.memory_space<vmem>> -> memref<64x128xf32, #tpu.memory_space<vmem>>
      %dma_wait3A_148 = arith.constant 0 : i32
      %dma_wait3A_149 = tpu.memref_slice %arg15[%add3A_27, %dma_wait3A_148] : memref<10240x128xf32, #tpu.memory_space<vmem_shared>> -> memref<64x128xf32, #tpu.memory_space<vmem_shared>>
      %dma_wait3A_150 = arith.constant 0 : i32
      %dma_wait3A_151 = tpu.memref_slice %arg15[%add3A_27, %dma_wait3A_150] : memref<10240x128xf32, #tpu.memory_space<vmem_shared>> -> memref<64x128xf32, #tpu.memory_space<vmem_shared>>
      %dma_wait3A_152 = arith.constant 0 : i32
      %dma_wait3A_153 = arith.constant 0 : i32
      %dma_wait3A_154 = tpu.memref_slice %arg12[%dma_wait3A_152, %dma_wait3A_153] : memref<64x128xf32, #tpu.memory_space<vmem>> -> memref<64x128xf32, #tpu.memory_space<vmem>>
      tpu.wait_dma2 semaphore(%run_scoped3A : memref<!tpu.dma_semaphore, #tpu.memory_space<semaphore_mem>>) src(%dma_wait3A_154 : memref<64x128xf32, #tpu.memory_space<vmem>>) dst(%dma_wait3A_151 : memref<64x128xf32, #tpu.memory_space<vmem_shared>>)
      tpu.yield
    }) : () -> ()
    %mul3A_28 = arith.constant 640 : i32
    %mul3A_29 = arith.muli %arg1, %mul3A_28 : i32
    %add3A_30 = arith.constant 320 : i32
    %add3A_31 = arith.addi %mul3A_29, %add3A_30 : i32
    "tpu.region"() ({
      %run_scoped3A = tpu.sem_alloc : memref<!tpu.dma_semaphore, #tpu.memory_space<semaphore_mem>>
      %dma_start3A_135 = arith.constant 0 : i32
      %dma_start3A_136 = arith.constant 0 : i32
      %dma_start3A_137 = tpu.memref_slice %arg12[%dma_start3A_135, %dma_start3A_136] : memref<64x128xf32, #tpu.memory_space<vmem>> -> memref<64x128xf32, #tpu.memory_space<vmem>>
      %dma_start3A_138 = arith.constant 0 : i32
      %dma_start3A_139 = tpu.memref_slice %arg15[%add3A_31, %dma_start3A_138] : memref<10240x128xf32, #tpu.memory_space<vmem_shared>> -> memref<64x128xf32, #tpu.memory_space<vmem_shared>>
      %dma_start3A_140 = arith.constant 0 : i32
      %dma_start3A_141 = tpu.memref_slice %arg15[%add3A_31, %dma_start3A_140] : memref<10240x128xf32, #tpu.memory_space<vmem_shared>> -> memref<64x128xf32, #tpu.memory_space<vmem_shared>>
      %dma_start3A_142 = arith.constant 0 : i32
      %dma_start3A_143 = arith.constant 0 : i32
      %dma_start3A_144 = tpu.memref_slice %arg12[%dma_start3A_142, %dma_start3A_143] : memref<64x128xf32, #tpu.memory_space<vmem>> -> memref<64x128xf32, #tpu.memory_space<vmem>>
      tpu.enqueue_dma source(%dma_start3A_144 : memref<64x128xf32, #tpu.memory_space<vmem>>) target(%dma_start3A_141 : memref<64x128xf32, #tpu.memory_space<vmem_shared>>) target_semaphore(%run_scoped3A : memref<!tpu.dma_semaphore, #tpu.memory_space<semaphore_mem>>)
      %dma_wait3A_145 = arith.constant 0 : i32
      %dma_wait3A_146 = arith.constant 0 : i32
      %dma_wait3A_147 = tpu.memref_slice %arg12[%dma_wait3A_145, %dma_wait3A_146] : memref<64x128xf32, #tpu.memory_space<vmem>> -> memref<64x128xf32, #tpu.memory_space<vmem>>
      %dma_wait3A_148 = arith.constant 0 : i32
      %dma_wait3A_149 = tpu.memref_slice %arg15[%add3A_31, %dma_wait3A_148] : memref<10240x128xf32, #tpu.memory_space<vmem_shared>> -> memref<64x128xf32, #tpu.memory_space<vmem_shared>>
      %dma_wait3A_150 = arith.constant 0 : i32
      %dma_wait3A_151 = tpu.memref_slice %arg15[%add3A_31, %dma_wait3A_150] : memref<10240x128xf32, #tpu.memory_space<vmem_shared>> -> memref<64x128xf32, #tpu.memory_space<vmem_shared>>
      %dma_wait3A_152 = arith.constant 0 : i32
      %dma_wait3A_153 = arith.constant 0 : i32
      %dma_wait3A_154 = tpu.memref_slice %arg12[%dma_wait3A_152, %dma_wait3A_153] : memref<64x128xf32, #tpu.memory_space<vmem>> -> memref<64x128xf32, #tpu.memory_space<vmem>>
      tpu.wait_dma2 semaphore(%run_scoped3A : memref<!tpu.dma_semaphore, #tpu.memory_space<semaphore_mem>>) src(%dma_wait3A_154 : memref<64x128xf32, #tpu.memory_space<vmem>>) dst(%dma_wait3A_151 : memref<64x128xf32, #tpu.memory_space<vmem_shared>>)
      tpu.yield
    }) : () -> ()
    %mul3A_32 = arith.constant 640 : i32
    %mul3A_33 = arith.muli %arg1, %mul3A_32 : i32
    %add3A_34 = arith.constant 384 : i32
    %add3A_35 = arith.addi %mul3A_33, %add3A_34 : i32
    "tpu.region"() ({
      %run_scoped3A = tpu.sem_alloc : memref<!tpu.dma_semaphore, #tpu.memory_space<semaphore_mem>>
      %dma_start3A_135 = arith.constant 0 : i32
      %dma_start3A_136 = arith.constant 0 : i32
      %dma_start3A_137 = tpu.memref_slice %arg12[%dma_start3A_135, %dma_start3A_136] : memref<64x128xf32, #tpu.memory_space<vmem>> -> memref<64x128xf32, #tpu.memory_space<vmem>>
      %dma_start3A_138 = arith.constant 0 : i32
      %dma_start3A_139 = tpu.memref_slice %arg15[%add3A_35, %dma_start3A_138] : memref<10240x128xf32, #tpu.memory_space<vmem_shared>> -> memref<64x128xf32, #tpu.memory_space<vmem_shared>>
      %dma_start3A_140 = arith.constant 0 : i32
      %dma_start3A_141 = tpu.memref_slice %arg15[%add3A_35, %dma_start3A_140] : memref<10240x128xf32, #tpu.memory_space<vmem_shared>> -> memref<64x128xf32, #tpu.memory_space<vmem_shared>>
      %dma_start3A_142 = arith.constant 0 : i32
      %dma_start3A_143 = arith.constant 0 : i32
      %dma_start3A_144 = tpu.memref_slice %arg12[%dma_start3A_142, %dma_start3A_143] : memref<64x128xf32, #tpu.memory_space<vmem>> -> memref<64x128xf32, #tpu.memory_space<vmem>>
      tpu.enqueue_dma source(%dma_start3A_144 : memref<64x128xf32, #tpu.memory_space<vmem>>) target(%dma_start3A_141 : memref<64x128xf32, #tpu.memory_space<vmem_shared>>) target_semaphore(%run_scoped3A : memref<!tpu.dma_semaphore, #tpu.memory_space<semaphore_mem>>)
      %dma_wait3A_145 = arith.constant 0 : i32
      %dma_wait3A_146 = arith.constant 0 : i32
      %dma_wait3A_147 = tpu.memref_slice %arg12[%dma_wait3A_145, %dma_wait3A_146] : memref<64x128xf32, #tpu.memory_space<vmem>> -> memref<64x128xf32, #tpu.memory_space<vmem>>
      %dma_wait3A_148 = arith.constant 0 : i32
      %dma_wait3A_149 = tpu.memref_slice %arg15[%add3A_35, %dma_wait3A_148] : memref<10240x128xf32, #tpu.memory_space<vmem_shared>> -> memref<64x128xf32, #tpu.memory_space<vmem_shared>>
      %dma_wait3A_150 = arith.constant 0 : i32
      %dma_wait3A_151 = tpu.memref_slice %arg15[%add3A_35, %dma_wait3A_150] : memref<10240x128xf32, #tpu.memory_space<vmem_shared>> -> memref<64x128xf32, #tpu.memory_space<vmem_shared>>
      %dma_wait3A_152 = arith.constant 0 : i32
      %dma_wait3A_153 = arith.constant 0 : i32
      %dma_wait3A_154 = tpu.memref_slice %arg12[%dma_wait3A_152, %dma_wait3A_153] : memref<64x128xf32, #tpu.memory_space<vmem>> -> memref<64x128xf32, #tpu.memory_space<vmem>>
      tpu.wait_dma2 semaphore(%run_scoped3A : memref<!tpu.dma_semaphore, #tpu.memory_space<semaphore_mem>>) src(%dma_wait3A_154 : memref<64x128xf32, #tpu.memory_space<vmem>>) dst(%dma_wait3A_151 : memref<64x128xf32, #tpu.memory_space<vmem_shared>>)
      tpu.yield
    }) : () -> ()
    %mul3A_36 = arith.constant 640 : i32
    %mul3A_37 = arith.muli %arg1, %mul3A_36 : i32
    %add3A_38 = arith.constant 448 : i32
    %add3A_39 = arith.addi %mul3A_37, %add3A_38 : i32
    "tpu.region"() ({
      %run_scoped3A = tpu.sem_alloc : memref<!tpu.dma_semaphore, #tpu.memory_space<semaphore_mem>>
      %dma_start3A_135 = arith.constant 0 : i32
      %dma_start3A_136 = arith.constant 0 : i32
      %dma_start3A_137 = tpu.memref_slice %arg12[%dma_start3A_135, %dma_start3A_136] : memref<64x128xf32, #tpu.memory_space<vmem>> -> memref<64x128xf32, #tpu.memory_space<vmem>>
      %dma_start3A_138 = arith.constant 0 : i32
      %dma_start3A_139 = tpu.memref_slice %arg15[%add3A_39, %dma_start3A_138] : memref<10240x128xf32, #tpu.memory_space<vmem_shared>> -> memref<64x128xf32, #tpu.memory_space<vmem_shared>>
      %dma_start3A_140 = arith.constant 0 : i32
      %dma_start3A_141 = tpu.memref_slice %arg15[%add3A_39, %dma_start3A_140] : memref<10240x128xf32, #tpu.memory_space<vmem_shared>> -> memref<64x128xf32, #tpu.memory_space<vmem_shared>>
      %dma_start3A_142 = arith.constant 0 : i32
      %dma_start3A_143 = arith.constant 0 : i32
      %dma_start3A_144 = tpu.memref_slice %arg12[%dma_start3A_142, %dma_start3A_143] : memref<64x128xf32, #tpu.memory_space<vmem>> -> memref<64x128xf32, #tpu.memory_space<vmem>>
      tpu.enqueue_dma source(%dma_start3A_144 : memref<64x128xf32, #tpu.memory_space<vmem>>) target(%dma_start3A_141 : memref<64x128xf32, #tpu.memory_space<vmem_shared>>) target_semaphore(%run_scoped3A : memref<!tpu.dma_semaphore, #tpu.memory_space<semaphore_mem>>)
      %dma_wait3A_145 = arith.constant 0 : i32
      %dma_wait3A_146 = arith.constant 0 : i32
      %dma_wait3A_147 = tpu.memref_slice %arg12[%dma_wait3A_145, %dma_wait3A_146] : memref<64x128xf32, #tpu.memory_space<vmem>> -> memref<64x128xf32, #tpu.memory_space<vmem>>
      %dma_wait3A_148 = arith.constant 0 : i32
      %dma_wait3A_149 = tpu.memref_slice %arg15[%add3A_39, %dma_wait3A_148] : memref<10240x128xf32, #tpu.memory_space<vmem_shared>> -> memref<64x128xf32, #tpu.memory_space<vmem_shared>>
      %dma_wait3A_150 = arith.constant 0 : i32
      %dma_wait3A_151 = tpu.memref_slice %arg15[%add3A_39, %dma_wait3A_150] : memref<10240x128xf32, #tpu.memory_space<vmem_shared>> -> memref<64x128xf32, #tpu.memory_space<vmem_shared>>
      %dma_wait3A_152 = arith.constant 0 : i32
      %dma_wait3A_153 = arith.constant 0 : i32
      %dma_wait3A_154 = tpu.memref_slice %arg12[%dma_wait3A_152, %dma_wait3A_153] : memref<64x128xf32, #tpu.memory_space<vmem>> -> memref<64x128xf32, #tpu.memory_space<vmem>>
      tpu.wait_dma2 semaphore(%run_scoped3A : memref<!tpu.dma_semaphore, #tpu.memory_space<semaphore_mem>>) src(%dma_wait3A_154 : memref<64x128xf32, #tpu.memory_space<vmem>>) dst(%dma_wait3A_151 : memref<64x128xf32, #tpu.memory_space<vmem_shared>>)
      tpu.yield
    }) : () -> ()
    %mul3A_40 = arith.constant 640 : i32
    %mul3A_41 = arith.muli %arg1, %mul3A_40 : i32
    %add3A_42 = arith.constant 512 : i32
    %add3A_43 = arith.addi %mul3A_41, %add3A_42 : i32
    "tpu.region"() ({
      %run_scoped3A = tpu.sem_alloc : memref<!tpu.dma_semaphore, #tpu.memory_space<semaphore_mem>>
      %dma_start3A_135 = arith.constant 0 : i32
      %dma_start3A_136 = arith.constant 0 : i32
      %dma_start3A_137 = tpu.memref_slice %arg12[%dma_start3A_135, %dma_start3A_136] : memref<64x128xf32, #tpu.memory_space<vmem>> -> memref<64x128xf32, #tpu.memory_space<vmem>>
      %dma_start3A_138 = arith.constant 0 : i32
      %dma_start3A_139 = tpu.memref_slice %arg15[%add3A_43, %dma_start3A_138] : memref<10240x128xf32, #tpu.memory_space<vmem_shared>> -> memref<64x128xf32, #tpu.memory_space<vmem_shared>>
      %dma_start3A_140 = arith.constant 0 : i32
      %dma_start3A_141 = tpu.memref_slice %arg15[%add3A_43, %dma_start3A_140] : memref<10240x128xf32, #tpu.memory_space<vmem_shared>> -> memref<64x128xf32, #tpu.memory_space<vmem_shared>>
      %dma_start3A_142 = arith.constant 0 : i32
      %dma_start3A_143 = arith.constant 0 : i32
      %dma_start3A_144 = tpu.memref_slice %arg12[%dma_start3A_142, %dma_start3A_143] : memref<64x128xf32, #tpu.memory_space<vmem>> -> memref<64x128xf32, #tpu.memory_space<vmem>>
      tpu.enqueue_dma source(%dma_start3A_144 : memref<64x128xf32, #tpu.memory_space<vmem>>) target(%dma_start3A_141 : memref<64x128xf32, #tpu.memory_space<vmem_shared>>) target_semaphore(%run_scoped3A : memref<!tpu.dma_semaphore, #tpu.memory_space<semaphore_mem>>)
      %dma_wait3A_145 = arith.constant 0 : i32
      %dma_wait3A_146 = arith.constant 0 : i32
      %dma_wait3A_147 = tpu.memref_slice %arg12[%dma_wait3A_145, %dma_wait3A_146] : memref<64x128xf32, #tpu.memory_space<vmem>> -> memref<64x128xf32, #tpu.memory_space<vmem>>
      %dma_wait3A_148 = arith.constant 0 : i32
      %dma_wait3A_149 = tpu.memref_slice %arg15[%add3A_43, %dma_wait3A_148] : memref<10240x128xf32, #tpu.memory_space<vmem_shared>> -> memref<64x128xf32, #tpu.memory_space<vmem_shared>>
      %dma_wait3A_150 = arith.constant 0 : i32
      %dma_wait3A_151 = tpu.memref_slice %arg15[%add3A_43, %dma_wait3A_150] : memref<10240x128xf32, #tpu.memory_space<vmem_shared>> -> memref<64x128xf32, #tpu.memory_space<vmem_shared>>
      %dma_wait3A_152 = arith.constant 0 : i32
      %dma_wait3A_153 = arith.constant 0 : i32
      %dma_wait3A_154 = tpu.memref_slice %arg12[%dma_wait3A_152, %dma_wait3A_153] : memref<64x128xf32, #tpu.memory_space<vmem>> -> memref<64x128xf32, #tpu.memory_space<vmem>>
      tpu.wait_dma2 semaphore(%run_scoped3A : memref<!tpu.dma_semaphore, #tpu.memory_space<semaphore_mem>>) src(%dma_wait3A_154 : memref<64x128xf32, #tpu.memory_space<vmem>>) dst(%dma_wait3A_151 : memref<64x128xf32, #tpu.memory_space<vmem_shared>>)
      tpu.yield
    }) : () -> ()
    %mul3A_44 = arith.constant 640 : i32
    %mul3A_45 = arith.muli %arg1, %mul3A_44 : i32
    %add3A_46 = arith.constant 576 : i32
    %add3A_47 = arith.addi %mul3A_45, %add3A_46 : i32
    "tpu.region"() ({
      %run_scoped3A = tpu.sem_alloc : memref<!tpu.dma_semaphore, #tpu.memory_space<semaphore_mem>>
      %dma_start3A_135 = arith.constant 0 : i32
      %dma_start3A_136 = arith.constant 0 : i32
      %dma_start3A_137 = tpu.memref_slice %arg12[%dma_start3A_135, %dma_start3A_136] : memref<64x128xf32, #tpu.memory_space<vmem>> -> memref<64x128xf32, #tpu.memory_space<vmem>>
      %dma_start3A_138 = arith.constant 0 : i32
      %dma_start3A_139 = tpu.memref_slice %arg15[%add3A_47, %dma_start3A_138] : memref<10240x128xf32, #tpu.memory_space<vmem_shared>> -> memref<64x128xf32, #tpu.memory_space<vmem_shared>>
      %dma_start3A_140 = arith.constant 0 : i32
      %dma_start3A_141 = tpu.memref_slice %arg15[%add3A_47, %dma_start3A_140] : memref<10240x128xf32, #tpu.memory_space<vmem_shared>> -> memref<64x128xf32, #tpu.memory_space<vmem_shared>>
      %dma_start3A_142 = arith.constant 0 : i32
      %dma_start3A_143 = arith.constant 0 : i32
      %dma_start3A_144 = tpu.memref_slice %arg12[%dma_start3A_142, %dma_start3A_143] : memref<64x128xf32, #tpu.memory_space<vmem>> -> memref<64x128xf32, #tpu.memory_space<vmem>>
      tpu.enqueue_dma source(%dma_start3A_144 : memref<64x128xf32, #tpu.memory_space<vmem>>) target(%dma_start3A_141 : memref<64x128xf32, #tpu.memory_space<vmem_shared>>) target_semaphore(%run_scoped3A : memref<!tpu.dma_semaphore, #tpu.memory_space<semaphore_mem>>)
      %dma_wait3A_145 = arith.constant 0 : i32
      %dma_wait3A_146 = arith.constant 0 : i32
      %dma_wait3A_147 = tpu.memref_slice %arg12[%dma_wait3A_145, %dma_wait3A_146] : memref<64x128xf32, #tpu.memory_space<vmem>> -> memref<64x128xf32, #tpu.memory_space<vmem>>
      %dma_wait3A_148 = arith.constant 0 : i32
      %dma_wait3A_149 = tpu.memref_slice %arg15[%add3A_47, %dma_wait3A_148] : memref<10240x128xf32, #tpu.memory_space<vmem_shared>> -> memref<64x128xf32, #tpu.memory_space<vmem_shared>>
      %dma_wait3A_150 = arith.constant 0 : i32
      %dma_wait3A_151 = tpu.memref_slice %arg15[%add3A_47, %dma_wait3A_150] : memref<10240x128xf32, #tpu.memory_space<vmem_shared>> -> memref<64x128xf32, #tpu.memory_space<vmem_shared>>
      %dma_wait3A_152 = arith.constant 0 : i32
      %dma_wait3A_153 = arith.constant 0 : i32
      %dma_wait3A_154 = tpu.memref_slice %arg12[%dma_wait3A_152, %dma_wait3A_153] : memref<64x128xf32, #tpu.memory_space<vmem>> -> memref<64x128xf32, #tpu.memory_space<vmem>>
      tpu.wait_dma2 semaphore(%run_scoped3A : memref<!tpu.dma_semaphore, #tpu.memory_space<semaphore_mem>>) src(%dma_wait3A_154 : memref<64x128xf32, #tpu.memory_space<vmem>>) dst(%dma_wait3A_151 : memref<64x128xf32, #tpu.memory_space<vmem_shared>>)
      tpu.yield
    }) : () -> ()
    %barrier3A = arith.constant 0 : index
    tpu.barrier barrier_id(%barrier3A)
    %add3A_48 = arith.constant 0 : i32
    %add3A_49 = arith.addi %mul3A_2, %add3A_48 : i32
    %dma_start3A = tpu.memref_slice %arg4[%add3A_49] : memref<643072xi32, #tpu.memory_space<hbm>> -> memref<64xi32, #tpu.memory_space<hbm>>
    %dma_start3A_50 = tpu.memref_slice %arg4[%add3A_49] : memref<643072xi32, #tpu.memory_space<hbm>> -> memref<64xi32, #tpu.memory_space<hbm>>
    tpu.enqueue_dma source(%dma_start3A_50 : memref<64xi32, #tpu.memory_space<hbm>>) target(%arg7 : memref<64xi32, #tpu.memory_space<vmem>>) target_semaphore(%arg16 : memref<!tpu.dma_semaphore, #tpu.memory_space<semaphore_mem>>)
    %add3A_51 = arith.constant 0 : i32
    %add3A_52 = arith.addi %mul3A_2, %add3A_51 : i32
    %dma_start3A_53 = tpu.memref_slice %arg5[%add3A_52] : memref<643072xi32, #tpu.memory_space<hbm>> -> memref<64xi32, #tpu.memory_space<hbm>>
    %dma_start3A_54 = tpu.memref_slice %arg5[%add3A_52] : memref<643072xi32, #tpu.memory_space<hbm>> -> memref<64xi32, #tpu.memory_space<hbm>>
    tpu.enqueue_dma source(%dma_start3A_54 : memref<64xi32, #tpu.memory_space<hbm>>) target(%arg8 : memref<64xi32, #tpu.memory_space<vmem>>) target_semaphore(%arg17 : memref<!tpu.dma_semaphore, #tpu.memory_space<semaphore_mem>>)
    %add3A_55 = arith.constant 0 : i32
    %add3A_56 = arith.addi %mul3A_2, %add3A_55 : i32
    %dma_start3A_57 = arith.constant 0 : i32
    %dma_start3A_58 = tpu.memref_slice %arg3[%add3A_56, %dma_start3A_57] : memref<643072x128xf32, #tpu.memory_space<hbm>> -> memref<64x128xf32, #tpu.memory_space<hbm>>
    %dma_start3A_59 = arith.constant 0 : i32
    %dma_start3A_60 = tpu.memref_slice %arg3[%add3A_56, %dma_start3A_59] : memref<643072x128xf32, #tpu.memory_space<hbm>> -> memref<64x128xf32, #tpu.memory_space<hbm>>
    tpu.enqueue_dma source(%dma_start3A_60 : memref<64x128xf32, #tpu.memory_space<hbm>>) target(%arg12 : memref<64x128xf32, #tpu.memory_space<vmem>>) target_semaphore(%arg19 : memref<!tpu.dma_semaphore, #tpu.memory_space<semaphore_mem>>)
    %add3A_61 = arith.constant 64 : i32
    %add3A_62 = arith.addi %mul3A_2, %add3A_61 : i32
    %dma_start3A_63 = tpu.memref_slice %arg4[%add3A_62] : memref<643072xi32, #tpu.memory_space<hbm>> -> memref<64xi32, #tpu.memory_space<hbm>>
    %dma_start3A_64 = tpu.memref_slice %arg4[%add3A_62] : memref<643072xi32, #tpu.memory_space<hbm>> -> memref<64xi32, #tpu.memory_space<hbm>>
    tpu.enqueue_dma source(%dma_start3A_64 : memref<64xi32, #tpu.memory_space<hbm>>) target(%arg9 : memref<64xi32, #tpu.memory_space<vmem>>) target_semaphore(%arg20 : memref<!tpu.dma_semaphore, #tpu.memory_space<semaphore_mem>>)
    %add3A_65 = arith.constant 64 : i32
    %add3A_66 = arith.addi %mul3A_2, %add3A_65 : i32
    %dma_start3A_67 = tpu.memref_slice %arg5[%add3A_66] : memref<643072xi32, #tpu.memory_space<hbm>> -> memref<64xi32, #tpu.memory_space<hbm>>
    %dma_start3A_68 = tpu.memref_slice %arg5[%add3A_66] : memref<643072xi32, #tpu.memory_space<hbm>> -> memref<64xi32, #tpu.memory_space<hbm>>
    tpu.enqueue_dma source(%dma_start3A_68 : memref<64xi32, #tpu.memory_space<hbm>>) target(%arg10 : memref<64xi32, #tpu.memory_space<vmem>>) target_semaphore(%arg21 : memref<!tpu.dma_semaphore, #tpu.memory_space<semaphore_mem>>)
    %add3A_69 = arith.constant 64 : i32
    %add3A_70 = arith.addi %mul3A_2, %add3A_69 : i32
    %dma_start3A_71 = arith.constant 0 : i32
    %dma_start3A_72 = tpu.memref_slice %arg3[%add3A_70, %dma_start3A_71] : memref<643072x128xf32, #tpu.memory_space<hbm>> -> memref<64x128xf32, #tpu.memory_space<hbm>>
    %dma_start3A_73 = arith.constant 0 : i32
    %dma_start3A_74 = tpu.memref_slice %arg3[%add3A_70, %dma_start3A_73] : memref<643072x128xf32, #tpu.memory_space<hbm>> -> memref<64x128xf32, #tpu.memory_space<hbm>>
    tpu.enqueue_dma source(%dma_start3A_74 : memref<64x128xf32, #tpu.memory_space<hbm>>) target(%arg14 : memref<64x128xf32, #tpu.memory_space<vmem>>) target_semaphore(%arg23 : memref<!tpu.dma_semaphore, #tpu.memory_space<semaphore_mem>>)
    %add3A_75 = arith.constant 0 : i32
    %add3A_76 = arith.addi %mul3A_2, %add3A_75 : i32
    %dma_wait3A = tpu.memref_slice %arg4[%add3A_76] : memref<643072xi32, #tpu.memory_space<hbm>> -> memref<64xi32, #tpu.memory_space<hbm>>
    %dma_wait3A_77 = tpu.memref_slice %arg4[%add3A_76] : memref<643072xi32, #tpu.memory_space<hbm>> -> memref<64xi32, #tpu.memory_space<hbm>>
    tpu.wait_dma2 semaphore(%arg16 : memref<!tpu.dma_semaphore, #tpu.memory_space<semaphore_mem>>) src(%dma_wait3A_77 : memref<64xi32, #tpu.memory_space<hbm>>) dst(%arg7 : memref<64xi32, #tpu.memory_space<vmem>>)
    %dma_start3A_78 = arith.constant 0 : i32
    %dma_start3A_79 = arith.constant 0 : i32
    %dma_start3A_80 = tpu.memref_slice %arg2[%dma_start3A_78, %dma_start3A_79] : memref<10000x128xf32, #tpu.memory_space<hbm>> -> memref<10000x128xf32, #tpu.memory_space<hbm>>
    tpu.enqueue_indirect_dma source(%dma_start3A_80 : memref<10000x128xf32, #tpu.memory_space<hbm>>) target(%arg11 : memref<64x128xf32, #tpu.memory_space<vmem>>) offsets(%arg7 : memref<64xi32, #tpu.memory_space<vmem>>) semaphore(%arg18 : memref<!tpu.dma_semaphore, #tpu.memory_space<semaphore_mem>>)
    %add3A_81 = arith.constant 64 : i32
    %add3A_82 = arith.addi %mul3A_2, %add3A_81 : i32
    %dma_wait3A_83 = tpu.memref_slice %arg4[%add3A_82] : memref<643072xi32, #tpu.memory_space<hbm>> -> memref<64xi32, #tpu.memory_space<hbm>>
    %dma_wait3A_84 = tpu.memref_slice %arg4[%add3A_82] : memref<643072xi32, #tpu.memory_space<hbm>> -> memref<64xi32, #tpu.memory_space<hbm>>
    tpu.wait_dma2 semaphore(%arg20 : memref<!tpu.dma_semaphore, #tpu.memory_space<semaphore_mem>>) src(%dma_wait3A_84 : memref<64xi32, #tpu.memory_space<hbm>>) dst(%arg9 : memref<64xi32, #tpu.memory_space<vmem>>)
    %dma_start3A_85 = arith.constant 0 : i32
    %dma_start3A_86 = arith.constant 0 : i32
    %dma_start3A_87 = tpu.memref_slice %arg2[%dma_start3A_85, %dma_start3A_86] : memref<10000x128xf32, #tpu.memory_space<hbm>> -> memref<10000x128xf32, #tpu.memory_space<hbm>>
    tpu.enqueue_indirect_dma source(%dma_start3A_87 : memref<10000x128xf32, #tpu.memory_space<hbm>>) target(%arg13 : memref<64x128xf32, #tpu.memory_space<vmem>>) offsets(%arg9 : memref<64xi32, #tpu.memory_space<vmem>>) semaphore(%arg22 : memref<!tpu.dma_semaphore, #tpu.memory_space<semaphore_mem>>)
    %scan3A_88 = arith.constant 0 : i32
    %scan3A_89 = arith.constant 0 : i32
    %scan3A_90 = arith.constant 157 : i32
    %scan3A_91 = arith.addi %scan3A_89, %scan3A_90 : i32
    %scan3A_92 = arith.constant 1 : i32
    scf.for %scan3A_135 = %scan3A_89 to %scan3A_91 step %scan3A_92  : i32 {
      %mul3A_136 = arith.constant 2 : i32
      %mul3A_137 = arith.muli %mul3A_136, %scan3A_135 : i32
      %dma_wait3A_138 = arith.constant 0 : i32
      %dma_wait3A_139 = arith.constant 0 : i32
      %dma_wait3A_140 = tpu.memref_slice %arg2[%dma_wait3A_138, %dma_wait3A_139] : memref<10000x128xf32, #tpu.memory_space<hbm>> -> memref<10000x128xf32, #tpu.memory_space<hbm>>
      tpu.wait_indirect_dma semaphore(%arg18 : memref<!tpu.dma_semaphore, #tpu.memory_space<semaphore_mem>>) src(%dma_wait3A_140 : memref<10000x128xf32, #tpu.memory_space<hbm>>) dst(%arg11 : memref<64x128xf32, #tpu.memory_space<vmem>>)
      %mul3A_141 = arith.constant 64 : i32
      %mul3A_142 = arith.muli %mul3A_137, %mul3A_141 : i32
      %add3A_143 = arith.addi %mul3A_2, %mul3A_142 : i32
      %dma_wait3A_144 = arith.constant 0 : i32
      %dma_wait3A_145 = tpu.memref_slice %arg3[%add3A_143, %dma_wait3A_144] : memref<643072x128xf32, #tpu.memory_space<hbm>> -> memref<64x128xf32, #tpu.memory_space<hbm>>
      %dma_wait3A_146 = arith.constant 0 : i32
      %dma_wait3A_147 = tpu.memref_slice %arg3[%add3A_143, %dma_wait3A_146] : memref<643072x128xf32, #tpu.memory_space<hbm>> -> memref<64x128xf32, #tpu.memory_space<hbm>>
      tpu.wait_dma2 semaphore(%arg19 : memref<!tpu.dma_semaphore, #tpu.memory_space<semaphore_mem>>) src(%dma_wait3A_147 : memref<64x128xf32, #tpu.memory_space<hbm>>) dst(%arg12 : memref<64x128xf32, #tpu.memory_space<vmem>>)
      %lt3A = arith.constant 156 : i32
      %lt3A_148 = arith.cmpi slt, %scan3A_135, %lt3A : i32
      %convert_element_type3A = arith.extui %lt3A_148 : i1 to i32
      %cond3A = arith.constant 0 : i32
      %cond3A_149 = arith.cmpi ne, %convert_element_type3A, %cond3A : i32
      scf.if %cond3A_149 {
        %add3A_211 = arith.constant 2 : i32
        %add3A_212 = arith.addi %mul3A_137, %add3A_211 : i32
        %mul3A_213 = arith.constant 64 : i32
        %mul3A_214 = arith.muli %add3A_212, %mul3A_213 : i32
        %add3A_215 = arith.addi %mul3A_2, %mul3A_214 : i32
        %dma_start3A_216 = tpu.memref_slice %arg4[%add3A_215] : memref<643072xi32, #tpu.memory_space<hbm>> -> memref<64xi32, #tpu.memory_space<hbm>>
        %dma_start3A_217 = tpu.memref_slice %arg4[%add3A_215] : memref<643072xi32, #tpu.memory_space<hbm>> -> memref<64xi32, #tpu.memory_space<hbm>>
        tpu.enqueue_dma source(%dma_start3A_217 : memref<64xi32, #tpu.memory_space<hbm>>) target(%arg7 : memref<64xi32, #tpu.memory_space<vmem>>) target_semaphore(%arg16 : memref<!tpu.dma_semaphore, #tpu.memory_space<semaphore_mem>>)
      } else {
      }
      %scan3A_150 = arith.constant 0 : i32
      %scan3A_151 = arith.constant 0 : i32
      %scan3A_152 = arith.constant 64 : i32
      %scan3A_153 = arith.addi %scan3A_151, %scan3A_152 : i32
      %scan3A_154 = arith.constant 1 : i32
      scf.for %scan3A_211 = %scan3A_151 to %scan3A_153 step %scan3A_154  : i32 {
        %get3A = arith.index_cast %scan3A_211 : i32 to index
        %get3A_212 = arith.constant 0 : index
        %get3A_213 = tpu.vector_load %arg11[%get3A, %get3A_212] {strides = array<i32>} : memref<64x128xf32, #tpu.memory_space<vmem>>, vector<1x16xf32>,
        %get3A_214 = vector.shape_cast %get3A_213 : vector<1x16xf32> to vector<16xf32>
        %get3A_215 = arith.index_cast %scan3A_211 : i32 to index
        %get3A_216 = arith.constant 0 : index
        %get3A_217 = tpu.vector_load %arg12[%get3A_215, %get3A_216] {strides = array<i32>} : memref<64x128xf32, #tpu.memory_space<vmem>>, vector<1x16xf32>,
        %get3A_218 = vector.shape_cast %get3A_217 : vector<1x16xf32> to vector<16xf32>
        %add3A_219 = arith.addf %get3A_214, %get3A_218 : vector<16xf32>
        %max3A = arith.constant 0.000000e+00 : f32
        %max3A_220 = vector.broadcast %max3A : f32 to vector<16xf32>
        %max3A_221 = arith.maximumf %add3A_219, %max3A_220 : vector<16xf32>
        %swap3A = arith.index_cast %scan3A_211 : i32 to index
        %swap3A_222 = arith.constant 0 : index
        %swap3A_223 = tpu.vector_load %arg12[%swap3A, %swap3A_222] {strides = array<i32>} : memref<64x128xf32, #tpu.memory_space<vmem>>, vector<1x16xf32>,
        %swap3A_224 = vector.shape_cast %swap3A_223 : vector<1x16xf32> to vector<16xf32>
        %swap3A_225 = vector.shape_cast %max3A_221 : vector<16xf32> to vector<1x16xf32>
        tpu.vector_store %arg12[%swap3A, %swap3A_222], %swap3A_225 {strides = array<i32>} : memref<64x128xf32, #tpu.memory_space<vmem>>, vector<1x16xf32>,
        %get3A_226 = arith.index_cast %scan3A_211 : i32 to index
        %get3A_227 = arith.constant 16 : index
        %get3A_228 = tpu.vector_load %arg11[%get3A_226, %get3A_227] {strides = array<i32>} : memref<64x128xf32, #tpu.memory_space<vmem>>, vector<1x16xf32>,
        %get3A_229 = vector.shape_cast %get3A_228 : vector<1x16xf32> to vector<16xf32>
        %get3A_230 = arith.index_cast %scan3A_211 : i32 to index
        %get3A_231 = arith.constant 16 : index
        %get3A_232 = tpu.vector_load %arg12[%get3A_230, %get3A_231] {strides = array<i32>} : memref<64x128xf32, #tpu.memory_space<vmem>>, vector<1x16xf32>,
        %get3A_233 = vector.shape_cast %get3A_232 : vector<1x16xf32> to vector<16xf32>
        %add3A_234 = arith.addf %get3A_229, %get3A_233 : vector<16xf32>
        %max3A_235 = arith.constant 0.000000e+00 : f32
        %max3A_236 = vector.broadcast %max3A_235 : f32 to vector<16xf32>
        %max3A_237 = arith.maximumf %add3A_234, %max3A_236 : vector<16xf32>
        %swap3A_238 = arith.index_cast %scan3A_211 : i32 to index
        %swap3A_239 = arith.constant 16 : index
        %swap3A_240 = tpu.vector_load %arg12[%swap3A_238, %swap3A_239] {strides = array<i32>} : memref<64x128xf32, #tpu.memory_space<vmem>>, vector<1x16xf32>,
        %swap3A_241 = vector.shape_cast %swap3A_240 : vector<1x16xf32> to vector<16xf32>
        %swap3A_242 = vector.shape_cast %max3A_237 : vector<16xf32> to vector<1x16xf32>
        tpu.vector_store %arg12[%swap3A_238, %swap3A_239], %swap3A_242 {strides = array<i32>} : memref<64x128xf32, #tpu.memory_space<vmem>>, vector<1x16xf32>,
        %get3A_243 = arith.index_cast %scan3A_211 : i32 to index
        %get3A_244 = arith.constant 32 : index
        %get3A_245 = tpu.vector_load %arg11[%get3A_243, %get3A_244] {strides = array<i32>} : memref<64x128xf32, #tpu.memory_space<vmem>>, vector<1x16xf32>,
        %get3A_246 = vector.shape_cast %get3A_245 : vector<1x16xf32> to vector<16xf32>
        %get3A_247 = arith.index_cast %scan3A_211 : i32 to index
        %get3A_248 = arith.constant 32 : index
        %get3A_249 = tpu.vector_load %arg12[%get3A_247, %get3A_248] {strides = array<i32>} : memref<64x128xf32, #tpu.memory_space<vmem>>, vector<1x16xf32>,
        %get3A_250 = vector.shape_cast %get3A_249 : vector<1x16xf32> to vector<16xf32>
        %add3A_251 = arith.addf %get3A_246, %get3A_250 : vector<16xf32>
        %max3A_252 = arith.constant 0.000000e+00 : f32
        %max3A_253 = vector.broadcast %max3A_252 : f32 to vector<16xf32>
        %max3A_254 = arith.maximumf %add3A_251, %max3A_253 : vector<16xf32>
        %swap3A_255 = arith.index_cast %scan3A_211 : i32 to index
        %swap3A_256 = arith.constant 32 : index
        %swap3A_257 = tpu.vector_load %arg12[%swap3A_255, %swap3A_256] {strides = array<i32>} : memref<64x128xf32, #tpu.memory_space<vmem>>, vector<1x16xf32>,
        %swap3A_258 = vector.shape_cast %swap3A_257 : vector<1x16xf32> to vector<16xf32>
        %swap3A_259 = vector.shape_cast %max3A_254 : vector<16xf32> to vector<1x16xf32>
        tpu.vector_store %arg12[%swap3A_255, %swap3A_256], %swap3A_259 {strides = array<i32>} : memref<64x128xf32, #tpu.memory_space<vmem>>, vector<1x16xf32>,
        %get3A_260 = arith.index_cast %scan3A_211 : i32 to index
        %get3A_261 = arith.constant 48 : index
        %get3A_262 = tpu.vector_load %arg11[%get3A_260, %get3A_261] {strides = array<i32>} : memref<64x128xf32, #tpu.memory_space<vmem>>, vector<1x16xf32>,
        %get3A_263 = vector.shape_cast %get3A_262 : vector<1x16xf32> to vector<16xf32>
        %get3A_264 = arith.index_cast %scan3A_211 : i32 to index
        %get3A_265 = arith.constant 48 : index
        %get3A_266 = tpu.vector_load %arg12[%get3A_264, %get3A_265] {strides = array<i32>} : memref<64x128xf32, #tpu.memory_space<vmem>>, vector<1x16xf32>,
        %get3A_267 = vector.shape_cast %get3A_266 : vector<1x16xf32> to vector<16xf32>
        %add3A_268 = arith.addf %get3A_263, %get3A_267 : vector<16xf32>
        %max3A_269 = arith.constant 0.000000e+00 : f32
        %max3A_270 = vector.broadcast %max3A_269 : f32 to vector<16xf32>
        %max3A_271 = arith.maximumf %add3A_268, %max3A_270 : vector<16xf32>
        %swap3A_272 = arith.index_cast %scan3A_211 : i32 to index
        %swap3A_273 = arith.constant 48 : index
        %swap3A_274 = tpu.vector_load %arg12[%swap3A_272, %swap3A_273] {strides = array<i32>} : memref<64x128xf32, #tpu.memory_space<vmem>>, vector<1x16xf32>,
        %swap3A_275 = vector.shape_cast %swap3A_274 : vector<1x16xf32> to vector<16xf32>
        %swap3A_276 = vector.shape_cast %max3A_271 : vector<16xf32> to vector<1x16xf32>
        tpu.vector_store %arg12[%swap3A_272, %swap3A_273], %swap3A_276 {strides = array<i32>} : memref<64x128xf32, #tpu.memory_space<vmem>>, vector<1x16xf32>,
        %get3A_277 = arith.index_cast %scan3A_211 : i32 to index
        %get3A_278 = arith.constant 64 : index
        %get3A_279 = tpu.vector_load %arg11[%get3A_277, %get3A_278] {strides = array<i32>} : memref<64x128xf32, #tpu.memory_space<vmem>>, vector<1x16xf32>,
        %get3A_280 = vector.shape_cast %get3A_279 : vector<1x16xf32> to vector<16xf32>
        %get3A_281 = arith.index_cast %scan3A_211 : i32 to index
        %get3A_282 = arith.constant 64 : index
        %get3A_283 = tpu.vector_load %arg12[%get3A_281, %get3A_282] {strides = array<i32>} : memref<64x128xf32, #tpu.memory_space<vmem>>, vector<1x16xf32>,
        %get3A_284 = vector.shape_cast %get3A_283 : vector<1x16xf32> to vector<16xf32>
        %add3A_285 = arith.addf %get3A_280, %get3A_284 : vector<16xf32>
        %max3A_286 = arith.constant 0.000000e+00 : f32
        %max3A_287 = vector.broadcast %max3A_286 : f32 to vector<16xf32>
        %max3A_288 = arith.maximumf %add3A_285, %max3A_287 : vector<16xf32>
        %swap3A_289 = arith.index_cast %scan3A_211 : i32 to index
        %swap3A_290 = arith.constant 64 : index
        %swap3A_291 = tpu.vector_load %arg12[%swap3A_289, %swap3A_290] {strides = array<i32>} : memref<64x128xf32, #tpu.memory_space<vmem>>, vector<1x16xf32>,
        %swap3A_292 = vector.shape_cast %swap3A_291 : vector<1x16xf32> to vector<16xf32>
        %swap3A_293 = vector.shape_cast %max3A_288 : vector<16xf32> to vector<1x16xf32>
        tpu.vector_store %arg12[%swap3A_289, %swap3A_290], %swap3A_293 {strides = array<i32>} : memref<64x128xf32, #tpu.memory_space<vmem>>, vector<1x16xf32>,
        %get3A_294 = arith.index_cast %scan3A_211 : i32 to index
        %get3A_295 = arith.constant 80 : index
        %get3A_296 = tpu.vector_load %arg11[%get3A_294, %get3A_295] {strides = array<i32>} : memref<64x128xf32, #tpu.memory_space<vmem>>, vector<1x16xf32>,
        %get3A_297 = vector.shape_cast %get3A_296 : vector<1x16xf32> to vector<16xf32>
        %get3A_298 = arith.index_cast %scan3A_211 : i32 to index
        %get3A_299 = arith.constant 80 : index
        %get3A_300 = tpu.vector_load %arg12[%get3A_298, %get3A_299] {strides = array<i32>} : memref<64x128xf32, #tpu.memory_space<vmem>>, vector<1x16xf32>,
        %get3A_301 = vector.shape_cast %get3A_300 : vector<1x16xf32> to vector<16xf32>
        %add3A_302 = arith.addf %get3A_297, %get3A_301 : vector<16xf32>
        %max3A_303 = arith.constant 0.000000e+00 : f32
        %max3A_304 = vector.broadcast %max3A_303 : f32 to vector<16xf32>
        %max3A_305 = arith.maximumf %add3A_302, %max3A_304 : vector<16xf32>
        %swap3A_306 = arith.index_cast %scan3A_211 : i32 to index
        %swap3A_307 = arith.constant 80 : index
        %swap3A_308 = tpu.vector_load %arg12[%swap3A_306, %swap3A_307] {strides = array<i32>} : memref<64x128xf32, #tpu.memory_space<vmem>>, vector<1x16xf32>,
        %swap3A_309 = vector.shape_cast %swap3A_308 : vector<1x16xf32> to vector<16xf32>
        %swap3A_310 = vector.shape_cast %max3A_305 : vector<16xf32> to vector<1x16xf32>
        tpu.vector_store %arg12[%swap3A_306, %swap3A_307], %swap3A_310 {strides = array<i32>} : memref<64x128xf32, #tpu.memory_space<vmem>>, vector<1x16xf32>,
        %get3A_311 = arith.index_cast %scan3A_211 : i32 to index
        %get3A_312 = arith.constant 96 : index
        %get3A_313 = tpu.vector_load %arg11[%get3A_311, %get3A_312] {strides = array<i32>} : memref<64x128xf32, #tpu.memory_space<vmem>>, vector<1x16xf32>,
        %get3A_314 = vector.shape_cast %get3A_313 : vector<1x16xf32> to vector<16xf32>
        %get3A_315 = arith.index_cast %scan3A_211 : i32 to index
        %get3A_316 = arith.constant 96 : index
        %get3A_317 = tpu.vector_load %arg12[%get3A_315, %get3A_316] {strides = array<i32>} : memref<64x128xf32, #tpu.memory_space<vmem>>, vector<1x16xf32>,
        %get3A_318 = vector.shape_cast %get3A_317 : vector<1x16xf32> to vector<16xf32>
        %add3A_319 = arith.addf %get3A_314, %get3A_318 : vector<16xf32>
        %max3A_320 = arith.constant 0.000000e+00 : f32
        %max3A_321 = vector.broadcast %max3A_320 : f32 to vector<16xf32>
        %max3A_322 = arith.maximumf %add3A_319, %max3A_321 : vector<16xf32>
        %swap3A_323 = arith.index_cast %scan3A_211 : i32 to index
        %swap3A_324 = arith.constant 96 : index
        %swap3A_325 = tpu.vector_load %arg12[%swap3A_323, %swap3A_324] {strides = array<i32>} : memref<64x128xf32, #tpu.memory_space<vmem>>, vector<1x16xf32>,
        %swap3A_326 = vector.shape_cast %swap3A_325 : vector<1x16xf32> to vector<16xf32>
        %swap3A_327 = vector.shape_cast %max3A_322 : vector<16xf32> to vector<1x16xf32>
        tpu.vector_store %arg12[%swap3A_323, %swap3A_324], %swap3A_327 {strides = array<i32>} : memref<64x128xf32, #tpu.memory_space<vmem>>, vector<1x16xf32>,
        %get3A_328 = arith.index_cast %scan3A_211 : i32 to index
        %get3A_329 = arith.constant 112 : index
        %get3A_330 = tpu.vector_load %arg11[%get3A_328, %get3A_329] {strides = array<i32>} : memref<64x128xf32, #tpu.memory_space<vmem>>, vector<1x16xf32>,
        %get3A_331 = vector.shape_cast %get3A_330 : vector<1x16xf32> to vector<16xf32>
        %get3A_332 = arith.index_cast %scan3A_211 : i32 to index
        %get3A_333 = arith.constant 112 : index
        %get3A_334 = tpu.vector_load %arg12[%get3A_332, %get3A_333] {strides = array<i32>} : memref<64x128xf32, #tpu.memory_space<vmem>>, vector<1x16xf32>,
        %get3A_335 = vector.shape_cast %get3A_334 : vector<1x16xf32> to vector<16xf32>
        %add3A_336 = arith.addf %get3A_331, %get3A_335 : vector<16xf32>
        %max3A_337 = arith.constant 0.000000e+00 : f32
        %max3A_338 = vector.broadcast %max3A_337 : f32 to vector<16xf32>
        %max3A_339 = arith.maximumf %add3A_336, %max3A_338 : vector<16xf32>
        %swap3A_340 = arith.index_cast %scan3A_211 : i32 to index
        %swap3A_341 = arith.constant 112 : index
        %swap3A_342 = tpu.vector_load %arg12[%swap3A_340, %swap3A_341] {strides = array<i32>} : memref<64x128xf32, #tpu.memory_space<vmem>>, vector<1x16xf32>,
        %swap3A_343 = vector.shape_cast %swap3A_342 : vector<1x16xf32> to vector<16xf32>
        %swap3A_344 = vector.shape_cast %max3A_339 : vector<16xf32> to vector<1x16xf32>
        tpu.vector_store %arg12[%swap3A_340, %swap3A_341], %swap3A_344 {strides = array<i32>} : memref<64x128xf32, #tpu.memory_space<vmem>>, vector<1x16xf32>,
      }
      %scan3A_155 = arith.constant 64 : i32
      %lt3A_156 = arith.constant 156 : i32
      %lt3A_157 = arith.cmpi slt, %scan3A_135, %lt3A_156 : i32
      %convert_element_type3A_158 = arith.extui %lt3A_157 : i1 to i32
      %cond3A_159 = arith.constant 0 : i32
      %cond3A_160 = arith.cmpi ne, %convert_element_type3A_158, %cond3A_159 : i32
      scf.if %cond3A_160 {
        %add3A_211 = arith.constant 2 : i32
        %add3A_212 = arith.addi %mul3A_137, %add3A_211 : i32
        %mul3A_213 = arith.constant 64 : i32
        %mul3A_214 = arith.muli %add3A_212, %mul3A_213 : i32
        %add3A_215 = arith.addi %mul3A_2, %mul3A_214 : i32
        %dma_wait3A_216 = tpu.memref_slice %arg4[%add3A_215] : memref<643072xi32, #tpu.memory_space<hbm>> -> memref<64xi32, #tpu.memory_space<hbm>>
        %dma_wait3A_217 = tpu.memref_slice %arg4[%add3A_215] : memref<643072xi32, #tpu.memory_space<hbm>> -> memref<64xi32, #tpu.memory_space<hbm>>
        tpu.wait_dma2 semaphore(%arg16 : memref<!tpu.dma_semaphore, #tpu.memory_space<semaphore_mem>>) src(%dma_wait3A_217 : memref<64xi32, #tpu.memory_space<hbm>>) dst(%arg7 : memref<64xi32, #tpu.memory_space<vmem>>)
        %dma_start3A_218 = arith.constant 0 : i32
        %dma_start3A_219 = arith.constant 0 : i32
        %dma_start3A_220 = tpu.memref_slice %arg2[%dma_start3A_218, %dma_start3A_219] : memref<10000x128xf32, #tpu.memory_space<hbm>> -> memref<10000x128xf32, #tpu.memory_space<hbm>>
        tpu.enqueue_indirect_dma source(%dma_start3A_220 : memref<10000x128xf32, #tpu.memory_space<hbm>>) target(%arg11 : memref<64x128xf32, #tpu.memory_space<vmem>>) offsets(%arg7 : memref<64xi32, #tpu.memory_space<vmem>>) semaphore(%arg18 : memref<!tpu.dma_semaphore, #tpu.memory_space<semaphore_mem>>)
      } else {
      }
      %mul3A_161 = arith.constant 64 : i32
      %mul3A_162 = arith.muli %mul3A_137, %mul3A_161 : i32
      %add3A_163 = arith.addi %mul3A_2, %mul3A_162 : i32
      %dma_wait3A_164 = tpu.memref_slice %arg5[%add3A_163] : memref<643072xi32, #tpu.memory_space<hbm>> -> memref<64xi32, #tpu.memory_space<hbm>>
      %dma_wait3A_165 = tpu.memref_slice %arg5[%add3A_163] : memref<643072xi32, #tpu.memory_space<hbm>> -> memref<64xi32, #tpu.memory_space<hbm>>
      tpu.wait_dma2 semaphore(%arg17 : memref<!tpu.dma_semaphore, #tpu.memory_space<semaphore_mem>>) src(%dma_wait3A_165 : memref<64xi32, #tpu.memory_space<hbm>>) dst(%arg8 : memref<64xi32, #tpu.memory_space<vmem>>)
      "tpu.region"() ({
        %run_scoped3A = tpu.sem_alloc : memref<!tpu.dma_semaphore, #tpu.memory_space<semaphore_mem>>
        %dma_start3A_211 = arith.constant 0 : i32
        %dma_start3A_212 = arith.constant 0 : i32
        %dma_start3A_213 = tpu.memref_slice %arg15[%dma_start3A_211, %dma_start3A_212] : memref<10240x128xf32, #tpu.memory_space<vmem_shared>> -> memref<10240x128xf32, #tpu.memory_space<vmem_shared>>
        tpu.enqueue_indirect_dma source(%arg12 : memref<64x128xf32, #tpu.memory_space<vmem>>) target(%dma_start3A_213 : memref<10240x128xf32, #tpu.memory_space<vmem_shared>>) offsets(%arg8 : memref<64xi32, #tpu.memory_space<vmem>>) semaphore(%run_scoped3A : memref<!tpu.dma_semaphore, #tpu.memory_space<semaphore_mem>>) {add = true}
        %dma_wait3A_214 = arith.constant 0 : i32
        %dma_wait3A_215 = arith.constant 0 : i32
        %dma_wait3A_216 = tpu.memref_slice %arg15[%dma_wait3A_214, %dma_wait3A_215] : memref<10240x128xf32, #tpu.memory_space<vmem_shared>> -> memref<10240x128xf32, #tpu.memory_space<vmem_shared>>
        tpu.wait_indirect_dma semaphore(%run_scoped3A : memref<!tpu.dma_semaphore, #tpu.memory_space<semaphore_mem>>) src(%arg12 : memref<64x128xf32, #tpu.memory_space<vmem>>) dst(%dma_wait3A_216 : memref<10240x128xf32, #tpu.memory_space<vmem_shared>>)
        tpu.yield
      }) : () -> ()
      %lt3A_166 = arith.constant 156 : i32
      %lt3A_167 = arith.cmpi slt, %scan3A_135, %lt3A_166 : i32
      %convert_element_type3A_168 = arith.extui %lt3A_167 : i1 to i32
      %cond3A_169 = arith.constant 0 : i32
      %cond3A_170 = arith.cmpi ne, %convert_element_type3A_168, %cond3A_169 : i32
      scf.if %cond3A_170 {
        %add3A_211 = arith.constant 2 : i32
        %add3A_212 = arith.addi %mul3A_137, %add3A_211 : i32
        %mul3A_213 = arith.constant 64 : i32
        %mul3A_214 = arith.muli %add3A_212, %mul3A_213 : i32
        %add3A_215 = arith.addi %mul3A_2, %mul3A_214 : i32
        %dma_start3A_216 = tpu.memref_slice %arg5[%add3A_215] : memref<643072xi32, #tpu.memory_space<hbm>> -> memref<64xi32, #tpu.memory_space<hbm>>
        %dma_start3A_217 = tpu.memref_slice %arg5[%add3A_215] : memref<643072xi32, #tpu.memory_space<hbm>> -> memref<64xi32, #tpu.memory_space<hbm>>
        tpu.enqueue_dma source(%dma_start3A_217 : memref<64xi32, #tpu.memory_space<hbm>>) target(%arg8 : memref<64xi32, #tpu.memory_space<vmem>>) target_semaphore(%arg17 : memref<!tpu.dma_semaphore, #tpu.memory_space<semaphore_mem>>)
        %add3A_218 = arith.constant 2 : i32
        %add3A_219 = arith.addi %mul3A_137, %add3A_218 : i32
        %mul3A_220 = arith.constant 64 : i32
        %mul3A_221 = arith.muli %add3A_219, %mul3A_220 : i32
        %add3A_222 = arith.addi %mul3A_2, %mul3A_221 : i32
        %dma_start3A_223 = arith.constant 0 : i32
        %dma_start3A_224 = tpu.memref_slice %arg3[%add3A_222, %dma_start3A_223] : memref<643072x128xf32, #tpu.memory_space<hbm>> -> memref<64x128xf32, #tpu.memory_space<hbm>>
        %dma_start3A_225 = arith.constant 0 : i32
        %dma_start3A_226 = tpu.memref_slice %arg3[%add3A_222, %dma_start3A_225] : memref<643072x128xf32, #tpu.memory_space<hbm>> -> memref<64x128xf32, #tpu.memory_space<hbm>>
        tpu.enqueue_dma source(%dma_start3A_226 : memref<64x128xf32, #tpu.memory_space<hbm>>) target(%arg12 : memref<64x128xf32, #tpu.memory_space<vmem>>) target_semaphore(%arg19 : memref<!tpu.dma_semaphore, #tpu.memory_space<semaphore_mem>>)
      } else {
      }
      %mul3A_171 = arith.constant 2 : i32
      %mul3A_172 = arith.muli %mul3A_171, %scan3A_135 : i32
      %add3A_173 = arith.constant 1 : i32
      %add3A_174 = arith.addi %mul3A_172, %add3A_173 : i32
      %dma_wait3A_175 = arith.constant 0 : i32
      %dma_wait3A_176 = arith.constant 0 : i32
      %dma_wait3A_177 = tpu.memref_slice %arg2[%dma_wait3A_175, %dma_wait3A_176] : memref<10000x128xf32, #tpu.memory_space<hbm>> -> memref<10000x128xf32, #tpu.memory_space<hbm>>
      tpu.wait_indirect_dma semaphore(%arg22 : memref<!tpu.dma_semaphore, #tpu.memory_space<semaphore_mem>>) src(%dma_wait3A_177 : memref<10000x128xf32, #tpu.memory_space<hbm>>) dst(%arg13 : memref<64x128xf32, #tpu.memory_space<vmem>>)
      %mul3A_178 = arith.constant 64 : i32
      %mul3A_179 = arith.muli %add3A_174, %mul3A_178 : i32
      %add3A_180 = arith.addi %mul3A_2, %mul3A_179 : i32
      %dma_wait3A_181 = arith.constant 0 : i32
      %dma_wait3A_182 = tpu.memref_slice %arg3[%add3A_180, %dma_wait3A_181] : memref<643072x128xf32, #tpu.memory_space<hbm>> -> memref<64x128xf32, #tpu.memory_space<hbm>>
      %dma_wait3A_183 = arith.constant 0 : i32
      %dma_wait3A_184 = tpu.memref_slice %arg3[%add3A_180, %dma_wait3A_183] : memref<643072x128xf32, #tpu.memory_space<hbm>> -> memref<64x128xf32, #tpu.memory_space<hbm>>
      tpu.wait_dma2 semaphore(%arg23 : memref<!tpu.dma_semaphore, #tpu.memory_space<semaphore_mem>>) src(%dma_wait3A_184 : memref<64x128xf32, #tpu.memory_space<hbm>>) dst(%arg14 : memref<64x128xf32, #tpu.memory_space<vmem>>)
      %lt3A_185 = arith.constant 156 : i32
      %lt3A_186 = arith.cmpi slt, %scan3A_135, %lt3A_185 : i32
      %convert_element_type3A_187 = arith.extui %lt3A_186 : i1 to i32
      %cond3A_188 = arith.constant 0 : i32
      %cond3A_189 = arith.cmpi ne, %convert_element_type3A_187, %cond3A_188 : i32
      scf.if %cond3A_189 {
        %add3A_211 = arith.constant 2 : i32
        %add3A_212 = arith.addi %add3A_174, %add3A_211 : i32
        %mul3A_213 = arith.constant 64 : i32
        %mul3A_214 = arith.muli %add3A_212, %mul3A_213 : i32
        %add3A_215 = arith.addi %mul3A_2, %mul3A_214 : i32
        %dma_start3A_216 = tpu.memref_slice %arg4[%add3A_215] : memref<643072xi32, #tpu.memory_space<hbm>> -> memref<64xi32, #tpu.memory_space<hbm>>
        %dma_start3A_217 = tpu.memref_slice %arg4[%add3A_215] : memref<643072xi32, #tpu.memory_space<hbm>> -> memref<64xi32, #tpu.memory_space<hbm>>
        tpu.enqueue_dma source(%dma_start3A_217 : memref<64xi32, #tpu.memory_space<hbm>>) target(%arg9 : memref<64xi32, #tpu.memory_space<vmem>>) target_semaphore(%arg20 : memref<!tpu.dma_semaphore, #tpu.memory_space<semaphore_mem>>)
      } else {
      }
      %scan3A_190 = arith.constant 0 : i32
      %scan3A_191 = arith.constant 0 : i32
      %scan3A_192 = arith.constant 64 : i32
      %scan3A_193 = arith.addi %scan3A_191, %scan3A_192 : i32
      %scan3A_194 = arith.constant 1 : i32
      scf.for %scan3A_211 = %scan3A_191 to %scan3A_193 step %scan3A_194  : i32 {
        %get3A = arith.index_cast %scan3A_211 : i32 to index
        %get3A_212 = arith.constant 0 : index
        %get3A_213 = tpu.vector_load %arg13[%get3A, %get3A_212] {strides = array<i32>} : memref<64x128xf32, #tpu.memory_space<vmem>>, vector<1x16xf32>,
        %get3A_214 = vector.shape_cast %get3A_213 : vector<1x16xf32> to vector<16xf32>
        %get3A_215 = arith.index_cast %scan3A_211 : i32 to index
        %get3A_216 = arith.constant 0 : index
        %get3A_217 = tpu.vector_load %arg14[%get3A_215, %get3A_216] {strides = array<i32>} : memref<64x128xf32, #tpu.memory_space<vmem>>, vector<1x16xf32>,
        %get3A_218 = vector.shape_cast %get3A_217 : vector<1x16xf32> to vector<16xf32>
        %add3A_219 = arith.addf %get3A_214, %get3A_218 : vector<16xf32>
        %max3A = arith.constant 0.000000e+00 : f32
        %max3A_220 = vector.broadcast %max3A : f32 to vector<16xf32>
        %max3A_221 = arith.maximumf %add3A_219, %max3A_220 : vector<16xf32>
        %swap3A = arith.index_cast %scan3A_211 : i32 to index
        %swap3A_222 = arith.constant 0 : index
        %swap3A_223 = tpu.vector_load %arg14[%swap3A, %swap3A_222] {strides = array<i32>} : memref<64x128xf32, #tpu.memory_space<vmem>>, vector<1x16xf32>,
        %swap3A_224 = vector.shape_cast %swap3A_223 : vector<1x16xf32> to vector<16xf32>
        %swap3A_225 = vector.shape_cast %max3A_221 : vector<16xf32> to vector<1x16xf32>
        tpu.vector_store %arg14[%swap3A, %swap3A_222], %swap3A_225 {strides = array<i32>} : memref<64x128xf32, #tpu.memory_space<vmem>>, vector<1x16xf32>,
        %get3A_226 = arith.index_cast %scan3A_211 : i32 to index
        %get3A_227 = arith.constant 16 : index
        %get3A_228 = tpu.vector_load %arg13[%get3A_226, %get3A_227] {strides = array<i32>} : memref<64x128xf32, #tpu.memory_space<vmem>>, vector<1x16xf32>,
        %get3A_229 = vector.shape_cast %get3A_228 : vector<1x16xf32> to vector<16xf32>
        %get3A_230 = arith.index_cast %scan3A_211 : i32 to index
        %get3A_231 = arith.constant 16 : index
        %get3A_232 = tpu.vector_load %arg14[%get3A_230, %get3A_231] {strides = array<i32>} : memref<64x128xf32, #tpu.memory_space<vmem>>, vector<1x16xf32>,
        %get3A_233 = vector.shape_cast %get3A_232 : vector<1x16xf32> to vector<16xf32>
        %add3A_234 = arith.addf %get3A_229, %get3A_233 : vector<16xf32>
        %max3A_235 = arith.constant 0.000000e+00 : f32
        %max3A_236 = vector.broadcast %max3A_235 : f32 to vector<16xf32>
        %max3A_237 = arith.maximumf %add3A_234, %max3A_236 : vector<16xf32>
        %swap3A_238 = arith.index_cast %scan3A_211 : i32 to index
        %swap3A_239 = arith.constant 16 : index
        %swap3A_240 = tpu.vector_load %arg14[%swap3A_238, %swap3A_239] {strides = array<i32>} : memref<64x128xf32, #tpu.memory_space<vmem>>, vector<1x16xf32>,
        %swap3A_241 = vector.shape_cast %swap3A_240 : vector<1x16xf32> to vector<16xf32>
        %swap3A_242 = vector.shape_cast %max3A_237 : vector<16xf32> to vector<1x16xf32>
        tpu.vector_store %arg14[%swap3A_238, %swap3A_239], %swap3A_242 {strides = array<i32>} : memref<64x128xf32, #tpu.memory_space<vmem>>, vector<1x16xf32>,
        %get3A_243 = arith.index_cast %scan3A_211 : i32 to index
        %get3A_244 = arith.constant 32 : index
        %get3A_245 = tpu.vector_load %arg13[%get3A_243, %get3A_244] {strides = array<i32>} : memref<64x128xf32, #tpu.memory_space<vmem>>, vector<1x16xf32>,
        %get3A_246 = vector.shape_cast %get3A_245 : vector<1x16xf32> to vector<16xf32>
        %get3A_247 = arith.index_cast %scan3A_211 : i32 to index
        %get3A_248 = arith.constant 32 : index
        %get3A_249 = tpu.vector_load %arg14[%get3A_247, %get3A_248] {strides = array<i32>} : memref<64x128xf32, #tpu.memory_space<vmem>>, vector<1x16xf32>,
        %get3A_250 = vector.shape_cast %get3A_249 : vector<1x16xf32> to vector<16xf32>
        %add3A_251 = arith.addf %get3A_246, %get3A_250 : vector<16xf32>
        %max3A_252 = arith.constant 0.000000e+00 : f32
        %max3A_253 = vector.broadcast %max3A_252 : f32 to vector<16xf32>
        %max3A_254 = arith.maximumf %add3A_251, %max3A_253 : vector<16xf32>
        %swap3A_255 = arith.index_cast %scan3A_211 : i32 to index
        %swap3A_256 = arith.constant 32 : index
        %swap3A_257 = tpu.vector_load %arg14[%swap3A_255, %swap3A_256] {strides = array<i32>} : memref<64x128xf32, #tpu.memory_space<vmem>>, vector<1x16xf32>,
        %swap3A_258 = vector.shape_cast %swap3A_257 : vector<1x16xf32> to vector<16xf32>
        %swap3A_259 = vector.shape_cast %max3A_254 : vector<16xf32> to vector<1x16xf32>
        tpu.vector_store %arg14[%swap3A_255, %swap3A_256], %swap3A_259 {strides = array<i32>} : memref<64x128xf32, #tpu.memory_space<vmem>>, vector<1x16xf32>,
        %get3A_260 = arith.index_cast %scan3A_211 : i32 to index
        %get3A_261 = arith.constant 48 : index
        %get3A_262 = tpu.vector_load %arg13[%get3A_260, %get3A_261] {strides = array<i32>} : memref<64x128xf32, #tpu.memory_space<vmem>>, vector<1x16xf32>,
        %get3A_263 = vector.shape_cast %get3A_262 : vector<1x16xf32> to vector<16xf32>
        %get3A_264 = arith.index_cast %scan3A_211 : i32 to index
        %get3A_265 = arith.constant 48 : index
        %get3A_266 = tpu.vector_load %arg14[%get3A_264, %get3A_265] {strides = array<i32>} : memref<64x128xf32, #tpu.memory_space<vmem>>, vector<1x16xf32>,
        %get3A_267 = vector.shape_cast %get3A_266 : vector<1x16xf32> to vector<16xf32>
        %add3A_268 = arith.addf %get3A_263, %get3A_267 : vector<16xf32>
        %max3A_269 = arith.constant 0.000000e+00 : f32
        %max3A_270 = vector.broadcast %max3A_269 : f32 to vector<16xf32>
        %max3A_271 = arith.maximumf %add3A_268, %max3A_270 : vector<16xf32>
        %swap3A_272 = arith.index_cast %scan3A_211 : i32 to index
        %swap3A_273 = arith.constant 48 : index
        %swap3A_274 = tpu.vector_load %arg14[%swap3A_272, %swap3A_273] {strides = array<i32>} : memref<64x128xf32, #tpu.memory_space<vmem>>, vector<1x16xf32>,
        %swap3A_275 = vector.shape_cast %swap3A_274 : vector<1x16xf32> to vector<16xf32>
        %swap3A_276 = vector.shape_cast %max3A_271 : vector<16xf32> to vector<1x16xf32>
        tpu.vector_store %arg14[%swap3A_272, %swap3A_273], %swap3A_276 {strides = array<i32>} : memref<64x128xf32, #tpu.memory_space<vmem>>, vector<1x16xf32>,
        %get3A_277 = arith.index_cast %scan3A_211 : i32 to index
        %get3A_278 = arith.constant 64 : index
        %get3A_279 = tpu.vector_load %arg13[%get3A_277, %get3A_278] {strides = array<i32>} : memref<64x128xf32, #tpu.memory_space<vmem>>, vector<1x16xf32>,
        %get3A_280 = vector.shape_cast %get3A_279 : vector<1x16xf32> to vector<16xf32>
        %get3A_281 = arith.index_cast %scan3A_211 : i32 to index
        %get3A_282 = arith.constant 64 : index
        %get3A_283 = tpu.vector_load %arg14[%get3A_281, %get3A_282] {strides = array<i32>} : memref<64x128xf32, #tpu.memory_space<vmem>>, vector<1x16xf32>,
        %get3A_284 = vector.shape_cast %get3A_283 : vector<1x16xf32> to vector<16xf32>
        %add3A_285 = arith.addf %get3A_280, %get3A_284 : vector<16xf32>
        %max3A_286 = arith.constant 0.000000e+00 : f32
        %max3A_287 = vector.broadcast %max3A_286 : f32 to vector<16xf32>
        %max3A_288 = arith.maximumf %add3A_285, %max3A_287 : vector<16xf32>
        %swap3A_289 = arith.index_cast %scan3A_211 : i32 to index
        %swap3A_290 = arith.constant 64 : index
        %swap3A_291 = tpu.vector_load %arg14[%swap3A_289, %swap3A_290] {strides = array<i32>} : memref<64x128xf32, #tpu.memory_space<vmem>>, vector<1x16xf32>,
        %swap3A_292 = vector.shape_cast %swap3A_291 : vector<1x16xf32> to vector<16xf32>
        %swap3A_293 = vector.shape_cast %max3A_288 : vector<16xf32> to vector<1x16xf32>
        tpu.vector_store %arg14[%swap3A_289, %swap3A_290], %swap3A_293 {strides = array<i32>} : memref<64x128xf32, #tpu.memory_space<vmem>>, vector<1x16xf32>,
        %get3A_294 = arith.index_cast %scan3A_211 : i32 to index
        %get3A_295 = arith.constant 80 : index
        %get3A_296 = tpu.vector_load %arg13[%get3A_294, %get3A_295] {strides = array<i32>} : memref<64x128xf32, #tpu.memory_space<vmem>>, vector<1x16xf32>,
        %get3A_297 = vector.shape_cast %get3A_296 : vector<1x16xf32> to vector<16xf32>
        %get3A_298 = arith.index_cast %scan3A_211 : i32 to index
        %get3A_299 = arith.constant 80 : index
        %get3A_300 = tpu.vector_load %arg14[%get3A_298, %get3A_299] {strides = array<i32>} : memref<64x128xf32, #tpu.memory_space<vmem>>, vector<1x16xf32>,
        %get3A_301 = vector.shape_cast %get3A_300 : vector<1x16xf32> to vector<16xf32>
        %add3A_302 = arith.addf %get3A_297, %get3A_301 : vector<16xf32>
        %max3A_303 = arith.constant 0.000000e+00 : f32
        %max3A_304 = vector.broadcast %max3A_303 : f32 to vector<16xf32>
        %max3A_305 = arith.maximumf %add3A_302, %max3A_304 : vector<16xf32>
        %swap3A_306 = arith.index_cast %scan3A_211 : i32 to index
        %swap3A_307 = arith.constant 80 : index
        %swap3A_308 = tpu.vector_load %arg14[%swap3A_306, %swap3A_307] {strides = array<i32>} : memref<64x128xf32, #tpu.memory_space<vmem>>, vector<1x16xf32>,
        %swap3A_309 = vector.shape_cast %swap3A_308 : vector<1x16xf32> to vector<16xf32>
        %swap3A_310 = vector.shape_cast %max3A_305 : vector<16xf32> to vector<1x16xf32>
        tpu.vector_store %arg14[%swap3A_306, %swap3A_307], %swap3A_310 {strides = array<i32>} : memref<64x128xf32, #tpu.memory_space<vmem>>, vector<1x16xf32>,
        %get3A_311 = arith.index_cast %scan3A_211 : i32 to index
        %get3A_312 = arith.constant 96 : index
        %get3A_313 = tpu.vector_load %arg13[%get3A_311, %get3A_312] {strides = array<i32>} : memref<64x128xf32, #tpu.memory_space<vmem>>, vector<1x16xf32>,
        %get3A_314 = vector.shape_cast %get3A_313 : vector<1x16xf32> to vector<16xf32>
        %get3A_315 = arith.index_cast %scan3A_211 : i32 to index
        %get3A_316 = arith.constant 96 : index
        %get3A_317 = tpu.vector_load %arg14[%get3A_315, %get3A_316] {strides = array<i32>} : memref<64x128xf32, #tpu.memory_space<vmem>>, vector<1x16xf32>,
        %get3A_318 = vector.shape_cast %get3A_317 : vector<1x16xf32> to vector<16xf32>
        %add3A_319 = arith.addf %get3A_314, %get3A_318 : vector<16xf32>
        %max3A_320 = arith.constant 0.000000e+00 : f32
        %max3A_321 = vector.broadcast %max3A_320 : f32 to vector<16xf32>
        %max3A_322 = arith.maximumf %add3A_319, %max3A_321 : vector<16xf32>
        %swap3A_323 = arith.index_cast %scan3A_211 : i32 to index
        %swap3A_324 = arith.constant 96 : index
        %swap3A_325 = tpu.vector_load %arg14[%swap3A_323, %swap3A_324] {strides = array<i32>} : memref<64x128xf32, #tpu.memory_space<vmem>>, vector<1x16xf32>,
        %swap3A_326 = vector.shape_cast %swap3A_325 : vector<1x16xf32> to vector<16xf32>
        %swap3A_327 = vector.shape_cast %max3A_322 : vector<16xf32> to vector<1x16xf32>
        tpu.vector_store %arg14[%swap3A_323, %swap3A_324], %swap3A_327 {strides = array<i32>} : memref<64x128xf32, #tpu.memory_space<vmem>>, vector<1x16xf32>,
        %get3A_328 = arith.index_cast %scan3A_211 : i32 to index
        %get3A_329 = arith.constant 112 : index
        %get3A_330 = tpu.vector_load %arg13[%get3A_328, %get3A_329] {strides = array<i32>} : memref<64x128xf32, #tpu.memory_space<vmem>>, vector<1x16xf32>,
        %get3A_331 = vector.shape_cast %get3A_330 : vector<1x16xf32> to vector<16xf32>
        %get3A_332 = arith.index_cast %scan3A_211 : i32 to index
        %get3A_333 = arith.constant 112 : index
        %get3A_334 = tpu.vector_load %arg14[%get3A_332, %get3A_333] {strides = array<i32>} : memref<64x128xf32, #tpu.memory_space<vmem>>, vector<1x16xf32>,
        %get3A_335 = vector.shape_cast %get3A_334 : vector<1x16xf32> to vector<16xf32>
        %add3A_336 = arith.addf %get3A_331, %get3A_335 : vector<16xf32>
        %max3A_337 = arith.constant 0.000000e+00 : f32
        %max3A_338 = vector.broadcast %max3A_337 : f32 to vector<16xf32>
        %max3A_339 = arith.maximumf %add3A_336, %max3A_338 : vector<16xf32>
        %swap3A_340 = arith.index_cast %scan3A_211 : i32 to index
        %swap3A_341 = arith.constant 112 : index
        %swap3A_342 = tpu.vector_load %arg14[%swap3A_340, %swap3A_341] {strides = array<i32>} : memref<64x128xf32, #tpu.memory_space<vmem>>, vector<1x16xf32>,
        %swap3A_343 = vector.shape_cast %swap3A_342 : vector<1x16xf32> to vector<16xf32>
        %swap3A_344 = vector.shape_cast %max3A_339 : vector<16xf32> to vector<1x16xf32>
        tpu.vector_store %arg14[%swap3A_340, %swap3A_341], %swap3A_344 {strides = array<i32>} : memref<64x128xf32, #tpu.memory_space<vmem>>, vector<1x16xf32>,
      }
      %scan3A_195 = arith.constant 64 : i32
      %lt3A_196 = arith.constant 156 : i32
      %lt3A_197 = arith.cmpi slt, %scan3A_135, %lt3A_196 : i32
      %convert_element_type3A_198 = arith.extui %lt3A_197 : i1 to i32
      %cond3A_199 = arith.constant 0 : i32
      %cond3A_200 = arith.cmpi ne, %convert_element_type3A_198, %cond3A_199 : i32
      scf.if %cond3A_200 {
        %add3A_211 = arith.constant 2 : i32
        %add3A_212 = arith.addi %add3A_174, %add3A_211 : i32
        %mul3A_213 = arith.constant 64 : i32
        %mul3A_214 = arith.muli %add3A_212, %mul3A_213 : i32
        %add3A_215 = arith.addi %mul3A_2, %mul3A_214 : i32
        %dma_wait3A_216 = tpu.memref_slice %arg4[%add3A_215] : memref<643072xi32, #tpu.memory_space<hbm>> -> memref<64xi32, #tpu.memory_space<hbm>>
        %dma_wait3A_217 = tpu.memref_slice %arg4[%add3A_215] : memref<643072xi32, #tpu.memory_space<hbm>> -> memref<64xi32, #tpu.memory_space<hbm>>
        tpu.wait_dma2 semaphore(%arg20 : memref<!tpu.dma_semaphore, #tpu.memory_space<semaphore_mem>>) src(%dma_wait3A_217 : memref<64xi32, #tpu.memory_space<hbm>>) dst(%arg9 : memref<64xi32, #tpu.memory_space<vmem>>)
        %dma_start3A_218 = arith.constant 0 : i32
        %dma_start3A_219 = arith.constant 0 : i32
        %dma_start3A_220 = tpu.memref_slice %arg2[%dma_start3A_218, %dma_start3A_219] : memref<10000x128xf32, #tpu.memory_space<hbm>> -> memref<10000x128xf32, #tpu.memory_space<hbm>>
        tpu.enqueue_indirect_dma source(%dma_start3A_220 : memref<10000x128xf32, #tpu.memory_space<hbm>>) target(%arg13 : memref<64x128xf32, #tpu.memory_space<vmem>>) offsets(%arg9 : memref<64xi32, #tpu.memory_space<vmem>>) semaphore(%arg22 : memref<!tpu.dma_semaphore, #tpu.memory_space<semaphore_mem>>)
      } else {
      }
      %mul3A_201 = arith.constant 64 : i32
      %mul3A_202 = arith.muli %add3A_174, %mul3A_201 : i32
      %add3A_203 = arith.addi %mul3A_2, %mul3A_202 : i32
      %dma_wait3A_204 = tpu.memref_slice %arg5[%add3A_203] : memref<643072xi32, #tpu.memory_space<hbm>> -> memref<64xi32, #tpu.memory_space<hbm>>
      %dma_wait3A_205 = tpu.memref_slice %arg5[%add3A_203] : memref<643072xi32, #tpu.memory_space<hbm>> -> memref<64xi32, #tpu.memory_space<hbm>>
      tpu.wait_dma2 semaphore(%arg21 : memref<!tpu.dma_semaphore, #tpu.memory_space<semaphore_mem>>) src(%dma_wait3A_205 : memref<64xi32, #tpu.memory_space<hbm>>) dst(%arg10 : memref<64xi32, #tpu.memory_space<vmem>>)
      "tpu.region"() ({
        %run_scoped3A = tpu.sem_alloc : memref<!tpu.dma_semaphore, #tpu.memory_space<semaphore_mem>>
        %dma_start3A_211 = arith.constant 0 : i32
        %dma_start3A_212 = arith.constant 0 : i32
        %dma_start3A_213 = tpu.memref_slice %arg15[%dma_start3A_211, %dma_start3A_212] : memref<10240x128xf32, #tpu.memory_space<vmem_shared>> -> memref<10240x128xf32, #tpu.memory_space<vmem_shared>>
        tpu.enqueue_indirect_dma source(%arg14 : memref<64x128xf32, #tpu.memory_space<vmem>>) target(%dma_start3A_213 : memref<10240x128xf32, #tpu.memory_space<vmem_shared>>) offsets(%arg10 : memref<64xi32, #tpu.memory_space<vmem>>) semaphore(%run_scoped3A : memref<!tpu.dma_semaphore, #tpu.memory_space<semaphore_mem>>) {add = true}
        %dma_wait3A_214 = arith.constant 0 : i32
        %dma_wait3A_215 = arith.constant 0 : i32
        %dma_wait3A_216 = tpu.memref_slice %arg15[%dma_wait3A_214, %dma_wait3A_215] : memref<10240x128xf32, #tpu.memory_space<vmem_shared>> -> memref<10240x128xf32, #tpu.memory_space<vmem_shared>>
        tpu.wait_indirect_dma semaphore(%run_scoped3A : memref<!tpu.dma_semaphore, #tpu.memory_space<semaphore_mem>>) src(%arg14 : memref<64x128xf32, #tpu.memory_space<vmem>>) dst(%dma_wait3A_216 : memref<10240x128xf32, #tpu.memory_space<vmem_shared>>)
        tpu.yield
      }) : () -> ()
      %lt3A_206 = arith.constant 156 : i32
      %lt3A_207 = arith.cmpi slt, %scan3A_135, %lt3A_206 : i32
      %convert_element_type3A_208 = arith.extui %lt3A_207 : i1 to i32
      %cond3A_209 = arith.constant 0 : i32
      %cond3A_210 = arith.cmpi ne, %convert_element_type3A_208, %cond3A_209 : i32
      scf.if %cond3A_210 {
        %add3A_211 = arith.constant 2 : i32
        %add3A_212 = arith.addi %add3A_174, %add3A_211 : i32
        %mul3A_213 = arith.constant 64 : i32
        %mul3A_214 = arith.muli %add3A_212, %mul3A_213 : i32
        %add3A_215 = arith.addi %mul3A_2, %mul3A_214 : i32
        %dma_start3A_216 = tpu.memref_slice %arg5[%add3A_215] : memref<643072xi32, #tpu.memory_space<hbm>> -> memref<64xi32, #tpu.memory_space<hbm>>
        %dma_start3A_217 = tpu.memref_slice %arg5[%add3A_215] : memref<643072xi32, #tpu.memory_space<hbm>> -> memref<64xi32, #tpu.memory_space<hbm>>
        tpu.enqueue_dma source(%dma_start3A_217 : memref<64xi32, #tpu.memory_space<hbm>>) target(%arg10 : memref<64xi32, #tpu.memory_space<vmem>>) target_semaphore(%arg21 : memref<!tpu.dma_semaphore, #tpu.memory_space<semaphore_mem>>)
        %add3A_218 = arith.constant 2 : i32
        %add3A_219 = arith.addi %add3A_174, %add3A_218 : i32
        %mul3A_220 = arith.constant 64 : i32
        %mul3A_221 = arith.muli %add3A_219, %mul3A_220 : i32
        %add3A_222 = arith.addi %mul3A_2, %mul3A_221 : i32
        %dma_start3A_223 = arith.constant 0 : i32
        %dma_start3A_224 = tpu.memref_slice %arg3[%add3A_222, %dma_start3A_223] : memref<643072x128xf32, #tpu.memory_space<hbm>> -> memref<64x128xf32, #tpu.memory_space<hbm>>
        %dma_start3A_225 = arith.constant 0 : i32
        %dma_start3A_226 = tpu.memref_slice %arg3[%add3A_222, %dma_start3A_225] : memref<643072x128xf32, #tpu.memory_space<hbm>> -> memref<64x128xf32, #tpu.memory_space<hbm>>
        tpu.enqueue_dma source(%dma_start3A_226 : memref<64x128xf32, #tpu.memory_space<hbm>>) target(%arg14 : memref<64x128xf32, #tpu.memory_space<vmem>>) target_semaphore(%arg23 : memref<!tpu.dma_semaphore, #tpu.memory_space<semaphore_mem>>)
      } else {
      }
    }
    %scan3A_93 = arith.constant 157 : i32
    %barrier3A_94 = arith.constant 0 : index
    tpu.barrier barrier_id(%barrier3A_94)
    %mul3A_95 = arith.constant 640 : i32
    %mul3A_96 = arith.muli %arg1, %mul3A_95 : i32
    %add3A_97 = arith.constant 0 : i32
    %add3A_98 = arith.addi %mul3A_96, %add3A_97 : i32
    "tpu.region"() ({
      %run_scoped3A = tpu.sem_alloc : memref<!tpu.dma_semaphore, #tpu.memory_space<semaphore_mem>>
      %dma_start3A_135 = arith.constant 0 : i32
      %dma_start3A_136 = tpu.memref_slice %arg6[%arg0, %add3A_98, %dma_start3A_135] : memref<2x10240x128xf32, #tpu.memory_space<hbm>> -> memref<1x64x128xf32, #tpu.memory_space<hbm>>
      %dma_start3A_137 = tpu.memref_squeeze %dma_start3A_136 : memref<1x64x128xf32, #tpu.memory_space<hbm>> -> memref<64x128xf32, #tpu.memory_space<hbm>>
      %dma_start3A_138 = arith.constant 0 : i32
      %dma_start3A_139 = tpu.memref_slice %arg15[%add3A_98, %dma_start3A_138] : memref<10240x128xf32, #tpu.memory_space<vmem_shared>> -> memref<64x128xf32, #tpu.memory_space<vmem_shared>>
      tpu.enqueue_dma source(%dma_start3A_139 : memref<64x128xf32, #tpu.memory_space<vmem_shared>>) target(%dma_start3A_137 : memref<64x128xf32, #tpu.memory_space<hbm>>) target_semaphore(%run_scoped3A : memref<!tpu.dma_semaphore, #tpu.memory_space<semaphore_mem>>)
      %dma_wait3A_140 = arith.constant 0 : i32
      %dma_wait3A_141 = tpu.memref_slice %arg6[%arg0, %add3A_98, %dma_wait3A_140] : memref<2x10240x128xf32, #tpu.memory_space<hbm>> -> memref<1x64x128xf32, #tpu.memory_space<hbm>>
      %dma_wait3A_142 = tpu.memref_squeeze %dma_wait3A_141 : memref<1x64x128xf32, #tpu.memory_space<hbm>> -> memref<64x128xf32, #tpu.memory_space<hbm>>
      %dma_wait3A_143 = arith.constant 0 : i32
      %dma_wait3A_144 = tpu.memref_slice %arg15[%add3A_98, %dma_wait3A_143] : memref<10240x128xf32, #tpu.memory_space<vmem_shared>> -> memref<64x128xf32, #tpu.memory_space<vmem_shared>>
      tpu.wait_dma2 semaphore(%run_scoped3A : memref<!tpu.dma_semaphore, #tpu.memory_space<semaphore_mem>>) src(%dma_wait3A_144 : memref<64x128xf32, #tpu.memory_space<vmem_shared>>) dst(%dma_wait3A_142 : memref<64x128xf32, #tpu.memory_space<hbm>>)
      tpu.yield
    }) : () -> ()
    %mul3A_99 = arith.constant 640 : i32
    %mul3A_100 = arith.muli %arg1, %mul3A_99 : i32
    %add3A_101 = arith.constant 64 : i32
    %add3A_102 = arith.addi %mul3A_100, %add3A_101 : i32
    "tpu.region"() ({
      %run_scoped3A = tpu.sem_alloc : memref<!tpu.dma_semaphore, #tpu.memory_space<semaphore_mem>>
      %dma_start3A_135 = arith.constant 0 : i32
      %dma_start3A_136 = tpu.memref_slice %arg6[%arg0, %add3A_102, %dma_start3A_135] : memref<2x10240x128xf32, #tpu.memory_space<hbm>> -> memref<1x64x128xf32, #tpu.memory_space<hbm>>
      %dma_start3A_137 = tpu.memref_squeeze %dma_start3A_136 : memref<1x64x128xf32, #tpu.memory_space<hbm>> -> memref<64x128xf32, #tpu.memory_space<hbm>>
      %dma_start3A_138 = arith.constant 0 : i32
      %dma_start3A_139 = tpu.memref_slice %arg15[%add3A_102, %dma_start3A_138] : memref<10240x128xf32, #tpu.memory_space<vmem_shared>> -> memref<64x128xf32, #tpu.memory_space<vmem_shared>>
      tpu.enqueue_dma source(%dma_start3A_139 : memref<64x128xf32, #tpu.memory_space<vmem_shared>>) target(%dma_start3A_137 : memref<64x128xf32, #tpu.memory_space<hbm>>) target_semaphore(%run_scoped3A : memref<!tpu.dma_semaphore, #tpu.memory_space<semaphore_mem>>)
      %dma_wait3A_140 = arith.constant 0 : i32
      %dma_wait3A_141 = tpu.memref_slice %arg6[%arg0, %add3A_102, %dma_wait3A_140] : memref<2x10240x128xf32, #tpu.memory_space<hbm>> -> memref<1x64x128xf32, #tpu.memory_space<hbm>>
      %dma_wait3A_142 = tpu.memref_squeeze %dma_wait3A_141 : memref<1x64x128xf32, #tpu.memory_space<hbm>> -> memref<64x128xf32, #tpu.memory_space<hbm>>
      %dma_wait3A_143 = arith.constant 0 : i32
      %dma_wait3A_144 = tpu.memref_slice %arg15[%add3A_102, %dma_wait3A_143] : memref<10240x128xf32, #tpu.memory_space<vmem_shared>> -> memref<64x128xf32, #tpu.memory_space<vmem_shared>>
      tpu.wait_dma2 semaphore(%run_scoped3A : memref<!tpu.dma_semaphore, #tpu.memory_space<semaphore_mem>>) src(%dma_wait3A_144 : memref<64x128xf32, #tpu.memory_space<vmem_shared>>) dst(%dma_wait3A_142 : memref<64x128xf32, #tpu.memory_space<hbm>>)
      tpu.yield
    }) : () -> ()
    %mul3A_103 = arith.constant 640 : i32
    %mul3A_104 = arith.muli %arg1, %mul3A_103 : i32
    %add3A_105 = arith.constant 128 : i32
    %add3A_106 = arith.addi %mul3A_104, %add3A_105 : i32
    "tpu.region"() ({
      %run_scoped3A = tpu.sem_alloc : memref<!tpu.dma_semaphore, #tpu.memory_space<semaphore_mem>>
      %dma_start3A_135 = arith.constant 0 : i32
      %dma_start3A_136 = tpu.memref_slice %arg6[%arg0, %add3A_106, %dma_start3A_135] : memref<2x10240x128xf32, #tpu.memory_space<hbm>> -> memref<1x64x128xf32, #tpu.memory_space<hbm>>
      %dma_start3A_137 = tpu.memref_squeeze %dma_start3A_136 : memref<1x64x128xf32, #tpu.memory_space<hbm>> -> memref<64x128xf32, #tpu.memory_space<hbm>>
      %dma_start3A_138 = arith.constant 0 : i32
      %dma_start3A_139 = tpu.memref_slice %arg15[%add3A_106, %dma_start3A_138] : memref<10240x128xf32, #tpu.memory_space<vmem_shared>> -> memref<64x128xf32, #tpu.memory_space<vmem_shared>>
      tpu.enqueue_dma source(%dma_start3A_139 : memref<64x128xf32, #tpu.memory_space<vmem_shared>>) target(%dma_start3A_137 : memref<64x128xf32, #tpu.memory_space<hbm>>) target_semaphore(%run_scoped3A : memref<!tpu.dma_semaphore, #tpu.memory_space<semaphore_mem>>)
      %dma_wait3A_140 = arith.constant 0 : i32
      %dma_wait3A_141 = tpu.memref_slice %arg6[%arg0, %add3A_106, %dma_wait3A_140] : memref<2x10240x128xf32, #tpu.memory_space<hbm>> -> memref<1x64x128xf32, #tpu.memory_space<hbm>>
      %dma_wait3A_142 = tpu.memref_squeeze %dma_wait3A_141 : memref<1x64x128xf32, #tpu.memory_space<hbm>> -> memref<64x128xf32, #tpu.memory_space<hbm>>
      %dma_wait3A_143 = arith.constant 0 : i32
      %dma_wait3A_144 = tpu.memref_slice %arg15[%add3A_106, %dma_wait3A_143] : memref<10240x128xf32, #tpu.memory_space<vmem_shared>> -> memref<64x128xf32, #tpu.memory_space<vmem_shared>>
      tpu.wait_dma2 semaphore(%run_scoped3A : memref<!tpu.dma_semaphore, #tpu.memory_space<semaphore_mem>>) src(%dma_wait3A_144 : memref<64x128xf32, #tpu.memory_space<vmem_shared>>) dst(%dma_wait3A_142 : memref<64x128xf32, #tpu.memory_space<hbm>>)
      tpu.yield
    }) : () -> ()
    %mul3A_107 = arith.constant 640 : i32
    %mul3A_108 = arith.muli %arg1, %mul3A_107 : i32
    %add3A_109 = arith.constant 192 : i32
    %add3A_110 = arith.addi %mul3A_108, %add3A_109 : i32
    "tpu.region"() ({
      %run_scoped3A = tpu.sem_alloc : memref<!tpu.dma_semaphore, #tpu.memory_space<semaphore_mem>>
      %dma_start3A_135 = arith.constant 0 : i32
      %dma_start3A_136 = tpu.memref_slice %arg6[%arg0, %add3A_110, %dma_start3A_135] : memref<2x10240x128xf32, #tpu.memory_space<hbm>> -> memref<1x64x128xf32, #tpu.memory_space<hbm>>
      %dma_start3A_137 = tpu.memref_squeeze %dma_start3A_136 : memref<1x64x128xf32, #tpu.memory_space<hbm>> -> memref<64x128xf32, #tpu.memory_space<hbm>>
      %dma_start3A_138 = arith.constant 0 : i32
      %dma_start3A_139 = tpu.memref_slice %arg15[%add3A_110, %dma_start3A_138] : memref<10240x128xf32, #tpu.memory_space<vmem_shared>> -> memref<64x128xf32, #tpu.memory_space<vmem_shared>>
      tpu.enqueue_dma source(%dma_start3A_139 : memref<64x128xf32, #tpu.memory_space<vmem_shared>>) target(%dma_start3A_137 : memref<64x128xf32, #tpu.memory_space<hbm>>) target_semaphore(%run_scoped3A : memref<!tpu.dma_semaphore, #tpu.memory_space<semaphore_mem>>)
      %dma_wait3A_140 = arith.constant 0 : i32
      %dma_wait3A_141 = tpu.memref_slice %arg6[%arg0, %add3A_110, %dma_wait3A_140] : memref<2x10240x128xf32, #tpu.memory_space<hbm>> -> memref<1x64x128xf32, #tpu.memory_space<hbm>>
      %dma_wait3A_142 = tpu.memref_squeeze %dma_wait3A_141 : memref<1x64x128xf32, #tpu.memory_space<hbm>> -> memref<64x128xf32, #tpu.memory_space<hbm>>
      %dma_wait3A_143 = arith.constant 0 : i32
      %dma_wait3A_144 = tpu.memref_slice %arg15[%add3A_110, %dma_wait3A_143] : memref<10240x128xf32, #tpu.memory_space<vmem_shared>> -> memref<64x128xf32, #tpu.memory_space<vmem_shared>>
      tpu.wait_dma2 semaphore(%run_scoped3A : memref<!tpu.dma_semaphore, #tpu.memory_space<semaphore_mem>>) src(%dma_wait3A_144 : memref<64x128xf32, #tpu.memory_space<vmem_shared>>) dst(%dma_wait3A_142 : memref<64x128xf32, #tpu.memory_space<hbm>>)
      tpu.yield
    }) : () -> ()
    %mul3A_111 = arith.constant 640 : i32
    %mul3A_112 = arith.muli %arg1, %mul3A_111 : i32
    %add3A_113 = arith.constant 256 : i32
    %add3A_114 = arith.addi %mul3A_112, %add3A_113 : i32
    "tpu.region"() ({
      %run_scoped3A = tpu.sem_alloc : memref<!tpu.dma_semaphore, #tpu.memory_space<semaphore_mem>>
      %dma_start3A_135 = arith.constant 0 : i32
      %dma_start3A_136 = tpu.memref_slice %arg6[%arg0, %add3A_114, %dma_start3A_135] : memref<2x10240x128xf32, #tpu.memory_space<hbm>> -> memref<1x64x128xf32, #tpu.memory_space<hbm>>
      %dma_start3A_137 = tpu.memref_squeeze %dma_start3A_136 : memref<1x64x128xf32, #tpu.memory_space<hbm>> -> memref<64x128xf32, #tpu.memory_space<hbm>>
      %dma_start3A_138 = arith.constant 0 : i32
      %dma_start3A_139 = tpu.memref_slice %arg15[%add3A_114, %dma_start3A_138] : memref<10240x128xf32, #tpu.memory_space<vmem_shared>> -> memref<64x128xf32, #tpu.memory_space<vmem_shared>>
      tpu.enqueue_dma source(%dma_start3A_139 : memref<64x128xf32, #tpu.memory_space<vmem_shared>>) target(%dma_start3A_137 : memref<64x128xf32, #tpu.memory_space<hbm>>) target_semaphore(%run_scoped3A : memref<!tpu.dma_semaphore, #tpu.memory_space<semaphore_mem>>)
      %dma_wait3A_140 = arith.constant 0 : i32
      %dma_wait3A_141 = tpu.memref_slice %arg6[%arg0, %add3A_114, %dma_wait3A_140] : memref<2x10240x128xf32, #tpu.memory_space<hbm>> -> memref<1x64x128xf32, #tpu.memory_space<hbm>>
      %dma_wait3A_142 = tpu.memref_squeeze %dma_wait3A_141 : memref<1x64x128xf32, #tpu.memory_space<hbm>> -> memref<64x128xf32, #tpu.memory_space<hbm>>
      %dma_wait3A_143 = arith.constant 0 : i32
      %dma_wait3A_144 = tpu.memref_slice %arg15[%add3A_114, %dma_wait3A_143] : memref<10240x128xf32, #tpu.memory_space<vmem_shared>> -> memref<64x128xf32, #tpu.memory_space<vmem_shared>>
      tpu.wait_dma2 semaphore(%run_scoped3A : memref<!tpu.dma_semaphore, #tpu.memory_space<semaphore_mem>>) src(%dma_wait3A_144 : memref<64x128xf32, #tpu.memory_space<vmem_shared>>) dst(%dma_wait3A_142 : memref<64x128xf32, #tpu.memory_space<hbm>>)
      tpu.yield
    }) : () -> ()
    %mul3A_115 = arith.constant 640 : i32
    %mul3A_116 = arith.muli %arg1, %mul3A_115 : i32
    %add3A_117 = arith.constant 320 : i32
    %add3A_118 = arith.addi %mul3A_116, %add3A_117 : i32
    "tpu.region"() ({
      %run_scoped3A = tpu.sem_alloc : memref<!tpu.dma_semaphore, #tpu.memory_space<semaphore_mem>>
      %dma_start3A_135 = arith.constant 0 : i32
      %dma_start3A_136 = tpu.memref_slice %arg6[%arg0, %add3A_118, %dma_start3A_135] : memref<2x10240x128xf32, #tpu.memory_space<hbm>> -> memref<1x64x128xf32, #tpu.memory_space<hbm>>
      %dma_start3A_137 = tpu.memref_squeeze %dma_start3A_136 : memref<1x64x128xf32, #tpu.memory_space<hbm>> -> memref<64x128xf32, #tpu.memory_space<hbm>>
      %dma_start3A_138 = arith.constant 0 : i32
      %dma_start3A_139 = tpu.memref_slice %arg15[%add3A_118, %dma_start3A_138] : memref<10240x128xf32, #tpu.memory_space<vmem_shared>> -> memref<64x128xf32, #tpu.memory_space<vmem_shared>>
      tpu.enqueue_dma source(%dma_start3A_139 : memref<64x128xf32, #tpu.memory_space<vmem_shared>>) target(%dma_start3A_137 : memref<64x128xf32, #tpu.memory_space<hbm>>) target_semaphore(%run_scoped3A : memref<!tpu.dma_semaphore, #tpu.memory_space<semaphore_mem>>)
      %dma_wait3A_140 = arith.constant 0 : i32
      %dma_wait3A_141 = tpu.memref_slice %arg6[%arg0, %add3A_118, %dma_wait3A_140] : memref<2x10240x128xf32, #tpu.memory_space<hbm>> -> memref<1x64x128xf32, #tpu.memory_space<hbm>>
      %dma_wait3A_142 = tpu.memref_squeeze %dma_wait3A_141 : memref<1x64x128xf32, #tpu.memory_space<hbm>> -> memref<64x128xf32, #tpu.memory_space<hbm>>
      %dma_wait3A_143 = arith.constant 0 : i32
      %dma_wait3A_144 = tpu.memref_slice %arg15[%add3A_118, %dma_wait3A_143] : memref<10240x128xf32, #tpu.memory_space<vmem_shared>> -> memref<64x128xf32, #tpu.memory_space<vmem_shared>>
      tpu.wait_dma2 semaphore(%run_scoped3A : memref<!tpu.dma_semaphore, #tpu.memory_space<semaphore_mem>>) src(%dma_wait3A_144 : memref<64x128xf32, #tpu.memory_space<vmem_shared>>) dst(%dma_wait3A_142 : memref<64x128xf32, #tpu.memory_space<hbm>>)
      tpu.yield
    }) : () -> ()
    %mul3A_119 = arith.constant 640 : i32
    %mul3A_120 = arith.muli %arg1, %mul3A_119 : i32
    %add3A_121 = arith.constant 384 : i32
    %add3A_122 = arith.addi %mul3A_120, %add3A_121 : i32
    "tpu.region"() ({
      %run_scoped3A = tpu.sem_alloc : memref<!tpu.dma_semaphore, #tpu.memory_space<semaphore_mem>>
      %dma_start3A_135 = arith.constant 0 : i32
      %dma_start3A_136 = tpu.memref_slice %arg6[%arg0, %add3A_122, %dma_start3A_135] : memref<2x10240x128xf32, #tpu.memory_space<hbm>> -> memref<1x64x128xf32, #tpu.memory_space<hbm>>
      %dma_start3A_137 = tpu.memref_squeeze %dma_start3A_136 : memref<1x64x128xf32, #tpu.memory_space<hbm>> -> memref<64x128xf32, #tpu.memory_space<hbm>>
      %dma_start3A_138 = arith.constant 0 : i32
      %dma_start3A_139 = tpu.memref_slice %arg15[%add3A_122, %dma_start3A_138] : memref<10240x128xf32, #tpu.memory_space<vmem_shared>> -> memref<64x128xf32, #tpu.memory_space<vmem_shared>>
      tpu.enqueue_dma source(%dma_start3A_139 : memref<64x128xf32, #tpu.memory_space<vmem_shared>>) target(%dma_start3A_137 : memref<64x128xf32, #tpu.memory_space<hbm>>) target_semaphore(%run_scoped3A : memref<!tpu.dma_semaphore, #tpu.memory_space<semaphore_mem>>)
      %dma_wait3A_140 = arith.constant 0 : i32
      %dma_wait3A_141 = tpu.memref_slice %arg6[%arg0, %add3A_122, %dma_wait3A_140] : memref<2x10240x128xf32, #tpu.memory_space<hbm>> -> memref<1x64x128xf32, #tpu.memory_space<hbm>>
      %dma_wait3A_142 = tpu.memref_squeeze %dma_wait3A_141 : memref<1x64x128xf32, #tpu.memory_space<hbm>> -> memref<64x128xf32, #tpu.memory_space<hbm>>
      %dma_wait3A_143 = arith.constant 0 : i32
      %dma_wait3A_144 = tpu.memref_slice %arg15[%add3A_122, %dma_wait3A_143] : memref<10240x128xf32, #tpu.memory_space<vmem_shared>> -> memref<64x128xf32, #tpu.memory_space<vmem_shared>>
      tpu.wait_dma2 semaphore(%run_scoped3A : memref<!tpu.dma_semaphore, #tpu.memory_space<semaphore_mem>>) src(%dma_wait3A_144 : memref<64x128xf32, #tpu.memory_space<vmem_shared>>) dst(%dma_wait3A_142 : memref<64x128xf32, #tpu.memory_space<hbm>>)
      tpu.yield
    }) : () -> ()
    %mul3A_123 = arith.constant 640 : i32
    %mul3A_124 = arith.muli %arg1, %mul3A_123 : i32
    %add3A_125 = arith.constant 448 : i32
    %add3A_126 = arith.addi %mul3A_124, %add3A_125 : i32
    "tpu.region"() ({
      %run_scoped3A = tpu.sem_alloc : memref<!tpu.dma_semaphore, #tpu.memory_space<semaphore_mem>>
      %dma_start3A_135 = arith.constant 0 : i32
      %dma_start3A_136 = tpu.memref_slice %arg6[%arg0, %add3A_126, %dma_start3A_135] : memref<2x10240x128xf32, #tpu.memory_space<hbm>> -> memref<1x64x128xf32, #tpu.memory_space<hbm>>
      %dma_start3A_137 = tpu.memref_squeeze %dma_start3A_136 : memref<1x64x128xf32, #tpu.memory_space<hbm>> -> memref<64x128xf32, #tpu.memory_space<hbm>>
      %dma_start3A_138 = arith.constant 0 : i32
      %dma_start3A_139 = tpu.memref_slice %arg15[%add3A_126, %dma_start3A_138] : memref<10240x128xf32, #tpu.memory_space<vmem_shared>> -> memref<64x128xf32, #tpu.memory_space<vmem_shared>>
      tpu.enqueue_dma source(%dma_start3A_139 : memref<64x128xf32, #tpu.memory_space<vmem_shared>>) target(%dma_start3A_137 : memref<64x128xf32, #tpu.memory_space<hbm>>) target_semaphore(%run_scoped3A : memref<!tpu.dma_semaphore, #tpu.memory_space<semaphore_mem>>)
      %dma_wait3A_140 = arith.constant 0 : i32
      %dma_wait3A_141 = tpu.memref_slice %arg6[%arg0, %add3A_126, %dma_wait3A_140] : memref<2x10240x128xf32, #tpu.memory_space<hbm>> -> memref<1x64x128xf32, #tpu.memory_space<hbm>>
      %dma_wait3A_142 = tpu.memref_squeeze %dma_wait3A_141 : memref<1x64x128xf32, #tpu.memory_space<hbm>> -> memref<64x128xf32, #tpu.memory_space<hbm>>
      %dma_wait3A_143 = arith.constant 0 : i32
      %dma_wait3A_144 = tpu.memref_slice %arg15[%add3A_126, %dma_wait3A_143] : memref<10240x128xf32, #tpu.memory_space<vmem_shared>> -> memref<64x128xf32, #tpu.memory_space<vmem_shared>>
      tpu.wait_dma2 semaphore(%run_scoped3A : memref<!tpu.dma_semaphore, #tpu.memory_space<semaphore_mem>>) src(%dma_wait3A_144 : memref<64x128xf32, #tpu.memory_space<vmem_shared>>) dst(%dma_wait3A_142 : memref<64x128xf32, #tpu.memory_space<hbm>>)
      tpu.yield
    }) : () -> ()
    %mul3A_127 = arith.constant 640 : i32
    %mul3A_128 = arith.muli %arg1, %mul3A_127 : i32
    %add3A_129 = arith.constant 512 : i32
    %add3A_130 = arith.addi %mul3A_128, %add3A_129 : i32
    "tpu.region"() ({
      %run_scoped3A = tpu.sem_alloc : memref<!tpu.dma_semaphore, #tpu.memory_space<semaphore_mem>>
      %dma_start3A_135 = arith.constant 0 : i32
      %dma_start3A_136 = tpu.memref_slice %arg6[%arg0, %add3A_130, %dma_start3A_135] : memref<2x10240x128xf32, #tpu.memory_space<hbm>> -> memref<1x64x128xf32, #tpu.memory_space<hbm>>
      %dma_start3A_137 = tpu.memref_squeeze %dma_start3A_136 : memref<1x64x128xf32, #tpu.memory_space<hbm>> -> memref<64x128xf32, #tpu.memory_space<hbm>>
      %dma_start3A_138 = arith.constant 0 : i32
      %dma_start3A_139 = tpu.memref_slice %arg15[%add3A_130, %dma_start3A_138] : memref<10240x128xf32, #tpu.memory_space<vmem_shared>> -> memref<64x128xf32, #tpu.memory_space<vmem_shared>>
      tpu.enqueue_dma source(%dma_start3A_139 : memref<64x128xf32, #tpu.memory_space<vmem_shared>>) target(%dma_start3A_137 : memref<64x128xf32, #tpu.memory_space<hbm>>) target_semaphore(%run_scoped3A : memref<!tpu.dma_semaphore, #tpu.memory_space<semaphore_mem>>)
      %dma_wait3A_140 = arith.constant 0 : i32
      %dma_wait3A_141 = tpu.memref_slice %arg6[%arg0, %add3A_130, %dma_wait3A_140] : memref<2x10240x128xf32, #tpu.memory_space<hbm>> -> memref<1x64x128xf32, #tpu.memory_space<hbm>>
      %dma_wait3A_142 = tpu.memref_squeeze %dma_wait3A_141 : memref<1x64x128xf32, #tpu.memory_space<hbm>> -> memref<64x128xf32, #tpu.memory_space<hbm>>
      %dma_wait3A_143 = arith.constant 0 : i32
      %dma_wait3A_144 = tpu.memref_slice %arg15[%add3A_130, %dma_wait3A_143] : memref<10240x128xf32, #tpu.memory_space<vmem_shared>> -> memref<64x128xf32, #tpu.memory_space<vmem_shared>>
      tpu.wait_dma2 semaphore(%run_scoped3A : memref<!tpu.dma_semaphore, #tpu.memory_space<semaphore_mem>>) src(%dma_wait3A_144 : memref<64x128xf32, #tpu.memory_space<vmem_shared>>) dst(%dma_wait3A_142 : memref<64x128xf32, #tpu.memory_space<hbm>>)
      tpu.yield
    }) : () -> ()
    %mul3A_131 = arith.constant 640 : i32
    %mul3A_132 = arith.muli %arg1, %mul3A_131 : i32
    %add3A_133 = arith.constant 576 : i32
    %add3A_134 = arith.addi %mul3A_132, %add3A_133 : i32
    "tpu.region"() ({
      %run_scoped3A = tpu.sem_alloc : memref<!tpu.dma_semaphore, #tpu.memory_space<semaphore_mem>>
      %dma_start3A_135 = arith.constant 0 : i32
      %dma_start3A_136 = tpu.memref_slice %arg6[%arg0, %add3A_134, %dma_start3A_135] : memref<2x10240x128xf32, #tpu.memory_space<hbm>> -> memref<1x64x128xf32, #tpu.memory_space<hbm>>
      %dma_start3A_137 = tpu.memref_squeeze %dma_start3A_136 : memref<1x64x128xf32, #tpu.memory_space<hbm>> -> memref<64x128xf32, #tpu.memory_space<hbm>>
      %dma_start3A_138 = arith.constant 0 : i32
      %dma_start3A_139 = tpu.memref_slice %arg15[%add3A_134, %dma_start3A_138] : memref<10240x128xf32, #tpu.memory_space<vmem_shared>> -> memref<64x128xf32, #tpu.memory_space<vmem_shared>>
      tpu.enqueue_dma source(%dma_start3A_139 : memref<64x128xf32, #tpu.memory_space<vmem_shared>>) target(%dma_start3A_137 : memref<64x128xf32, #tpu.memory_space<hbm>>) target_semaphore(%run_scoped3A : memref<!tpu.dma_semaphore, #tpu.memory_space<semaphore_mem>>)
      %dma_wait3A_140 = arith.constant 0 : i32
      %dma_wait3A_141 = tpu.memref_slice %arg6[%arg0, %add3A_134, %dma_wait3A_140] : memref<2x10240x128xf32, #tpu.memory_space<hbm>> -> memref<1x64x128xf32, #tpu.memory_space<hbm>>
      %dma_wait3A_142 = tpu.memref_squeeze %dma_wait3A_141 : memref<1x64x128xf32, #tpu.memory_space<hbm>> -> memref<64x128xf32, #tpu.memory_space<hbm>>
      %dma_wait3A_143 = arith.constant 0 : i32
      %dma_wait3A_144 = tpu.memref_slice %arg15[%add3A_134, %dma_wait3A_143] : memref<10240x128xf32, #tpu.memory_space<vmem_shared>> -> memref<64x128xf32, #tpu.memory_space<vmem_shared>>
      tpu.wait_dma2 semaphore(%run_scoped3A : memref<!tpu.dma_semaphore, #tpu.memory_space<semaphore_mem>>) src(%dma_wait3A_144 : memref<64x128xf32, #tpu.memory_space<vmem_shared>>) dst(%dma_wait3A_142 : memref<64x128xf32, #tpu.memory_space<hbm>>)
      tpu.yield
    }) : () -> ()
    return
  }
}

#map = affine_map<(d0, d1) -> (0, 0)>
#map1 = affine_map<(d0, d1) -> (0)>
#map2 = affine_map<(d0, d1) -> (0, 0, 0)>
module attributes {stable_mosaic.version = 14 : i64} {
  func.func @k(%arg0: i32, %arg1: i32, %arg2: memref<10000x128xf32, #tpu.memory_space<hbm>>, %arg3: memref<643072x128xf32, #tpu.memory_space<hbm>>, %arg4: memref<643072xi32, #tpu.memory_space<hbm>>, %arg5: memref<643072xi32, #tpu.memory_space<hbm>>, %arg6: memref<2x10240x128xf32, #tpu.memory_space<hbm>>, %arg7: memref<64xi32, #tpu.memory_space<vmem>>, %arg8: memref<64xi32, #tpu.memory_space<vmem>>, %arg9: memref<64xi32, #tpu.memory_space<vmem>>, %arg10: memref<64xi32, #tpu.memory_space<vmem>>, %arg11: memref<64x128xf32, #tpu.memory_space<vmem>>, %arg12: memref<64x128xf32, #tpu.memory_space<vmem>>, %arg13: memref<64x128xf32, #tpu.memory_space<vmem>>, %arg14: memref<64x128xf32, #tpu.memory_space<vmem>>, %arg15: memref<10240x128xf32, #tpu.memory_space<vmem_shared>>, %arg16: memref<!tpu.dma_semaphore, #tpu.memory_space<semaphore_mem>>, %arg17: memref<!tpu.dma_semaphore, #tpu.memory_space<semaphore_mem>>, %arg18: memref<!tpu.dma_semaphore, #tpu.memory_space<semaphore_mem>>, %arg19: memref<!tpu.dma_semaphore, #tpu.memory_space<semaphore_mem>>, %arg20: memref<!tpu.dma_semaphore, #tpu.memory_space<semaphore_mem>>, %arg21: memref<!tpu.dma_semaphore, #tpu.memory_space<semaphore_mem>>, %arg22: memref<!tpu.dma_semaphore, #tpu.memory_space<semaphore_mem>>, %arg23: memref<!tpu.dma_semaphore, #tpu.memory_space<semaphore_mem>>) attributes {dimension_semantics = [#tpu.dimension_semantics<core_parallel>, #tpu.dimension_semantics<subcore_parallel>], iteration_bounds = array<i64: 2, 16>, scalar_prefetch = 0 : i64, scratch_operands = 17 : i64, tpu.core_type = #tpu.core_type<sc_vector_subcore>, window_params = [{transform_indices = #map}, {transform_indices = #map}, {transform_indices = #map1}, {transform_indices = #map1}, {transform_indices = #map2}]} {
    %mul3A = arith.constant 16 : i32
    %mul3A_0 = arith.muli %arg0, %mul3A : i32
    %add3A = arith.addi %mul3A_0, %arg1 : i32
    %mul3A_1 = arith.constant 20096 : i32
    %mul3A_2 = arith.muli %add3A, %mul3A_1 : i32
    %scan3A = arith.constant 0 : i32
    %scan3A_3 = arith.constant 0 : i32
    %scan3A_4 = arith.constant 64 : i32
    %scan3A_5 = arith.addi %scan3A_3, %scan3A_4 : i32
    %scan3A_6 = arith.constant 1 : i32
    scf.for %scan3A_135 = %scan3A_3 to %scan3A_5 step %scan3A_6  : i32 {
      %broadcast_in_dim3A = arith.constant 0.000000e+00 : f32
      %broadcast_in_dim3A_136 = vector.broadcast %broadcast_in_dim3A : f32 to vector<16xf32>
      %swap3A = arith.index_cast %scan3A_135 : i32 to index
      %swap3A_137 = arith.constant 0 : index
      %swap3A_138 = tpu.vector_load %arg12[%swap3A, %swap3A_137] {strides = array<i32>} : memref<64x128xf32, #tpu.memory_space<vmem>>, vector<1x16xf32>,
      %swap3A_139 = vector.shape_cast %swap3A_138 : vector<1x16xf32> to vector<16xf32>
      %swap3A_140 = vector.shape_cast %broadcast_in_dim3A_136 : vector<16xf32> to vector<1x16xf32>
      tpu.vector_store %arg12[%swap3A, %swap3A_137], %swap3A_140 {strides = array<i32>} : memref<64x128xf32, #tpu.memory_space<vmem>>, vector<1x16xf32>,
      %broadcast_in_dim3A_141 = arith.constant 0.000000e+00 : f32
      %broadcast_in_dim3A_142 = vector.broadcast %broadcast_in_dim3A_141 : f32 to vector<16xf32>
      %swap3A_143 = arith.index_cast %scan3A_135 : i32 to index
      %swap3A_144 = arith.constant 16 : index
      %swap3A_145 = tpu.vector_load %arg12[%swap3A_143, %swap3A_144] {strides = array<i32>} : memref<64x128xf32, #tpu.memory_space<vmem>>, vector<1x16xf32>,
      %swap3A_146 = vector.shape_cast %swap3A_145 : vector<1x16xf32> to vector<16xf32>
      %swap3A_147 = vector.shape_cast %broadcast_in_dim3A_142 : vector<16xf32> to vector<1x16xf32>
      tpu.vector_store %arg12[%swap3A_143, %swap3A_144], %swap3A_147 {strides = array<i32>} : memref<64x128xf32, #tpu.memory_space<vmem>>, vector<1x16xf32>,
      %broadcast_in_dim3A_148 = arith.constant 0.000000e+00 : f32
      %broadcast_in_dim3A_149 = vector.broadcast %broadcast_in_dim3A_148 : f32 to vector<16xf32>
      %swap3A_150 = arith.index_cast %scan3A_135 : i32 to index
      %swap3A_151 = arith.constant 32 : index
      %swap3A_152 = tpu.vector_load %arg12[%swap3A_150, %swap3A_151] {strides = array<i32>} : memref<64x128xf32, #tpu.memory_space<vmem>>, vector<1x16xf32>,
      %swap3A_153 = vector.shape_cast %swap3A_152 : vector<1x16xf32> to vector<16xf32>
      %swap3A_154 = vector.shape_cast %broadcast_in_dim3A_149 : vector<16xf32> to vector<1x16xf32>
      tpu.vector_store %arg12[%swap3A_150, %swap3A_151], %swap3A_154 {strides = array<i32>} : memref<64x128xf32, #tpu.memory_space<vmem>>, vector<1x16xf32>,
      %broadcast_in_dim3A_155 = arith.constant 0.000000e+00 : f32
      %broadcast_in_dim3A_156 = vector.broadcast %broadcast_in_dim3A_155 : f32 to vector<16xf32>
      %swap3A_157 = arith.index_cast %scan3A_135 : i32 to index
      %swap3A_158 = arith.constant 48 : index
      %swap3A_159 = tpu.vector_load %arg12[%swap3A_157, %swap3A_158] {strides = array<i32>} : memref<64x128xf32, #tpu.memory_space<vmem>>, vector<1x16xf32>,
      %swap3A_160 = vector.shape_cast %swap3A_159 : vector<1x16xf32> to vector<16xf32>
      %swap3A_161 = vector.shape_cast %broadcast_in_dim3A_156 : vector<16xf32> to vector<1x16xf32>
      tpu.vector_store %arg12[%swap3A_157, %swap3A_158], %swap3A_161 {strides = array<i32>} : memref<64x128xf32, #tpu.memory_space<vmem>>, vector<1x16xf32>,
      %broadcast_in_dim3A_162 = arith.constant 0.000000e+00 : f32
      %broadcast_in_dim3A_163 = vector.broadcast %broadcast_in_dim3A_162 : f32 to vector<16xf32>
      %swap3A_164 = arith.index_cast %scan3A_135 : i32 to index
      %swap3A_165 = arith.constant 64 : index
      %swap3A_166 = tpu.vector_load %arg12[%swap3A_164, %swap3A_165] {strides = array<i32>} : memref<64x128xf32, #tpu.memory_space<vmem>>, vector<1x16xf32>,
      %swap3A_167 = vector.shape_cast %swap3A_166 : vector<1x16xf32> to vector<16xf32>
      %swap3A_168 = vector.shape_cast %broadcast_in_dim3A_163 : vector<16xf32> to vector<1x16xf32>
      tpu.vector_store %arg12[%swap3A_164, %swap3A_165], %swap3A_168 {strides = array<i32>} : memref<64x128xf32, #tpu.memory_space<vmem>>, vector<1x16xf32>,
      %broadcast_in_dim3A_169 = arith.constant 0.000000e+00 : f32
      %broadcast_in_dim3A_170 = vector.broadcast %broadcast_in_dim3A_169 : f32 to vector<16xf32>
      %swap3A_171 = arith.index_cast %scan3A_135 : i32 to index
      %swap3A_172 = arith.constant 80 : index
      %swap3A_173 = tpu.vector_load %arg12[%swap3A_171, %swap3A_172] {strides = array<i32>} : memref<64x128xf32, #tpu.memory_space<vmem>>, vector<1x16xf32>,
      %swap3A_174 = vector.shape_cast %swap3A_173 : vector<1x16xf32> to vector<16xf32>
      %swap3A_175 = vector.shape_cast %broadcast_in_dim3A_170 : vector<16xf32> to vector<1x16xf32>
      tpu.vector_store %arg12[%swap3A_171, %swap3A_172], %swap3A_175 {strides = array<i32>} : memref<64x128xf32, #tpu.memory_space<vmem>>, vector<1x16xf32>,
      %broadcast_in_dim3A_176 = arith.constant 0.000000e+00 : f32
      %broadcast_in_dim3A_177 = vector.broadcast %broadcast_in_dim3A_176 : f32 to vector<16xf32>
      %swap3A_178 = arith.index_cast %scan3A_135 : i32 to index
      %swap3A_179 = arith.constant 96 : index
      %swap3A_180 = tpu.vector_load %arg12[%swap3A_178, %swap3A_179] {strides = array<i32>} : memref<64x128xf32, #tpu.memory_space<vmem>>, vector<1x16xf32>,
      %swap3A_181 = vector.shape_cast %swap3A_180 : vector<1x16xf32> to vector<16xf32>
      %swap3A_182 = vector.shape_cast %broadcast_in_dim3A_177 : vector<16xf32> to vector<1x16xf32>
      tpu.vector_store %arg12[%swap3A_178, %swap3A_179], %swap3A_182 {strides = array<i32>} : memref<64x128xf32, #tpu.memory_space<vmem>>, vector<1x16xf32>,
      %broadcast_in_dim3A_183 = arith.constant 0.000000e+00 : f32
      %broadcast_in_dim3A_184 = vector.broadcast %broadcast_in_dim3A_183 : f32 to vector<16xf32>
      %swap3A_185 = arith.index_cast %scan3A_135 : i32 to index
      %swap3A_186 = arith.constant 112 : index
      %swap3A_187 = tpu.vector_load %arg12[%swap3A_185, %swap3A_186] {strides = array<i32>} : memref<64x128xf32, #tpu.memory_space<vmem>>, vector<1x16xf32>,
      %swap3A_188 = vector.shape_cast %swap3A_187 : vector<1x16xf32> to vector<16xf32>
      %swap3A_189 = vector.shape_cast %broadcast_in_dim3A_184 : vector<16xf32> to vector<1x16xf32>
      tpu.vector_store %arg12[%swap3A_185, %swap3A_186], %swap3A_189 {strides = array<i32>} : memref<64x128xf32, #tpu.memory_space<vmem>>, vector<1x16xf32>,
    }
    %scan3A_7 = arith.constant 64 : i32
    %mul3A_8 = arith.constant 640 : i32
    %mul3A_9 = arith.muli %arg1, %mul3A_8 : i32
    %add3A_10 = arith.constant 0 : i32
    %add3A_11 = arith.addi %mul3A_9, %add3A_10 : i32
    "tpu.region"() ({
      %run_scoped3A = tpu.sem_alloc : memref<!tpu.dma_semaphore, #tpu.memory_space<semaphore_mem>>
      %dma_start3A_135 = arith.constant 0 : i32
      %dma_start3A_136 = arith.constant 0 : i32
      %dma_start3A_137 = tpu.memref_slice %arg12[%dma_start3A_135, %dma_start3A_136] : memref<64x128xf32, #tpu.memory_space<vmem>> -> memref<64x128xf32, #tpu.memory_space<vmem>>
      %dma_start3A_138 = arith.constant 0 : i32
      %dma_start3A_139 = tpu.memref_slice %arg15[%add3A_11, %dma_start3A_138] : memref<10240x128xf32, #tpu.memory_space<vmem_shared>> -> memref<64x128xf32, #tpu.memory_space<vmem_shared>>
      %dma_start3A_140 = arith.constant 0 : i32
      %dma_start3A_141 = tpu.memref_slice %arg15[%add3A_11, %dma_start3A_140] : memref<10240x128xf32, #tpu.memory_space<vmem_shared>> -> memref<64x128xf32, #tpu.memory_space<vmem_shared>>
      %dma_start3A_142 = arith.constant 0 : i32
      %dma_start3A_143 = arith.constant 0 : i32
      %dma_start3A_144 = tpu.memref_slice %arg12[%dma_start3A_142, %dma_start3A_143] : memref<64x128xf32, #tpu.memory_space<vmem>> -> memref<64x128xf32, #tpu.memory_space<vmem>>
      tpu.enqueue_dma source(%dma_start3A_144 : memref<64x128xf32, #tpu.memory_space<vmem>>) target(%dma_start3A_141 : memref<64x128xf32, #tpu.memory_space<vmem_shared>>) target_semaphore(%run_scoped3A : memref<!tpu.dma_semaphore, #tpu.memory_space<semaphore_mem>>)
      %dma_wait3A_145 = arith.constant 0 : i32
      %dma_wait3A_146 = arith.constant 0 : i32
      %dma_wait3A_147 = tpu.memref_slice %arg12[%dma_wait3A_145, %dma_wait3A_146] : memref<64x128xf32, #tpu.memory_space<vmem>> -> memref<64x128xf32, #tpu.memory_space<vmem>>
      %dma_wait3A_148 = arith.constant 0 : i32
      %dma_wait3A_149 = tpu.memref_slice %arg15[%add3A_11, %dma_wait3A_148] : memref<10240x128xf32, #tpu.memory_space<vmem_shared>> -> memref<64x128xf32, #tpu.memory_space<vmem_shared>>
      %dma_wait3A_150 = arith.constant 0 : i32
      %dma_wait3A_151 = tpu.memref_slice %arg15[%add3A_11, %dma_wait3A_150] : memref<10240x128xf32, #tpu.memory_space<vmem_shared>> -> memref<64x128xf32, #tpu.memory_space<vmem_shared>>
      %dma_wait3A_152 = arith.constant 0 : i32
      %dma_wait3A_153 = arith.constant 0 : i32
      %dma_wait3A_154 = tpu.memref_slice %arg12[%dma_wait3A_152, %dma_wait3A_153] : memref<64x128xf32, #tpu.memory_space<vmem>> -> memref<64x128xf32, #tpu.memory_space<vmem>>
      tpu.wait_dma2 semaphore(%run_scoped3A : memref<!tpu.dma_semaphore, #tpu.memory_space<semaphore_mem>>) src(%dma_wait3A_154 : memref<64x128xf32, #tpu.memory_space<vmem>>) dst(%dma_wait3A_151 : memref<64x128xf32, #tpu.memory_space<vmem_shared>>)
      tpu.yield
    }) : () -> ()
    %mul3A_12 = arith.constant 640 : i32
    %mul3A_13 = arith.muli %arg1, %mul3A_12 : i32
    %add3A_14 = arith.constant 64 : i32
    %add3A_15 = arith.addi %mul3A_13, %add3A_14 : i32
    "tpu.region"() ({
      %run_scoped3A = tpu.sem_alloc : memref<!tpu.dma_semaphore, #tpu.memory_space<semaphore_mem>>
      %dma_start3A_135 = arith.constant 0 : i32
      %dma_start3A_136 = arith.constant 0 : i32
      %dma_start3A_137 = tpu.memref_slice %arg12[%dma_start3A_135, %dma_start3A_136] : memref<64x128xf32, #tpu.memory_space<vmem>> -> memref<64x128xf32, #tpu.memory_space<vmem>>
      %dma_start3A_138 = arith.constant 0 : i32
      %dma_start3A_139 = tpu.memref_slice %arg15[%add3A_15, %dma_start3A_138] : memref<10240x128xf32, #tpu.memory_space<vmem_shared>> -> memref<64x128xf32, #tpu.memory_space<vmem_shared>>
      %dma_start3A_140 = arith.constant 0 : i32
      %dma_start3A_141 = tpu.memref_slice %arg15[%add3A_15, %dma_start3A_140] : memref<10240x128xf32, #tpu.memory_space<vmem_shared>> -> memref<64x128xf32, #tpu.memory_space<vmem_shared>>
      %dma_start3A_142 = arith.constant 0 : i32
      %dma_start3A_143 = arith.constant 0 : i32
      %dma_start3A_144 = tpu.memref_slice %arg12[%dma_start3A_142, %dma_start3A_143] : memref<64x128xf32, #tpu.memory_space<vmem>> -> memref<64x128xf32, #tpu.memory_space<vmem>>
      tpu.enqueue_dma source(%dma_start3A_144 : memref<64x128xf32, #tpu.memory_space<vmem>>) target(%dma_start3A_141 : memref<64x128xf32, #tpu.memory_space<vmem_shared>>) target_semaphore(%run_scoped3A : memref<!tpu.dma_semaphore, #tpu.memory_space<semaphore_mem>>)
      %dma_wait3A_145 = arith.constant 0 : i32
      %dma_wait3A_146 = arith.constant 0 : i32
      %dma_wait3A_147 = tpu.memref_slice %arg12[%dma_wait3A_145, %dma_wait3A_146] : memref<64x128xf32, #tpu.memory_space<vmem>> -> memref<64x128xf32, #tpu.memory_space<vmem>>
      %dma_wait3A_148 = arith.constant 0 : i32
      %dma_wait3A_149 = tpu.memref_slice %arg15[%add3A_15, %dma_wait3A_148] : memref<10240x128xf32, #tpu.memory_space<vmem_shared>> -> memref<64x128xf32, #tpu.memory_space<vmem_shared>>
      %dma_wait3A_150 = arith.constant 0 : i32
      %dma_wait3A_151 = tpu.memref_slice %arg15[%add3A_15, %dma_wait3A_150] : memref<10240x128xf32, #tpu.memory_space<vmem_shared>> -> memref<64x128xf32, #tpu.memory_space<vmem_shared>>
      %dma_wait3A_152 = arith.constant 0 : i32
      %dma_wait3A_153 = arith.constant 0 : i32
      %dma_wait3A_154 = tpu.memref_slice %arg12[%dma_wait3A_152, %dma_wait3A_153] : memref<64x128xf32, #tpu.memory_space<vmem>> -> memref<64x128xf32, #tpu.memory_space<vmem>>
      tpu.wait_dma2 semaphore(%run_scoped3A : memref<!tpu.dma_semaphore, #tpu.memory_space<semaphore_mem>>) src(%dma_wait3A_154 : memref<64x128xf32, #tpu.memory_space<vmem>>) dst(%dma_wait3A_151 : memref<64x128xf32, #tpu.memory_space<vmem_shared>>)
      tpu.yield
    }) : () -> ()
    %mul3A_16 = arith.constant 640 : i32
    %mul3A_17 = arith.muli %arg1, %mul3A_16 : i32
    %add3A_18 = arith.constant 128 : i32
    %add3A_19 = arith.addi %mul3A_17, %add3A_18 : i32
    "tpu.region"() ({
      %run_scoped3A = tpu.sem_alloc : memref<!tpu.dma_semaphore, #tpu.memory_space<semaphore_mem>>
      %dma_start3A_135 = arith.constant 0 : i32
      %dma_start3A_136 = arith.constant 0 : i32
      %dma_start3A_137 = tpu.memref_slice %arg12[%dma_start3A_135, %dma_start3A_136] : memref<64x128xf32, #tpu.memory_space<vmem>> -> memref<64x128xf32, #tpu.memory_space<vmem>>
      %dma_start3A_138 = arith.constant 0 : i32
      %dma_start3A_139 = tpu.memref_slice %arg15[%add3A_19, %dma_start3A_138] : memref<10240x128xf32, #tpu.memory_space<vmem_shared>> -> memref<64x128xf32, #tpu.memory_space<vmem_shared>>
      %dma_start3A_140 = arith.constant 0 : i32
      %dma_start3A_141 = tpu.memref_slice %arg15[%add3A_19, %dma_start3A_140] : memref<10240x128xf32, #tpu.memory_space<vmem_shared>> -> memref<64x128xf32, #tpu.memory_space<vmem_shared>>
      %dma_start3A_142 = arith.constant 0 : i32
      %dma_start3A_143 = arith.constant 0 : i32
      %dma_start3A_144 = tpu.memref_slice %arg12[%dma_start3A_142, %dma_start3A_143] : memref<64x128xf32, #tpu.memory_space<vmem>> -> memref<64x128xf32, #tpu.memory_space<vmem>>
      tpu.enqueue_dma source(%dma_start3A_144 : memref<64x128xf32, #tpu.memory_space<vmem>>) target(%dma_start3A_141 : memref<64x128xf32, #tpu.memory_space<vmem_shared>>) target_semaphore(%run_scoped3A : memref<!tpu.dma_semaphore, #tpu.memory_space<semaphore_mem>>)
      %dma_wait3A_145 = arith.constant 0 : i32
      %dma_wait3A_146 = arith.constant 0 : i32
      %dma_wait3A_147 = tpu.memref_slice %arg12[%dma_wait3A_145, %dma_wait3A_146] : memref<64x128xf32, #tpu.memory_space<vmem>> -> memref<64x128xf32, #tpu.memory_space<vmem>>
      %dma_wait3A_148 = arith.constant 0 : i32
      %dma_wait3A_149 = tpu.memref_slice %arg15[%add3A_19, %dma_wait3A_148] : memref<10240x128xf32, #tpu.memory_space<vmem_shared>> -> memref<64x128xf32, #tpu.memory_space<vmem_shared>>
      %dma_wait3A_150 = arith.constant 0 : i32
      %dma_wait3A_151 = tpu.memref_slice %arg15[%add3A_19, %dma_wait3A_150] : memref<10240x128xf32, #tpu.memory_space<vmem_shared>> -> memref<64x128xf32, #tpu.memory_space<vmem_shared>>
      %dma_wait3A_152 = arith.constant 0 : i32
      %dma_wait3A_153 = arith.constant 0 : i32
      %dma_wait3A_154 = tpu.memref_slice %arg12[%dma_wait3A_152, %dma_wait3A_153] : memref<64x128xf32, #tpu.memory_space<vmem>> -> memref<64x128xf32, #tpu.memory_space<vmem>>
      tpu.wait_dma2 semaphore(%run_scoped3A : memref<!tpu.dma_semaphore, #tpu.memory_space<semaphore_mem>>) src(%dma_wait3A_154 : memref<64x128xf32, #tpu.memory_space<vmem>>) dst(%dma_wait3A_151 : memref<64x128xf32, #tpu.memory_space<vmem_shared>>)
      tpu.yield
    }) : () -> ()
    %mul3A_20 = arith.constant 640 : i32
    %mul3A_21 = arith.muli %arg1, %mul3A_20 : i32
    %add3A_22 = arith.constant 192 : i32
    %add3A_23 = arith.addi %mul3A_21, %add3A_22 : i32
    "tpu.region"() ({
      %run_scoped3A = tpu.sem_alloc : memref<!tpu.dma_semaphore, #tpu.memory_space<semaphore_mem>>
      %dma_start3A_135 = arith.constant 0 : i32
      %dma_start3A_136 = arith.constant 0 : i32
      %dma_start3A_137 = tpu.memref_slice %arg12[%dma_start3A_135, %dma_start3A_136] : memref<64x128xf32, #tpu.memory_space<vmem>> -> memref<64x128xf32, #tpu.memory_space<vmem>>
      %dma_start3A_138 = arith.constant 0 : i32
      %dma_start3A_139 = tpu.memref_slice %arg15[%add3A_23, %dma_start3A_138] : memref<10240x128xf32, #tpu.memory_space<vmem_shared>> -> memref<64x128xf32, #tpu.memory_space<vmem_shared>>
      %dma_start3A_140 = arith.constant 0 : i32
      %dma_start3A_141 = tpu.memref_slice %arg15[%add3A_23, %dma_start3A_140] : memref<10240x128xf32, #tpu.memory_space<vmem_shared>> -> memref<64x128xf32, #tpu.memory_space<vmem_shared>>
      %dma_start3A_142 = arith.constant 0 : i32
      %dma_start3A_143 = arith.constant 0 : i32
      %dma_start3A_144 = tpu.memref_slice %arg12[%dma_start3A_142, %dma_start3A_143] : memref<64x128xf32, #tpu.memory_space<vmem>> -> memref<64x128xf32, #tpu.memory_space<vmem>>
      tpu.enqueue_dma source(%dma_start3A_144 : memref<64x128xf32, #tpu.memory_space<vmem>>) target(%dma_start3A_141 : memref<64x128xf32, #tpu.memory_space<vmem_shared>>) target_semaphore(%run_scoped3A : memref<!tpu.dma_semaphore, #tpu.memory_space<semaphore_mem>>)
      %dma_wait3A_145 = arith.constant 0 : i32
      %dma_wait3A_146 = arith.constant 0 : i32
      %dma_wait3A_147 = tpu.memref_slice %arg12[%dma_wait3A_145, %dma_wait3A_146] : memref<64x128xf32, #tpu.memory_space<vmem>> -> memref<64x128xf32, #tpu.memory_space<vmem>>
      %dma_wait3A_148 = arith.constant 0 : i32
      %dma_wait3A_149 = tpu.memref_slice %arg15[%add3A_23, %dma_wait3A_148] : memref<10240x128xf32, #tpu.memory_space<vmem_shared>> -> memref<64x128xf32, #tpu.memory_space<vmem_shared>>
      %dma_wait3A_150 = arith.constant 0 : i32
      %dma_wait3A_151 = tpu.memref_slice %arg15[%add3A_23, %dma_wait3A_150] : memref<10240x128xf32, #tpu.memory_space<vmem_shared>> -> memref<64x128xf32, #tpu.memory_space<vmem_shared>>
      %dma_wait3A_152 = arith.constant 0 : i32
      %dma_wait3A_153 = arith.constant 0 : i32
      %dma_wait3A_154 = tpu.memref_slice %arg12[%dma_wait3A_152, %dma_wait3A_153] : memref<64x128xf32, #tpu.memory_space<vmem>> -> memref<64x128xf32, #tpu.memory_space<vmem>>
      tpu.wait_dma2 semaphore(%run_scoped3A : memref<!tpu.dma_semaphore, #tpu.memory_space<semaphore_mem>>) src(%dma_wait3A_154 : memref<64x128xf32, #tpu.memory_space<vmem>>) dst(%dma_wait3A_151 : memref<64x128xf32, #tpu.memory_space<vmem_shared>>)
      tpu.yield
    }) : () -> ()
    %mul3A_24 = arith.constant 640 : i32
    %mul3A_25 = arith.muli %arg1, %mul3A_24 : i32
    %add3A_26 = arith.constant 256 : i32
    %add3A_27 = arith.addi %mul3A_25, %add3A_26 : i32
    "tpu.region"() ({
      %run_scoped3A = tpu.sem_alloc : memref<!tpu.dma_semaphore, #tpu.memory_space<semaphore_mem>>
      %dma_start3A_135 = arith.constant 0 : i32
      %dma_start3A_136 = arith.constant 0 : i32
      %dma_start3A_137 = tpu.memref_slice %arg12[%dma_start3A_135, %dma_start3A_136] : memref<64x128xf32, #tpu.memory_space<vmem>> -> memref<64x128xf32, #tpu.memory_space<vmem>>
      %dma_start3A_138 = arith.constant 0 : i32
      %dma_start3A_139 = tpu.memref_slice %arg15[%add3A_27, %dma_start3A_138] : memref<10240x128xf32, #tpu.memory_space<vmem_shared>> -> memref<64x128xf32, #tpu.memory_space<vmem_shared>>
      %dma_start3A_140 = arith.constant 0 : i32
      %dma_start3A_141 = tpu.memref_slice %arg15[%add3A_27, %dma_start3A_140] : memref<10240x128xf32, #tpu.memory_space<vmem_shared>> -> memref<64x128xf32, #tpu.memory_space<vmem_shared>>
      %dma_start3A_142 = arith.constant 0 : i32
      %dma_start3A_143 = arith.constant 0 : i32
      %dma_start3A_144 = tpu.memref_slice %arg12[%dma_start3A_142, %dma_start3A_143] : memref<64x128xf32, #tpu.memory_space<vmem>> -> memref<64x128xf32, #tpu.memory_space<vmem>>
      tpu.enqueue_dma source(%dma_start3A_144 : memref<64x128xf32, #tpu.memory_space<vmem>>) target(%dma_start3A_141 : memref<64x128xf32, #tpu.memory_space<vmem_shared>>) target_semaphore(%run_scoped3A : memref<!tpu.dma_semaphore, #tpu.memory_space<semaphore_mem>>)
      %dma_wait3A_145 = arith.constant 0 : i32
      %dma_wait3A_146 = arith.constant 0 : i32
      %dma_wait3A_147 = tpu.memref_slice %arg12[%dma_wait3A_145, %dma_wait3A_146] : memref<64x128xf32, #tpu.memory_space<vmem>> -> memref<64x128xf32, #tpu.memory_space<vmem>>
      %dma_wait3A_148 = arith.constant 0 : i32
      %dma_wait3A_149 = tpu.memref_slice %arg15[%add3A_27, %dma_wait3A_148] : memref<10240x128xf32, #tpu.memory_space<vmem_shared>> -> memref<64x128xf32, #tpu.memory_space<vmem_shared>>
      %dma_wait3A_150 = arith.constant 0 : i32
      %dma_wait3A_151 = tpu.memref_slice %arg15[%add3A_27, %dma_wait3A_150] : memref<10240x128xf32, #tpu.memory_space<vmem_shared>> -> memref<64x128xf32, #tpu.memory_space<vmem_shared>>
      %dma_wait3A_152 = arith.constant 0 : i32
      %dma_wait3A_153 = arith.constant 0 : i32
      %dma_wait3A_154 = tpu.memref_slice %arg12[%dma_wait3A_152, %dma_wait3A_153] : memref<64x128xf32, #tpu.memory_space<vmem>> -> memref<64x128xf32, #tpu.memory_space<vmem>>
      tpu.wait_dma2 semaphore(%run_scoped3A : memref<!tpu.dma_semaphore, #tpu.memory_space<semaphore_mem>>) src(%dma_wait3A_154 : memref<64x128xf32, #tpu.memory_space<vmem>>) dst(%dma_wait3A_151 : memref<64x128xf32, #tpu.memory_space<vmem_shared>>)
      tpu.yield
    }) : () -> ()
    %mul3A_28 = arith.constant 640 : i32
    %mul3A_29 = arith.muli %arg1, %mul3A_28 : i32
    %add3A_30 = arith.constant 320 : i32
    %add3A_31 = arith.addi %mul3A_29, %add3A_30 : i32
    "tpu.region"() ({
      %run_scoped3A = tpu.sem_alloc : memref<!tpu.dma_semaphore, #tpu.memory_space<semaphore_mem>>
      %dma_start3A_135 = arith.constant 0 : i32
      %dma_start3A_136 = arith.constant 0 : i32
      %dma_start3A_137 = tpu.memref_slice %arg12[%dma_start3A_135, %dma_start3A_136] : memref<64x128xf32, #tpu.memory_space<vmem>> -> memref<64x128xf32, #tpu.memory_space<vmem>>
      %dma_start3A_138 = arith.constant 0 : i32
      %dma_start3A_139 = tpu.memref_slice %arg15[%add3A_31, %dma_start3A_138] : memref<10240x128xf32, #tpu.memory_space<vmem_shared>> -> memref<64x128xf32, #tpu.memory_space<vmem_shared>>
      %dma_start3A_140 = arith.constant 0 : i32
      %dma_start3A_141 = tpu.memref_slice %arg15[%add3A_31, %dma_start3A_140] : memref<10240x128xf32, #tpu.memory_space<vmem_shared>> -> memref<64x128xf32, #tpu.memory_space<vmem_shared>>
      %dma_start3A_142 = arith.constant 0 : i32
      %dma_start3A_143 = arith.constant 0 : i32
      %dma_start3A_144 = tpu.memref_slice %arg12[%dma_start3A_142, %dma_start3A_143] : memref<64x128xf32, #tpu.memory_space<vmem>> -> memref<64x128xf32, #tpu.memory_space<vmem>>
      tpu.enqueue_dma source(%dma_start3A_144 : memref<64x128xf32, #tpu.memory_space<vmem>>) target(%dma_start3A_141 : memref<64x128xf32, #tpu.memory_space<vmem_shared>>) target_semaphore(%run_scoped3A : memref<!tpu.dma_semaphore, #tpu.memory_space<semaphore_mem>>)
      %dma_wait3A_145 = arith.constant 0 : i32
      %dma_wait3A_146 = arith.constant 0 : i32
      %dma_wait3A_147 = tpu.memref_slice %arg12[%dma_wait3A_145, %dma_wait3A_146] : memref<64x128xf32, #tpu.memory_space<vmem>> -> memref<64x128xf32, #tpu.memory_space<vmem>>
      %dma_wait3A_148 = arith.constant 0 : i32
      %dma_wait3A_149 = tpu.memref_slice %arg15[%add3A_31, %dma_wait3A_148] : memref<10240x128xf32, #tpu.memory_space<vmem_shared>> -> memref<64x128xf32, #tpu.memory_space<vmem_shared>>
      %dma_wait3A_150 = arith.constant 0 : i32
      %dma_wait3A_151 = tpu.memref_slice %arg15[%add3A_31, %dma_wait3A_150] : memref<10240x128xf32, #tpu.memory_space<vmem_shared>> -> memref<64x128xf32, #tpu.memory_space<vmem_shared>>
      %dma_wait3A_152 = arith.constant 0 : i32
      %dma_wait3A_153 = arith.constant 0 : i32
      %dma_wait3A_154 = tpu.memref_slice %arg12[%dma_wait3A_152, %dma_wait3A_153] : memref<64x128xf32, #tpu.memory_space<vmem>> -> memref<64x128xf32, #tpu.memory_space<vmem>>
      tpu.wait_dma2 semaphore(%run_scoped3A : memref<!tpu.dma_semaphore, #tpu.memory_space<semaphore_mem>>) src(%dma_wait3A_154 : memref<64x128xf32, #tpu.memory_space<vmem>>) dst(%dma_wait3A_151 : memref<64x128xf32, #tpu.memory_space<vmem_shared>>)
      tpu.yield
    }) : () -> ()
    %mul3A_32 = arith.constant 640 : i32
    %mul3A_33 = arith.muli %arg1, %mul3A_32 : i32
    %add3A_34 = arith.constant 384 : i32
    %add3A_35 = arith.addi %mul3A_33, %add3A_34 : i32
    "tpu.region"() ({
      %run_scoped3A = tpu.sem_alloc : memref<!tpu.dma_semaphore, #tpu.memory_space<semaphore_mem>>
      %dma_start3A_135 = arith.constant 0 : i32
      %dma_start3A_136 = arith.constant 0 : i32
      %dma_start3A_137 = tpu.memref_slice %arg12[%dma_start3A_135, %dma_start3A_136] : memref<64x128xf32, #tpu.memory_space<vmem>> -> memref<64x128xf32, #tpu.memory_space<vmem>>
      %dma_start3A_138 = arith.constant 0 : i32
      %dma_start3A_139 = tpu.memref_slice %arg15[%add3A_35, %dma_start3A_138] : memref<10240x128xf32, #tpu.memory_space<vmem_shared>> -> memref<64x128xf32, #tpu.memory_space<vmem_shared>>
      %dma_start3A_140 = arith.constant 0 : i32
      %dma_start3A_141 = tpu.memref_slice %arg15[%add3A_35, %dma_start3A_140] : memref<10240x128xf32, #tpu.memory_space<vmem_shared>> -> memref<64x128xf32, #tpu.memory_space<vmem_shared>>
      %dma_start3A_142 = arith.constant 0 : i32
      %dma_start3A_143 = arith.constant 0 : i32
      %dma_start3A_144 = tpu.memref_slice %arg12[%dma_start3A_142, %dma_start3A_143] : memref<64x128xf32, #tpu.memory_space<vmem>> -> memref<64x128xf32, #tpu.memory_space<vmem>>
      tpu.enqueue_dma source(%dma_start3A_144 : memref<64x128xf32, #tpu.memory_space<vmem>>) target(%dma_start3A_141 : memref<64x128xf32, #tpu.memory_space<vmem_shared>>) target_semaphore(%run_scoped3A : memref<!tpu.dma_semaphore, #tpu.memory_space<semaphore_mem>>)
      %dma_wait3A_145 = arith.constant 0 : i32
      %dma_wait3A_146 = arith.constant 0 : i32
      %dma_wait3A_147 = tpu.memref_slice %arg12[%dma_wait3A_145, %dma_wait3A_146] : memref<64x128xf32, #tpu.memory_space<vmem>> -> memref<64x128xf32, #tpu.memory_space<vmem>>
      %dma_wait3A_148 = arith.constant 0 : i32
      %dma_wait3A_149 = tpu.memref_slice %arg15[%add3A_35, %dma_wait3A_148] : memref<10240x128xf32, #tpu.memory_space<vmem_shared>> -> memref<64x128xf32, #tpu.memory_space<vmem_shared>>
      %dma_wait3A_150 = arith.constant 0 : i32
      %dma_wait3A_151 = tpu.memref_slice %arg15[%add3A_35, %dma_wait3A_150] : memref<10240x128xf32, #tpu.memory_space<vmem_shared>> -> memref<64x128xf32, #tpu.memory_space<vmem_shared>>
      %dma_wait3A_152 = arith.constant 0 : i32
      %dma_wait3A_153 = arith.constant 0 : i32
      %dma_wait3A_154 = tpu.memref_slice %arg12[%dma_wait3A_152, %dma_wait3A_153] : memref<64x128xf32, #tpu.memory_space<vmem>> -> memref<64x128xf32, #tpu.memory_space<vmem>>
      tpu.wait_dma2 semaphore(%run_scoped3A : memref<!tpu.dma_semaphore, #tpu.memory_space<semaphore_mem>>) src(%dma_wait3A_154 : memref<64x128xf32, #tpu.memory_space<vmem>>) dst(%dma_wait3A_151 : memref<64x128xf32, #tpu.memory_space<vmem_shared>>)
      tpu.yield
    }) : () -> ()
    %mul3A_36 = arith.constant 640 : i32
    %mul3A_37 = arith.muli %arg1, %mul3A_36 : i32
    %add3A_38 = arith.constant 448 : i32
    %add3A_39 = arith.addi %mul3A_37, %add3A_38 : i32
    "tpu.region"() ({
      %run_scoped3A = tpu.sem_alloc : memref<!tpu.dma_semaphore, #tpu.memory_space<semaphore_mem>>
      %dma_start3A_135 = arith.constant 0 : i32
      %dma_start3A_136 = arith.constant 0 : i32
      %dma_start3A_137 = tpu.memref_slice %arg12[%dma_start3A_135, %dma_start3A_136] : memref<64x128xf32, #tpu.memory_space<vmem>> -> memref<64x128xf32, #tpu.memory_space<vmem>>
      %dma_start3A_138 = arith.constant 0 : i32
      %dma_start3A_139 = tpu.memref_slice %arg15[%add3A_39, %dma_start3A_138] : memref<10240x128xf32, #tpu.memory_space<vmem_shared>> -> memref<64x128xf32, #tpu.memory_space<vmem_shared>>
      %dma_start3A_140 = arith.constant 0 : i32
      %dma_start3A_141 = tpu.memref_slice %arg15[%add3A_39, %dma_start3A_140] : memref<10240x128xf32, #tpu.memory_space<vmem_shared>> -> memref<64x128xf32, #tpu.memory_space<vmem_shared>>
      %dma_start3A_142 = arith.constant 0 : i32
      %dma_start3A_143 = arith.constant 0 : i32
      %dma_start3A_144 = tpu.memref_slice %arg12[%dma_start3A_142, %dma_start3A_143] : memref<64x128xf32, #tpu.memory_space<vmem>> -> memref<64x128xf32, #tpu.memory_space<vmem>>
      tpu.enqueue_dma source(%dma_start3A_144 : memref<64x128xf32, #tpu.memory_space<vmem>>) target(%dma_start3A_141 : memref<64x128xf32, #tpu.memory_space<vmem_shared>>) target_semaphore(%run_scoped3A : memref<!tpu.dma_semaphore, #tpu.memory_space<semaphore_mem>>)
      %dma_wait3A_145 = arith.constant 0 : i32
      %dma_wait3A_146 = arith.constant 0 : i32
      %dma_wait3A_147 = tpu.memref_slice %arg12[%dma_wait3A_145, %dma_wait3A_146] : memref<64x128xf32, #tpu.memory_space<vmem>> -> memref<64x128xf32, #tpu.memory_space<vmem>>
      %dma_wait3A_148 = arith.constant 0 : i32
      %dma_wait3A_149 = tpu.memref_slice %arg15[%add3A_39, %dma_wait3A_148] : memref<10240x128xf32, #tpu.memory_space<vmem_shared>> -> memref<64x128xf32, #tpu.memory_space<vmem_shared>>
      %dma_wait3A_150 = arith.constant 0 : i32
      %dma_wait3A_151 = tpu.memref_slice %arg15[%add3A_39, %dma_wait3A_150] : memref<10240x128xf32, #tpu.memory_space<vmem_shared>> -> memref<64x128xf32, #tpu.memory_space<vmem_shared>>
      %dma_wait3A_152 = arith.constant 0 : i32
      %dma_wait3A_153 = arith.constant 0 : i32
      %dma_wait3A_154 = tpu.memref_slice %arg12[%dma_wait3A_152, %dma_wait3A_153] : memref<64x128xf32, #tpu.memory_space<vmem>> -> memref<64x128xf32, #tpu.memory_space<vmem>>
      tpu.wait_dma2 semaphore(%run_scoped3A : memref<!tpu.dma_semaphore, #tpu.memory_space<semaphore_mem>>) src(%dma_wait3A_154 : memref<64x128xf32, #tpu.memory_space<vmem>>) dst(%dma_wait3A_151 : memref<64x128xf32, #tpu.memory_space<vmem_shared>>)
      tpu.yield
    }) : () -> ()
    %mul3A_40 = arith.constant 640 : i32
    %mul3A_41 = arith.muli %arg1, %mul3A_40 : i32
    %add3A_42 = arith.constant 512 : i32
    %add3A_43 = arith.addi %mul3A_41, %add3A_42 : i32
    "tpu.region"() ({
      %run_scoped3A = tpu.sem_alloc : memref<!tpu.dma_semaphore, #tpu.memory_space<semaphore_mem>>
      %dma_start3A_135 = arith.constant 0 : i32
      %dma_start3A_136 = arith.constant 0 : i32
      %dma_start3A_137 = tpu.memref_slice %arg12[%dma_start3A_135, %dma_start3A_136] : memref<64x128xf32, #tpu.memory_space<vmem>> -> memref<64x128xf32, #tpu.memory_space<vmem>>
      %dma_start3A_138 = arith.constant 0 : i32
      %dma_start3A_139 = tpu.memref_slice %arg15[%add3A_43, %dma_start3A_138] : memref<10240x128xf32, #tpu.memory_space<vmem_shared>> -> memref<64x128xf32, #tpu.memory_space<vmem_shared>>
      %dma_start3A_140 = arith.constant 0 : i32
      %dma_start3A_141 = tpu.memref_slice %arg15[%add3A_43, %dma_start3A_140] : memref<10240x128xf32, #tpu.memory_space<vmem_shared>> -> memref<64x128xf32, #tpu.memory_space<vmem_shared>>
      %dma_start3A_142 = arith.constant 0 : i32
      %dma_start3A_143 = arith.constant 0 : i32
      %dma_start3A_144 = tpu.memref_slice %arg12[%dma_start3A_142, %dma_start3A_143] : memref<64x128xf32, #tpu.memory_space<vmem>> -> memref<64x128xf32, #tpu.memory_space<vmem>>
      tpu.enqueue_dma source(%dma_start3A_144 : memref<64x128xf32, #tpu.memory_space<vmem>>) target(%dma_start3A_141 : memref<64x128xf32, #tpu.memory_space<vmem_shared>>) target_semaphore(%run_scoped3A : memref<!tpu.dma_semaphore, #tpu.memory_space<semaphore_mem>>)
      %dma_wait3A_145 = arith.constant 0 : i32
      %dma_wait3A_146 = arith.constant 0 : i32
      %dma_wait3A_147 = tpu.memref_slice %arg12[%dma_wait3A_145, %dma_wait3A_146] : memref<64x128xf32, #tpu.memory_space<vmem>> -> memref<64x128xf32, #tpu.memory_space<vmem>>
      %dma_wait3A_148 = arith.constant 0 : i32
      %dma_wait3A_149 = tpu.memref_slice %arg15[%add3A_43, %dma_wait3A_148] : memref<10240x128xf32, #tpu.memory_space<vmem_shared>> -> memref<64x128xf32, #tpu.memory_space<vmem_shared>>
      %dma_wait3A_150 = arith.constant 0 : i32
      %dma_wait3A_151 = tpu.memref_slice %arg15[%add3A_43, %dma_wait3A_150] : memref<10240x128xf32, #tpu.memory_space<vmem_shared>> -> memref<64x128xf32, #tpu.memory_space<vmem_shared>>
      %dma_wait3A_152 = arith.constant 0 : i32
      %dma_wait3A_153 = arith.constant 0 : i32
      %dma_wait3A_154 = tpu.memref_slice %arg12[%dma_wait3A_152, %dma_wait3A_153] : memref<64x128xf32, #tpu.memory_space<vmem>> -> memref<64x128xf32, #tpu.memory_space<vmem>>
      tpu.wait_dma2 semaphore(%run_scoped3A : memref<!tpu.dma_semaphore, #tpu.memory_space<semaphore_mem>>) src(%dma_wait3A_154 : memref<64x128xf32, #tpu.memory_space<vmem>>) dst(%dma_wait3A_151 : memref<64x128xf32, #tpu.memory_space<vmem_shared>>)
      tpu.yield
    }) : () -> ()
    %mul3A_44 = arith.constant 640 : i32
    %mul3A_45 = arith.muli %arg1, %mul3A_44 : i32
    %add3A_46 = arith.constant 576 : i32
    %add3A_47 = arith.addi %mul3A_45, %add3A_46 : i32
    "tpu.region"() ({
      %run_scoped3A = tpu.sem_alloc : memref<!tpu.dma_semaphore, #tpu.memory_space<semaphore_mem>>
      %dma_start3A_135 = arith.constant 0 : i32
      %dma_start3A_136 = arith.constant 0 : i32
      %dma_start3A_137 = tpu.memref_slice %arg12[%dma_start3A_135, %dma_start3A_136] : memref<64x128xf32, #tpu.memory_space<vmem>> -> memref<64x128xf32, #tpu.memory_space<vmem>>
      %dma_start3A_138 = arith.constant 0 : i32
      %dma_start3A_139 = tpu.memref_slice %arg15[%add3A_47, %dma_start3A_138] : memref<10240x128xf32, #tpu.memory_space<vmem_shared>> -> memref<64x128xf32, #tpu.memory_space<vmem_shared>>
      %dma_start3A_140 = arith.constant 0 : i32
      %dma_start3A_141 = tpu.memref_slice %arg15[%add3A_47, %dma_start3A_140] : memref<10240x128xf32, #tpu.memory_space<vmem_shared>> -> memref<64x128xf32, #tpu.memory_space<vmem_shared>>
      %dma_start3A_142 = arith.constant 0 : i32
      %dma_start3A_143 = arith.constant 0 : i32
      %dma_start3A_144 = tpu.memref_slice %arg12[%dma_start3A_142, %dma_start3A_143] : memref<64x128xf32, #tpu.memory_space<vmem>> -> memref<64x128xf32, #tpu.memory_space<vmem>>
      tpu.enqueue_dma source(%dma_start3A_144 : memref<64x128xf32, #tpu.memory_space<vmem>>) target(%dma_start3A_141 : memref<64x128xf32, #tpu.memory_space<vmem_shared>>) target_semaphore(%run_scoped3A : memref<!tpu.dma_semaphore, #tpu.memory_space<semaphore_mem>>)
      %dma_wait3A_145 = arith.constant 0 : i32
      %dma_wait3A_146 = arith.constant 0 : i32
      %dma_wait3A_147 = tpu.memref_slice %arg12[%dma_wait3A_145, %dma_wait3A_146] : memref<64x128xf32, #tpu.memory_space<vmem>> -> memref<64x128xf32, #tpu.memory_space<vmem>>
      %dma_wait3A_148 = arith.constant 0 : i32
      %dma_wait3A_149 = tpu.memref_slice %arg15[%add3A_47, %dma_wait3A_148] : memref<10240x128xf32, #tpu.memory_space<vmem_shared>> -> memref<64x128xf32, #tpu.memory_space<vmem_shared>>
      %dma_wait3A_150 = arith.constant 0 : i32
      %dma_wait3A_151 = tpu.memref_slice %arg15[%add3A_47, %dma_wait3A_150] : memref<10240x128xf32, #tpu.memory_space<vmem_shared>> -> memref<64x128xf32, #tpu.memory_space<vmem_shared>>
      %dma_wait3A_152 = arith.constant 0 : i32
      %dma_wait3A_153 = arith.constant 0 : i32
      %dma_wait3A_154 = tpu.memref_slice %arg12[%dma_wait3A_152, %dma_wait3A_153] : memref<64x128xf32, #tpu.memory_space<vmem>> -> memref<64x128xf32, #tpu.memory_space<vmem>>
      tpu.wait_dma2 semaphore(%run_scoped3A : memref<!tpu.dma_semaphore, #tpu.memory_space<semaphore_mem>>) src(%dma_wait3A_154 : memref<64x128xf32, #tpu.memory_space<vmem>>) dst(%dma_wait3A_151 : memref<64x128xf32, #tpu.memory_space<vmem_shared>>)
      tpu.yield
    }) : () -> ()
    %barrier3A = arith.constant 0 : index
    tpu.barrier barrier_id(%barrier3A)
    %add3A_48 = arith.constant 0 : i32
    %add3A_49 = arith.addi %mul3A_2, %add3A_48 : i32
    %dma_start3A = tpu.memref_slice %arg4[%add3A_49] : memref<643072xi32, #tpu.memory_space<hbm>> -> memref<64xi32, #tpu.memory_space<hbm>>
    %dma_start3A_50 = tpu.memref_slice %arg4[%add3A_49] : memref<643072xi32, #tpu.memory_space<hbm>> -> memref<64xi32, #tpu.memory_space<hbm>>
    tpu.enqueue_dma source(%dma_start3A_50 : memref<64xi32, #tpu.memory_space<hbm>>) target(%arg7 : memref<64xi32, #tpu.memory_space<vmem>>) target_semaphore(%arg16 : memref<!tpu.dma_semaphore, #tpu.memory_space<semaphore_mem>>)
    %add3A_51 = arith.constant 0 : i32
    %add3A_52 = arith.addi %mul3A_2, %add3A_51 : i32
    %dma_start3A_53 = tpu.memref_slice %arg5[%add3A_52] : memref<643072xi32, #tpu.memory_space<hbm>> -> memref<64xi32, #tpu.memory_space<hbm>>
    %dma_start3A_54 = tpu.memref_slice %arg5[%add3A_52] : memref<643072xi32, #tpu.memory_space<hbm>> -> memref<64xi32, #tpu.memory_space<hbm>>
    tpu.enqueue_dma source(%dma_start3A_54 : memref<64xi32, #tpu.memory_space<hbm>>) target(%arg8 : memref<64xi32, #tpu.memory_space<vmem>>) target_semaphore(%arg17 : memref<!tpu.dma_semaphore, #tpu.memory_space<semaphore_mem>>)
    %add3A_55 = arith.constant 0 : i32
    %add3A_56 = arith.addi %mul3A_2, %add3A_55 : i32
    %dma_start3A_57 = arith.constant 0 : i32
    %dma_start3A_58 = tpu.memref_slice %arg3[%add3A_56, %dma_start3A_57] : memref<643072x128xf32, #tpu.memory_space<hbm>> -> memref<64x128xf32, #tpu.memory_space<hbm>>
    %dma_start3A_59 = arith.constant 0 : i32
    %dma_start3A_60 = tpu.memref_slice %arg3[%add3A_56, %dma_start3A_59] : memref<643072x128xf32, #tpu.memory_space<hbm>> -> memref<64x128xf32, #tpu.memory_space<hbm>>
    tpu.enqueue_dma source(%dma_start3A_60 : memref<64x128xf32, #tpu.memory_space<hbm>>) target(%arg12 : memref<64x128xf32, #tpu.memory_space<vmem>>) target_semaphore(%arg19 : memref<!tpu.dma_semaphore, #tpu.memory_space<semaphore_mem>>)
    %add3A_61 = arith.constant 64 : i32
    %add3A_62 = arith.addi %mul3A_2, %add3A_61 : i32
    %dma_start3A_63 = tpu.memref_slice %arg4[%add3A_62] : memref<643072xi32, #tpu.memory_space<hbm>> -> memref<64xi32, #tpu.memory_space<hbm>>
    %dma_start3A_64 = tpu.memref_slice %arg4[%add3A_62] : memref<643072xi32, #tpu.memory_space<hbm>> -> memref<64xi32, #tpu.memory_space<hbm>>
    tpu.enqueue_dma source(%dma_start3A_64 : memref<64xi32, #tpu.memory_space<hbm>>) target(%arg9 : memref<64xi32, #tpu.memory_space<vmem>>) target_semaphore(%arg20 : memref<!tpu.dma_semaphore, #tpu.memory_space<semaphore_mem>>)
    %add3A_65 = arith.constant 64 : i32
    %add3A_66 = arith.addi %mul3A_2, %add3A_65 : i32
    %dma_start3A_67 = tpu.memref_slice %arg5[%add3A_66] : memref<643072xi32, #tpu.memory_space<hbm>> -> memref<64xi32, #tpu.memory_space<hbm>>
    %dma_start3A_68 = tpu.memref_slice %arg5[%add3A_66] : memref<643072xi32, #tpu.memory_space<hbm>> -> memref<64xi32, #tpu.memory_space<hbm>>
    tpu.enqueue_dma source(%dma_start3A_68 : memref<64xi32, #tpu.memory_space<hbm>>) target(%arg10 : memref<64xi32, #tpu.memory_space<vmem>>) target_semaphore(%arg21 : memref<!tpu.dma_semaphore, #tpu.memory_space<semaphore_mem>>)
    %add3A_69 = arith.constant 64 : i32
    %add3A_70 = arith.addi %mul3A_2, %add3A_69 : i32
    %dma_start3A_71 = arith.constant 0 : i32
    %dma_start3A_72 = tpu.memref_slice %arg3[%add3A_70, %dma_start3A_71] : memref<643072x128xf32, #tpu.memory_space<hbm>> -> memref<64x128xf32, #tpu.memory_space<hbm>>
    %dma_start3A_73 = arith.constant 0 : i32
    %dma_start3A_74 = tpu.memref_slice %arg3[%add3A_70, %dma_start3A_73] : memref<643072x128xf32, #tpu.memory_space<hbm>> -> memref<64x128xf32, #tpu.memory_space<hbm>>
    tpu.enqueue_dma source(%dma_start3A_74 : memref<64x128xf32, #tpu.memory_space<hbm>>) target(%arg14 : memref<64x128xf32, #tpu.memory_space<vmem>>) target_semaphore(%arg23 : memref<!tpu.dma_semaphore, #tpu.memory_space<semaphore_mem>>)
    %add3A_75 = arith.constant 0 : i32
    %add3A_76 = arith.addi %mul3A_2, %add3A_75 : i32
    %dma_wait3A = tpu.memref_slice %arg4[%add3A_76] : memref<643072xi32, #tpu.memory_space<hbm>> -> memref<64xi32, #tpu.memory_space<hbm>>
    %dma_wait3A_77 = tpu.memref_slice %arg4[%add3A_76] : memref<643072xi32, #tpu.memory_space<hbm>> -> memref<64xi32, #tpu.memory_space<hbm>>
    tpu.wait_dma2 semaphore(%arg16 : memref<!tpu.dma_semaphore, #tpu.memory_space<semaphore_mem>>) src(%dma_wait3A_77 : memref<64xi32, #tpu.memory_space<hbm>>) dst(%arg7 : memref<64xi32, #tpu.memory_space<vmem>>)
    %dma_start3A_78 = arith.constant 0 : i32
    %dma_start3A_79 = arith.constant 0 : i32
    %dma_start3A_80 = tpu.memref_slice %arg2[%dma_start3A_78, %dma_start3A_79] : memref<10000x128xf32, #tpu.memory_space<hbm>> -> memref<10000x128xf32, #tpu.memory_space<hbm>>
    tpu.enqueue_indirect_dma source(%dma_start3A_80 : memref<10000x128xf32, #tpu.memory_space<hbm>>) target(%arg11 : memref<64x128xf32, #tpu.memory_space<vmem>>) offsets(%arg7 : memref<64xi32, #tpu.memory_space<vmem>>) semaphore(%arg18 : memref<!tpu.dma_semaphore, #tpu.memory_space<semaphore_mem>>)
    %add3A_81 = arith.constant 64 : i32
    %add3A_82 = arith.addi %mul3A_2, %add3A_81 : i32
    %dma_wait3A_83 = tpu.memref_slice %arg4[%add3A_82] : memref<643072xi32, #tpu.memory_space<hbm>> -> memref<64xi32, #tpu.memory_space<hbm>>
    %dma_wait3A_84 = tpu.memref_slice %arg4[%add3A_82] : memref<643072xi32, #tpu.memory_space<hbm>> -> memref<64xi32, #tpu.memory_space<hbm>>
    tpu.wait_dma2 semaphore(%arg20 : memref<!tpu.dma_semaphore, #tpu.memory_space<semaphore_mem>>) src(%dma_wait3A_84 : memref<64xi32, #tpu.memory_space<hbm>>) dst(%arg9 : memref<64xi32, #tpu.memory_space<vmem>>)
    %dma_start3A_85 = arith.constant 0 : i32
    %dma_start3A_86 = arith.constant 0 : i32
    %dma_start3A_87 = tpu.memref_slice %arg2[%dma_start3A_85, %dma_start3A_86] : memref<10000x128xf32, #tpu.memory_space<hbm>> -> memref<10000x128xf32, #tpu.memory_space<hbm>>
    tpu.enqueue_indirect_dma source(%dma_start3A_87 : memref<10000x128xf32, #tpu.memory_space<hbm>>) target(%arg13 : memref<64x128xf32, #tpu.memory_space<vmem>>) offsets(%arg9 : memref<64xi32, #tpu.memory_space<vmem>>) semaphore(%arg22 : memref<!tpu.dma_semaphore, #tpu.memory_space<semaphore_mem>>)
    %scan3A_88 = arith.constant 0 : i32
    %scan3A_89 = arith.constant 0 : i32
    %scan3A_90 = arith.constant 157 : i32
    %scan3A_91 = arith.addi %scan3A_89, %scan3A_90 : i32
    %scan3A_92 = arith.constant 1 : i32
    scf.for %scan3A_135 = %scan3A_89 to %scan3A_91 step %scan3A_92  : i32 {
      %mul3A_136 = arith.constant 2 : i32
      %mul3A_137 = arith.muli %mul3A_136, %scan3A_135 : i32
      %dma_wait3A_138 = arith.constant 0 : i32
      %dma_wait3A_139 = arith.constant 0 : i32
      %dma_wait3A_140 = tpu.memref_slice %arg2[%dma_wait3A_138, %dma_wait3A_139] : memref<10000x128xf32, #tpu.memory_space<hbm>> -> memref<10000x128xf32, #tpu.memory_space<hbm>>
      tpu.wait_indirect_dma semaphore(%arg18 : memref<!tpu.dma_semaphore, #tpu.memory_space<semaphore_mem>>) src(%dma_wait3A_140 : memref<10000x128xf32, #tpu.memory_space<hbm>>) dst(%arg11 : memref<64x128xf32, #tpu.memory_space<vmem>>)
      %mul3A_141 = arith.constant 64 : i32
      %mul3A_142 = arith.muli %mul3A_137, %mul3A_141 : i32
      %add3A_143 = arith.addi %mul3A_2, %mul3A_142 : i32
      %dma_wait3A_144 = arith.constant 0 : i32
      %dma_wait3A_145 = tpu.memref_slice %arg3[%add3A_143, %dma_wait3A_144] : memref<643072x128xf32, #tpu.memory_space<hbm>> -> memref<64x128xf32, #tpu.memory_space<hbm>>
      %dma_wait3A_146 = arith.constant 0 : i32
      %dma_wait3A_147 = tpu.memref_slice %arg3[%add3A_143, %dma_wait3A_146] : memref<643072x128xf32, #tpu.memory_space<hbm>> -> memref<64x128xf32, #tpu.memory_space<hbm>>
      tpu.wait_dma2 semaphore(%arg19 : memref<!tpu.dma_semaphore, #tpu.memory_space<semaphore_mem>>) src(%dma_wait3A_147 : memref<64x128xf32, #tpu.memory_space<hbm>>) dst(%arg12 : memref<64x128xf32, #tpu.memory_space<vmem>>)
      %lt3A = arith.constant 156 : i32
      %lt3A_148 = arith.cmpi slt, %scan3A_135, %lt3A : i32
      %convert_element_type3A = arith.extui %lt3A_148 : i1 to i32
      %cond3A = arith.constant 0 : i32
      %cond3A_149 = arith.cmpi ne, %convert_element_type3A, %cond3A : i32
      scf.if %cond3A_149 {
        %add3A_211 = arith.constant 2 : i32
        %add3A_212 = arith.addi %mul3A_137, %add3A_211 : i32
        %mul3A_213 = arith.constant 64 : i32
        %mul3A_214 = arith.muli %add3A_212, %mul3A_213 : i32
        %add3A_215 = arith.addi %mul3A_2, %mul3A_214 : i32
        %dma_start3A_216 = tpu.memref_slice %arg4[%add3A_215] : memref<643072xi32, #tpu.memory_space<hbm>> -> memref<64xi32, #tpu.memory_space<hbm>>
        %dma_start3A_217 = tpu.memref_slice %arg4[%add3A_215] : memref<643072xi32, #tpu.memory_space<hbm>> -> memref<64xi32, #tpu.memory_space<hbm>>
        tpu.enqueue_dma source(%dma_start3A_217 : memref<64xi32, #tpu.memory_space<hbm>>) target(%arg7 : memref<64xi32, #tpu.memory_space<vmem>>) target_semaphore(%arg16 : memref<!tpu.dma_semaphore, #tpu.memory_space<semaphore_mem>>)
      } else {
      }
      %scan3A_150 = arith.constant 0 : i32
      %scan3A_151 = arith.constant 0 : i32
      %scan3A_152 = arith.constant 64 : i32
      %scan3A_153 = arith.addi %scan3A_151, %scan3A_152 : i32
      %scan3A_154 = arith.constant 1 : i32
      scf.for %scan3A_211 = %scan3A_151 to %scan3A_153 step %scan3A_154  : i32 {
        %get3A = arith.index_cast %scan3A_211 : i32 to index
        %get3A_212 = arith.constant 0 : index
        %get3A_213 = tpu.vector_load %arg11[%get3A, %get3A_212] {strides = array<i32>} : memref<64x128xf32, #tpu.memory_space<vmem>>, vector<1x16xf32>,
        %get3A_214 = vector.shape_cast %get3A_213 : vector<1x16xf32> to vector<16xf32>
        %get3A_215 = arith.index_cast %scan3A_211 : i32 to index
        %get3A_216 = arith.constant 0 : index
        %get3A_217 = tpu.vector_load %arg12[%get3A_215, %get3A_216] {strides = array<i32>} : memref<64x128xf32, #tpu.memory_space<vmem>>, vector<1x16xf32>,
        %get3A_218 = vector.shape_cast %get3A_217 : vector<1x16xf32> to vector<16xf32>
        %add3A_219 = arith.addf %get3A_214, %get3A_218 : vector<16xf32>
        %max3A = arith.constant 0.000000e+00 : f32
        %max3A_220 = vector.broadcast %max3A : f32 to vector<16xf32>
        %max3A_221 = arith.maximumf %add3A_219, %max3A_220 : vector<16xf32>
        %swap3A = arith.index_cast %scan3A_211 : i32 to index
        %swap3A_222 = arith.constant 0 : index
        %swap3A_223 = tpu.vector_load %arg12[%swap3A, %swap3A_222] {strides = array<i32>} : memref<64x128xf32, #tpu.memory_space<vmem>>, vector<1x16xf32>,
        %swap3A_224 = vector.shape_cast %swap3A_223 : vector<1x16xf32> to vector<16xf32>
        %swap3A_225 = vector.shape_cast %max3A_221 : vector<16xf32> to vector<1x16xf32>
        tpu.vector_store %arg12[%swap3A, %swap3A_222], %swap3A_225 {strides = array<i32>} : memref<64x128xf32, #tpu.memory_space<vmem>>, vector<1x16xf32>,
        %get3A_226 = arith.index_cast %scan3A_211 : i32 to index
        %get3A_227 = arith.constant 16 : index
        %get3A_228 = tpu.vector_load %arg11[%get3A_226, %get3A_227] {strides = array<i32>} : memref<64x128xf32, #tpu.memory_space<vmem>>, vector<1x16xf32>,
        %get3A_229 = vector.shape_cast %get3A_228 : vector<1x16xf32> to vector<16xf32>
        %get3A_230 = arith.index_cast %scan3A_211 : i32 to index
        %get3A_231 = arith.constant 16 : index
        %get3A_232 = tpu.vector_load %arg12[%get3A_230, %get3A_231] {strides = array<i32>} : memref<64x128xf32, #tpu.memory_space<vmem>>, vector<1x16xf32>,
        %get3A_233 = vector.shape_cast %get3A_232 : vector<1x16xf32> to vector<16xf32>
        %add3A_234 = arith.addf %get3A_229, %get3A_233 : vector<16xf32>
        %max3A_235 = arith.constant 0.000000e+00 : f32
        %max3A_236 = vector.broadcast %max3A_235 : f32 to vector<16xf32>
        %max3A_237 = arith.maximumf %add3A_234, %max3A_236 : vector<16xf32>
        %swap3A_238 = arith.index_cast %scan3A_211 : i32 to index
        %swap3A_239 = arith.constant 16 : index
        %swap3A_240 = tpu.vector_load %arg12[%swap3A_238, %swap3A_239] {strides = array<i32>} : memref<64x128xf32, #tpu.memory_space<vmem>>, vector<1x16xf32>,
        %swap3A_241 = vector.shape_cast %swap3A_240 : vector<1x16xf32> to vector<16xf32>
        %swap3A_242 = vector.shape_cast %max3A_237 : vector<16xf32> to vector<1x16xf32>
        tpu.vector_store %arg12[%swap3A_238, %swap3A_239], %swap3A_242 {strides = array<i32>} : memref<64x128xf32, #tpu.memory_space<vmem>>, vector<1x16xf32>,
        %get3A_243 = arith.index_cast %scan3A_211 : i32 to index
        %get3A_244 = arith.constant 32 : index
        %get3A_245 = tpu.vector_load %arg11[%get3A_243, %get3A_244] {strides = array<i32>} : memref<64x128xf32, #tpu.memory_space<vmem>>, vector<1x16xf32>,
        %get3A_246 = vector.shape_cast %get3A_245 : vector<1x16xf32> to vector<16xf32>
        %get3A_247 = arith.index_cast %scan3A_211 : i32 to index
        %get3A_248 = arith.constant 32 : index
        %get3A_249 = tpu.vector_load %arg12[%get3A_247, %get3A_248] {strides = array<i32>} : memref<64x128xf32, #tpu.memory_space<vmem>>, vector<1x16xf32>,
        %get3A_250 = vector.shape_cast %get3A_249 : vector<1x16xf32> to vector<16xf32>
        %add3A_251 = arith.addf %get3A_246, %get3A_250 : vector<16xf32>
        %max3A_252 = arith.constant 0.000000e+00 : f32
        %max3A_253 = vector.broadcast %max3A_252 : f32 to vector<16xf32>
        %max3A_254 = arith.maximumf %add3A_251, %max3A_253 : vector<16xf32>
        %swap3A_255 = arith.index_cast %scan3A_211 : i32 to index
        %swap3A_256 = arith.constant 32 : index
        %swap3A_257 = tpu.vector_load %arg12[%swap3A_255, %swap3A_256] {strides = array<i32>} : memref<64x128xf32, #tpu.memory_space<vmem>>, vector<1x16xf32>,
        %swap3A_258 = vector.shape_cast %swap3A_257 : vector<1x16xf32> to vector<16xf32>
        %swap3A_259 = vector.shape_cast %max3A_254 : vector<16xf32> to vector<1x16xf32>
        tpu.vector_store %arg12[%swap3A_255, %swap3A_256], %swap3A_259 {strides = array<i32>} : memref<64x128xf32, #tpu.memory_space<vmem>>, vector<1x16xf32>,
        %get3A_260 = arith.index_cast %scan3A_211 : i32 to index
        %get3A_261 = arith.constant 48 : index
        %get3A_262 = tpu.vector_load %arg11[%get3A_260, %get3A_261] {strides = array<i32>} : memref<64x128xf32, #tpu.memory_space<vmem>>, vector<1x16xf32>,
        %get3A_263 = vector.shape_cast %get3A_262 : vector<1x16xf32> to vector<16xf32>
        %get3A_264 = arith.index_cast %scan3A_211 : i32 to index
        %get3A_265 = arith.constant 48 : index
        %get3A_266 = tpu.vector_load %arg12[%get3A_264, %get3A_265] {strides = array<i32>} : memref<64x128xf32, #tpu.memory_space<vmem>>, vector<1x16xf32>,
        %get3A_267 = vector.shape_cast %get3A_266 : vector<1x16xf32> to vector<16xf32>
        %add3A_268 = arith.addf %get3A_263, %get3A_267 : vector<16xf32>
        %max3A_269 = arith.constant 0.000000e+00 : f32
        %max3A_270 = vector.broadcast %max3A_269 : f32 to vector<16xf32>
        %max3A_271 = arith.maximumf %add3A_268, %max3A_270 : vector<16xf32>
        %swap3A_272 = arith.index_cast %scan3A_211 : i32 to index
        %swap3A_273 = arith.constant 48 : index
        %swap3A_274 = tpu.vector_load %arg12[%swap3A_272, %swap3A_273] {strides = array<i32>} : memref<64x128xf32, #tpu.memory_space<vmem>>, vector<1x16xf32>,
        %swap3A_275 = vector.shape_cast %swap3A_274 : vector<1x16xf32> to vector<16xf32>
        %swap3A_276 = vector.shape_cast %max3A_271 : vector<16xf32> to vector<1x16xf32>
        tpu.vector_store %arg12[%swap3A_272, %swap3A_273], %swap3A_276 {strides = array<i32>} : memref<64x128xf32, #tpu.memory_space<vmem>>, vector<1x16xf32>,
        %get3A_277 = arith.index_cast %scan3A_211 : i32 to index
        %get3A_278 = arith.constant 64 : index
        %get3A_279 = tpu.vector_load %arg11[%get3A_277, %get3A_278] {strides = array<i32>} : memref<64x128xf32, #tpu.memory_space<vmem>>, vector<1x16xf32>,
        %get3A_280 = vector.shape_cast %get3A_279 : vector<1x16xf32> to vector<16xf32>
        %get3A_281 = arith.index_cast %scan3A_211 : i32 to index
        %get3A_282 = arith.constant 64 : index
        %get3A_283 = tpu.vector_load %arg12[%get3A_281, %get3A_282] {strides = array<i32>} : memref<64x128xf32, #tpu.memory_space<vmem>>, vector<1x16xf32>,
        %get3A_284 = vector.shape_cast %get3A_283 : vector<1x16xf32> to vector<16xf32>
        %add3A_285 = arith.addf %get3A_280, %get3A_284 : vector<16xf32>
        %max3A_286 = arith.constant 0.000000e+00 : f32
        %max3A_287 = vector.broadcast %max3A_286 : f32 to vector<16xf32>
        %max3A_288 = arith.maximumf %add3A_285, %max3A_287 : vector<16xf32>
        %swap3A_289 = arith.index_cast %scan3A_211 : i32 to index
        %swap3A_290 = arith.constant 64 : index
        %swap3A_291 = tpu.vector_load %arg12[%swap3A_289, %swap3A_290] {strides = array<i32>} : memref<64x128xf32, #tpu.memory_space<vmem>>, vector<1x16xf32>,
        %swap3A_292 = vector.shape_cast %swap3A_291 : vector<1x16xf32> to vector<16xf32>
        %swap3A_293 = vector.shape_cast %max3A_288 : vector<16xf32> to vector<1x16xf32>
        tpu.vector_store %arg12[%swap3A_289, %swap3A_290], %swap3A_293 {strides = array<i32>} : memref<64x128xf32, #tpu.memory_space<vmem>>, vector<1x16xf32>,
        %get3A_294 = arith.index_cast %scan3A_211 : i32 to index
        %get3A_295 = arith.constant 80 : index
        %get3A_296 = tpu.vector_load %arg11[%get3A_294, %get3A_295] {strides = array<i32>} : memref<64x128xf32, #tpu.memory_space<vmem>>, vector<1x16xf32>,
        %get3A_297 = vector.shape_cast %get3A_296 : vector<1x16xf32> to vector<16xf32>
        %get3A_298 = arith.index_cast %scan3A_211 : i32 to index
        %get3A_299 = arith.constant 80 : index
        %get3A_300 = tpu.vector_load %arg12[%get3A_298, %get3A_299] {strides = array<i32>} : memref<64x128xf32, #tpu.memory_space<vmem>>, vector<1x16xf32>,
        %get3A_301 = vector.shape_cast %get3A_300 : vector<1x16xf32> to vector<16xf32>
        %add3A_302 = arith.addf %get3A_297, %get3A_301 : vector<16xf32>
        %max3A_303 = arith.constant 0.000000e+00 : f32
        %max3A_304 = vector.broadcast %max3A_303 : f32 to vector<16xf32>
        %max3A_305 = arith.maximumf %add3A_302, %max3A_304 : vector<16xf32>
        %swap3A_306 = arith.index_cast %scan3A_211 : i32 to index
        %swap3A_307 = arith.constant 80 : index
        %swap3A_308 = tpu.vector_load %arg12[%swap3A_306, %swap3A_307] {strides = array<i32>} : memref<64x128xf32, #tpu.memory_space<vmem>>, vector<1x16xf32>,
        %swap3A_309 = vector.shape_cast %swap3A_308 : vector<1x16xf32> to vector<16xf32>
        %swap3A_310 = vector.shape_cast %max3A_305 : vector<16xf32> to vector<1x16xf32>
        tpu.vector_store %arg12[%swap3A_306, %swap3A_307], %swap3A_310 {strides = array<i32>} : memref<64x128xf32, #tpu.memory_space<vmem>>, vector<1x16xf32>,
        %get3A_311 = arith.index_cast %scan3A_211 : i32 to index
        %get3A_312 = arith.constant 96 : index
        %get3A_313 = tpu.vector_load %arg11[%get3A_311, %get3A_312] {strides = array<i32>} : memref<64x128xf32, #tpu.memory_space<vmem>>, vector<1x16xf32>,
        %get3A_314 = vector.shape_cast %get3A_313 : vector<1x16xf32> to vector<16xf32>
        %get3A_315 = arith.index_cast %scan3A_211 : i32 to index
        %get3A_316 = arith.constant 96 : index
        %get3A_317 = tpu.vector_load %arg12[%get3A_315, %get3A_316] {strides = array<i32>} : memref<64x128xf32, #tpu.memory_space<vmem>>, vector<1x16xf32>,
        %get3A_318 = vector.shape_cast %get3A_317 : vector<1x16xf32> to vector<16xf32>
        %add3A_319 = arith.addf %get3A_314, %get3A_318 : vector<16xf32>
        %max3A_320 = arith.constant 0.000000e+00 : f32
        %max3A_321 = vector.broadcast %max3A_320 : f32 to vector<16xf32>
        %max3A_322 = arith.maximumf %add3A_319, %max3A_321 : vector<16xf32>
        %swap3A_323 = arith.index_cast %scan3A_211 : i32 to index
        %swap3A_324 = arith.constant 96 : index
        %swap3A_325 = tpu.vector_load %arg12[%swap3A_323, %swap3A_324] {strides = array<i32>} : memref<64x128xf32, #tpu.memory_space<vmem>>, vector<1x16xf32>,
        %swap3A_326 = vector.shape_cast %swap3A_325 : vector<1x16xf32> to vector<16xf32>
        %swap3A_327 = vector.shape_cast %max3A_322 : vector<16xf32> to vector<1x16xf32>
        tpu.vector_store %arg12[%swap3A_323, %swap3A_324], %swap3A_327 {strides = array<i32>} : memref<64x128xf32, #tpu.memory_space<vmem>>, vector<1x16xf32>,
        %get3A_328 = arith.index_cast %scan3A_211 : i32 to index
        %get3A_329 = arith.constant 112 : index
        %get3A_330 = tpu.vector_load %arg11[%get3A_328, %get3A_329] {strides = array<i32>} : memref<64x128xf32, #tpu.memory_space<vmem>>, vector<1x16xf32>,
        %get3A_331 = vector.shape_cast %get3A_330 : vector<1x16xf32> to vector<16xf32>
        %get3A_332 = arith.index_cast %scan3A_211 : i32 to index
        %get3A_333 = arith.constant 112 : index
        %get3A_334 = tpu.vector_load %arg12[%get3A_332, %get3A_333] {strides = array<i32>} : memref<64x128xf32, #tpu.memory_space<vmem>>, vector<1x16xf32>,
        %get3A_335 = vector.shape_cast %get3A_334 : vector<1x16xf32> to vector<16xf32>
        %add3A_336 = arith.addf %get3A_331, %get3A_335 : vector<16xf32>
        %max3A_337 = arith.constant 0.000000e+00 : f32
        %max3A_338 = vector.broadcast %max3A_337 : f32 to vector<16xf32>
        %max3A_339 = arith.maximumf %add3A_336, %max3A_338 : vector<16xf32>
        %swap3A_340 = arith.index_cast %scan3A_211 : i32 to index
        %swap3A_341 = arith.constant 112 : index
        %swap3A_342 = tpu.vector_load %arg12[%swap3A_340, %swap3A_341] {strides = array<i32>} : memref<64x128xf32, #tpu.memory_space<vmem>>, vector<1x16xf32>,
        %swap3A_343 = vector.shape_cast %swap3A_342 : vector<1x16xf32> to vector<16xf32>
        %swap3A_344 = vector.shape_cast %max3A_339 : vector<16xf32> to vector<1x16xf32>
        tpu.vector_store %arg12[%swap3A_340, %swap3A_341], %swap3A_344 {strides = array<i32>} : memref<64x128xf32, #tpu.memory_space<vmem>>, vector<1x16xf32>,
      }
      %scan3A_155 = arith.constant 64 : i32
      %lt3A_156 = arith.constant 156 : i32
      %lt3A_157 = arith.cmpi slt, %scan3A_135, %lt3A_156 : i32
      %convert_element_type3A_158 = arith.extui %lt3A_157 : i1 to i32
      %cond3A_159 = arith.constant 0 : i32
      %cond3A_160 = arith.cmpi ne, %convert_element_type3A_158, %cond3A_159 : i32
      scf.if %cond3A_160 {
        %add3A_211 = arith.constant 2 : i32
        %add3A_212 = arith.addi %mul3A_137, %add3A_211 : i32
        %mul3A_213 = arith.constant 64 : i32
        %mul3A_214 = arith.muli %add3A_212, %mul3A_213 : i32
        %add3A_215 = arith.addi %mul3A_2, %mul3A_214 : i32
        %dma_wait3A_216 = tpu.memref_slice %arg4[%add3A_215] : memref<643072xi32, #tpu.memory_space<hbm>> -> memref<64xi32, #tpu.memory_space<hbm>>
        %dma_wait3A_217 = tpu.memref_slice %arg4[%add3A_215] : memref<643072xi32, #tpu.memory_space<hbm>> -> memref<64xi32, #tpu.memory_space<hbm>>
        tpu.wait_dma2 semaphore(%arg16 : memref<!tpu.dma_semaphore, #tpu.memory_space<semaphore_mem>>) src(%dma_wait3A_217 : memref<64xi32, #tpu.memory_space<hbm>>) dst(%arg7 : memref<64xi32, #tpu.memory_space<vmem>>)
        %dma_start3A_218 = arith.constant 0 : i32
        %dma_start3A_219 = arith.constant 0 : i32
        %dma_start3A_220 = tpu.memref_slice %arg2[%dma_start3A_218, %dma_start3A_219] : memref<10000x128xf32, #tpu.memory_space<hbm>> -> memref<10000x128xf32, #tpu.memory_space<hbm>>
        tpu.enqueue_indirect_dma source(%dma_start3A_220 : memref<10000x128xf32, #tpu.memory_space<hbm>>) target(%arg11 : memref<64x128xf32, #tpu.memory_space<vmem>>) offsets(%arg7 : memref<64xi32, #tpu.memory_space<vmem>>) semaphore(%arg18 : memref<!tpu.dma_semaphore, #tpu.memory_space<semaphore_mem>>)
      } else {
      }
      %mul3A_161 = arith.constant 64 : i32
      %mul3A_162 = arith.muli %mul3A_137, %mul3A_161 : i32
      %add3A_163 = arith.addi %mul3A_2, %mul3A_162 : i32
      %dma_wait3A_164 = tpu.memref_slice %arg5[%add3A_163] : memref<643072xi32, #tpu.memory_space<hbm>> -> memref<64xi32, #tpu.memory_space<hbm>>
      %dma_wait3A_165 = tpu.memref_slice %arg5[%add3A_163] : memref<643072xi32, #tpu.memory_space<hbm>> -> memref<64xi32, #tpu.memory_space<hbm>>
      tpu.wait_dma2 semaphore(%arg17 : memref<!tpu.dma_semaphore, #tpu.memory_space<semaphore_mem>>) src(%dma_wait3A_165 : memref<64xi32, #tpu.memory_space<hbm>>) dst(%arg8 : memref<64xi32, #tpu.memory_space<vmem>>)
      "tpu.region"() ({
        %run_scoped3A = tpu.sem_alloc : memref<!tpu.dma_semaphore, #tpu.memory_space<semaphore_mem>>
        %dma_start3A_211 = arith.constant 0 : i32
        %dma_start3A_212 = arith.constant 0 : i32
        %dma_start3A_213 = tpu.memref_slice %arg15[%dma_start3A_211, %dma_start3A_212] : memref<10240x128xf32, #tpu.memory_space<vmem_shared>> -> memref<10240x128xf32, #tpu.memory_space<vmem_shared>>
        tpu.enqueue_indirect_dma source(%arg12 : memref<64x128xf32, #tpu.memory_space<vmem>>) target(%dma_start3A_213 : memref<10240x128xf32, #tpu.memory_space<vmem_shared>>) offsets(%arg8 : memref<64xi32, #tpu.memory_space<vmem>>) semaphore(%run_scoped3A : memref<!tpu.dma_semaphore, #tpu.memory_space<semaphore_mem>>) {add = true}
        %dma_wait3A_214 = arith.constant 0 : i32
        %dma_wait3A_215 = arith.constant 0 : i32
        %dma_wait3A_216 = tpu.memref_slice %arg15[%dma_wait3A_214, %dma_wait3A_215] : memref<10240x128xf32, #tpu.memory_space<vmem_shared>> -> memref<10240x128xf32, #tpu.memory_space<vmem_shared>>
        tpu.wait_indirect_dma semaphore(%run_scoped3A : memref<!tpu.dma_semaphore, #tpu.memory_space<semaphore_mem>>) src(%arg12 : memref<64x128xf32, #tpu.memory_space<vmem>>) dst(%dma_wait3A_216 : memref<10240x128xf32, #tpu.memory_space<vmem_shared>>)
        tpu.yield
      }) : () -> ()
      %lt3A_166 = arith.constant 156 : i32
      %lt3A_167 = arith.cmpi slt, %scan3A_135, %lt3A_166 : i32
      %convert_element_type3A_168 = arith.extui %lt3A_167 : i1 to i32
      %cond3A_169 = arith.constant 0 : i32
      %cond3A_170 = arith.cmpi ne, %convert_element_type3A_168, %cond3A_169 : i32
      scf.if %cond3A_170 {
        %add3A_211 = arith.constant 2 : i32
        %add3A_212 = arith.addi %mul3A_137, %add3A_211 : i32
        %mul3A_213 = arith.constant 64 : i32
        %mul3A_214 = arith.muli %add3A_212, %mul3A_213 : i32
        %add3A_215 = arith.addi %mul3A_2, %mul3A_214 : i32
        %dma_start3A_216 = tpu.memref_slice %arg5[%add3A_215] : memref<643072xi32, #tpu.memory_space<hbm>> -> memref<64xi32, #tpu.memory_space<hbm>>
        %dma_start3A_217 = tpu.memref_slice %arg5[%add3A_215] : memref<643072xi32, #tpu.memory_space<hbm>> -> memref<64xi32, #tpu.memory_space<hbm>>
        tpu.enqueue_dma source(%dma_start3A_217 : memref<64xi32, #tpu.memory_space<hbm>>) target(%arg8 : memref<64xi32, #tpu.memory_space<vmem>>) target_semaphore(%arg17 : memref<!tpu.dma_semaphore, #tpu.memory_space<semaphore_mem>>)
        %add3A_218 = arith.constant 2 : i32
        %add3A_219 = arith.addi %mul3A_137, %add3A_218 : i32
        %mul3A_220 = arith.constant 64 : i32
        %mul3A_221 = arith.muli %add3A_219, %mul3A_220 : i32
        %add3A_222 = arith.addi %mul3A_2, %mul3A_221 : i32
        %dma_start3A_223 = arith.constant 0 : i32
        %dma_start3A_224 = tpu.memref_slice %arg3[%add3A_222, %dma_start3A_223] : memref<643072x128xf32, #tpu.memory_space<hbm>> -> memref<64x128xf32, #tpu.memory_space<hbm>>
        %dma_start3A_225 = arith.constant 0 : i32
        %dma_start3A_226 = tpu.memref_slice %arg3[%add3A_222, %dma_start3A_225] : memref<643072x128xf32, #tpu.memory_space<hbm>> -> memref<64x128xf32, #tpu.memory_space<hbm>>
        tpu.enqueue_dma source(%dma_start3A_226 : memref<64x128xf32, #tpu.memory_space<hbm>>) target(%arg12 : memref<64x128xf32, #tpu.memory_space<vmem>>) target_semaphore(%arg19 : memref<!tpu.dma_semaphore, #tpu.memory_space<semaphore_mem>>)
      } else {
      }
      %mul3A_171 = arith.constant 2 : i32
      %mul3A_172 = arith.muli %mul3A_171, %scan3A_135 : i32
      %add3A_173 = arith.constant 1 : i32
      %add3A_174 = arith.addi %mul3A_172, %add3A_173 : i32
      %dma_wait3A_175 = arith.constant 0 : i32
      %dma_wait3A_176 = arith.constant 0 : i32
      %dma_wait3A_177 = tpu.memref_slice %arg2[%dma_wait3A_175, %dma_wait3A_176] : memref<10000x128xf32, #tpu.memory_space<hbm>> -> memref<10000x128xf32, #tpu.memory_space<hbm>>
      tpu.wait_indirect_dma semaphore(%arg22 : memref<!tpu.dma_semaphore, #tpu.memory_space<semaphore_mem>>) src(%dma_wait3A_177 : memref<10000x128xf32, #tpu.memory_space<hbm>>) dst(%arg13 : memref<64x128xf32, #tpu.memory_space<vmem>>)
      %mul3A_178 = arith.constant 64 : i32
      %mul3A_179 = arith.muli %add3A_174, %mul3A_178 : i32
      %add3A_180 = arith.addi %mul3A_2, %mul3A_179 : i32
      %dma_wait3A_181 = arith.constant 0 : i32
      %dma_wait3A_182 = tpu.memref_slice %arg3[%add3A_180, %dma_wait3A_181] : memref<643072x128xf32, #tpu.memory_space<hbm>> -> memref<64x128xf32, #tpu.memory_space<hbm>>
      %dma_wait3A_183 = arith.constant 0 : i32
      %dma_wait3A_184 = tpu.memref_slice %arg3[%add3A_180, %dma_wait3A_183] : memref<643072x128xf32, #tpu.memory_space<hbm>> -> memref<64x128xf32, #tpu.memory_space<hbm>>
      tpu.wait_dma2 semaphore(%arg23 : memref<!tpu.dma_semaphore, #tpu.memory_space<semaphore_mem>>) src(%dma_wait3A_184 : memref<64x128xf32, #tpu.memory_space<hbm>>) dst(%arg14 : memref<64x128xf32, #tpu.memory_space<vmem>>)
      %lt3A_185 = arith.constant 156 : i32
      %lt3A_186 = arith.cmpi slt, %scan3A_135, %lt3A_185 : i32
      %convert_element_type3A_187 = arith.extui %lt3A_186 : i1 to i32
      %cond3A_188 = arith.constant 0 : i32
      %cond3A_189 = arith.cmpi ne, %convert_element_type3A_187, %cond3A_188 : i32
      scf.if %cond3A_189 {
        %add3A_211 = arith.constant 2 : i32
        %add3A_212 = arith.addi %add3A_174, %add3A_211 : i32
        %mul3A_213 = arith.constant 64 : i32
        %mul3A_214 = arith.muli %add3A_212, %mul3A_213 : i32
        %add3A_215 = arith.addi %mul3A_2, %mul3A_214 : i32
        %dma_start3A_216 = tpu.memref_slice %arg4[%add3A_215] : memref<643072xi32, #tpu.memory_space<hbm>> -> memref<64xi32, #tpu.memory_space<hbm>>
        %dma_start3A_217 = tpu.memref_slice %arg4[%add3A_215] : memref<643072xi32, #tpu.memory_space<hbm>> -> memref<64xi32, #tpu.memory_space<hbm>>
        tpu.enqueue_dma source(%dma_start3A_217 : memref<64xi32, #tpu.memory_space<hbm>>) target(%arg9 : memref<64xi32, #tpu.memory_space<vmem>>) target_semaphore(%arg20 : memref<!tpu.dma_semaphore, #tpu.memory_space<semaphore_mem>>)
      } else {
      }
      %scan3A_190 = arith.constant 0 : i32
      %scan3A_191 = arith.constant 0 : i32
      %scan3A_192 = arith.constant 64 : i32
      %scan3A_193 = arith.addi %scan3A_191, %scan3A_192 : i32
      %scan3A_194 = arith.constant 1 : i32
      scf.for %scan3A_211 = %scan3A_191 to %scan3A_193 step %scan3A_194  : i32 {
        %get3A = arith.index_cast %scan3A_211 : i32 to index
        %get3A_212 = arith.constant 0 : index
        %get3A_213 = tpu.vector_load %arg13[%get3A, %get3A_212] {strides = array<i32>} : memref<64x128xf32, #tpu.memory_space<vmem>>, vector<1x16xf32>,
        %get3A_214 = vector.shape_cast %get3A_213 : vector<1x16xf32> to vector<16xf32>
        %get3A_215 = arith.index_cast %scan3A_211 : i32 to index
        %get3A_216 = arith.constant 0 : index
        %get3A_217 = tpu.vector_load %arg14[%get3A_215, %get3A_216] {strides = array<i32>} : memref<64x128xf32, #tpu.memory_space<vmem>>, vector<1x16xf32>,
        %get3A_218 = vector.shape_cast %get3A_217 : vector<1x16xf32> to vector<16xf32>
        %add3A_219 = arith.addf %get3A_214, %get3A_218 : vector<16xf32>
        %max3A = arith.constant 0.000000e+00 : f32
        %max3A_220 = vector.broadcast %max3A : f32 to vector<16xf32>
        %max3A_221 = arith.maximumf %add3A_219, %max3A_220 : vector<16xf32>
        %swap3A = arith.index_cast %scan3A_211 : i32 to index
        %swap3A_222 = arith.constant 0 : index
        %swap3A_223 = tpu.vector_load %arg14[%swap3A, %swap3A_222] {strides = array<i32>} : memref<64x128xf32, #tpu.memory_space<vmem>>, vector<1x16xf32>,
        %swap3A_224 = vector.shape_cast %swap3A_223 : vector<1x16xf32> to vector<16xf32>
        %swap3A_225 = vector.shape_cast %max3A_221 : vector<16xf32> to vector<1x16xf32>
        tpu.vector_store %arg14[%swap3A, %swap3A_222], %swap3A_225 {strides = array<i32>} : memref<64x128xf32, #tpu.memory_space<vmem>>, vector<1x16xf32>,
        %get3A_226 = arith.index_cast %scan3A_211 : i32 to index
        %get3A_227 = arith.constant 16 : index
        %get3A_228 = tpu.vector_load %arg13[%get3A_226, %get3A_227] {strides = array<i32>} : memref<64x128xf32, #tpu.memory_space<vmem>>, vector<1x16xf32>,
        %get3A_229 = vector.shape_cast %get3A_228 : vector<1x16xf32> to vector<16xf32>
        %get3A_230 = arith.index_cast %scan3A_211 : i32 to index
        %get3A_231 = arith.constant 16 : index
        %get3A_232 = tpu.vector_load %arg14[%get3A_230, %get3A_231] {strides = array<i32>} : memref<64x128xf32, #tpu.memory_space<vmem>>, vector<1x16xf32>,
        %get3A_233 = vector.shape_cast %get3A_232 : vector<1x16xf32> to vector<16xf32>
        %add3A_234 = arith.addf %get3A_229, %get3A_233 : vector<16xf32>
        %max3A_235 = arith.constant 0.000000e+00 : f32
        %max3A_236 = vector.broadcast %max3A_235 : f32 to vector<16xf32>
        %max3A_237 = arith.maximumf %add3A_234, %max3A_236 : vector<16xf32>
        %swap3A_238 = arith.index_cast %scan3A_211 : i32 to index
        %swap3A_239 = arith.constant 16 : index
        %swap3A_240 = tpu.vector_load %arg14[%swap3A_238, %swap3A_239] {strides = array<i32>} : memref<64x128xf32, #tpu.memory_space<vmem>>, vector<1x16xf32>,
        %swap3A_241 = vector.shape_cast %swap3A_240 : vector<1x16xf32> to vector<16xf32>
        %swap3A_242 = vector.shape_cast %max3A_237 : vector<16xf32> to vector<1x16xf32>
        tpu.vector_store %arg14[%swap3A_238, %swap3A_239], %swap3A_242 {strides = array<i32>} : memref<64x128xf32, #tpu.memory_space<vmem>>, vector<1x16xf32>,
        %get3A_243 = arith.index_cast %scan3A_211 : i32 to index
        %get3A_244 = arith.constant 32 : index
        %get3A_245 = tpu.vector_load %arg13[%get3A_243, %get3A_244] {strides = array<i32>} : memref<64x128xf32, #tpu.memory_space<vmem>>, vector<1x16xf32>,
        %get3A_246 = vector.shape_cast %get3A_245 : vector<1x16xf32> to vector<16xf32>
        %get3A_247 = arith.index_cast %scan3A_211 : i32 to index
        %get3A_248 = arith.constant 32 : index
        %get3A_249 = tpu.vector_load %arg14[%get3A_247, %get3A_248] {strides = array<i32>} : memref<64x128xf32, #tpu.memory_space<vmem>>, vector<1x16xf32>,
        %get3A_250 = vector.shape_cast %get3A_249 : vector<1x16xf32> to vector<16xf32>
        %add3A_251 = arith.addf %get3A_246, %get3A_250 : vector<16xf32>
        %max3A_252 = arith.constant 0.000000e+00 : f32
        %max3A_253 = vector.broadcast %max3A_252 : f32 to vector<16xf32>
        %max3A_254 = arith.maximumf %add3A_251, %max3A_253 : vector<16xf32>
        %swap3A_255 = arith.index_cast %scan3A_211 : i32 to index
        %swap3A_256 = arith.constant 32 : index
        %swap3A_257 = tpu.vector_load %arg14[%swap3A_255, %swap3A_256] {strides = array<i32>} : memref<64x128xf32, #tpu.memory_space<vmem>>, vector<1x16xf32>,
        %swap3A_258 = vector.shape_cast %swap3A_257 : vector<1x16xf32> to vector<16xf32>
        %swap3A_259 = vector.shape_cast %max3A_254 : vector<16xf32> to vector<1x16xf32>
        tpu.vector_store %arg14[%swap3A_255, %swap3A_256], %swap3A_259 {strides = array<i32>} : memref<64x128xf32, #tpu.memory_space<vmem>>, vector<1x16xf32>,
        %get3A_260 = arith.index_cast %scan3A_211 : i32 to index
        %get3A_261 = arith.constant 48 : index
        %get3A_262 = tpu.vector_load %arg13[%get3A_260, %get3A_261] {strides = array<i32>} : memref<64x128xf32, #tpu.memory_space<vmem>>, vector<1x16xf32>,
        %get3A_263 = vector.shape_cast %get3A_262 : vector<1x16xf32> to vector<16xf32>
        %get3A_264 = arith.index_cast %scan3A_211 : i32 to index
        %get3A_265 = arith.constant 48 : index
        %get3A_266 = tpu.vector_load %arg14[%get3A_264, %get3A_265] {strides = array<i32>} : memref<64x128xf32, #tpu.memory_space<vmem>>, vector<1x16xf32>,
        %get3A_267 = vector.shape_cast %get3A_266 : vector<1x16xf32> to vector<16xf32>
        %add3A_268 = arith.addf %get3A_263, %get3A_267 : vector<16xf32>
        %max3A_269 = arith.constant 0.000000e+00 : f32
        %max3A_270 = vector.broadcast %max3A_269 : f32 to vector<16xf32>
        %max3A_271 = arith.maximumf %add3A_268, %max3A_270 : vector<16xf32>
        %swap3A_272 = arith.index_cast %scan3A_211 : i32 to index
        %swap3A_273 = arith.constant 48 : index
        %swap3A_274 = tpu.vector_load %arg14[%swap3A_272, %swap3A_273] {strides = array<i32>} : memref<64x128xf32, #tpu.memory_space<vmem>>, vector<1x16xf32>,
        %swap3A_275 = vector.shape_cast %swap3A_274 : vector<1x16xf32> to vector<16xf32>
        %swap3A_276 = vector.shape_cast %max3A_271 : vector<16xf32> to vector<1x16xf32>
        tpu.vector_store %arg14[%swap3A_272, %swap3A_273], %swap3A_276 {strides = array<i32>} : memref<64x128xf32, #tpu.memory_space<vmem>>, vector<1x16xf32>,
        %get3A_277 = arith.index_cast %scan3A_211 : i32 to index
        %get3A_278 = arith.constant 64 : index
        %get3A_279 = tpu.vector_load %arg13[%get3A_277, %get3A_278] {strides = array<i32>} : memref<64x128xf32, #tpu.memory_space<vmem>>, vector<1x16xf32>,
        %get3A_280 = vector.shape_cast %get3A_279 : vector<1x16xf32> to vector<16xf32>
        %get3A_281 = arith.index_cast %scan3A_211 : i32 to index
        %get3A_282 = arith.constant 64 : index
        %get3A_283 = tpu.vector_load %arg14[%get3A_281, %get3A_282] {strides = array<i32>} : memref<64x128xf32, #tpu.memory_space<vmem>>, vector<1x16xf32>,
        %get3A_284 = vector.shape_cast %get3A_283 : vector<1x16xf32> to vector<16xf32>
        %add3A_285 = arith.addf %get3A_280, %get3A_284 : vector<16xf32>
        %max3A_286 = arith.constant 0.000000e+00 : f32
        %max3A_287 = vector.broadcast %max3A_286 : f32 to vector<16xf32>
        %max3A_288 = arith.maximumf %add3A_285, %max3A_287 : vector<16xf32>
        %swap3A_289 = arith.index_cast %scan3A_211 : i32 to index
        %swap3A_290 = arith.constant 64 : index
        %swap3A_291 = tpu.vector_load %arg14[%swap3A_289, %swap3A_290] {strides = array<i32>} : memref<64x128xf32, #tpu.memory_space<vmem>>, vector<1x16xf32>,
        %swap3A_292 = vector.shape_cast %swap3A_291 : vector<1x16xf32> to vector<16xf32>
        %swap3A_293 = vector.shape_cast %max3A_288 : vector<16xf32> to vector<1x16xf32>
        tpu.vector_store %arg14[%swap3A_289, %swap3A_290], %swap3A_293 {strides = array<i32>} : memref<64x128xf32, #tpu.memory_space<vmem>>, vector<1x16xf32>,
        %get3A_294 = arith.index_cast %scan3A_211 : i32 to index
        %get3A_295 = arith.constant 80 : index
        %get3A_296 = tpu.vector_load %arg13[%get3A_294, %get3A_295] {strides = array<i32>} : memref<64x128xf32, #tpu.memory_space<vmem>>, vector<1x16xf32>,
        %get3A_297 = vector.shape_cast %get3A_296 : vector<1x16xf32> to vector<16xf32>
        %get3A_298 = arith.index_cast %scan3A_211 : i32 to index
        %get3A_299 = arith.constant 80 : index
        %get3A_300 = tpu.vector_load %arg14[%get3A_298, %get3A_299] {strides = array<i32>} : memref<64x128xf32, #tpu.memory_space<vmem>>, vector<1x16xf32>,
        %get3A_301 = vector.shape_cast %get3A_300 : vector<1x16xf32> to vector<16xf32>
        %add3A_302 = arith.addf %get3A_297, %get3A_301 : vector<16xf32>
        %max3A_303 = arith.constant 0.000000e+00 : f32
        %max3A_304 = vector.broadcast %max3A_303 : f32 to vector<16xf32>
        %max3A_305 = arith.maximumf %add3A_302, %max3A_304 : vector<16xf32>
        %swap3A_306 = arith.index_cast %scan3A_211 : i32 to index
        %swap3A_307 = arith.constant 80 : index
        %swap3A_308 = tpu.vector_load %arg14[%swap3A_306, %swap3A_307] {strides = array<i32>} : memref<64x128xf32, #tpu.memory_space<vmem>>, vector<1x16xf32>,
        %swap3A_309 = vector.shape_cast %swap3A_308 : vector<1x16xf32> to vector<16xf32>
        %swap3A_310 = vector.shape_cast %max3A_305 : vector<16xf32> to vector<1x16xf32>
        tpu.vector_store %arg14[%swap3A_306, %swap3A_307], %swap3A_310 {strides = array<i32>} : memref<64x128xf32, #tpu.memory_space<vmem>>, vector<1x16xf32>,
        %get3A_311 = arith.index_cast %scan3A_211 : i32 to index
        %get3A_312 = arith.constant 96 : index
        %get3A_313 = tpu.vector_load %arg13[%get3A_311, %get3A_312] {strides = array<i32>} : memref<64x128xf32, #tpu.memory_space<vmem>>, vector<1x16xf32>,
        %get3A_314 = vector.shape_cast %get3A_313 : vector<1x16xf32> to vector<16xf32>
        %get3A_315 = arith.index_cast %scan3A_211 : i32 to index
        %get3A_316 = arith.constant 96 : index
        %get3A_317 = tpu.vector_load %arg14[%get3A_315, %get3A_316] {strides = array<i32>} : memref<64x128xf32, #tpu.memory_space<vmem>>, vector<1x16xf32>,
        %get3A_318 = vector.shape_cast %get3A_317 : vector<1x16xf32> to vector<16xf32>
        %add3A_319 = arith.addf %get3A_314, %get3A_318 : vector<16xf32>
        %max3A_320 = arith.constant 0.000000e+00 : f32
        %max3A_321 = vector.broadcast %max3A_320 : f32 to vector<16xf32>
        %max3A_322 = arith.maximumf %add3A_319, %max3A_321 : vector<16xf32>
        %swap3A_323 = arith.index_cast %scan3A_211 : i32 to index
        %swap3A_324 = arith.constant 96 : index
        %swap3A_325 = tpu.vector_load %arg14[%swap3A_323, %swap3A_324] {strides = array<i32>} : memref<64x128xf32, #tpu.memory_space<vmem>>, vector<1x16xf32>,
        %swap3A_326 = vector.shape_cast %swap3A_325 : vector<1x16xf32> to vector<16xf32>
        %swap3A_327 = vector.shape_cast %max3A_322 : vector<16xf32> to vector<1x16xf32>
        tpu.vector_store %arg14[%swap3A_323, %swap3A_324], %swap3A_327 {strides = array<i32>} : memref<64x128xf32, #tpu.memory_space<vmem>>, vector<1x16xf32>,
        %get3A_328 = arith.index_cast %scan3A_211 : i32 to index
        %get3A_329 = arith.constant 112 : index
        %get3A_330 = tpu.vector_load %arg13[%get3A_328, %get3A_329] {strides = array<i32>} : memref<64x128xf32, #tpu.memory_space<vmem>>, vector<1x16xf32>,
        %get3A_331 = vector.shape_cast %get3A_330 : vector<1x16xf32> to vector<16xf32>
        %get3A_332 = arith.index_cast %scan3A_211 : i32 to index
        %get3A_333 = arith.constant 112 : index
        %get3A_334 = tpu.vector_load %arg14[%get3A_332, %get3A_333] {strides = array<i32>} : memref<64x128xf32, #tpu.memory_space<vmem>>, vector<1x16xf32>,
        %get3A_335 = vector.shape_cast %get3A_334 : vector<1x16xf32> to vector<16xf32>
        %add3A_336 = arith.addf %get3A_331, %get3A_335 : vector<16xf32>
        %max3A_337 = arith.constant 0.000000e+00 : f32
        %max3A_338 = vector.broadcast %max3A_337 : f32 to vector<16xf32>
        %max3A_339 = arith.maximumf %add3A_336, %max3A_338 : vector<16xf32>
        %swap3A_340 = arith.index_cast %scan3A_211 : i32 to index
        %swap3A_341 = arith.constant 112 : index
        %swap3A_342 = tpu.vector_load %arg14[%swap3A_340, %swap3A_341] {strides = array<i32>} : memref<64x128xf32, #tpu.memory_space<vmem>>, vector<1x16xf32>,
        %swap3A_343 = vector.shape_cast %swap3A_342 : vector<1x16xf32> to vector<16xf32>
        %swap3A_344 = vector.shape_cast %max3A_339 : vector<16xf32> to vector<1x16xf32>
        tpu.vector_store %arg14[%swap3A_340, %swap3A_341], %swap3A_344 {strides = array<i32>} : memref<64x128xf32, #tpu.memory_space<vmem>>, vector<1x16xf32>,
      }
      %scan3A_195 = arith.constant 64 : i32
      %lt3A_196 = arith.constant 156 : i32
      %lt3A_197 = arith.cmpi slt, %scan3A_135, %lt3A_196 : i32
      %convert_element_type3A_198 = arith.extui %lt3A_197 : i1 to i32
      %cond3A_199 = arith.constant 0 : i32
      %cond3A_200 = arith.cmpi ne, %convert_element_type3A_198, %cond3A_199 : i32
      scf.if %cond3A_200 {
        %add3A_211 = arith.constant 2 : i32
        %add3A_212 = arith.addi %add3A_174, %add3A_211 : i32
        %mul3A_213 = arith.constant 64 : i32
        %mul3A_214 = arith.muli %add3A_212, %mul3A_213 : i32
        %add3A_215 = arith.addi %mul3A_2, %mul3A_214 : i32
        %dma_wait3A_216 = tpu.memref_slice %arg4[%add3A_215] : memref<643072xi32, #tpu.memory_space<hbm>> -> memref<64xi32, #tpu.memory_space<hbm>>
        %dma_wait3A_217 = tpu.memref_slice %arg4[%add3A_215] : memref<643072xi32, #tpu.memory_space<hbm>> -> memref<64xi32, #tpu.memory_space<hbm>>
        tpu.wait_dma2 semaphore(%arg20 : memref<!tpu.dma_semaphore, #tpu.memory_space<semaphore_mem>>) src(%dma_wait3A_217 : memref<64xi32, #tpu.memory_space<hbm>>) dst(%arg9 : memref<64xi32, #tpu.memory_space<vmem>>)
        %dma_start3A_218 = arith.constant 0 : i32
        %dma_start3A_219 = arith.constant 0 : i32
        %dma_start3A_220 = tpu.memref_slice %arg2[%dma_start3A_218, %dma_start3A_219] : memref<10000x128xf32, #tpu.memory_space<hbm>> -> memref<10000x128xf32, #tpu.memory_space<hbm>>
        tpu.enqueue_indirect_dma source(%dma_start3A_220 : memref<10000x128xf32, #tpu.memory_space<hbm>>) target(%arg13 : memref<64x128xf32, #tpu.memory_space<vmem>>) offsets(%arg9 : memref<64xi32, #tpu.memory_space<vmem>>) semaphore(%arg22 : memref<!tpu.dma_semaphore, #tpu.memory_space<semaphore_mem>>)
      } else {
      }
      %mul3A_201 = arith.constant 64 : i32
      %mul3A_202 = arith.muli %add3A_174, %mul3A_201 : i32
      %add3A_203 = arith.addi %mul3A_2, %mul3A_202 : i32
      %dma_wait3A_204 = tpu.memref_slice %arg5[%add3A_203] : memref<643072xi32, #tpu.memory_space<hbm>> -> memref<64xi32, #tpu.memory_space<hbm>>
      %dma_wait3A_205 = tpu.memref_slice %arg5[%add3A_203] : memref<643072xi32, #tpu.memory_space<hbm>> -> memref<64xi32, #tpu.memory_space<hbm>>
      tpu.wait_dma2 semaphore(%arg21 : memref<!tpu.dma_semaphore, #tpu.memory_space<semaphore_mem>>) src(%dma_wait3A_205 : memref<64xi32, #tpu.memory_space<hbm>>) dst(%arg10 : memref<64xi32, #tpu.memory_space<vmem>>)
      "tpu.region"() ({
        %run_scoped3A = tpu.sem_alloc : memref<!tpu.dma_semaphore, #tpu.memory_space<semaphore_mem>>
        %dma_start3A_211 = arith.constant 0 : i32
        %dma_start3A_212 = arith.constant 0 : i32
        %dma_start3A_213 = tpu.memref_slice %arg15[%dma_start3A_211, %dma_start3A_212] : memref<10240x128xf32, #tpu.memory_space<vmem_shared>> -> memref<10240x128xf32, #tpu.memory_space<vmem_shared>>
        tpu.enqueue_indirect_dma source(%arg14 : memref<64x128xf32, #tpu.memory_space<vmem>>) target(%dma_start3A_213 : memref<10240x128xf32, #tpu.memory_space<vmem_shared>>) offsets(%arg10 : memref<64xi32, #tpu.memory_space<vmem>>) semaphore(%run_scoped3A : memref<!tpu.dma_semaphore, #tpu.memory_space<semaphore_mem>>) {add = true}
        %dma_wait3A_214 = arith.constant 0 : i32
        %dma_wait3A_215 = arith.constant 0 : i32
        %dma_wait3A_216 = tpu.memref_slice %arg15[%dma_wait3A_214, %dma_wait3A_215] : memref<10240x128xf32, #tpu.memory_space<vmem_shared>> -> memref<10240x128xf32, #tpu.memory_space<vmem_shared>>
        tpu.wait_indirect_dma semaphore(%run_scoped3A : memref<!tpu.dma_semaphore, #tpu.memory_space<semaphore_mem>>) src(%arg14 : memref<64x128xf32, #tpu.memory_space<vmem>>) dst(%dma_wait3A_216 : memref<10240x128xf32, #tpu.memory_space<vmem_shared>>)
        tpu.yield
      }) : () -> ()
      %lt3A_206 = arith.constant 156 : i32
      %lt3A_207 = arith.cmpi slt, %scan3A_135, %lt3A_206 : i32
      %convert_element_type3A_208 = arith.extui %lt3A_207 : i1 to i32
      %cond3A_209 = arith.constant 0 : i32
      %cond3A_210 = arith.cmpi ne, %convert_element_type3A_208, %cond3A_209 : i32
      scf.if %cond3A_210 {
        %add3A_211 = arith.constant 2 : i32
        %add3A_212 = arith.addi %add3A_174, %add3A_211 : i32
        %mul3A_213 = arith.constant 64 : i32
        %mul3A_214 = arith.muli %add3A_212, %mul3A_213 : i32
        %add3A_215 = arith.addi %mul3A_2, %mul3A_214 : i32
        %dma_start3A_216 = tpu.memref_slice %arg5[%add3A_215] : memref<643072xi32, #tpu.memory_space<hbm>> -> memref<64xi32, #tpu.memory_space<hbm>>
        %dma_start3A_217 = tpu.memref_slice %arg5[%add3A_215] : memref<643072xi32, #tpu.memory_space<hbm>> -> memref<64xi32, #tpu.memory_space<hbm>>
        tpu.enqueue_dma source(%dma_start3A_217 : memref<64xi32, #tpu.memory_space<hbm>>) target(%arg10 : memref<64xi32, #tpu.memory_space<vmem>>) target_semaphore(%arg21 : memref<!tpu.dma_semaphore, #tpu.memory_space<semaphore_mem>>)
        %add3A_218 = arith.constant 2 : i32
        %add3A_219 = arith.addi %add3A_174, %add3A_218 : i32
        %mul3A_220 = arith.constant 64 : i32
        %mul3A_221 = arith.muli %add3A_219, %mul3A_220 : i32
        %add3A_222 = arith.addi %mul3A_2, %mul3A_221 : i32
        %dma_start3A_223 = arith.constant 0 : i32
        %dma_start3A_224 = tpu.memref_slice %arg3[%add3A_222, %dma_start3A_223] : memref<643072x128xf32, #tpu.memory_space<hbm>> -> memref<64x128xf32, #tpu.memory_space<hbm>>
        %dma_start3A_225 = arith.constant 0 : i32
        %dma_start3A_226 = tpu.memref_slice %arg3[%add3A_222, %dma_start3A_225] : memref<643072x128xf32, #tpu.memory_space<hbm>> -> memref<64x128xf32, #tpu.memory_space<hbm>>
        tpu.enqueue_dma source(%dma_start3A_226 : memref<64x128xf32, #tpu.memory_space<hbm>>) target(%arg14 : memref<64x128xf32, #tpu.memory_space<vmem>>) target_semaphore(%arg23 : memref<!tpu.dma_semaphore, #tpu.memory_space<semaphore_mem>>)
      } else {
      }
    }
    %scan3A_93 = arith.constant 157 : i32
    %barrier3A_94 = arith.constant 0 : index
    tpu.barrier barrier_id(%barrier3A_94)
    %mul3A_95 = arith.constant 640 : i32
    %mul3A_96 = arith.muli %arg1, %mul3A_95 : i32
    %add3A_97 = arith.constant 0 : i32
    %add3A_98 = arith.addi %mul3A_96, %add3A_97 : i32
    "tpu.region"() ({
      %run_scoped3A = tpu.sem_alloc : memref<!tpu.dma_semaphore, #tpu.memory_space<semaphore_mem>>
      %dma_start3A_135 = arith.constant 0 : i32
      %dma_start3A_136 = tpu.memref_slice %arg6[%arg0, %add3A_98, %dma_start3A_135] : memref<2x10240x128xf32, #tpu.memory_space<hbm>> -> memref<1x64x128xf32, #tpu.memory_space<hbm>>
      %dma_start3A_137 = tpu.memref_squeeze %dma_start3A_136 : memref<1x64x128xf32, #tpu.memory_space<hbm>> -> memref<64x128xf32, #tpu.memory_space<hbm>>
      %dma_start3A_138 = arith.constant 0 : i32
      %dma_start3A_139 = tpu.memref_slice %arg15[%add3A_98, %dma_start3A_138] : memref<10240x128xf32, #tpu.memory_space<vmem_shared>> -> memref<64x128xf32, #tpu.memory_space<vmem_shared>>
      tpu.enqueue_dma source(%dma_start3A_139 : memref<64x128xf32, #tpu.memory_space<vmem_shared>>) target(%dma_start3A_137 : memref<64x128xf32, #tpu.memory_space<hbm>>) target_semaphore(%run_scoped3A : memref<!tpu.dma_semaphore, #tpu.memory_space<semaphore_mem>>)
      %dma_wait3A_140 = arith.constant 0 : i32
      %dma_wait3A_141 = tpu.memref_slice %arg6[%arg0, %add3A_98, %dma_wait3A_140] : memref<2x10240x128xf32, #tpu.memory_space<hbm>> -> memref<1x64x128xf32, #tpu.memory_space<hbm>>
      %dma_wait3A_142 = tpu.memref_squeeze %dma_wait3A_141 : memref<1x64x128xf32, #tpu.memory_space<hbm>> -> memref<64x128xf32, #tpu.memory_space<hbm>>
      %dma_wait3A_143 = arith.constant 0 : i32
      %dma_wait3A_144 = tpu.memref_slice %arg15[%add3A_98, %dma_wait3A_143] : memref<10240x128xf32, #tpu.memory_space<vmem_shared>> -> memref<64x128xf32, #tpu.memory_space<vmem_shared>>
      tpu.wait_dma2 semaphore(%run_scoped3A : memref<!tpu.dma_semaphore, #tpu.memory_space<semaphore_mem>>) src(%dma_wait3A_144 : memref<64x128xf32, #tpu.memory_space<vmem_shared>>) dst(%dma_wait3A_142 : memref<64x128xf32, #tpu.memory_space<hbm>>)
      tpu.yield
    }) : () -> ()
    %mul3A_99 = arith.constant 640 : i32
    %mul3A_100 = arith.muli %arg1, %mul3A_99 : i32
    %add3A_101 = arith.constant 64 : i32
    %add3A_102 = arith.addi %mul3A_100, %add3A_101 : i32
    "tpu.region"() ({
      %run_scoped3A = tpu.sem_alloc : memref<!tpu.dma_semaphore, #tpu.memory_space<semaphore_mem>>
      %dma_start3A_135 = arith.constant 0 : i32
      %dma_start3A_136 = tpu.memref_slice %arg6[%arg0, %add3A_102, %dma_start3A_135] : memref<2x10240x128xf32, #tpu.memory_space<hbm>> -> memref<1x64x128xf32, #tpu.memory_space<hbm>>
      %dma_start3A_137 = tpu.memref_squeeze %dma_start3A_136 : memref<1x64x128xf32, #tpu.memory_space<hbm>> -> memref<64x128xf32, #tpu.memory_space<hbm>>
      %dma_start3A_138 = arith.constant 0 : i32
      %dma_start3A_139 = tpu.memref_slice %arg15[%add3A_102, %dma_start3A_138] : memref<10240x128xf32, #tpu.memory_space<vmem_shared>> -> memref<64x128xf32, #tpu.memory_space<vmem_shared>>
      tpu.enqueue_dma source(%dma_start3A_139 : memref<64x128xf32, #tpu.memory_space<vmem_shared>>) target(%dma_start3A_137 : memref<64x128xf32, #tpu.memory_space<hbm>>) target_semaphore(%run_scoped3A : memref<!tpu.dma_semaphore, #tpu.memory_space<semaphore_mem>>)
      %dma_wait3A_140 = arith.constant 0 : i32
      %dma_wait3A_141 = tpu.memref_slice %arg6[%arg0, %add3A_102, %dma_wait3A_140] : memref<2x10240x128xf32, #tpu.memory_space<hbm>> -> memref<1x64x128xf32, #tpu.memory_space<hbm>>
      %dma_wait3A_142 = tpu.memref_squeeze %dma_wait3A_141 : memref<1x64x128xf32, #tpu.memory_space<hbm>> -> memref<64x128xf32, #tpu.memory_space<hbm>>
      %dma_wait3A_143 = arith.constant 0 : i32
      %dma_wait3A_144 = tpu.memref_slice %arg15[%add3A_102, %dma_wait3A_143] : memref<10240x128xf32, #tpu.memory_space<vmem_shared>> -> memref<64x128xf32, #tpu.memory_space<vmem_shared>>
      tpu.wait_dma2 semaphore(%run_scoped3A : memref<!tpu.dma_semaphore, #tpu.memory_space<semaphore_mem>>) src(%dma_wait3A_144 : memref<64x128xf32, #tpu.memory_space<vmem_shared>>) dst(%dma_wait3A_142 : memref<64x128xf32, #tpu.memory_space<hbm>>)
      tpu.yield
    }) : () -> ()
    %mul3A_103 = arith.constant 640 : i32
    %mul3A_104 = arith.muli %arg1, %mul3A_103 : i32
    %add3A_105 = arith.constant 128 : i32
    %add3A_106 = arith.addi %mul3A_104, %add3A_105 : i32
    "tpu.region"() ({
      %run_scoped3A = tpu.sem_alloc : memref<!tpu.dma_semaphore, #tpu.memory_space<semaphore_mem>>
      %dma_start3A_135 = arith.constant 0 : i32
      %dma_start3A_136 = tpu.memref_slice %arg6[%arg0, %add3A_106, %dma_start3A_135] : memref<2x10240x128xf32, #tpu.memory_space<hbm>> -> memref<1x64x128xf32, #tpu.memory_space<hbm>>
      %dma_start3A_137 = tpu.memref_squeeze %dma_start3A_136 : memref<1x64x128xf32, #tpu.memory_space<hbm>> -> memref<64x128xf32, #tpu.memory_space<hbm>>
      %dma_start3A_138 = arith.constant 0 : i32
      %dma_start3A_139 = tpu.memref_slice %arg15[%add3A_106, %dma_start3A_138] : memref<10240x128xf32, #tpu.memory_space<vmem_shared>> -> memref<64x128xf32, #tpu.memory_space<vmem_shared>>
      tpu.enqueue_dma source(%dma_start3A_139 : memref<64x128xf32, #tpu.memory_space<vmem_shared>>) target(%dma_start3A_137 : memref<64x128xf32, #tpu.memory_space<hbm>>) target_semaphore(%run_scoped3A : memref<!tpu.dma_semaphore, #tpu.memory_space<semaphore_mem>>)
      %dma_wait3A_140 = arith.constant 0 : i32
      %dma_wait3A_141 = tpu.memref_slice %arg6[%arg0, %add3A_106, %dma_wait3A_140] : memref<2x10240x128xf32, #tpu.memory_space<hbm>> -> memref<1x64x128xf32, #tpu.memory_space<hbm>>
      %dma_wait3A_142 = tpu.memref_squeeze %dma_wait3A_141 : memref<1x64x128xf32, #tpu.memory_space<hbm>> -> memref<64x128xf32, #tpu.memory_space<hbm>>
      %dma_wait3A_143 = arith.constant 0 : i32
      %dma_wait3A_144 = tpu.memref_slice %arg15[%add3A_106, %dma_wait3A_143] : memref<10240x128xf32, #tpu.memory_space<vmem_shared>> -> memref<64x128xf32, #tpu.memory_space<vmem_shared>>
      tpu.wait_dma2 semaphore(%run_scoped3A : memref<!tpu.dma_semaphore, #tpu.memory_space<semaphore_mem>>) src(%dma_wait3A_144 : memref<64x128xf32, #tpu.memory_space<vmem_shared>>) dst(%dma_wait3A_142 : memref<64x128xf32, #tpu.memory_space<hbm>>)
      tpu.yield
    }) : () -> ()
    %mul3A_107 = arith.constant 640 : i32
    %mul3A_108 = arith.muli %arg1, %mul3A_107 : i32
    %add3A_109 = arith.constant 192 : i32
    %add3A_110 = arith.addi %mul3A_108, %add3A_109 : i32
    "tpu.region"() ({
      %run_scoped3A = tpu.sem_alloc : memref<!tpu.dma_semaphore, #tpu.memory_space<semaphore_mem>>
      %dma_start3A_135 = arith.constant 0 : i32
      %dma_start3A_136 = tpu.memref_slice %arg6[%arg0, %add3A_110, %dma_start3A_135] : memref<2x10240x128xf32, #tpu.memory_space<hbm>> -> memref<1x64x128xf32, #tpu.memory_space<hbm>>
      %dma_start3A_137 = tpu.memref_squeeze %dma_start3A_136 : memref<1x64x128xf32, #tpu.memory_space<hbm>> -> memref<64x128xf32, #tpu.memory_space<hbm>>
      %dma_start3A_138 = arith.constant 0 : i32
      %dma_start3A_139 = tpu.memref_slice %arg15[%add3A_110, %dma_start3A_138] : memref<10240x128xf32, #tpu.memory_space<vmem_shared>> -> memref<64x128xf32, #tpu.memory_space<vmem_shared>>
      tpu.enqueue_dma source(%dma_start3A_139 : memref<64x128xf32, #tpu.memory_space<vmem_shared>>) target(%dma_start3A_137 : memref<64x128xf32, #tpu.memory_space<hbm>>) target_semaphore(%run_scoped3A : memref<!tpu.dma_semaphore, #tpu.memory_space<semaphore_mem>>)
      %dma_wait3A_140 = arith.constant 0 : i32
      %dma_wait3A_141 = tpu.memref_slice %arg6[%arg0, %add3A_110, %dma_wait3A_140] : memref<2x10240x128xf32, #tpu.memory_space<hbm>> -> memref<1x64x128xf32, #tpu.memory_space<hbm>>
      %dma_wait3A_142 = tpu.memref_squeeze %dma_wait3A_141 : memref<1x64x128xf32, #tpu.memory_space<hbm>> -> memref<64x128xf32, #tpu.memory_space<hbm>>
      %dma_wait3A_143 = arith.constant 0 : i32
      %dma_wait3A_144 = tpu.memref_slice %arg15[%add3A_110, %dma_wait3A_143] : memref<10240x128xf32, #tpu.memory_space<vmem_shared>> -> memref<64x128xf32, #tpu.memory_space<vmem_shared>>
      tpu.wait_dma2 semaphore(%run_scoped3A : memref<!tpu.dma_semaphore, #tpu.memory_space<semaphore_mem>>) src(%dma_wait3A_144 : memref<64x128xf32, #tpu.memory_space<vmem_shared>>) dst(%dma_wait3A_142 : memref<64x128xf32, #tpu.memory_space<hbm>>)
      tpu.yield
    }) : () -> ()
    %mul3A_111 = arith.constant 640 : i32
    %mul3A_112 = arith.muli %arg1, %mul3A_111 : i32
    %add3A_113 = arith.constant 256 : i32
    %add3A_114 = arith.addi %mul3A_112, %add3A_113 : i32
    "tpu.region"() ({
      %run_scoped3A = tpu.sem_alloc : memref<!tpu.dma_semaphore, #tpu.memory_space<semaphore_mem>>
      %dma_start3A_135 = arith.constant 0 : i32
      %dma_start3A_136 = tpu.memref_slice %arg6[%arg0, %add3A_114, %dma_start3A_135] : memref<2x10240x128xf32, #tpu.memory_space<hbm>> -> memref<1x64x128xf32, #tpu.memory_space<hbm>>
      %dma_start3A_137 = tpu.memref_squeeze %dma_start3A_136 : memref<1x64x128xf32, #tpu.memory_space<hbm>> -> memref<64x128xf32, #tpu.memory_space<hbm>>
      %dma_start3A_138 = arith.constant 0 : i32
      %dma_start3A_139 = tpu.memref_slice %arg15[%add3A_114, %dma_start3A_138] : memref<10240x128xf32, #tpu.memory_space<vmem_shared>> -> memref<64x128xf32, #tpu.memory_space<vmem_shared>>
      tpu.enqueue_dma source(%dma_start3A_139 : memref<64x128xf32, #tpu.memory_space<vmem_shared>>) target(%dma_start3A_137 : memref<64x128xf32, #tpu.memory_space<hbm>>) target_semaphore(%run_scoped3A : memref<!tpu.dma_semaphore, #tpu.memory_space<semaphore_mem>>)
      %dma_wait3A_140 = arith.constant 0 : i32
      %dma_wait3A_141 = tpu.memref_slice %arg6[%arg0, %add3A_114, %dma_wait3A_140] : memref<2x10240x128xf32, #tpu.memory_space<hbm>> -> memref<1x64x128xf32, #tpu.memory_space<hbm>>
      %dma_wait3A_142 = tpu.memref_squeeze %dma_wait3A_141 : memref<1x64x128xf32, #tpu.memory_space<hbm>> -> memref<64x128xf32, #tpu.memory_space<hbm>>
      %dma_wait3A_143 = arith.constant 0 : i32
      %dma_wait3A_144 = tpu.memref_slice %arg15[%add3A_114, %dma_wait3A_143] : memref<10240x128xf32, #tpu.memory_space<vmem_shared>> -> memref<64x128xf32, #tpu.memory_space<vmem_shared>>
      tpu.wait_dma2 semaphore(%run_scoped3A : memref<!tpu.dma_semaphore, #tpu.memory_space<semaphore_mem>>) src(%dma_wait3A_144 : memref<64x128xf32, #tpu.memory_space<vmem_shared>>) dst(%dma_wait3A_142 : memref<64x128xf32, #tpu.memory_space<hbm>>)
      tpu.yield
    }) : () -> ()
    %mul3A_115 = arith.constant 640 : i32
    %mul3A_116 = arith.muli %arg1, %mul3A_115 : i32
    %add3A_117 = arith.constant 320 : i32
    %add3A_118 = arith.addi %mul3A_116, %add3A_117 : i32
    "tpu.region"() ({
      %run_scoped3A = tpu.sem_alloc : memref<!tpu.dma_semaphore, #tpu.memory_space<semaphore_mem>>
      %dma_start3A_135 = arith.constant 0 : i32
      %dma_start3A_136 = tpu.memref_slice %arg6[%arg0, %add3A_118, %dma_start3A_135] : memref<2x10240x128xf32, #tpu.memory_space<hbm>> -> memref<1x64x128xf32, #tpu.memory_space<hbm>>
      %dma_start3A_137 = tpu.memref_squeeze %dma_start3A_136 : memref<1x64x128xf32, #tpu.memory_space<hbm>> -> memref<64x128xf32, #tpu.memory_space<hbm>>
      %dma_start3A_138 = arith.constant 0 : i32
      %dma_start3A_139 = tpu.memref_slice %arg15[%add3A_118, %dma_start3A_138] : memref<10240x128xf32, #tpu.memory_space<vmem_shared>> -> memref<64x128xf32, #tpu.memory_space<vmem_shared>>
      tpu.enqueue_dma source(%dma_start3A_139 : memref<64x128xf32, #tpu.memory_space<vmem_shared>>) target(%dma_start3A_137 : memref<64x128xf32, #tpu.memory_space<hbm>>) target_semaphore(%run_scoped3A : memref<!tpu.dma_semaphore, #tpu.memory_space<semaphore_mem>>)
      %dma_wait3A_140 = arith.constant 0 : i32
      %dma_wait3A_141 = tpu.memref_slice %arg6[%arg0, %add3A_118, %dma_wait3A_140] : memref<2x10240x128xf32, #tpu.memory_space<hbm>> -> memref<1x64x128xf32, #tpu.memory_space<hbm>>
      %dma_wait3A_142 = tpu.memref_squeeze %dma_wait3A_141 : memref<1x64x128xf32, #tpu.memory_space<hbm>> -> memref<64x128xf32, #tpu.memory_space<hbm>>
      %dma_wait3A_143 = arith.constant 0 : i32
      %dma_wait3A_144 = tpu.memref_slice %arg15[%add3A_118, %dma_wait3A_143] : memref<10240x128xf32, #tpu.memory_space<vmem_shared>> -> memref<64x128xf32, #tpu.memory_space<vmem_shared>>
      tpu.wait_dma2 semaphore(%run_scoped3A : memref<!tpu.dma_semaphore, #tpu.memory_space<semaphore_mem>>) src(%dma_wait3A_144 : memref<64x128xf32, #tpu.memory_space<vmem_shared>>) dst(%dma_wait3A_142 : memref<64x128xf32, #tpu.memory_space<hbm>>)
      tpu.yield
    }) : () -> ()
    %mul3A_119 = arith.constant 640 : i32
    %mul3A_120 = arith.muli %arg1, %mul3A_119 : i32
    %add3A_121 = arith.constant 384 : i32
    %add3A_122 = arith.addi %mul3A_120, %add3A_121 : i32
    "tpu.region"() ({
      %run_scoped3A = tpu.sem_alloc : memref<!tpu.dma_semaphore, #tpu.memory_space<semaphore_mem>>
      %dma_start3A_135 = arith.constant 0 : i32
      %dma_start3A_136 = tpu.memref_slice %arg6[%arg0, %add3A_122, %dma_start3A_135] : memref<2x10240x128xf32, #tpu.memory_space<hbm>> -> memref<1x64x128xf32, #tpu.memory_space<hbm>>
      %dma_start3A_137 = tpu.memref_squeeze %dma_start3A_136 : memref<1x64x128xf32, #tpu.memory_space<hbm>> -> memref<64x128xf32, #tpu.memory_space<hbm>>
      %dma_start3A_138 = arith.constant 0 : i32
      %dma_start3A_139 = tpu.memref_slice %arg15[%add3A_122, %dma_start3A_138] : memref<10240x128xf32, #tpu.memory_space<vmem_shared>> -> memref<64x128xf32, #tpu.memory_space<vmem_shared>>
      tpu.enqueue_dma source(%dma_start3A_139 : memref<64x128xf32, #tpu.memory_space<vmem_shared>>) target(%dma_start3A_137 : memref<64x128xf32, #tpu.memory_space<hbm>>) target_semaphore(%run_scoped3A : memref<!tpu.dma_semaphore, #tpu.memory_space<semaphore_mem>>)
      %dma_wait3A_140 = arith.constant 0 : i32
      %dma_wait3A_141 = tpu.memref_slice %arg6[%arg0, %add3A_122, %dma_wait3A_140] : memref<2x10240x128xf32, #tpu.memory_space<hbm>> -> memref<1x64x128xf32, #tpu.memory_space<hbm>>
      %dma_wait3A_142 = tpu.memref_squeeze %dma_wait3A_141 : memref<1x64x128xf32, #tpu.memory_space<hbm>> -> memref<64x128xf32, #tpu.memory_space<hbm>>
      %dma_wait3A_143 = arith.constant 0 : i32
      %dma_wait3A_144 = tpu.memref_slice %arg15[%add3A_122, %dma_wait3A_143] : memref<10240x128xf32, #tpu.memory_space<vmem_shared>> -> memref<64x128xf32, #tpu.memory_space<vmem_shared>>
      tpu.wait_dma2 semaphore(%run_scoped3A : memref<!tpu.dma_semaphore, #tpu.memory_space<semaphore_mem>>) src(%dma_wait3A_144 : memref<64x128xf32, #tpu.memory_space<vmem_shared>>) dst(%dma_wait3A_142 : memref<64x128xf32, #tpu.memory_space<hbm>>)
      tpu.yield
    }) : () -> ()
    %mul3A_123 = arith.constant 640 : i32
    %mul3A_124 = arith.muli %arg1, %mul3A_123 : i32
    %add3A_125 = arith.constant 448 : i32
    %add3A_126 = arith.addi %mul3A_124, %add3A_125 : i32
    "tpu.region"() ({
      %run_scoped3A = tpu.sem_alloc : memref<!tpu.dma_semaphore, #tpu.memory_space<semaphore_mem>>
      %dma_start3A_135 = arith.constant 0 : i32
      %dma_start3A_136 = tpu.memref_slice %arg6[%arg0, %add3A_126, %dma_start3A_135] : memref<2x10240x128xf32, #tpu.memory_space<hbm>> -> memref<1x64x128xf32, #tpu.memory_space<hbm>>
      %dma_start3A_137 = tpu.memref_squeeze %dma_start3A_136 : memref<1x64x128xf32, #tpu.memory_space<hbm>> -> memref<64x128xf32, #tpu.memory_space<hbm>>
      %dma_start3A_138 = arith.constant 0 : i32
      %dma_start3A_139 = tpu.memref_slice %arg15[%add3A_126, %dma_start3A_138] : memref<10240x128xf32, #tpu.memory_space<vmem_shared>> -> memref<64x128xf32, #tpu.memory_space<vmem_shared>>
      tpu.enqueue_dma source(%dma_start3A_139 : memref<64x128xf32, #tpu.memory_space<vmem_shared>>) target(%dma_start3A_137 : memref<64x128xf32, #tpu.memory_space<hbm>>) target_semaphore(%run_scoped3A : memref<!tpu.dma_semaphore, #tpu.memory_space<semaphore_mem>>)
      %dma_wait3A_140 = arith.constant 0 : i32
      %dma_wait3A_141 = tpu.memref_slice %arg6[%arg0, %add3A_126, %dma_wait3A_140] : memref<2x10240x128xf32, #tpu.memory_space<hbm>> -> memref<1x64x128xf32, #tpu.memory_space<hbm>>
      %dma_wait3A_142 = tpu.memref_squeeze %dma_wait3A_141 : memref<1x64x128xf32, #tpu.memory_space<hbm>> -> memref<64x128xf32, #tpu.memory_space<hbm>>
      %dma_wait3A_143 = arith.constant 0 : i32
      %dma_wait3A_144 = tpu.memref_slice %arg15[%add3A_126, %dma_wait3A_143] : memref<10240x128xf32, #tpu.memory_space<vmem_shared>> -> memref<64x128xf32, #tpu.memory_space<vmem_shared>>
      tpu.wait_dma2 semaphore(%run_scoped3A : memref<!tpu.dma_semaphore, #tpu.memory_space<semaphore_mem>>) src(%dma_wait3A_144 : memref<64x128xf32, #tpu.memory_space<vmem_shared>>) dst(%dma_wait3A_142 : memref<64x128xf32, #tpu.memory_space<hbm>>)
      tpu.yield
    }) : () -> ()
    %mul3A_127 = arith.constant 640 : i32
    %mul3A_128 = arith.muli %arg1, %mul3A_127 : i32
    %add3A_129 = arith.constant 512 : i32
    %add3A_130 = arith.addi %mul3A_128, %add3A_129 : i32
    "tpu.region"() ({
      %run_scoped3A = tpu.sem_alloc : memref<!tpu.dma_semaphore, #tpu.memory_space<semaphore_mem>>
      %dma_start3A_135 = arith.constant 0 : i32
      %dma_start3A_136 = tpu.memref_slice %arg6[%arg0, %add3A_130, %dma_start3A_135] : memref<2x10240x128xf32, #tpu.memory_space<hbm>> -> memref<1x64x128xf32, #tpu.memory_space<hbm>>
      %dma_start3A_137 = tpu.memref_squeeze %dma_start3A_136 : memref<1x64x128xf32, #tpu.memory_space<hbm>> -> memref<64x128xf32, #tpu.memory_space<hbm>>
      %dma_start3A_138 = arith.constant 0 : i32
      %dma_start3A_139 = tpu.memref_slice %arg15[%add3A_130, %dma_start3A_138] : memref<10240x128xf32, #tpu.memory_space<vmem_shared>> -> memref<64x128xf32, #tpu.memory_space<vmem_shared>>
      tpu.enqueue_dma source(%dma_start3A_139 : memref<64x128xf32, #tpu.memory_space<vmem_shared>>) target(%dma_start3A_137 : memref<64x128xf32, #tpu.memory_space<hbm>>) target_semaphore(%run_scoped3A : memref<!tpu.dma_semaphore, #tpu.memory_space<semaphore_mem>>)
      %dma_wait3A_140 = arith.constant 0 : i32
      %dma_wait3A_141 = tpu.memref_slice %arg6[%arg0, %add3A_130, %dma_wait3A_140] : memref<2x10240x128xf32, #tpu.memory_space<hbm>> -> memref<1x64x128xf32, #tpu.memory_space<hbm>>
      %dma_wait3A_142 = tpu.memref_squeeze %dma_wait3A_141 : memref<1x64x128xf32, #tpu.memory_space<hbm>> -> memref<64x128xf32, #tpu.memory_space<hbm>>
      %dma_wait3A_143 = arith.constant 0 : i32
      %dma_wait3A_144 = tpu.memref_slice %arg15[%add3A_130, %dma_wait3A_143] : memref<10240x128xf32, #tpu.memory_space<vmem_shared>> -> memref<64x128xf32, #tpu.memory_space<vmem_shared>>
      tpu.wait_dma2 semaphore(%run_scoped3A : memref<!tpu.dma_semaphore, #tpu.memory_space<semaphore_mem>>) src(%dma_wait3A_144 : memref<64x128xf32, #tpu.memory_space<vmem_shared>>) dst(%dma_wait3A_142 : memref<64x128xf32, #tpu.memory_space<hbm>>)
      tpu.yield
    }) : () -> ()
    %mul3A_131 = arith.constant 640 : i32
    %mul3A_132 = arith.muli %arg1, %mul3A_131 : i32
    %add3A_133 = arith.constant 576 : i32
    %add3A_134 = arith.addi %mul3A_132, %add3A_133 : i32
    "tpu.region"() ({
      %run_scoped3A = tpu.sem_alloc : memref<!tpu.dma_semaphore, #tpu.memory_space<semaphore_mem>>
      %dma_start3A_135 = arith.constant 0 : i32
      %dma_start3A_136 = tpu.memref_slice %arg6[%arg0, %add3A_134, %dma_start3A_135] : memref<2x10240x128xf32, #tpu.memory_space<hbm>> -> memref<1x64x128xf32, #tpu.memory_space<hbm>>
      %dma_start3A_137 = tpu.memref_squeeze %dma_start3A_136 : memref<1x64x128xf32, #tpu.memory_space<hbm>> -> memref<64x128xf32, #tpu.memory_space<hbm>>
      %dma_start3A_138 = arith.constant 0 : i32
      %dma_start3A_139 = tpu.memref_slice %arg15[%add3A_134, %dma_start3A_138] : memref<10240x128xf32, #tpu.memory_space<vmem_shared>> -> memref<64x128xf32, #tpu.memory_space<vmem_shared>>
      tpu.enqueue_dma source(%dma_start3A_139 : memref<64x128xf32, #tpu.memory_space<vmem_shared>>) target(%dma_start3A_137 : memref<64x128xf32, #tpu.memory_space<hbm>>) target_semaphore(%run_scoped3A : memref<!tpu.dma_semaphore, #tpu.memory_space<semaphore_mem>>)
      %dma_wait3A_140 = arith.constant 0 : i32
      %dma_wait3A_141 = tpu.memref_slice %arg6[%arg0, %add3A_134, %dma_wait3A_140] : memref<2x10240x128xf32, #tpu.memory_space<hbm>> -> memref<1x64x128xf32, #tpu.memory_space<hbm>>
      %dma_wait3A_142 = tpu.memref_squeeze %dma_wait3A_141 : memref<1x64x128xf32, #tpu.memory_space<hbm>> -> memref<64x128xf32, #tpu.memory_space<hbm>>
      %dma_wait3A_143 = arith.constant 0 : i32
      %dma_wait3A_144 = tpu.memref_slice %arg15[%add3A_134, %dma_wait3A_143] : memref<10240x128xf32, #tpu.memory_space<vmem_shared>> -> memref<64x128xf32, #tpu.memory_space<vmem_shared>>
      tpu.wait_dma2 semaphore(%run_scoped3A : memref<!tpu.dma_semaphore, #tpu.memory_space<semaphore_mem>>) src(%dma_wait3A_144 : memref<64x128xf32, #tpu.memory_space<vmem_shared>>) dst(%dma_wait3A_142 : memref<64x128xf32, #tpu.memory_space<hbm>>)
      tpu.yield
    }) : () -> ()
    return
  }
}

#map = affine_map<(d0, d1) -> (0, 0)>
#map1 = affine_map<(d0, d1) -> (0)>
#map2 = affine_map<(d0, d1) -> (0, 0, 0)>
module attributes {stable_mosaic.version = 14 : i64} {
  func.func @k(%arg0: i32, %arg1: i32, %arg2: memref<10000x128xf32, #tpu.memory_space<hbm>>, %arg3: memref<643072x128xf32, #tpu.memory_space<hbm>>, %arg4: memref<643072xi32, #tpu.memory_space<hbm>>, %arg5: memref<643072xi32, #tpu.memory_space<hbm>>, %arg6: memref<2x10240x128xf32, #tpu.memory_space<hbm>>, %arg7: memref<64xi32, #tpu.memory_space<vmem>>, %arg8: memref<64xi32, #tpu.memory_space<vmem>>, %arg9: memref<64xi32, #tpu.memory_space<vmem>>, %arg10: memref<64xi32, #tpu.memory_space<vmem>>, %arg11: memref<64x128xf32, #tpu.memory_space<vmem>>, %arg12: memref<64x128xf32, #tpu.memory_space<vmem>>, %arg13: memref<64x128xf32, #tpu.memory_space<vmem>>, %arg14: memref<64x128xf32, #tpu.memory_space<vmem>>, %arg15: memref<10240x128xf32, #tpu.memory_space<vmem_shared>>, %arg16: memref<!tpu.dma_semaphore, #tpu.memory_space<semaphore_mem>>, %arg17: memref<!tpu.dma_semaphore, #tpu.memory_space<semaphore_mem>>, %arg18: memref<!tpu.dma_semaphore, #tpu.memory_space<semaphore_mem>>, %arg19: memref<!tpu.dma_semaphore, #tpu.memory_space<semaphore_mem>>, %arg20: memref<!tpu.dma_semaphore, #tpu.memory_space<semaphore_mem>>, %arg21: memref<!tpu.dma_semaphore, #tpu.memory_space<semaphore_mem>>, %arg22: memref<!tpu.dma_semaphore, #tpu.memory_space<semaphore_mem>>, %arg23: memref<!tpu.dma_semaphore, #tpu.memory_space<semaphore_mem>>) attributes {dimension_semantics = [#tpu.dimension_semantics<core_parallel>, #tpu.dimension_semantics<subcore_parallel>], iteration_bounds = array<i64: 2, 16>, scalar_prefetch = 0 : i64, scratch_operands = 17 : i64, tpu.core_type = #tpu.core_type<sc_vector_subcore>, window_params = [{transform_indices = #map}, {transform_indices = #map}, {transform_indices = #map1}, {transform_indices = #map1}, {transform_indices = #map2}]} {
    %mul3A = arith.constant 16 : i32
    %mul3A_0 = arith.muli %arg0, %mul3A : i32
    %add3A = arith.addi %mul3A_0, %arg1 : i32
    %mul3A_1 = arith.constant 20096 : i32
    %mul3A_2 = arith.muli %add3A, %mul3A_1 : i32
    %scan3A = arith.constant 0 : i32
    %scan3A_3 = arith.constant 0 : i32
    %scan3A_4 = arith.constant 64 : i32
    %scan3A_5 = arith.addi %scan3A_3, %scan3A_4 : i32
    %scan3A_6 = arith.constant 1 : i32
    scf.for %scan3A_135 = %scan3A_3 to %scan3A_5 step %scan3A_6  : i32 {
      %broadcast_in_dim3A = arith.constant 0.000000e+00 : f32
      %broadcast_in_dim3A_136 = vector.broadcast %broadcast_in_dim3A : f32 to vector<16xf32>
      %swap3A = arith.index_cast %scan3A_135 : i32 to index
      %swap3A_137 = arith.constant 0 : index
      %swap3A_138 = tpu.vector_load %arg12[%swap3A, %swap3A_137] {strides = array<i32>} : memref<64x128xf32, #tpu.memory_space<vmem>>, vector<1x16xf32>,
      %swap3A_139 = vector.shape_cast %swap3A_138 : vector<1x16xf32> to vector<16xf32>
      %swap3A_140 = vector.shape_cast %broadcast_in_dim3A_136 : vector<16xf32> to vector<1x16xf32>
      tpu.vector_store %arg12[%swap3A, %swap3A_137], %swap3A_140 {strides = array<i32>} : memref<64x128xf32, #tpu.memory_space<vmem>>, vector<1x16xf32>,
      %broadcast_in_dim3A_141 = arith.constant 0.000000e+00 : f32
      %broadcast_in_dim3A_142 = vector.broadcast %broadcast_in_dim3A_141 : f32 to vector<16xf32>
      %swap3A_143 = arith.index_cast %scan3A_135 : i32 to index
      %swap3A_144 = arith.constant 16 : index
      %swap3A_145 = tpu.vector_load %arg12[%swap3A_143, %swap3A_144] {strides = array<i32>} : memref<64x128xf32, #tpu.memory_space<vmem>>, vector<1x16xf32>,
      %swap3A_146 = vector.shape_cast %swap3A_145 : vector<1x16xf32> to vector<16xf32>
      %swap3A_147 = vector.shape_cast %broadcast_in_dim3A_142 : vector<16xf32> to vector<1x16xf32>
      tpu.vector_store %arg12[%swap3A_143, %swap3A_144], %swap3A_147 {strides = array<i32>} : memref<64x128xf32, #tpu.memory_space<vmem>>, vector<1x16xf32>,
      %broadcast_in_dim3A_148 = arith.constant 0.000000e+00 : f32
      %broadcast_in_dim3A_149 = vector.broadcast %broadcast_in_dim3A_148 : f32 to vector<16xf32>
      %swap3A_150 = arith.index_cast %scan3A_135 : i32 to index
      %swap3A_151 = arith.constant 32 : index
      %swap3A_152 = tpu.vector_load %arg12[%swap3A_150, %swap3A_151] {strides = array<i32>} : memref<64x128xf32, #tpu.memory_space<vmem>>, vector<1x16xf32>,
      %swap3A_153 = vector.shape_cast %swap3A_152 : vector<1x16xf32> to vector<16xf32>
      %swap3A_154 = vector.shape_cast %broadcast_in_dim3A_149 : vector<16xf32> to vector<1x16xf32>
      tpu.vector_store %arg12[%swap3A_150, %swap3A_151], %swap3A_154 {strides = array<i32>} : memref<64x128xf32, #tpu.memory_space<vmem>>, vector<1x16xf32>,
      %broadcast_in_dim3A_155 = arith.constant 0.000000e+00 : f32
      %broadcast_in_dim3A_156 = vector.broadcast %broadcast_in_dim3A_155 : f32 to vector<16xf32>
      %swap3A_157 = arith.index_cast %scan3A_135 : i32 to index
      %swap3A_158 = arith.constant 48 : index
      %swap3A_159 = tpu.vector_load %arg12[%swap3A_157, %swap3A_158] {strides = array<i32>} : memref<64x128xf32, #tpu.memory_space<vmem>>, vector<1x16xf32>,
      %swap3A_160 = vector.shape_cast %swap3A_159 : vector<1x16xf32> to vector<16xf32>
      %swap3A_161 = vector.shape_cast %broadcast_in_dim3A_156 : vector<16xf32> to vector<1x16xf32>
      tpu.vector_store %arg12[%swap3A_157, %swap3A_158], %swap3A_161 {strides = array<i32>} : memref<64x128xf32, #tpu.memory_space<vmem>>, vector<1x16xf32>,
      %broadcast_in_dim3A_162 = arith.constant 0.000000e+00 : f32
      %broadcast_in_dim3A_163 = vector.broadcast %broadcast_in_dim3A_162 : f32 to vector<16xf32>
      %swap3A_164 = arith.index_cast %scan3A_135 : i32 to index
      %swap3A_165 = arith.constant 64 : index
      %swap3A_166 = tpu.vector_load %arg12[%swap3A_164, %swap3A_165] {strides = array<i32>} : memref<64x128xf32, #tpu.memory_space<vmem>>, vector<1x16xf32>,
      %swap3A_167 = vector.shape_cast %swap3A_166 : vector<1x16xf32> to vector<16xf32>
      %swap3A_168 = vector.shape_cast %broadcast_in_dim3A_163 : vector<16xf32> to vector<1x16xf32>
      tpu.vector_store %arg12[%swap3A_164, %swap3A_165], %swap3A_168 {strides = array<i32>} : memref<64x128xf32, #tpu.memory_space<vmem>>, vector<1x16xf32>,
      %broadcast_in_dim3A_169 = arith.constant 0.000000e+00 : f32
      %broadcast_in_dim3A_170 = vector.broadcast %broadcast_in_dim3A_169 : f32 to vector<16xf32>
      %swap3A_171 = arith.index_cast %scan3A_135 : i32 to index
      %swap3A_172 = arith.constant 80 : index
      %swap3A_173 = tpu.vector_load %arg12[%swap3A_171, %swap3A_172] {strides = array<i32>} : memref<64x128xf32, #tpu.memory_space<vmem>>, vector<1x16xf32>,
      %swap3A_174 = vector.shape_cast %swap3A_173 : vector<1x16xf32> to vector<16xf32>
      %swap3A_175 = vector.shape_cast %broadcast_in_dim3A_170 : vector<16xf32> to vector<1x16xf32>
      tpu.vector_store %arg12[%swap3A_171, %swap3A_172], %swap3A_175 {strides = array<i32>} : memref<64x128xf32, #tpu.memory_space<vmem>>, vector<1x16xf32>,
      %broadcast_in_dim3A_176 = arith.constant 0.000000e+00 : f32
      %broadcast_in_dim3A_177 = vector.broadcast %broadcast_in_dim3A_176 : f32 to vector<16xf32>
      %swap3A_178 = arith.index_cast %scan3A_135 : i32 to index
      %swap3A_179 = arith.constant 96 : index
      %swap3A_180 = tpu.vector_load %arg12[%swap3A_178, %swap3A_179] {strides = array<i32>} : memref<64x128xf32, #tpu.memory_space<vmem>>, vector<1x16xf32>,
      %swap3A_181 = vector.shape_cast %swap3A_180 : vector<1x16xf32> to vector<16xf32>
      %swap3A_182 = vector.shape_cast %broadcast_in_dim3A_177 : vector<16xf32> to vector<1x16xf32>
      tpu.vector_store %arg12[%swap3A_178, %swap3A_179], %swap3A_182 {strides = array<i32>} : memref<64x128xf32, #tpu.memory_space<vmem>>, vector<1x16xf32>,
      %broadcast_in_dim3A_183 = arith.constant 0.000000e+00 : f32
      %broadcast_in_dim3A_184 = vector.broadcast %broadcast_in_dim3A_183 : f32 to vector<16xf32>
      %swap3A_185 = arith.index_cast %scan3A_135 : i32 to index
      %swap3A_186 = arith.constant 112 : index
      %swap3A_187 = tpu.vector_load %arg12[%swap3A_185, %swap3A_186] {strides = array<i32>} : memref<64x128xf32, #tpu.memory_space<vmem>>, vector<1x16xf32>,
      %swap3A_188 = vector.shape_cast %swap3A_187 : vector<1x16xf32> to vector<16xf32>
      %swap3A_189 = vector.shape_cast %broadcast_in_dim3A_184 : vector<16xf32> to vector<1x16xf32>
      tpu.vector_store %arg12[%swap3A_185, %swap3A_186], %swap3A_189 {strides = array<i32>} : memref<64x128xf32, #tpu.memory_space<vmem>>, vector<1x16xf32>,
    }
    %scan3A_7 = arith.constant 64 : i32
    %mul3A_8 = arith.constant 640 : i32
    %mul3A_9 = arith.muli %arg1, %mul3A_8 : i32
    %add3A_10 = arith.constant 0 : i32
    %add3A_11 = arith.addi %mul3A_9, %add3A_10 : i32
    "tpu.region"() ({
      %run_scoped3A = tpu.sem_alloc : memref<!tpu.dma_semaphore, #tpu.memory_space<semaphore_mem>>
      %dma_start3A_135 = arith.constant 0 : i32
      %dma_start3A_136 = arith.constant 0 : i32
      %dma_start3A_137 = tpu.memref_slice %arg12[%dma_start3A_135, %dma_start3A_136] : memref<64x128xf32, #tpu.memory_space<vmem>> -> memref<64x128xf32, #tpu.memory_space<vmem>>
      %dma_start3A_138 = arith.constant 0 : i32
      %dma_start3A_139 = tpu.memref_slice %arg15[%add3A_11, %dma_start3A_138] : memref<10240x128xf32, #tpu.memory_space<vmem_shared>> -> memref<64x128xf32, #tpu.memory_space<vmem_shared>>
      %dma_start3A_140 = arith.constant 0 : i32
      %dma_start3A_141 = tpu.memref_slice %arg15[%add3A_11, %dma_start3A_140] : memref<10240x128xf32, #tpu.memory_space<vmem_shared>> -> memref<64x128xf32, #tpu.memory_space<vmem_shared>>
      %dma_start3A_142 = arith.constant 0 : i32
      %dma_start3A_143 = arith.constant 0 : i32
      %dma_start3A_144 = tpu.memref_slice %arg12[%dma_start3A_142, %dma_start3A_143] : memref<64x128xf32, #tpu.memory_space<vmem>> -> memref<64x128xf32, #tpu.memory_space<vmem>>
      tpu.enqueue_dma source(%dma_start3A_144 : memref<64x128xf32, #tpu.memory_space<vmem>>) target(%dma_start3A_141 : memref<64x128xf32, #tpu.memory_space<vmem_shared>>) target_semaphore(%run_scoped3A : memref<!tpu.dma_semaphore, #tpu.memory_space<semaphore_mem>>)
      %dma_wait3A_145 = arith.constant 0 : i32
      %dma_wait3A_146 = arith.constant 0 : i32
      %dma_wait3A_147 = tpu.memref_slice %arg12[%dma_wait3A_145, %dma_wait3A_146] : memref<64x128xf32, #tpu.memory_space<vmem>> -> memref<64x128xf32, #tpu.memory_space<vmem>>
      %dma_wait3A_148 = arith.constant 0 : i32
      %dma_wait3A_149 = tpu.memref_slice %arg15[%add3A_11, %dma_wait3A_148] : memref<10240x128xf32, #tpu.memory_space<vmem_shared>> -> memref<64x128xf32, #tpu.memory_space<vmem_shared>>
      %dma_wait3A_150 = arith.constant 0 : i32
      %dma_wait3A_151 = tpu.memref_slice %arg15[%add3A_11, %dma_wait3A_150] : memref<10240x128xf32, #tpu.memory_space<vmem_shared>> -> memref<64x128xf32, #tpu.memory_space<vmem_shared>>
      %dma_wait3A_152 = arith.constant 0 : i32
      %dma_wait3A_153 = arith.constant 0 : i32
      %dma_wait3A_154 = tpu.memref_slice %arg12[%dma_wait3A_152, %dma_wait3A_153] : memref<64x128xf32, #tpu.memory_space<vmem>> -> memref<64x128xf32, #tpu.memory_space<vmem>>
      tpu.wait_dma2 semaphore(%run_scoped3A : memref<!tpu.dma_semaphore, #tpu.memory_space<semaphore_mem>>) src(%dma_wait3A_154 : memref<64x128xf32, #tpu.memory_space<vmem>>) dst(%dma_wait3A_151 : memref<64x128xf32, #tpu.memory_space<vmem_shared>>)
      tpu.yield
    }) : () -> ()
    %mul3A_12 = arith.constant 640 : i32
    %mul3A_13 = arith.muli %arg1, %mul3A_12 : i32
    %add3A_14 = arith.constant 64 : i32
    %add3A_15 = arith.addi %mul3A_13, %add3A_14 : i32
    "tpu.region"() ({
      %run_scoped3A = tpu.sem_alloc : memref<!tpu.dma_semaphore, #tpu.memory_space<semaphore_mem>>
      %dma_start3A_135 = arith.constant 0 : i32
      %dma_start3A_136 = arith.constant 0 : i32
      %dma_start3A_137 = tpu.memref_slice %arg12[%dma_start3A_135, %dma_start3A_136] : memref<64x128xf32, #tpu.memory_space<vmem>> -> memref<64x128xf32, #tpu.memory_space<vmem>>
      %dma_start3A_138 = arith.constant 0 : i32
      %dma_start3A_139 = tpu.memref_slice %arg15[%add3A_15, %dma_start3A_138] : memref<10240x128xf32, #tpu.memory_space<vmem_shared>> -> memref<64x128xf32, #tpu.memory_space<vmem_shared>>
      %dma_start3A_140 = arith.constant 0 : i32
      %dma_start3A_141 = tpu.memref_slice %arg15[%add3A_15, %dma_start3A_140] : memref<10240x128xf32, #tpu.memory_space<vmem_shared>> -> memref<64x128xf32, #tpu.memory_space<vmem_shared>>
      %dma_start3A_142 = arith.constant 0 : i32
      %dma_start3A_143 = arith.constant 0 : i32
      %dma_start3A_144 = tpu.memref_slice %arg12[%dma_start3A_142, %dma_start3A_143] : memref<64x128xf32, #tpu.memory_space<vmem>> -> memref<64x128xf32, #tpu.memory_space<vmem>>
      tpu.enqueue_dma source(%dma_start3A_144 : memref<64x128xf32, #tpu.memory_space<vmem>>) target(%dma_start3A_141 : memref<64x128xf32, #tpu.memory_space<vmem_shared>>) target_semaphore(%run_scoped3A : memref<!tpu.dma_semaphore, #tpu.memory_space<semaphore_mem>>)
      %dma_wait3A_145 = arith.constant 0 : i32
      %dma_wait3A_146 = arith.constant 0 : i32
      %dma_wait3A_147 = tpu.memref_slice %arg12[%dma_wait3A_145, %dma_wait3A_146] : memref<64x128xf32, #tpu.memory_space<vmem>> -> memref<64x128xf32, #tpu.memory_space<vmem>>
      %dma_wait3A_148 = arith.constant 0 : i32
      %dma_wait3A_149 = tpu.memref_slice %arg15[%add3A_15, %dma_wait3A_148] : memref<10240x128xf32, #tpu.memory_space<vmem_shared>> -> memref<64x128xf32, #tpu.memory_space<vmem_shared>>
      %dma_wait3A_150 = arith.constant 0 : i32
      %dma_wait3A_151 = tpu.memref_slice %arg15[%add3A_15, %dma_wait3A_150] : memref<10240x128xf32, #tpu.memory_space<vmem_shared>> -> memref<64x128xf32, #tpu.memory_space<vmem_shared>>
      %dma_wait3A_152 = arith.constant 0 : i32
      %dma_wait3A_153 = arith.constant 0 : i32
      %dma_wait3A_154 = tpu.memref_slice %arg12[%dma_wait3A_152, %dma_wait3A_153] : memref<64x128xf32, #tpu.memory_space<vmem>> -> memref<64x128xf32, #tpu.memory_space<vmem>>
      tpu.wait_dma2 semaphore(%run_scoped3A : memref<!tpu.dma_semaphore, #tpu.memory_space<semaphore_mem>>) src(%dma_wait3A_154 : memref<64x128xf32, #tpu.memory_space<vmem>>) dst(%dma_wait3A_151 : memref<64x128xf32, #tpu.memory_space<vmem_shared>>)
      tpu.yield
    }) : () -> ()
    %mul3A_16 = arith.constant 640 : i32
    %mul3A_17 = arith.muli %arg1, %mul3A_16 : i32
    %add3A_18 = arith.constant 128 : i32
    %add3A_19 = arith.addi %mul3A_17, %add3A_18 : i32
    "tpu.region"() ({
      %run_scoped3A = tpu.sem_alloc : memref<!tpu.dma_semaphore, #tpu.memory_space<semaphore_mem>>
      %dma_start3A_135 = arith.constant 0 : i32
      %dma_start3A_136 = arith.constant 0 : i32
      %dma_start3A_137 = tpu.memref_slice %arg12[%dma_start3A_135, %dma_start3A_136] : memref<64x128xf32, #tpu.memory_space<vmem>> -> memref<64x128xf32, #tpu.memory_space<vmem>>
      %dma_start3A_138 = arith.constant 0 : i32
      %dma_start3A_139 = tpu.memref_slice %arg15[%add3A_19, %dma_start3A_138] : memref<10240x128xf32, #tpu.memory_space<vmem_shared>> -> memref<64x128xf32, #tpu.memory_space<vmem_shared>>
      %dma_start3A_140 = arith.constant 0 : i32
      %dma_start3A_141 = tpu.memref_slice %arg15[%add3A_19, %dma_start3A_140] : memref<10240x128xf32, #tpu.memory_space<vmem_shared>> -> memref<64x128xf32, #tpu.memory_space<vmem_shared>>
      %dma_start3A_142 = arith.constant 0 : i32
      %dma_start3A_143 = arith.constant 0 : i32
      %dma_start3A_144 = tpu.memref_slice %arg12[%dma_start3A_142, %dma_start3A_143] : memref<64x128xf32, #tpu.memory_space<vmem>> -> memref<64x128xf32, #tpu.memory_space<vmem>>
      tpu.enqueue_dma source(%dma_start3A_144 : memref<64x128xf32, #tpu.memory_space<vmem>>) target(%dma_start3A_141 : memref<64x128xf32, #tpu.memory_space<vmem_shared>>) target_semaphore(%run_scoped3A : memref<!tpu.dma_semaphore, #tpu.memory_space<semaphore_mem>>)
      %dma_wait3A_145 = arith.constant 0 : i32
      %dma_wait3A_146 = arith.constant 0 : i32
      %dma_wait3A_147 = tpu.memref_slice %arg12[%dma_wait3A_145, %dma_wait3A_146] : memref<64x128xf32, #tpu.memory_space<vmem>> -> memref<64x128xf32, #tpu.memory_space<vmem>>
      %dma_wait3A_148 = arith.constant 0 : i32
      %dma_wait3A_149 = tpu.memref_slice %arg15[%add3A_19, %dma_wait3A_148] : memref<10240x128xf32, #tpu.memory_space<vmem_shared>> -> memref<64x128xf32, #tpu.memory_space<vmem_shared>>
      %dma_wait3A_150 = arith.constant 0 : i32
      %dma_wait3A_151 = tpu.memref_slice %arg15[%add3A_19, %dma_wait3A_150] : memref<10240x128xf32, #tpu.memory_space<vmem_shared>> -> memref<64x128xf32, #tpu.memory_space<vmem_shared>>
      %dma_wait3A_152 = arith.constant 0 : i32
      %dma_wait3A_153 = arith.constant 0 : i32
      %dma_wait3A_154 = tpu.memref_slice %arg12[%dma_wait3A_152, %dma_wait3A_153] : memref<64x128xf32, #tpu.memory_space<vmem>> -> memref<64x128xf32, #tpu.memory_space<vmem>>
      tpu.wait_dma2 semaphore(%run_scoped3A : memref<!tpu.dma_semaphore, #tpu.memory_space<semaphore_mem>>) src(%dma_wait3A_154 : memref<64x128xf32, #tpu.memory_space<vmem>>) dst(%dma_wait3A_151 : memref<64x128xf32, #tpu.memory_space<vmem_shared>>)
      tpu.yield
    }) : () -> ()
    %mul3A_20 = arith.constant 640 : i32
    %mul3A_21 = arith.muli %arg1, %mul3A_20 : i32
    %add3A_22 = arith.constant 192 : i32
    %add3A_23 = arith.addi %mul3A_21, %add3A_22 : i32
    "tpu.region"() ({
      %run_scoped3A = tpu.sem_alloc : memref<!tpu.dma_semaphore, #tpu.memory_space<semaphore_mem>>
      %dma_start3A_135 = arith.constant 0 : i32
      %dma_start3A_136 = arith.constant 0 : i32
      %dma_start3A_137 = tpu.memref_slice %arg12[%dma_start3A_135, %dma_start3A_136] : memref<64x128xf32, #tpu.memory_space<vmem>> -> memref<64x128xf32, #tpu.memory_space<vmem>>
      %dma_start3A_138 = arith.constant 0 : i32
      %dma_start3A_139 = tpu.memref_slice %arg15[%add3A_23, %dma_start3A_138] : memref<10240x128xf32, #tpu.memory_space<vmem_shared>> -> memref<64x128xf32, #tpu.memory_space<vmem_shared>>
      %dma_start3A_140 = arith.constant 0 : i32
      %dma_start3A_141 = tpu.memref_slice %arg15[%add3A_23, %dma_start3A_140] : memref<10240x128xf32, #tpu.memory_space<vmem_shared>> -> memref<64x128xf32, #tpu.memory_space<vmem_shared>>
      %dma_start3A_142 = arith.constant 0 : i32
      %dma_start3A_143 = arith.constant 0 : i32
      %dma_start3A_144 = tpu.memref_slice %arg12[%dma_start3A_142, %dma_start3A_143] : memref<64x128xf32, #tpu.memory_space<vmem>> -> memref<64x128xf32, #tpu.memory_space<vmem>>
      tpu.enqueue_dma source(%dma_start3A_144 : memref<64x128xf32, #tpu.memory_space<vmem>>) target(%dma_start3A_141 : memref<64x128xf32, #tpu.memory_space<vmem_shared>>) target_semaphore(%run_scoped3A : memref<!tpu.dma_semaphore, #tpu.memory_space<semaphore_mem>>)
      %dma_wait3A_145 = arith.constant 0 : i32
      %dma_wait3A_146 = arith.constant 0 : i32
      %dma_wait3A_147 = tpu.memref_slice %arg12[%dma_wait3A_145, %dma_wait3A_146] : memref<64x128xf32, #tpu.memory_space<vmem>> -> memref<64x128xf32, #tpu.memory_space<vmem>>
      %dma_wait3A_148 = arith.constant 0 : i32
      %dma_wait3A_149 = tpu.memref_slice %arg15[%add3A_23, %dma_wait3A_148] : memref<10240x128xf32, #tpu.memory_space<vmem_shared>> -> memref<64x128xf32, #tpu.memory_space<vmem_shared>>
      %dma_wait3A_150 = arith.constant 0 : i32
      %dma_wait3A_151 = tpu.memref_slice %arg15[%add3A_23, %dma_wait3A_150] : memref<10240x128xf32, #tpu.memory_space<vmem_shared>> -> memref<64x128xf32, #tpu.memory_space<vmem_shared>>
      %dma_wait3A_152 = arith.constant 0 : i32
      %dma_wait3A_153 = arith.constant 0 : i32
      %dma_wait3A_154 = tpu.memref_slice %arg12[%dma_wait3A_152, %dma_wait3A_153] : memref<64x128xf32, #tpu.memory_space<vmem>> -> memref<64x128xf32, #tpu.memory_space<vmem>>
      tpu.wait_dma2 semaphore(%run_scoped3A : memref<!tpu.dma_semaphore, #tpu.memory_space<semaphore_mem>>) src(%dma_wait3A_154 : memref<64x128xf32, #tpu.memory_space<vmem>>) dst(%dma_wait3A_151 : memref<64x128xf32, #tpu.memory_space<vmem_shared>>)
      tpu.yield
    }) : () -> ()
    %mul3A_24 = arith.constant 640 : i32
    %mul3A_25 = arith.muli %arg1, %mul3A_24 : i32
    %add3A_26 = arith.constant 256 : i32
    %add3A_27 = arith.addi %mul3A_25, %add3A_26 : i32
    "tpu.region"() ({
      %run_scoped3A = tpu.sem_alloc : memref<!tpu.dma_semaphore, #tpu.memory_space<semaphore_mem>>
      %dma_start3A_135 = arith.constant 0 : i32
      %dma_start3A_136 = arith.constant 0 : i32
      %dma_start3A_137 = tpu.memref_slice %arg12[%dma_start3A_135, %dma_start3A_136] : memref<64x128xf32, #tpu.memory_space<vmem>> -> memref<64x128xf32, #tpu.memory_space<vmem>>
      %dma_start3A_138 = arith.constant 0 : i32
      %dma_start3A_139 = tpu.memref_slice %arg15[%add3A_27, %dma_start3A_138] : memref<10240x128xf32, #tpu.memory_space<vmem_shared>> -> memref<64x128xf32, #tpu.memory_space<vmem_shared>>
      %dma_start3A_140 = arith.constant 0 : i32
      %dma_start3A_141 = tpu.memref_slice %arg15[%add3A_27, %dma_start3A_140] : memref<10240x128xf32, #tpu.memory_space<vmem_shared>> -> memref<64x128xf32, #tpu.memory_space<vmem_shared>>
      %dma_start3A_142 = arith.constant 0 : i32
      %dma_start3A_143 = arith.constant 0 : i32
      %dma_start3A_144 = tpu.memref_slice %arg12[%dma_start3A_142, %dma_start3A_143] : memref<64x128xf32, #tpu.memory_space<vmem>> -> memref<64x128xf32, #tpu.memory_space<vmem>>
      tpu.enqueue_dma source(%dma_start3A_144 : memref<64x128xf32, #tpu.memory_space<vmem>>) target(%dma_start3A_141 : memref<64x128xf32, #tpu.memory_space<vmem_shared>>) target_semaphore(%run_scoped3A : memref<!tpu.dma_semaphore, #tpu.memory_space<semaphore_mem>>)
      %dma_wait3A_145 = arith.constant 0 : i32
      %dma_wait3A_146 = arith.constant 0 : i32
      %dma_wait3A_147 = tpu.memref_slice %arg12[%dma_wait3A_145, %dma_wait3A_146] : memref<64x128xf32, #tpu.memory_space<vmem>> -> memref<64x128xf32, #tpu.memory_space<vmem>>
      %dma_wait3A_148 = arith.constant 0 : i32
      %dma_wait3A_149 = tpu.memref_slice %arg15[%add3A_27, %dma_wait3A_148] : memref<10240x128xf32, #tpu.memory_space<vmem_shared>> -> memref<64x128xf32, #tpu.memory_space<vmem_shared>>
      %dma_wait3A_150 = arith.constant 0 : i32
      %dma_wait3A_151 = tpu.memref_slice %arg15[%add3A_27, %dma_wait3A_150] : memref<10240x128xf32, #tpu.memory_space<vmem_shared>> -> memref<64x128xf32, #tpu.memory_space<vmem_shared>>
      %dma_wait3A_152 = arith.constant 0 : i32
      %dma_wait3A_153 = arith.constant 0 : i32
      %dma_wait3A_154 = tpu.memref_slice %arg12[%dma_wait3A_152, %dma_wait3A_153] : memref<64x128xf32, #tpu.memory_space<vmem>> -> memref<64x128xf32, #tpu.memory_space<vmem>>
      tpu.wait_dma2 semaphore(%run_scoped3A : memref<!tpu.dma_semaphore, #tpu.memory_space<semaphore_mem>>) src(%dma_wait3A_154 : memref<64x128xf32, #tpu.memory_space<vmem>>) dst(%dma_wait3A_151 : memref<64x128xf32, #tpu.memory_space<vmem_shared>>)
      tpu.yield
    }) : () -> ()
    %mul3A_28 = arith.constant 640 : i32
    %mul3A_29 = arith.muli %arg1, %mul3A_28 : i32
    %add3A_30 = arith.constant 320 : i32
    %add3A_31 = arith.addi %mul3A_29, %add3A_30 : i32
    "tpu.region"() ({
      %run_scoped3A = tpu.sem_alloc : memref<!tpu.dma_semaphore, #tpu.memory_space<semaphore_mem>>
      %dma_start3A_135 = arith.constant 0 : i32
      %dma_start3A_136 = arith.constant 0 : i32
      %dma_start3A_137 = tpu.memref_slice %arg12[%dma_start3A_135, %dma_start3A_136] : memref<64x128xf32, #tpu.memory_space<vmem>> -> memref<64x128xf32, #tpu.memory_space<vmem>>
      %dma_start3A_138 = arith.constant 0 : i32
      %dma_start3A_139 = tpu.memref_slice %arg15[%add3A_31, %dma_start3A_138] : memref<10240x128xf32, #tpu.memory_space<vmem_shared>> -> memref<64x128xf32, #tpu.memory_space<vmem_shared>>
      %dma_start3A_140 = arith.constant 0 : i32
      %dma_start3A_141 = tpu.memref_slice %arg15[%add3A_31, %dma_start3A_140] : memref<10240x128xf32, #tpu.memory_space<vmem_shared>> -> memref<64x128xf32, #tpu.memory_space<vmem_shared>>
      %dma_start3A_142 = arith.constant 0 : i32
      %dma_start3A_143 = arith.constant 0 : i32
      %dma_start3A_144 = tpu.memref_slice %arg12[%dma_start3A_142, %dma_start3A_143] : memref<64x128xf32, #tpu.memory_space<vmem>> -> memref<64x128xf32, #tpu.memory_space<vmem>>
      tpu.enqueue_dma source(%dma_start3A_144 : memref<64x128xf32, #tpu.memory_space<vmem>>) target(%dma_start3A_141 : memref<64x128xf32, #tpu.memory_space<vmem_shared>>) target_semaphore(%run_scoped3A : memref<!tpu.dma_semaphore, #tpu.memory_space<semaphore_mem>>)
      %dma_wait3A_145 = arith.constant 0 : i32
      %dma_wait3A_146 = arith.constant 0 : i32
      %dma_wait3A_147 = tpu.memref_slice %arg12[%dma_wait3A_145, %dma_wait3A_146] : memref<64x128xf32, #tpu.memory_space<vmem>> -> memref<64x128xf32, #tpu.memory_space<vmem>>
      %dma_wait3A_148 = arith.constant 0 : i32
      %dma_wait3A_149 = tpu.memref_slice %arg15[%add3A_31, %dma_wait3A_148] : memref<10240x128xf32, #tpu.memory_space<vmem_shared>> -> memref<64x128xf32, #tpu.memory_space<vmem_shared>>
      %dma_wait3A_150 = arith.constant 0 : i32
      %dma_wait3A_151 = tpu.memref_slice %arg15[%add3A_31, %dma_wait3A_150] : memref<10240x128xf32, #tpu.memory_space<vmem_shared>> -> memref<64x128xf32, #tpu.memory_space<vmem_shared>>
      %dma_wait3A_152 = arith.constant 0 : i32
      %dma_wait3A_153 = arith.constant 0 : i32
      %dma_wait3A_154 = tpu.memref_slice %arg12[%dma_wait3A_152, %dma_wait3A_153] : memref<64x128xf32, #tpu.memory_space<vmem>> -> memref<64x128xf32, #tpu.memory_space<vmem>>
      tpu.wait_dma2 semaphore(%run_scoped3A : memref<!tpu.dma_semaphore, #tpu.memory_space<semaphore_mem>>) src(%dma_wait3A_154 : memref<64x128xf32, #tpu.memory_space<vmem>>) dst(%dma_wait3A_151 : memref<64x128xf32, #tpu.memory_space<vmem_shared>>)
      tpu.yield
    }) : () -> ()
    %mul3A_32 = arith.constant 640 : i32
    %mul3A_33 = arith.muli %arg1, %mul3A_32 : i32
    %add3A_34 = arith.constant 384 : i32
    %add3A_35 = arith.addi %mul3A_33, %add3A_34 : i32
    "tpu.region"() ({
      %run_scoped3A = tpu.sem_alloc : memref<!tpu.dma_semaphore, #tpu.memory_space<semaphore_mem>>
      %dma_start3A_135 = arith.constant 0 : i32
      %dma_start3A_136 = arith.constant 0 : i32
      %dma_start3A_137 = tpu.memref_slice %arg12[%dma_start3A_135, %dma_start3A_136] : memref<64x128xf32, #tpu.memory_space<vmem>> -> memref<64x128xf32, #tpu.memory_space<vmem>>
      %dma_start3A_138 = arith.constant 0 : i32
      %dma_start3A_139 = tpu.memref_slice %arg15[%add3A_35, %dma_start3A_138] : memref<10240x128xf32, #tpu.memory_space<vmem_shared>> -> memref<64x128xf32, #tpu.memory_space<vmem_shared>>
      %dma_start3A_140 = arith.constant 0 : i32
      %dma_start3A_141 = tpu.memref_slice %arg15[%add3A_35, %dma_start3A_140] : memref<10240x128xf32, #tpu.memory_space<vmem_shared>> -> memref<64x128xf32, #tpu.memory_space<vmem_shared>>
      %dma_start3A_142 = arith.constant 0 : i32
      %dma_start3A_143 = arith.constant 0 : i32
      %dma_start3A_144 = tpu.memref_slice %arg12[%dma_start3A_142, %dma_start3A_143] : memref<64x128xf32, #tpu.memory_space<vmem>> -> memref<64x128xf32, #tpu.memory_space<vmem>>
      tpu.enqueue_dma source(%dma_start3A_144 : memref<64x128xf32, #tpu.memory_space<vmem>>) target(%dma_start3A_141 : memref<64x128xf32, #tpu.memory_space<vmem_shared>>) target_semaphore(%run_scoped3A : memref<!tpu.dma_semaphore, #tpu.memory_space<semaphore_mem>>)
      %dma_wait3A_145 = arith.constant 0 : i32
      %dma_wait3A_146 = arith.constant 0 : i32
      %dma_wait3A_147 = tpu.memref_slice %arg12[%dma_wait3A_145, %dma_wait3A_146] : memref<64x128xf32, #tpu.memory_space<vmem>> -> memref<64x128xf32, #tpu.memory_space<vmem>>
      %dma_wait3A_148 = arith.constant 0 : i32
      %dma_wait3A_149 = tpu.memref_slice %arg15[%add3A_35, %dma_wait3A_148] : memref<10240x128xf32, #tpu.memory_space<vmem_shared>> -> memref<64x128xf32, #tpu.memory_space<vmem_shared>>
      %dma_wait3A_150 = arith.constant 0 : i32
      %dma_wait3A_151 = tpu.memref_slice %arg15[%add3A_35, %dma_wait3A_150] : memref<10240x128xf32, #tpu.memory_space<vmem_shared>> -> memref<64x128xf32, #tpu.memory_space<vmem_shared>>
      %dma_wait3A_152 = arith.constant 0 : i32
      %dma_wait3A_153 = arith.constant 0 : i32
      %dma_wait3A_154 = tpu.memref_slice %arg12[%dma_wait3A_152, %dma_wait3A_153] : memref<64x128xf32, #tpu.memory_space<vmem>> -> memref<64x128xf32, #tpu.memory_space<vmem>>
      tpu.wait_dma2 semaphore(%run_scoped3A : memref<!tpu.dma_semaphore, #tpu.memory_space<semaphore_mem>>) src(%dma_wait3A_154 : memref<64x128xf32, #tpu.memory_space<vmem>>) dst(%dma_wait3A_151 : memref<64x128xf32, #tpu.memory_space<vmem_shared>>)
      tpu.yield
    }) : () -> ()
    %mul3A_36 = arith.constant 640 : i32
    %mul3A_37 = arith.muli %arg1, %mul3A_36 : i32
    %add3A_38 = arith.constant 448 : i32
    %add3A_39 = arith.addi %mul3A_37, %add3A_38 : i32
    "tpu.region"() ({
      %run_scoped3A = tpu.sem_alloc : memref<!tpu.dma_semaphore, #tpu.memory_space<semaphore_mem>>
      %dma_start3A_135 = arith.constant 0 : i32
      %dma_start3A_136 = arith.constant 0 : i32
      %dma_start3A_137 = tpu.memref_slice %arg12[%dma_start3A_135, %dma_start3A_136] : memref<64x128xf32, #tpu.memory_space<vmem>> -> memref<64x128xf32, #tpu.memory_space<vmem>>
      %dma_start3A_138 = arith.constant 0 : i32
      %dma_start3A_139 = tpu.memref_slice %arg15[%add3A_39, %dma_start3A_138] : memref<10240x128xf32, #tpu.memory_space<vmem_shared>> -> memref<64x128xf32, #tpu.memory_space<vmem_shared>>
      %dma_start3A_140 = arith.constant 0 : i32
      %dma_start3A_141 = tpu.memref_slice %arg15[%add3A_39, %dma_start3A_140] : memref<10240x128xf32, #tpu.memory_space<vmem_shared>> -> memref<64x128xf32, #tpu.memory_space<vmem_shared>>
      %dma_start3A_142 = arith.constant 0 : i32
      %dma_start3A_143 = arith.constant 0 : i32
      %dma_start3A_144 = tpu.memref_slice %arg12[%dma_start3A_142, %dma_start3A_143] : memref<64x128xf32, #tpu.memory_space<vmem>> -> memref<64x128xf32, #tpu.memory_space<vmem>>
      tpu.enqueue_dma source(%dma_start3A_144 : memref<64x128xf32, #tpu.memory_space<vmem>>) target(%dma_start3A_141 : memref<64x128xf32, #tpu.memory_space<vmem_shared>>) target_semaphore(%run_scoped3A : memref<!tpu.dma_semaphore, #tpu.memory_space<semaphore_mem>>)
      %dma_wait3A_145 = arith.constant 0 : i32
      %dma_wait3A_146 = arith.constant 0 : i32
      %dma_wait3A_147 = tpu.memref_slice %arg12[%dma_wait3A_145, %dma_wait3A_146] : memref<64x128xf32, #tpu.memory_space<vmem>> -> memref<64x128xf32, #tpu.memory_space<vmem>>
      %dma_wait3A_148 = arith.constant 0 : i32
      %dma_wait3A_149 = tpu.memref_slice %arg15[%add3A_39, %dma_wait3A_148] : memref<10240x128xf32, #tpu.memory_space<vmem_shared>> -> memref<64x128xf32, #tpu.memory_space<vmem_shared>>
      %dma_wait3A_150 = arith.constant 0 : i32
      %dma_wait3A_151 = tpu.memref_slice %arg15[%add3A_39, %dma_wait3A_150] : memref<10240x128xf32, #tpu.memory_space<vmem_shared>> -> memref<64x128xf32, #tpu.memory_space<vmem_shared>>
      %dma_wait3A_152 = arith.constant 0 : i32
      %dma_wait3A_153 = arith.constant 0 : i32
      %dma_wait3A_154 = tpu.memref_slice %arg12[%dma_wait3A_152, %dma_wait3A_153] : memref<64x128xf32, #tpu.memory_space<vmem>> -> memref<64x128xf32, #tpu.memory_space<vmem>>
      tpu.wait_dma2 semaphore(%run_scoped3A : memref<!tpu.dma_semaphore, #tpu.memory_space<semaphore_mem>>) src(%dma_wait3A_154 : memref<64x128xf32, #tpu.memory_space<vmem>>) dst(%dma_wait3A_151 : memref<64x128xf32, #tpu.memory_space<vmem_shared>>)
      tpu.yield
    }) : () -> ()
    %mul3A_40 = arith.constant 640 : i32
    %mul3A_41 = arith.muli %arg1, %mul3A_40 : i32
    %add3A_42 = arith.constant 512 : i32
    %add3A_43 = arith.addi %mul3A_41, %add3A_42 : i32
    "tpu.region"() ({
      %run_scoped3A = tpu.sem_alloc : memref<!tpu.dma_semaphore, #tpu.memory_space<semaphore_mem>>
      %dma_start3A_135 = arith.constant 0 : i32
      %dma_start3A_136 = arith.constant 0 : i32
      %dma_start3A_137 = tpu.memref_slice %arg12[%dma_start3A_135, %dma_start3A_136] : memref<64x128xf32, #tpu.memory_space<vmem>> -> memref<64x128xf32, #tpu.memory_space<vmem>>
      %dma_start3A_138 = arith.constant 0 : i32
      %dma_start3A_139 = tpu.memref_slice %arg15[%add3A_43, %dma_start3A_138] : memref<10240x128xf32, #tpu.memory_space<vmem_shared>> -> memref<64x128xf32, #tpu.memory_space<vmem_shared>>
      %dma_start3A_140 = arith.constant 0 : i32
      %dma_start3A_141 = tpu.memref_slice %arg15[%add3A_43, %dma_start3A_140] : memref<10240x128xf32, #tpu.memory_space<vmem_shared>> -> memref<64x128xf32, #tpu.memory_space<vmem_shared>>
      %dma_start3A_142 = arith.constant 0 : i32
      %dma_start3A_143 = arith.constant 0 : i32
      %dma_start3A_144 = tpu.memref_slice %arg12[%dma_start3A_142, %dma_start3A_143] : memref<64x128xf32, #tpu.memory_space<vmem>> -> memref<64x128xf32, #tpu.memory_space<vmem>>
      tpu.enqueue_dma source(%dma_start3A_144 : memref<64x128xf32, #tpu.memory_space<vmem>>) target(%dma_start3A_141 : memref<64x128xf32, #tpu.memory_space<vmem_shared>>) target_semaphore(%run_scoped3A : memref<!tpu.dma_semaphore, #tpu.memory_space<semaphore_mem>>)
      %dma_wait3A_145 = arith.constant 0 : i32
      %dma_wait3A_146 = arith.constant 0 : i32
      %dma_wait3A_147 = tpu.memref_slice %arg12[%dma_wait3A_145, %dma_wait3A_146] : memref<64x128xf32, #tpu.memory_space<vmem>> -> memref<64x128xf32, #tpu.memory_space<vmem>>
      %dma_wait3A_148 = arith.constant 0 : i32
      %dma_wait3A_149 = tpu.memref_slice %arg15[%add3A_43, %dma_wait3A_148] : memref<10240x128xf32, #tpu.memory_space<vmem_shared>> -> memref<64x128xf32, #tpu.memory_space<vmem_shared>>
      %dma_wait3A_150 = arith.constant 0 : i32
      %dma_wait3A_151 = tpu.memref_slice %arg15[%add3A_43, %dma_wait3A_150] : memref<10240x128xf32, #tpu.memory_space<vmem_shared>> -> memref<64x128xf32, #tpu.memory_space<vmem_shared>>
      %dma_wait3A_152 = arith.constant 0 : i32
      %dma_wait3A_153 = arith.constant 0 : i32
      %dma_wait3A_154 = tpu.memref_slice %arg12[%dma_wait3A_152, %dma_wait3A_153] : memref<64x128xf32, #tpu.memory_space<vmem>> -> memref<64x128xf32, #tpu.memory_space<vmem>>
      tpu.wait_dma2 semaphore(%run_scoped3A : memref<!tpu.dma_semaphore, #tpu.memory_space<semaphore_mem>>) src(%dma_wait3A_154 : memref<64x128xf32, #tpu.memory_space<vmem>>) dst(%dma_wait3A_151 : memref<64x128xf32, #tpu.memory_space<vmem_shared>>)
      tpu.yield
    }) : () -> ()
    %mul3A_44 = arith.constant 640 : i32
    %mul3A_45 = arith.muli %arg1, %mul3A_44 : i32
    %add3A_46 = arith.constant 576 : i32
    %add3A_47 = arith.addi %mul3A_45, %add3A_46 : i32
    "tpu.region"() ({
      %run_scoped3A = tpu.sem_alloc : memref<!tpu.dma_semaphore, #tpu.memory_space<semaphore_mem>>
      %dma_start3A_135 = arith.constant 0 : i32
      %dma_start3A_136 = arith.constant 0 : i32
      %dma_start3A_137 = tpu.memref_slice %arg12[%dma_start3A_135, %dma_start3A_136] : memref<64x128xf32, #tpu.memory_space<vmem>> -> memref<64x128xf32, #tpu.memory_space<vmem>>
      %dma_start3A_138 = arith.constant 0 : i32
      %dma_start3A_139 = tpu.memref_slice %arg15[%add3A_47, %dma_start3A_138] : memref<10240x128xf32, #tpu.memory_space<vmem_shared>> -> memref<64x128xf32, #tpu.memory_space<vmem_shared>>
      %dma_start3A_140 = arith.constant 0 : i32
      %dma_start3A_141 = tpu.memref_slice %arg15[%add3A_47, %dma_start3A_140] : memref<10240x128xf32, #tpu.memory_space<vmem_shared>> -> memref<64x128xf32, #tpu.memory_space<vmem_shared>>
      %dma_start3A_142 = arith.constant 0 : i32
      %dma_start3A_143 = arith.constant 0 : i32
      %dma_start3A_144 = tpu.memref_slice %arg12[%dma_start3A_142, %dma_start3A_143] : memref<64x128xf32, #tpu.memory_space<vmem>> -> memref<64x128xf32, #tpu.memory_space<vmem>>
      tpu.enqueue_dma source(%dma_start3A_144 : memref<64x128xf32, #tpu.memory_space<vmem>>) target(%dma_start3A_141 : memref<64x128xf32, #tpu.memory_space<vmem_shared>>) target_semaphore(%run_scoped3A : memref<!tpu.dma_semaphore, #tpu.memory_space<semaphore_mem>>)
      %dma_wait3A_145 = arith.constant 0 : i32
      %dma_wait3A_146 = arith.constant 0 : i32
      %dma_wait3A_147 = tpu.memref_slice %arg12[%dma_wait3A_145, %dma_wait3A_146] : memref<64x128xf32, #tpu.memory_space<vmem>> -> memref<64x128xf32, #tpu.memory_space<vmem>>
      %dma_wait3A_148 = arith.constant 0 : i32
      %dma_wait3A_149 = tpu.memref_slice %arg15[%add3A_47, %dma_wait3A_148] : memref<10240x128xf32, #tpu.memory_space<vmem_shared>> -> memref<64x128xf32, #tpu.memory_space<vmem_shared>>
      %dma_wait3A_150 = arith.constant 0 : i32
      %dma_wait3A_151 = tpu.memref_slice %arg15[%add3A_47, %dma_wait3A_150] : memref<10240x128xf32, #tpu.memory_space<vmem_shared>> -> memref<64x128xf32, #tpu.memory_space<vmem_shared>>
      %dma_wait3A_152 = arith.constant 0 : i32
      %dma_wait3A_153 = arith.constant 0 : i32
      %dma_wait3A_154 = tpu.memref_slice %arg12[%dma_wait3A_152, %dma_wait3A_153] : memref<64x128xf32, #tpu.memory_space<vmem>> -> memref<64x128xf32, #tpu.memory_space<vmem>>
      tpu.wait_dma2 semaphore(%run_scoped3A : memref<!tpu.dma_semaphore, #tpu.memory_space<semaphore_mem>>) src(%dma_wait3A_154 : memref<64x128xf32, #tpu.memory_space<vmem>>) dst(%dma_wait3A_151 : memref<64x128xf32, #tpu.memory_space<vmem_shared>>)
      tpu.yield
    }) : () -> ()
    %barrier3A = arith.constant 0 : index
    tpu.barrier barrier_id(%barrier3A)
    %add3A_48 = arith.constant 0 : i32
    %add3A_49 = arith.addi %mul3A_2, %add3A_48 : i32
    %dma_start3A = tpu.memref_slice %arg4[%add3A_49] : memref<643072xi32, #tpu.memory_space<hbm>> -> memref<64xi32, #tpu.memory_space<hbm>>
    %dma_start3A_50 = tpu.memref_slice %arg4[%add3A_49] : memref<643072xi32, #tpu.memory_space<hbm>> -> memref<64xi32, #tpu.memory_space<hbm>>
    tpu.enqueue_dma source(%dma_start3A_50 : memref<64xi32, #tpu.memory_space<hbm>>) target(%arg7 : memref<64xi32, #tpu.memory_space<vmem>>) target_semaphore(%arg16 : memref<!tpu.dma_semaphore, #tpu.memory_space<semaphore_mem>>)
    %add3A_51 = arith.constant 0 : i32
    %add3A_52 = arith.addi %mul3A_2, %add3A_51 : i32
    %dma_start3A_53 = tpu.memref_slice %arg5[%add3A_52] : memref<643072xi32, #tpu.memory_space<hbm>> -> memref<64xi32, #tpu.memory_space<hbm>>
    %dma_start3A_54 = tpu.memref_slice %arg5[%add3A_52] : memref<643072xi32, #tpu.memory_space<hbm>> -> memref<64xi32, #tpu.memory_space<hbm>>
    tpu.enqueue_dma source(%dma_start3A_54 : memref<64xi32, #tpu.memory_space<hbm>>) target(%arg8 : memref<64xi32, #tpu.memory_space<vmem>>) target_semaphore(%arg17 : memref<!tpu.dma_semaphore, #tpu.memory_space<semaphore_mem>>)
    %add3A_55 = arith.constant 0 : i32
    %add3A_56 = arith.addi %mul3A_2, %add3A_55 : i32
    %dma_start3A_57 = arith.constant 0 : i32
    %dma_start3A_58 = tpu.memref_slice %arg3[%add3A_56, %dma_start3A_57] : memref<643072x128xf32, #tpu.memory_space<hbm>> -> memref<64x128xf32, #tpu.memory_space<hbm>>
    %dma_start3A_59 = arith.constant 0 : i32
    %dma_start3A_60 = tpu.memref_slice %arg3[%add3A_56, %dma_start3A_59] : memref<643072x128xf32, #tpu.memory_space<hbm>> -> memref<64x128xf32, #tpu.memory_space<hbm>>
    tpu.enqueue_dma source(%dma_start3A_60 : memref<64x128xf32, #tpu.memory_space<hbm>>) target(%arg12 : memref<64x128xf32, #tpu.memory_space<vmem>>) target_semaphore(%arg19 : memref<!tpu.dma_semaphore, #tpu.memory_space<semaphore_mem>>)
    %add3A_61 = arith.constant 64 : i32
    %add3A_62 = arith.addi %mul3A_2, %add3A_61 : i32
    %dma_start3A_63 = tpu.memref_slice %arg4[%add3A_62] : memref<643072xi32, #tpu.memory_space<hbm>> -> memref<64xi32, #tpu.memory_space<hbm>>
    %dma_start3A_64 = tpu.memref_slice %arg4[%add3A_62] : memref<643072xi32, #tpu.memory_space<hbm>> -> memref<64xi32, #tpu.memory_space<hbm>>
    tpu.enqueue_dma source(%dma_start3A_64 : memref<64xi32, #tpu.memory_space<hbm>>) target(%arg9 : memref<64xi32, #tpu.memory_space<vmem>>) target_semaphore(%arg20 : memref<!tpu.dma_semaphore, #tpu.memory_space<semaphore_mem>>)
    %add3A_65 = arith.constant 64 : i32
    %add3A_66 = arith.addi %mul3A_2, %add3A_65 : i32
    %dma_start3A_67 = tpu.memref_slice %arg5[%add3A_66] : memref<643072xi32, #tpu.memory_space<hbm>> -> memref<64xi32, #tpu.memory_space<hbm>>
    %dma_start3A_68 = tpu.memref_slice %arg5[%add3A_66] : memref<643072xi32, #tpu.memory_space<hbm>> -> memref<64xi32, #tpu.memory_space<hbm>>
    tpu.enqueue_dma source(%dma_start3A_68 : memref<64xi32, #tpu.memory_space<hbm>>) target(%arg10 : memref<64xi32, #tpu.memory_space<vmem>>) target_semaphore(%arg21 : memref<!tpu.dma_semaphore, #tpu.memory_space<semaphore_mem>>)
    %add3A_69 = arith.constant 64 : i32
    %add3A_70 = arith.addi %mul3A_2, %add3A_69 : i32
    %dma_start3A_71 = arith.constant 0 : i32
    %dma_start3A_72 = tpu.memref_slice %arg3[%add3A_70, %dma_start3A_71] : memref<643072x128xf32, #tpu.memory_space<hbm>> -> memref<64x128xf32, #tpu.memory_space<hbm>>
    %dma_start3A_73 = arith.constant 0 : i32
    %dma_start3A_74 = tpu.memref_slice %arg3[%add3A_70, %dma_start3A_73] : memref<643072x128xf32, #tpu.memory_space<hbm>> -> memref<64x128xf32, #tpu.memory_space<hbm>>
    tpu.enqueue_dma source(%dma_start3A_74 : memref<64x128xf32, #tpu.memory_space<hbm>>) target(%arg14 : memref<64x128xf32, #tpu.memory_space<vmem>>) target_semaphore(%arg23 : memref<!tpu.dma_semaphore, #tpu.memory_space<semaphore_mem>>)
    %add3A_75 = arith.constant 0 : i32
    %add3A_76 = arith.addi %mul3A_2, %add3A_75 : i32
    %dma_wait3A = tpu.memref_slice %arg4[%add3A_76] : memref<643072xi32, #tpu.memory_space<hbm>> -> memref<64xi32, #tpu.memory_space<hbm>>
    %dma_wait3A_77 = tpu.memref_slice %arg4[%add3A_76] : memref<643072xi32, #tpu.memory_space<hbm>> -> memref<64xi32, #tpu.memory_space<hbm>>
    tpu.wait_dma2 semaphore(%arg16 : memref<!tpu.dma_semaphore, #tpu.memory_space<semaphore_mem>>) src(%dma_wait3A_77 : memref<64xi32, #tpu.memory_space<hbm>>) dst(%arg7 : memref<64xi32, #tpu.memory_space<vmem>>)
    %dma_start3A_78 = arith.constant 0 : i32
    %dma_start3A_79 = arith.constant 0 : i32
    %dma_start3A_80 = tpu.memref_slice %arg2[%dma_start3A_78, %dma_start3A_79] : memref<10000x128xf32, #tpu.memory_space<hbm>> -> memref<10000x128xf32, #tpu.memory_space<hbm>>
    tpu.enqueue_indirect_dma source(%dma_start3A_80 : memref<10000x128xf32, #tpu.memory_space<hbm>>) target(%arg11 : memref<64x128xf32, #tpu.memory_space<vmem>>) offsets(%arg7 : memref<64xi32, #tpu.memory_space<vmem>>) semaphore(%arg18 : memref<!tpu.dma_semaphore, #tpu.memory_space<semaphore_mem>>)
    %add3A_81 = arith.constant 64 : i32
    %add3A_82 = arith.addi %mul3A_2, %add3A_81 : i32
    %dma_wait3A_83 = tpu.memref_slice %arg4[%add3A_82] : memref<643072xi32, #tpu.memory_space<hbm>> -> memref<64xi32, #tpu.memory_space<hbm>>
    %dma_wait3A_84 = tpu.memref_slice %arg4[%add3A_82] : memref<643072xi32, #tpu.memory_space<hbm>> -> memref<64xi32, #tpu.memory_space<hbm>>
    tpu.wait_dma2 semaphore(%arg20 : memref<!tpu.dma_semaphore, #tpu.memory_space<semaphore_mem>>) src(%dma_wait3A_84 : memref<64xi32, #tpu.memory_space<hbm>>) dst(%arg9 : memref<64xi32, #tpu.memory_space<vmem>>)
    %dma_start3A_85 = arith.constant 0 : i32
    %dma_start3A_86 = arith.constant 0 : i32
    %dma_start3A_87 = tpu.memref_slice %arg2[%dma_start3A_85, %dma_start3A_86] : memref<10000x128xf32, #tpu.memory_space<hbm>> -> memref<10000x128xf32, #tpu.memory_space<hbm>>
    tpu.enqueue_indirect_dma source(%dma_start3A_87 : memref<10000x128xf32, #tpu.memory_space<hbm>>) target(%arg13 : memref<64x128xf32, #tpu.memory_space<vmem>>) offsets(%arg9 : memref<64xi32, #tpu.memory_space<vmem>>) semaphore(%arg22 : memref<!tpu.dma_semaphore, #tpu.memory_space<semaphore_mem>>)
    %scan3A_88 = arith.constant 0 : i32
    %scan3A_89 = arith.constant 0 : i32
    %scan3A_90 = arith.constant 157 : i32
    %scan3A_91 = arith.addi %scan3A_89, %scan3A_90 : i32
    %scan3A_92 = arith.constant 1 : i32
    scf.for %scan3A_135 = %scan3A_89 to %scan3A_91 step %scan3A_92  : i32 {
      %mul3A_136 = arith.constant 2 : i32
      %mul3A_137 = arith.muli %mul3A_136, %scan3A_135 : i32
      %dma_wait3A_138 = arith.constant 0 : i32
      %dma_wait3A_139 = arith.constant 0 : i32
      %dma_wait3A_140 = tpu.memref_slice %arg2[%dma_wait3A_138, %dma_wait3A_139] : memref<10000x128xf32, #tpu.memory_space<hbm>> -> memref<10000x128xf32, #tpu.memory_space<hbm>>
      tpu.wait_indirect_dma semaphore(%arg18 : memref<!tpu.dma_semaphore, #tpu.memory_space<semaphore_mem>>) src(%dma_wait3A_140 : memref<10000x128xf32, #tpu.memory_space<hbm>>) dst(%arg11 : memref<64x128xf32, #tpu.memory_space<vmem>>)
      %mul3A_141 = arith.constant 64 : i32
      %mul3A_142 = arith.muli %mul3A_137, %mul3A_141 : i32
      %add3A_143 = arith.addi %mul3A_2, %mul3A_142 : i32
      %dma_wait3A_144 = arith.constant 0 : i32
      %dma_wait3A_145 = tpu.memref_slice %arg3[%add3A_143, %dma_wait3A_144] : memref<643072x128xf32, #tpu.memory_space<hbm>> -> memref<64x128xf32, #tpu.memory_space<hbm>>
      %dma_wait3A_146 = arith.constant 0 : i32
      %dma_wait3A_147 = tpu.memref_slice %arg3[%add3A_143, %dma_wait3A_146] : memref<643072x128xf32, #tpu.memory_space<hbm>> -> memref<64x128xf32, #tpu.memory_space<hbm>>
      tpu.wait_dma2 semaphore(%arg19 : memref<!tpu.dma_semaphore, #tpu.memory_space<semaphore_mem>>) src(%dma_wait3A_147 : memref<64x128xf32, #tpu.memory_space<hbm>>) dst(%arg12 : memref<64x128xf32, #tpu.memory_space<vmem>>)
      %lt3A = arith.constant 156 : i32
      %lt3A_148 = arith.cmpi slt, %scan3A_135, %lt3A : i32
      %convert_element_type3A = arith.extui %lt3A_148 : i1 to i32
      %cond3A = arith.constant 0 : i32
      %cond3A_149 = arith.cmpi ne, %convert_element_type3A, %cond3A : i32
      scf.if %cond3A_149 {
        %add3A_211 = arith.constant 2 : i32
        %add3A_212 = arith.addi %mul3A_137, %add3A_211 : i32
        %mul3A_213 = arith.constant 64 : i32
        %mul3A_214 = arith.muli %add3A_212, %mul3A_213 : i32
        %add3A_215 = arith.addi %mul3A_2, %mul3A_214 : i32
        %dma_start3A_216 = tpu.memref_slice %arg4[%add3A_215] : memref<643072xi32, #tpu.memory_space<hbm>> -> memref<64xi32, #tpu.memory_space<hbm>>
        %dma_start3A_217 = tpu.memref_slice %arg4[%add3A_215] : memref<643072xi32, #tpu.memory_space<hbm>> -> memref<64xi32, #tpu.memory_space<hbm>>
        tpu.enqueue_dma source(%dma_start3A_217 : memref<64xi32, #tpu.memory_space<hbm>>) target(%arg7 : memref<64xi32, #tpu.memory_space<vmem>>) target_semaphore(%arg16 : memref<!tpu.dma_semaphore, #tpu.memory_space<semaphore_mem>>)
      } else {
      }
      %scan3A_150 = arith.constant 0 : i32
      %scan3A_151 = arith.constant 0 : i32
      %scan3A_152 = arith.constant 64 : i32
      %scan3A_153 = arith.addi %scan3A_151, %scan3A_152 : i32
      %scan3A_154 = arith.constant 1 : i32
      scf.for %scan3A_211 = %scan3A_151 to %scan3A_153 step %scan3A_154  : i32 {
        %get3A = arith.index_cast %scan3A_211 : i32 to index
        %get3A_212 = arith.constant 0 : index
        %get3A_213 = tpu.vector_load %arg11[%get3A, %get3A_212] {strides = array<i32>} : memref<64x128xf32, #tpu.memory_space<vmem>>, vector<1x16xf32>,
        %get3A_214 = vector.shape_cast %get3A_213 : vector<1x16xf32> to vector<16xf32>
        %get3A_215 = arith.index_cast %scan3A_211 : i32 to index
        %get3A_216 = arith.constant 0 : index
        %get3A_217 = tpu.vector_load %arg12[%get3A_215, %get3A_216] {strides = array<i32>} : memref<64x128xf32, #tpu.memory_space<vmem>>, vector<1x16xf32>,
        %get3A_218 = vector.shape_cast %get3A_217 : vector<1x16xf32> to vector<16xf32>
        %add3A_219 = arith.addf %get3A_214, %get3A_218 : vector<16xf32>
        %max3A = arith.constant 0.000000e+00 : f32
        %max3A_220 = vector.broadcast %max3A : f32 to vector<16xf32>
        %max3A_221 = arith.maximumf %add3A_219, %max3A_220 : vector<16xf32>
        %swap3A = arith.index_cast %scan3A_211 : i32 to index
        %swap3A_222 = arith.constant 0 : index
        %swap3A_223 = tpu.vector_load %arg12[%swap3A, %swap3A_222] {strides = array<i32>} : memref<64x128xf32, #tpu.memory_space<vmem>>, vector<1x16xf32>,
        %swap3A_224 = vector.shape_cast %swap3A_223 : vector<1x16xf32> to vector<16xf32>
        %swap3A_225 = vector.shape_cast %max3A_221 : vector<16xf32> to vector<1x16xf32>
        tpu.vector_store %arg12[%swap3A, %swap3A_222], %swap3A_225 {strides = array<i32>} : memref<64x128xf32, #tpu.memory_space<vmem>>, vector<1x16xf32>,
        %get3A_226 = arith.index_cast %scan3A_211 : i32 to index
        %get3A_227 = arith.constant 16 : index
        %get3A_228 = tpu.vector_load %arg11[%get3A_226, %get3A_227] {strides = array<i32>} : memref<64x128xf32, #tpu.memory_space<vmem>>, vector<1x16xf32>,
        %get3A_229 = vector.shape_cast %get3A_228 : vector<1x16xf32> to vector<16xf32>
        %get3A_230 = arith.index_cast %scan3A_211 : i32 to index
        %get3A_231 = arith.constant 16 : index
        %get3A_232 = tpu.vector_load %arg12[%get3A_230, %get3A_231] {strides = array<i32>} : memref<64x128xf32, #tpu.memory_space<vmem>>, vector<1x16xf32>,
        %get3A_233 = vector.shape_cast %get3A_232 : vector<1x16xf32> to vector<16xf32>
        %add3A_234 = arith.addf %get3A_229, %get3A_233 : vector<16xf32>
        %max3A_235 = arith.constant 0.000000e+00 : f32
        %max3A_236 = vector.broadcast %max3A_235 : f32 to vector<16xf32>
        %max3A_237 = arith.maximumf %add3A_234, %max3A_236 : vector<16xf32>
        %swap3A_238 = arith.index_cast %scan3A_211 : i32 to index
        %swap3A_239 = arith.constant 16 : index
        %swap3A_240 = tpu.vector_load %arg12[%swap3A_238, %swap3A_239] {strides = array<i32>} : memref<64x128xf32, #tpu.memory_space<vmem>>, vector<1x16xf32>,
        %swap3A_241 = vector.shape_cast %swap3A_240 : vector<1x16xf32> to vector<16xf32>
        %swap3A_242 = vector.shape_cast %max3A_237 : vector<16xf32> to vector<1x16xf32>
        tpu.vector_store %arg12[%swap3A_238, %swap3A_239], %swap3A_242 {strides = array<i32>} : memref<64x128xf32, #tpu.memory_space<vmem>>, vector<1x16xf32>,
        %get3A_243 = arith.index_cast %scan3A_211 : i32 to index
        %get3A_244 = arith.constant 32 : index
        %get3A_245 = tpu.vector_load %arg11[%get3A_243, %get3A_244] {strides = array<i32>} : memref<64x128xf32, #tpu.memory_space<vmem>>, vector<1x16xf32>,
        %get3A_246 = vector.shape_cast %get3A_245 : vector<1x16xf32> to vector<16xf32>
        %get3A_247 = arith.index_cast %scan3A_211 : i32 to index
        %get3A_248 = arith.constant 32 : index
        %get3A_249 = tpu.vector_load %arg12[%get3A_247, %get3A_248] {strides = array<i32>} : memref<64x128xf32, #tpu.memory_space<vmem>>, vector<1x16xf32>,
        %get3A_250 = vector.shape_cast %get3A_249 : vector<1x16xf32> to vector<16xf32>
        %add3A_251 = arith.addf %get3A_246, %get3A_250 : vector<16xf32>
        %max3A_252 = arith.constant 0.000000e+00 : f32
        %max3A_253 = vector.broadcast %max3A_252 : f32 to vector<16xf32>
        %max3A_254 = arith.maximumf %add3A_251, %max3A_253 : vector<16xf32>
        %swap3A_255 = arith.index_cast %scan3A_211 : i32 to index
        %swap3A_256 = arith.constant 32 : index
        %swap3A_257 = tpu.vector_load %arg12[%swap3A_255, %swap3A_256] {strides = array<i32>} : memref<64x128xf32, #tpu.memory_space<vmem>>, vector<1x16xf32>,
        %swap3A_258 = vector.shape_cast %swap3A_257 : vector<1x16xf32> to vector<16xf32>
        %swap3A_259 = vector.shape_cast %max3A_254 : vector<16xf32> to vector<1x16xf32>
        tpu.vector_store %arg12[%swap3A_255, %swap3A_256], %swap3A_259 {strides = array<i32>} : memref<64x128xf32, #tpu.memory_space<vmem>>, vector<1x16xf32>,
        %get3A_260 = arith.index_cast %scan3A_211 : i32 to index
        %get3A_261 = arith.constant 48 : index
        %get3A_262 = tpu.vector_load %arg11[%get3A_260, %get3A_261] {strides = array<i32>} : memref<64x128xf32, #tpu.memory_space<vmem>>, vector<1x16xf32>,
        %get3A_263 = vector.shape_cast %get3A_262 : vector<1x16xf32> to vector<16xf32>
        %get3A_264 = arith.index_cast %scan3A_211 : i32 to index
        %get3A_265 = arith.constant 48 : index
        %get3A_266 = tpu.vector_load %arg12[%get3A_264, %get3A_265] {strides = array<i32>} : memref<64x128xf32, #tpu.memory_space<vmem>>, vector<1x16xf32>,
        %get3A_267 = vector.shape_cast %get3A_266 : vector<1x16xf32> to vector<16xf32>
        %add3A_268 = arith.addf %get3A_263, %get3A_267 : vector<16xf32>
        %max3A_269 = arith.constant 0.000000e+00 : f32
        %max3A_270 = vector.broadcast %max3A_269 : f32 to vector<16xf32>
        %max3A_271 = arith.maximumf %add3A_268, %max3A_270 : vector<16xf32>
        %swap3A_272 = arith.index_cast %scan3A_211 : i32 to index
        %swap3A_273 = arith.constant 48 : index
        %swap3A_274 = tpu.vector_load %arg12[%swap3A_272, %swap3A_273] {strides = array<i32>} : memref<64x128xf32, #tpu.memory_space<vmem>>, vector<1x16xf32>,
        %swap3A_275 = vector.shape_cast %swap3A_274 : vector<1x16xf32> to vector<16xf32>
        %swap3A_276 = vector.shape_cast %max3A_271 : vector<16xf32> to vector<1x16xf32>
        tpu.vector_store %arg12[%swap3A_272, %swap3A_273], %swap3A_276 {strides = array<i32>} : memref<64x128xf32, #tpu.memory_space<vmem>>, vector<1x16xf32>,
        %get3A_277 = arith.index_cast %scan3A_211 : i32 to index
        %get3A_278 = arith.constant 64 : index
        %get3A_279 = tpu.vector_load %arg11[%get3A_277, %get3A_278] {strides = array<i32>} : memref<64x128xf32, #tpu.memory_space<vmem>>, vector<1x16xf32>,
        %get3A_280 = vector.shape_cast %get3A_279 : vector<1x16xf32> to vector<16xf32>
        %get3A_281 = arith.index_cast %scan3A_211 : i32 to index
        %get3A_282 = arith.constant 64 : index
        %get3A_283 = tpu.vector_load %arg12[%get3A_281, %get3A_282] {strides = array<i32>} : memref<64x128xf32, #tpu.memory_space<vmem>>, vector<1x16xf32>,
        %get3A_284 = vector.shape_cast %get3A_283 : vector<1x16xf32> to vector<16xf32>
        %add3A_285 = arith.addf %get3A_280, %get3A_284 : vector<16xf32>
        %max3A_286 = arith.constant 0.000000e+00 : f32
        %max3A_287 = vector.broadcast %max3A_286 : f32 to vector<16xf32>
        %max3A_288 = arith.maximumf %add3A_285, %max3A_287 : vector<16xf32>
        %swap3A_289 = arith.index_cast %scan3A_211 : i32 to index
        %swap3A_290 = arith.constant 64 : index
        %swap3A_291 = tpu.vector_load %arg12[%swap3A_289, %swap3A_290] {strides = array<i32>} : memref<64x128xf32, #tpu.memory_space<vmem>>, vector<1x16xf32>,
        %swap3A_292 = vector.shape_cast %swap3A_291 : vector<1x16xf32> to vector<16xf32>
        %swap3A_293 = vector.shape_cast %max3A_288 : vector<16xf32> to vector<1x16xf32>
        tpu.vector_store %arg12[%swap3A_289, %swap3A_290], %swap3A_293 {strides = array<i32>} : memref<64x128xf32, #tpu.memory_space<vmem>>, vector<1x16xf32>,
        %get3A_294 = arith.index_cast %scan3A_211 : i32 to index
        %get3A_295 = arith.constant 80 : index
        %get3A_296 = tpu.vector_load %arg11[%get3A_294, %get3A_295] {strides = array<i32>} : memref<64x128xf32, #tpu.memory_space<vmem>>, vector<1x16xf32>,
        %get3A_297 = vector.shape_cast %get3A_296 : vector<1x16xf32> to vector<16xf32>
        %get3A_298 = arith.index_cast %scan3A_211 : i32 to index
        %get3A_299 = arith.constant 80 : index
        %get3A_300 = tpu.vector_load %arg12[%get3A_298, %get3A_299] {strides = array<i32>} : memref<64x128xf32, #tpu.memory_space<vmem>>, vector<1x16xf32>,
        %get3A_301 = vector.shape_cast %get3A_300 : vector<1x16xf32> to vector<16xf32>
        %add3A_302 = arith.addf %get3A_297, %get3A_301 : vector<16xf32>
        %max3A_303 = arith.constant 0.000000e+00 : f32
        %max3A_304 = vector.broadcast %max3A_303 : f32 to vector<16xf32>
        %max3A_305 = arith.maximumf %add3A_302, %max3A_304 : vector<16xf32>
        %swap3A_306 = arith.index_cast %scan3A_211 : i32 to index
        %swap3A_307 = arith.constant 80 : index
        %swap3A_308 = tpu.vector_load %arg12[%swap3A_306, %swap3A_307] {strides = array<i32>} : memref<64x128xf32, #tpu.memory_space<vmem>>, vector<1x16xf32>,
        %swap3A_309 = vector.shape_cast %swap3A_308 : vector<1x16xf32> to vector<16xf32>
        %swap3A_310 = vector.shape_cast %max3A_305 : vector<16xf32> to vector<1x16xf32>
        tpu.vector_store %arg12[%swap3A_306, %swap3A_307], %swap3A_310 {strides = array<i32>} : memref<64x128xf32, #tpu.memory_space<vmem>>, vector<1x16xf32>,
        %get3A_311 = arith.index_cast %scan3A_211 : i32 to index
        %get3A_312 = arith.constant 96 : index
        %get3A_313 = tpu.vector_load %arg11[%get3A_311, %get3A_312] {strides = array<i32>} : memref<64x128xf32, #tpu.memory_space<vmem>>, vector<1x16xf32>,
        %get3A_314 = vector.shape_cast %get3A_313 : vector<1x16xf32> to vector<16xf32>
        %get3A_315 = arith.index_cast %scan3A_211 : i32 to index
        %get3A_316 = arith.constant 96 : index
        %get3A_317 = tpu.vector_load %arg12[%get3A_315, %get3A_316] {strides = array<i32>} : memref<64x128xf32, #tpu.memory_space<vmem>>, vector<1x16xf32>,
        %get3A_318 = vector.shape_cast %get3A_317 : vector<1x16xf32> to vector<16xf32>
        %add3A_319 = arith.addf %get3A_314, %get3A_318 : vector<16xf32>
        %max3A_320 = arith.constant 0.000000e+00 : f32
        %max3A_321 = vector.broadcast %max3A_320 : f32 to vector<16xf32>
        %max3A_322 = arith.maximumf %add3A_319, %max3A_321 : vector<16xf32>
        %swap3A_323 = arith.index_cast %scan3A_211 : i32 to index
        %swap3A_324 = arith.constant 96 : index
        %swap3A_325 = tpu.vector_load %arg12[%swap3A_323, %swap3A_324] {strides = array<i32>} : memref<64x128xf32, #tpu.memory_space<vmem>>, vector<1x16xf32>,
        %swap3A_326 = vector.shape_cast %swap3A_325 : vector<1x16xf32> to vector<16xf32>
        %swap3A_327 = vector.shape_cast %max3A_322 : vector<16xf32> to vector<1x16xf32>
        tpu.vector_store %arg12[%swap3A_323, %swap3A_324], %swap3A_327 {strides = array<i32>} : memref<64x128xf32, #tpu.memory_space<vmem>>, vector<1x16xf32>,
        %get3A_328 = arith.index_cast %scan3A_211 : i32 to index
        %get3A_329 = arith.constant 112 : index
        %get3A_330 = tpu.vector_load %arg11[%get3A_328, %get3A_329] {strides = array<i32>} : memref<64x128xf32, #tpu.memory_space<vmem>>, vector<1x16xf32>,
        %get3A_331 = vector.shape_cast %get3A_330 : vector<1x16xf32> to vector<16xf32>
        %get3A_332 = arith.index_cast %scan3A_211 : i32 to index
        %get3A_333 = arith.constant 112 : index
        %get3A_334 = tpu.vector_load %arg12[%get3A_332, %get3A_333] {strides = array<i32>} : memref<64x128xf32, #tpu.memory_space<vmem>>, vector<1x16xf32>,
        %get3A_335 = vector.shape_cast %get3A_334 : vector<1x16xf32> to vector<16xf32>
        %add3A_336 = arith.addf %get3A_331, %get3A_335 : vector<16xf32>
        %max3A_337 = arith.constant 0.000000e+00 : f32
        %max3A_338 = vector.broadcast %max3A_337 : f32 to vector<16xf32>
        %max3A_339 = arith.maximumf %add3A_336, %max3A_338 : vector<16xf32>
        %swap3A_340 = arith.index_cast %scan3A_211 : i32 to index
        %swap3A_341 = arith.constant 112 : index
        %swap3A_342 = tpu.vector_load %arg12[%swap3A_340, %swap3A_341] {strides = array<i32>} : memref<64x128xf32, #tpu.memory_space<vmem>>, vector<1x16xf32>,
        %swap3A_343 = vector.shape_cast %swap3A_342 : vector<1x16xf32> to vector<16xf32>
        %swap3A_344 = vector.shape_cast %max3A_339 : vector<16xf32> to vector<1x16xf32>
        tpu.vector_store %arg12[%swap3A_340, %swap3A_341], %swap3A_344 {strides = array<i32>} : memref<64x128xf32, #tpu.memory_space<vmem>>, vector<1x16xf32>,
      }
      %scan3A_155 = arith.constant 64 : i32
      %lt3A_156 = arith.constant 156 : i32
      %lt3A_157 = arith.cmpi slt, %scan3A_135, %lt3A_156 : i32
      %convert_element_type3A_158 = arith.extui %lt3A_157 : i1 to i32
      %cond3A_159 = arith.constant 0 : i32
      %cond3A_160 = arith.cmpi ne, %convert_element_type3A_158, %cond3A_159 : i32
      scf.if %cond3A_160 {
        %add3A_211 = arith.constant 2 : i32
        %add3A_212 = arith.addi %mul3A_137, %add3A_211 : i32
        %mul3A_213 = arith.constant 64 : i32
        %mul3A_214 = arith.muli %add3A_212, %mul3A_213 : i32
        %add3A_215 = arith.addi %mul3A_2, %mul3A_214 : i32
        %dma_wait3A_216 = tpu.memref_slice %arg4[%add3A_215] : memref<643072xi32, #tpu.memory_space<hbm>> -> memref<64xi32, #tpu.memory_space<hbm>>
        %dma_wait3A_217 = tpu.memref_slice %arg4[%add3A_215] : memref<643072xi32, #tpu.memory_space<hbm>> -> memref<64xi32, #tpu.memory_space<hbm>>
        tpu.wait_dma2 semaphore(%arg16 : memref<!tpu.dma_semaphore, #tpu.memory_space<semaphore_mem>>) src(%dma_wait3A_217 : memref<64xi32, #tpu.memory_space<hbm>>) dst(%arg7 : memref<64xi32, #tpu.memory_space<vmem>>)
        %dma_start3A_218 = arith.constant 0 : i32
        %dma_start3A_219 = arith.constant 0 : i32
        %dma_start3A_220 = tpu.memref_slice %arg2[%dma_start3A_218, %dma_start3A_219] : memref<10000x128xf32, #tpu.memory_space<hbm>> -> memref<10000x128xf32, #tpu.memory_space<hbm>>
        tpu.enqueue_indirect_dma source(%dma_start3A_220 : memref<10000x128xf32, #tpu.memory_space<hbm>>) target(%arg11 : memref<64x128xf32, #tpu.memory_space<vmem>>) offsets(%arg7 : memref<64xi32, #tpu.memory_space<vmem>>) semaphore(%arg18 : memref<!tpu.dma_semaphore, #tpu.memory_space<semaphore_mem>>)
      } else {
      }
      %mul3A_161 = arith.constant 64 : i32
      %mul3A_162 = arith.muli %mul3A_137, %mul3A_161 : i32
      %add3A_163 = arith.addi %mul3A_2, %mul3A_162 : i32
      %dma_wait3A_164 = tpu.memref_slice %arg5[%add3A_163] : memref<643072xi32, #tpu.memory_space<hbm>> -> memref<64xi32, #tpu.memory_space<hbm>>
      %dma_wait3A_165 = tpu.memref_slice %arg5[%add3A_163] : memref<643072xi32, #tpu.memory_space<hbm>> -> memref<64xi32, #tpu.memory_space<hbm>>
      tpu.wait_dma2 semaphore(%arg17 : memref<!tpu.dma_semaphore, #tpu.memory_space<semaphore_mem>>) src(%dma_wait3A_165 : memref<64xi32, #tpu.memory_space<hbm>>) dst(%arg8 : memref<64xi32, #tpu.memory_space<vmem>>)
      "tpu.region"() ({
        %run_scoped3A = tpu.sem_alloc : memref<!tpu.dma_semaphore, #tpu.memory_space<semaphore_mem>>
        %dma_start3A_211 = arith.constant 0 : i32
        %dma_start3A_212 = arith.constant 0 : i32
        %dma_start3A_213 = tpu.memref_slice %arg15[%dma_start3A_211, %dma_start3A_212] : memref<10240x128xf32, #tpu.memory_space<vmem_shared>> -> memref<10240x128xf32, #tpu.memory_space<vmem_shared>>
        tpu.enqueue_indirect_dma source(%arg12 : memref<64x128xf32, #tpu.memory_space<vmem>>) target(%dma_start3A_213 : memref<10240x128xf32, #tpu.memory_space<vmem_shared>>) offsets(%arg8 : memref<64xi32, #tpu.memory_space<vmem>>) semaphore(%run_scoped3A : memref<!tpu.dma_semaphore, #tpu.memory_space<semaphore_mem>>) {add = true}
        %dma_wait3A_214 = arith.constant 0 : i32
        %dma_wait3A_215 = arith.constant 0 : i32
        %dma_wait3A_216 = tpu.memref_slice %arg15[%dma_wait3A_214, %dma_wait3A_215] : memref<10240x128xf32, #tpu.memory_space<vmem_shared>> -> memref<10240x128xf32, #tpu.memory_space<vmem_shared>>
        tpu.wait_indirect_dma semaphore(%run_scoped3A : memref<!tpu.dma_semaphore, #tpu.memory_space<semaphore_mem>>) src(%arg12 : memref<64x128xf32, #tpu.memory_space<vmem>>) dst(%dma_wait3A_216 : memref<10240x128xf32, #tpu.memory_space<vmem_shared>>)
        tpu.yield
      }) : () -> ()
      %lt3A_166 = arith.constant 156 : i32
      %lt3A_167 = arith.cmpi slt, %scan3A_135, %lt3A_166 : i32
      %convert_element_type3A_168 = arith.extui %lt3A_167 : i1 to i32
      %cond3A_169 = arith.constant 0 : i32
      %cond3A_170 = arith.cmpi ne, %convert_element_type3A_168, %cond3A_169 : i32
      scf.if %cond3A_170 {
        %add3A_211 = arith.constant 2 : i32
        %add3A_212 = arith.addi %mul3A_137, %add3A_211 : i32
        %mul3A_213 = arith.constant 64 : i32
        %mul3A_214 = arith.muli %add3A_212, %mul3A_213 : i32
        %add3A_215 = arith.addi %mul3A_2, %mul3A_214 : i32
        %dma_start3A_216 = tpu.memref_slice %arg5[%add3A_215] : memref<643072xi32, #tpu.memory_space<hbm>> -> memref<64xi32, #tpu.memory_space<hbm>>
        %dma_start3A_217 = tpu.memref_slice %arg5[%add3A_215] : memref<643072xi32, #tpu.memory_space<hbm>> -> memref<64xi32, #tpu.memory_space<hbm>>
        tpu.enqueue_dma source(%dma_start3A_217 : memref<64xi32, #tpu.memory_space<hbm>>) target(%arg8 : memref<64xi32, #tpu.memory_space<vmem>>) target_semaphore(%arg17 : memref<!tpu.dma_semaphore, #tpu.memory_space<semaphore_mem>>)
        %add3A_218 = arith.constant 2 : i32
        %add3A_219 = arith.addi %mul3A_137, %add3A_218 : i32
        %mul3A_220 = arith.constant 64 : i32
        %mul3A_221 = arith.muli %add3A_219, %mul3A_220 : i32
        %add3A_222 = arith.addi %mul3A_2, %mul3A_221 : i32
        %dma_start3A_223 = arith.constant 0 : i32
        %dma_start3A_224 = tpu.memref_slice %arg3[%add3A_222, %dma_start3A_223] : memref<643072x128xf32, #tpu.memory_space<hbm>> -> memref<64x128xf32, #tpu.memory_space<hbm>>
        %dma_start3A_225 = arith.constant 0 : i32
        %dma_start3A_226 = tpu.memref_slice %arg3[%add3A_222, %dma_start3A_225] : memref<643072x128xf32, #tpu.memory_space<hbm>> -> memref<64x128xf32, #tpu.memory_space<hbm>>
        tpu.enqueue_dma source(%dma_start3A_226 : memref<64x128xf32, #tpu.memory_space<hbm>>) target(%arg12 : memref<64x128xf32, #tpu.memory_space<vmem>>) target_semaphore(%arg19 : memref<!tpu.dma_semaphore, #tpu.memory_space<semaphore_mem>>)
      } else {
      }
      %mul3A_171 = arith.constant 2 : i32
      %mul3A_172 = arith.muli %mul3A_171, %scan3A_135 : i32
      %add3A_173 = arith.constant 1 : i32
      %add3A_174 = arith.addi %mul3A_172, %add3A_173 : i32
      %dma_wait3A_175 = arith.constant 0 : i32
      %dma_wait3A_176 = arith.constant 0 : i32
      %dma_wait3A_177 = tpu.memref_slice %arg2[%dma_wait3A_175, %dma_wait3A_176] : memref<10000x128xf32, #tpu.memory_space<hbm>> -> memref<10000x128xf32, #tpu.memory_space<hbm>>
      tpu.wait_indirect_dma semaphore(%arg22 : memref<!tpu.dma_semaphore, #tpu.memory_space<semaphore_mem>>) src(%dma_wait3A_177 : memref<10000x128xf32, #tpu.memory_space<hbm>>) dst(%arg13 : memref<64x128xf32, #tpu.memory_space<vmem>>)
      %mul3A_178 = arith.constant 64 : i32
      %mul3A_179 = arith.muli %add3A_174, %mul3A_178 : i32
      %add3A_180 = arith.addi %mul3A_2, %mul3A_179 : i32
      %dma_wait3A_181 = arith.constant 0 : i32
      %dma_wait3A_182 = tpu.memref_slice %arg3[%add3A_180, %dma_wait3A_181] : memref<643072x128xf32, #tpu.memory_space<hbm>> -> memref<64x128xf32, #tpu.memory_space<hbm>>
      %dma_wait3A_183 = arith.constant 0 : i32
      %dma_wait3A_184 = tpu.memref_slice %arg3[%add3A_180, %dma_wait3A_183] : memref<643072x128xf32, #tpu.memory_space<hbm>> -> memref<64x128xf32, #tpu.memory_space<hbm>>
      tpu.wait_dma2 semaphore(%arg23 : memref<!tpu.dma_semaphore, #tpu.memory_space<semaphore_mem>>) src(%dma_wait3A_184 : memref<64x128xf32, #tpu.memory_space<hbm>>) dst(%arg14 : memref<64x128xf32, #tpu.memory_space<vmem>>)
      %lt3A_185 = arith.constant 156 : i32
      %lt3A_186 = arith.cmpi slt, %scan3A_135, %lt3A_185 : i32
      %convert_element_type3A_187 = arith.extui %lt3A_186 : i1 to i32
      %cond3A_188 = arith.constant 0 : i32
      %cond3A_189 = arith.cmpi ne, %convert_element_type3A_187, %cond3A_188 : i32
      scf.if %cond3A_189 {
        %add3A_211 = arith.constant 2 : i32
        %add3A_212 = arith.addi %add3A_174, %add3A_211 : i32
        %mul3A_213 = arith.constant 64 : i32
        %mul3A_214 = arith.muli %add3A_212, %mul3A_213 : i32
        %add3A_215 = arith.addi %mul3A_2, %mul3A_214 : i32
        %dma_start3A_216 = tpu.memref_slice %arg4[%add3A_215] : memref<643072xi32, #tpu.memory_space<hbm>> -> memref<64xi32, #tpu.memory_space<hbm>>
        %dma_start3A_217 = tpu.memref_slice %arg4[%add3A_215] : memref<643072xi32, #tpu.memory_space<hbm>> -> memref<64xi32, #tpu.memory_space<hbm>>
        tpu.enqueue_dma source(%dma_start3A_217 : memref<64xi32, #tpu.memory_space<hbm>>) target(%arg9 : memref<64xi32, #tpu.memory_space<vmem>>) target_semaphore(%arg20 : memref<!tpu.dma_semaphore, #tpu.memory_space<semaphore_mem>>)
      } else {
      }
      %scan3A_190 = arith.constant 0 : i32
      %scan3A_191 = arith.constant 0 : i32
      %scan3A_192 = arith.constant 64 : i32
      %scan3A_193 = arith.addi %scan3A_191, %scan3A_192 : i32
      %scan3A_194 = arith.constant 1 : i32
      scf.for %scan3A_211 = %scan3A_191 to %scan3A_193 step %scan3A_194  : i32 {
        %get3A = arith.index_cast %scan3A_211 : i32 to index
        %get3A_212 = arith.constant 0 : index
        %get3A_213 = tpu.vector_load %arg13[%get3A, %get3A_212] {strides = array<i32>} : memref<64x128xf32, #tpu.memory_space<vmem>>, vector<1x16xf32>,
        %get3A_214 = vector.shape_cast %get3A_213 : vector<1x16xf32> to vector<16xf32>
        %get3A_215 = arith.index_cast %scan3A_211 : i32 to index
        %get3A_216 = arith.constant 0 : index
        %get3A_217 = tpu.vector_load %arg14[%get3A_215, %get3A_216] {strides = array<i32>} : memref<64x128xf32, #tpu.memory_space<vmem>>, vector<1x16xf32>,
        %get3A_218 = vector.shape_cast %get3A_217 : vector<1x16xf32> to vector<16xf32>
        %add3A_219 = arith.addf %get3A_214, %get3A_218 : vector<16xf32>
        %max3A = arith.constant 0.000000e+00 : f32
        %max3A_220 = vector.broadcast %max3A : f32 to vector<16xf32>
        %max3A_221 = arith.maximumf %add3A_219, %max3A_220 : vector<16xf32>
        %swap3A = arith.index_cast %scan3A_211 : i32 to index
        %swap3A_222 = arith.constant 0 : index
        %swap3A_223 = tpu.vector_load %arg14[%swap3A, %swap3A_222] {strides = array<i32>} : memref<64x128xf32, #tpu.memory_space<vmem>>, vector<1x16xf32>,
        %swap3A_224 = vector.shape_cast %swap3A_223 : vector<1x16xf32> to vector<16xf32>
        %swap3A_225 = vector.shape_cast %max3A_221 : vector<16xf32> to vector<1x16xf32>
        tpu.vector_store %arg14[%swap3A, %swap3A_222], %swap3A_225 {strides = array<i32>} : memref<64x128xf32, #tpu.memory_space<vmem>>, vector<1x16xf32>,
        %get3A_226 = arith.index_cast %scan3A_211 : i32 to index
        %get3A_227 = arith.constant 16 : index
        %get3A_228 = tpu.vector_load %arg13[%get3A_226, %get3A_227] {strides = array<i32>} : memref<64x128xf32, #tpu.memory_space<vmem>>, vector<1x16xf32>,
        %get3A_229 = vector.shape_cast %get3A_228 : vector<1x16xf32> to vector<16xf32>
        %get3A_230 = arith.index_cast %scan3A_211 : i32 to index
        %get3A_231 = arith.constant 16 : index
        %get3A_232 = tpu.vector_load %arg14[%get3A_230, %get3A_231] {strides = array<i32>} : memref<64x128xf32, #tpu.memory_space<vmem>>, vector<1x16xf32>,
        %get3A_233 = vector.shape_cast %get3A_232 : vector<1x16xf32> to vector<16xf32>
        %add3A_234 = arith.addf %get3A_229, %get3A_233 : vector<16xf32>
        %max3A_235 = arith.constant 0.000000e+00 : f32
        %max3A_236 = vector.broadcast %max3A_235 : f32 to vector<16xf32>
        %max3A_237 = arith.maximumf %add3A_234, %max3A_236 : vector<16xf32>
        %swap3A_238 = arith.index_cast %scan3A_211 : i32 to index
        %swap3A_239 = arith.constant 16 : index
        %swap3A_240 = tpu.vector_load %arg14[%swap3A_238, %swap3A_239] {strides = array<i32>} : memref<64x128xf32, #tpu.memory_space<vmem>>, vector<1x16xf32>,
        %swap3A_241 = vector.shape_cast %swap3A_240 : vector<1x16xf32> to vector<16xf32>
        %swap3A_242 = vector.shape_cast %max3A_237 : vector<16xf32> to vector<1x16xf32>
        tpu.vector_store %arg14[%swap3A_238, %swap3A_239], %swap3A_242 {strides = array<i32>} : memref<64x128xf32, #tpu.memory_space<vmem>>, vector<1x16xf32>,
        %get3A_243 = arith.index_cast %scan3A_211 : i32 to index
        %get3A_244 = arith.constant 32 : index
        %get3A_245 = tpu.vector_load %arg13[%get3A_243, %get3A_244] {strides = array<i32>} : memref<64x128xf32, #tpu.memory_space<vmem>>, vector<1x16xf32>,
        %get3A_246 = vector.shape_cast %get3A_245 : vector<1x16xf32> to vector<16xf32>
        %get3A_247 = arith.index_cast %scan3A_211 : i32 to index
        %get3A_248 = arith.constant 32 : index
        %get3A_249 = tpu.vector_load %arg14[%get3A_247, %get3A_248] {strides = array<i32>} : memref<64x128xf32, #tpu.memory_space<vmem>>, vector<1x16xf32>,
        %get3A_250 = vector.shape_cast %get3A_249 : vector<1x16xf32> to vector<16xf32>
        %add3A_251 = arith.addf %get3A_246, %get3A_250 : vector<16xf32>
        %max3A_252 = arith.constant 0.000000e+00 : f32
        %max3A_253 = vector.broadcast %max3A_252 : f32 to vector<16xf32>
        %max3A_254 = arith.maximumf %add3A_251, %max3A_253 : vector<16xf32>
        %swap3A_255 = arith.index_cast %scan3A_211 : i32 to index
        %swap3A_256 = arith.constant 32 : index
        %swap3A_257 = tpu.vector_load %arg14[%swap3A_255, %swap3A_256] {strides = array<i32>} : memref<64x128xf32, #tpu.memory_space<vmem>>, vector<1x16xf32>,
        %swap3A_258 = vector.shape_cast %swap3A_257 : vector<1x16xf32> to vector<16xf32>
        %swap3A_259 = vector.shape_cast %max3A_254 : vector<16xf32> to vector<1x16xf32>
        tpu.vector_store %arg14[%swap3A_255, %swap3A_256], %swap3A_259 {strides = array<i32>} : memref<64x128xf32, #tpu.memory_space<vmem>>, vector<1x16xf32>,
        %get3A_260 = arith.index_cast %scan3A_211 : i32 to index
        %get3A_261 = arith.constant 48 : index
        %get3A_262 = tpu.vector_load %arg13[%get3A_260, %get3A_261] {strides = array<i32>} : memref<64x128xf32, #tpu.memory_space<vmem>>, vector<1x16xf32>,
        %get3A_263 = vector.shape_cast %get3A_262 : vector<1x16xf32> to vector<16xf32>
        %get3A_264 = arith.index_cast %scan3A_211 : i32 to index
        %get3A_265 = arith.constant 48 : index
        %get3A_266 = tpu.vector_load %arg14[%get3A_264, %get3A_265] {strides = array<i32>} : memref<64x128xf32, #tpu.memory_space<vmem>>, vector<1x16xf32>,
        %get3A_267 = vector.shape_cast %get3A_266 : vector<1x16xf32> to vector<16xf32>
        %add3A_268 = arith.addf %get3A_263, %get3A_267 : vector<16xf32>
        %max3A_269 = arith.constant 0.000000e+00 : f32
        %max3A_270 = vector.broadcast %max3A_269 : f32 to vector<16xf32>
        %max3A_271 = arith.maximumf %add3A_268, %max3A_270 : vector<16xf32>
        %swap3A_272 = arith.index_cast %scan3A_211 : i32 to index
        %swap3A_273 = arith.constant 48 : index
        %swap3A_274 = tpu.vector_load %arg14[%swap3A_272, %swap3A_273] {strides = array<i32>} : memref<64x128xf32, #tpu.memory_space<vmem>>, vector<1x16xf32>,
        %swap3A_275 = vector.shape_cast %swap3A_274 : vector<1x16xf32> to vector<16xf32>
        %swap3A_276 = vector.shape_cast %max3A_271 : vector<16xf32> to vector<1x16xf32>
        tpu.vector_store %arg14[%swap3A_272, %swap3A_273], %swap3A_276 {strides = array<i32>} : memref<64x128xf32, #tpu.memory_space<vmem>>, vector<1x16xf32>,
        %get3A_277 = arith.index_cast %scan3A_211 : i32 to index
        %get3A_278 = arith.constant 64 : index
        %get3A_279 = tpu.vector_load %arg13[%get3A_277, %get3A_278] {strides = array<i32>} : memref<64x128xf32, #tpu.memory_space<vmem>>, vector<1x16xf32>,
        %get3A_280 = vector.shape_cast %get3A_279 : vector<1x16xf32> to vector<16xf32>
        %get3A_281 = arith.index_cast %scan3A_211 : i32 to index
        %get3A_282 = arith.constant 64 : index
        %get3A_283 = tpu.vector_load %arg14[%get3A_281, %get3A_282] {strides = array<i32>} : memref<64x128xf32, #tpu.memory_space<vmem>>, vector<1x16xf32>,
        %get3A_284 = vector.shape_cast %get3A_283 : vector<1x16xf32> to vector<16xf32>
        %add3A_285 = arith.addf %get3A_280, %get3A_284 : vector<16xf32>
        %max3A_286 = arith.constant 0.000000e+00 : f32
        %max3A_287 = vector.broadcast %max3A_286 : f32 to vector<16xf32>
        %max3A_288 = arith.maximumf %add3A_285, %max3A_287 : vector<16xf32>
        %swap3A_289 = arith.index_cast %scan3A_211 : i32 to index
        %swap3A_290 = arith.constant 64 : index
        %swap3A_291 = tpu.vector_load %arg14[%swap3A_289, %swap3A_290] {strides = array<i32>} : memref<64x128xf32, #tpu.memory_space<vmem>>, vector<1x16xf32>,
        %swap3A_292 = vector.shape_cast %swap3A_291 : vector<1x16xf32> to vector<16xf32>
        %swap3A_293 = vector.shape_cast %max3A_288 : vector<16xf32> to vector<1x16xf32>
        tpu.vector_store %arg14[%swap3A_289, %swap3A_290], %swap3A_293 {strides = array<i32>} : memref<64x128xf32, #tpu.memory_space<vmem>>, vector<1x16xf32>,
        %get3A_294 = arith.index_cast %scan3A_211 : i32 to index
        %get3A_295 = arith.constant 80 : index
        %get3A_296 = tpu.vector_load %arg13[%get3A_294, %get3A_295] {strides = array<i32>} : memref<64x128xf32, #tpu.memory_space<vmem>>, vector<1x16xf32>,
        %get3A_297 = vector.shape_cast %get3A_296 : vector<1x16xf32> to vector<16xf32>
        %get3A_298 = arith.index_cast %scan3A_211 : i32 to index
        %get3A_299 = arith.constant 80 : index
        %get3A_300 = tpu.vector_load %arg14[%get3A_298, %get3A_299] {strides = array<i32>} : memref<64x128xf32, #tpu.memory_space<vmem>>, vector<1x16xf32>,
        %get3A_301 = vector.shape_cast %get3A_300 : vector<1x16xf32> to vector<16xf32>
        %add3A_302 = arith.addf %get3A_297, %get3A_301 : vector<16xf32>
        %max3A_303 = arith.constant 0.000000e+00 : f32
        %max3A_304 = vector.broadcast %max3A_303 : f32 to vector<16xf32>
        %max3A_305 = arith.maximumf %add3A_302, %max3A_304 : vector<16xf32>
        %swap3A_306 = arith.index_cast %scan3A_211 : i32 to index
        %swap3A_307 = arith.constant 80 : index
        %swap3A_308 = tpu.vector_load %arg14[%swap3A_306, %swap3A_307] {strides = array<i32>} : memref<64x128xf32, #tpu.memory_space<vmem>>, vector<1x16xf32>,
        %swap3A_309 = vector.shape_cast %swap3A_308 : vector<1x16xf32> to vector<16xf32>
        %swap3A_310 = vector.shape_cast %max3A_305 : vector<16xf32> to vector<1x16xf32>
        tpu.vector_store %arg14[%swap3A_306, %swap3A_307], %swap3A_310 {strides = array<i32>} : memref<64x128xf32, #tpu.memory_space<vmem>>, vector<1x16xf32>,
        %get3A_311 = arith.index_cast %scan3A_211 : i32 to index
        %get3A_312 = arith.constant 96 : index
        %get3A_313 = tpu.vector_load %arg13[%get3A_311, %get3A_312] {strides = array<i32>} : memref<64x128xf32, #tpu.memory_space<vmem>>, vector<1x16xf32>,
        %get3A_314 = vector.shape_cast %get3A_313 : vector<1x16xf32> to vector<16xf32>
        %get3A_315 = arith.index_cast %scan3A_211 : i32 to index
        %get3A_316 = arith.constant 96 : index
        %get3A_317 = tpu.vector_load %arg14[%get3A_315, %get3A_316] {strides = array<i32>} : memref<64x128xf32, #tpu.memory_space<vmem>>, vector<1x16xf32>,
        %get3A_318 = vector.shape_cast %get3A_317 : vector<1x16xf32> to vector<16xf32>
        %add3A_319 = arith.addf %get3A_314, %get3A_318 : vector<16xf32>
        %max3A_320 = arith.constant 0.000000e+00 : f32
        %max3A_321 = vector.broadcast %max3A_320 : f32 to vector<16xf32>
        %max3A_322 = arith.maximumf %add3A_319, %max3A_321 : vector<16xf32>
        %swap3A_323 = arith.index_cast %scan3A_211 : i32 to index
        %swap3A_324 = arith.constant 96 : index
        %swap3A_325 = tpu.vector_load %arg14[%swap3A_323, %swap3A_324] {strides = array<i32>} : memref<64x128xf32, #tpu.memory_space<vmem>>, vector<1x16xf32>,
        %swap3A_326 = vector.shape_cast %swap3A_325 : vector<1x16xf32> to vector<16xf32>
        %swap3A_327 = vector.shape_cast %max3A_322 : vector<16xf32> to vector<1x16xf32>
        tpu.vector_store %arg14[%swap3A_323, %swap3A_324], %swap3A_327 {strides = array<i32>} : memref<64x128xf32, #tpu.memory_space<vmem>>, vector<1x16xf32>,
        %get3A_328 = arith.index_cast %scan3A_211 : i32 to index
        %get3A_329 = arith.constant 112 : index
        %get3A_330 = tpu.vector_load %arg13[%get3A_328, %get3A_329] {strides = array<i32>} : memref<64x128xf32, #tpu.memory_space<vmem>>, vector<1x16xf32>,
        %get3A_331 = vector.shape_cast %get3A_330 : vector<1x16xf32> to vector<16xf32>
        %get3A_332 = arith.index_cast %scan3A_211 : i32 to index
        %get3A_333 = arith.constant 112 : index
        %get3A_334 = tpu.vector_load %arg14[%get3A_332, %get3A_333] {strides = array<i32>} : memref<64x128xf32, #tpu.memory_space<vmem>>, vector<1x16xf32>,
        %get3A_335 = vector.shape_cast %get3A_334 : vector<1x16xf32> to vector<16xf32>
        %add3A_336 = arith.addf %get3A_331, %get3A_335 : vector<16xf32>
        %max3A_337 = arith.constant 0.000000e+00 : f32
        %max3A_338 = vector.broadcast %max3A_337 : f32 to vector<16xf32>
        %max3A_339 = arith.maximumf %add3A_336, %max3A_338 : vector<16xf32>
        %swap3A_340 = arith.index_cast %scan3A_211 : i32 to index
        %swap3A_341 = arith.constant 112 : index
        %swap3A_342 = tpu.vector_load %arg14[%swap3A_340, %swap3A_341] {strides = array<i32>} : memref<64x128xf32, #tpu.memory_space<vmem>>, vector<1x16xf32>,
        %swap3A_343 = vector.shape_cast %swap3A_342 : vector<1x16xf32> to vector<16xf32>
        %swap3A_344 = vector.shape_cast %max3A_339 : vector<16xf32> to vector<1x16xf32>
        tpu.vector_store %arg14[%swap3A_340, %swap3A_341], %swap3A_344 {strides = array<i32>} : memref<64x128xf32, #tpu.memory_space<vmem>>, vector<1x16xf32>,
      }
      %scan3A_195 = arith.constant 64 : i32
      %lt3A_196 = arith.constant 156 : i32
      %lt3A_197 = arith.cmpi slt, %scan3A_135, %lt3A_196 : i32
      %convert_element_type3A_198 = arith.extui %lt3A_197 : i1 to i32
      %cond3A_199 = arith.constant 0 : i32
      %cond3A_200 = arith.cmpi ne, %convert_element_type3A_198, %cond3A_199 : i32
      scf.if %cond3A_200 {
        %add3A_211 = arith.constant 2 : i32
        %add3A_212 = arith.addi %add3A_174, %add3A_211 : i32
        %mul3A_213 = arith.constant 64 : i32
        %mul3A_214 = arith.muli %add3A_212, %mul3A_213 : i32
        %add3A_215 = arith.addi %mul3A_2, %mul3A_214 : i32
        %dma_wait3A_216 = tpu.memref_slice %arg4[%add3A_215] : memref<643072xi32, #tpu.memory_space<hbm>> -> memref<64xi32, #tpu.memory_space<hbm>>
        %dma_wait3A_217 = tpu.memref_slice %arg4[%add3A_215] : memref<643072xi32, #tpu.memory_space<hbm>> -> memref<64xi32, #tpu.memory_space<hbm>>
        tpu.wait_dma2 semaphore(%arg20 : memref<!tpu.dma_semaphore, #tpu.memory_space<semaphore_mem>>) src(%dma_wait3A_217 : memref<64xi32, #tpu.memory_space<hbm>>) dst(%arg9 : memref<64xi32, #tpu.memory_space<vmem>>)
        %dma_start3A_218 = arith.constant 0 : i32
        %dma_start3A_219 = arith.constant 0 : i32
        %dma_start3A_220 = tpu.memref_slice %arg2[%dma_start3A_218, %dma_start3A_219] : memref<10000x128xf32, #tpu.memory_space<hbm>> -> memref<10000x128xf32, #tpu.memory_space<hbm>>
        tpu.enqueue_indirect_dma source(%dma_start3A_220 : memref<10000x128xf32, #tpu.memory_space<hbm>>) target(%arg13 : memref<64x128xf32, #tpu.memory_space<vmem>>) offsets(%arg9 : memref<64xi32, #tpu.memory_space<vmem>>) semaphore(%arg22 : memref<!tpu.dma_semaphore, #tpu.memory_space<semaphore_mem>>)
      } else {
      }
      %mul3A_201 = arith.constant 64 : i32
      %mul3A_202 = arith.muli %add3A_174, %mul3A_201 : i32
      %add3A_203 = arith.addi %mul3A_2, %mul3A_202 : i32
      %dma_wait3A_204 = tpu.memref_slice %arg5[%add3A_203] : memref<643072xi32, #tpu.memory_space<hbm>> -> memref<64xi32, #tpu.memory_space<hbm>>
      %dma_wait3A_205 = tpu.memref_slice %arg5[%add3A_203] : memref<643072xi32, #tpu.memory_space<hbm>> -> memref<64xi32, #tpu.memory_space<hbm>>
      tpu.wait_dma2 semaphore(%arg21 : memref<!tpu.dma_semaphore, #tpu.memory_space<semaphore_mem>>) src(%dma_wait3A_205 : memref<64xi32, #tpu.memory_space<hbm>>) dst(%arg10 : memref<64xi32, #tpu.memory_space<vmem>>)
      "tpu.region"() ({
        %run_scoped3A = tpu.sem_alloc : memref<!tpu.dma_semaphore, #tpu.memory_space<semaphore_mem>>
        %dma_start3A_211 = arith.constant 0 : i32
        %dma_start3A_212 = arith.constant 0 : i32
        %dma_start3A_213 = tpu.memref_slice %arg15[%dma_start3A_211, %dma_start3A_212] : memref<10240x128xf32, #tpu.memory_space<vmem_shared>> -> memref<10240x128xf32, #tpu.memory_space<vmem_shared>>
        tpu.enqueue_indirect_dma source(%arg14 : memref<64x128xf32, #tpu.memory_space<vmem>>) target(%dma_start3A_213 : memref<10240x128xf32, #tpu.memory_space<vmem_shared>>) offsets(%arg10 : memref<64xi32, #tpu.memory_space<vmem>>) semaphore(%run_scoped3A : memref<!tpu.dma_semaphore, #tpu.memory_space<semaphore_mem>>) {add = true}
        %dma_wait3A_214 = arith.constant 0 : i32
        %dma_wait3A_215 = arith.constant 0 : i32
        %dma_wait3A_216 = tpu.memref_slice %arg15[%dma_wait3A_214, %dma_wait3A_215] : memref<10240x128xf32, #tpu.memory_space<vmem_shared>> -> memref<10240x128xf32, #tpu.memory_space<vmem_shared>>
        tpu.wait_indirect_dma semaphore(%run_scoped3A : memref<!tpu.dma_semaphore, #tpu.memory_space<semaphore_mem>>) src(%arg14 : memref<64x128xf32, #tpu.memory_space<vmem>>) dst(%dma_wait3A_216 : memref<10240x128xf32, #tpu.memory_space<vmem_shared>>)
        tpu.yield
      }) : () -> ()
      %lt3A_206 = arith.constant 156 : i32
      %lt3A_207 = arith.cmpi slt, %scan3A_135, %lt3A_206 : i32
      %convert_element_type3A_208 = arith.extui %lt3A_207 : i1 to i32
      %cond3A_209 = arith.constant 0 : i32
      %cond3A_210 = arith.cmpi ne, %convert_element_type3A_208, %cond3A_209 : i32
      scf.if %cond3A_210 {
        %add3A_211 = arith.constant 2 : i32
        %add3A_212 = arith.addi %add3A_174, %add3A_211 : i32
        %mul3A_213 = arith.constant 64 : i32
        %mul3A_214 = arith.muli %add3A_212, %mul3A_213 : i32
        %add3A_215 = arith.addi %mul3A_2, %mul3A_214 : i32
        %dma_start3A_216 = tpu.memref_slice %arg5[%add3A_215] : memref<643072xi32, #tpu.memory_space<hbm>> -> memref<64xi32, #tpu.memory_space<hbm>>
        %dma_start3A_217 = tpu.memref_slice %arg5[%add3A_215] : memref<643072xi32, #tpu.memory_space<hbm>> -> memref<64xi32, #tpu.memory_space<hbm>>
        tpu.enqueue_dma source(%dma_start3A_217 : memref<64xi32, #tpu.memory_space<hbm>>) target(%arg10 : memref<64xi32, #tpu.memory_space<vmem>>) target_semaphore(%arg21 : memref<!tpu.dma_semaphore, #tpu.memory_space<semaphore_mem>>)
        %add3A_218 = arith.constant 2 : i32
        %add3A_219 = arith.addi %add3A_174, %add3A_218 : i32
        %mul3A_220 = arith.constant 64 : i32
        %mul3A_221 = arith.muli %add3A_219, %mul3A_220 : i32
        %add3A_222 = arith.addi %mul3A_2, %mul3A_221 : i32
        %dma_start3A_223 = arith.constant 0 : i32
        %dma_start3A_224 = tpu.memref_slice %arg3[%add3A_222, %dma_start3A_223] : memref<643072x128xf32, #tpu.memory_space<hbm>> -> memref<64x128xf32, #tpu.memory_space<hbm>>
        %dma_start3A_225 = arith.constant 0 : i32
        %dma_start3A_226 = tpu.memref_slice %arg3[%add3A_222, %dma_start3A_225] : memref<643072x128xf32, #tpu.memory_space<hbm>> -> memref<64x128xf32, #tpu.memory_space<hbm>>
        tpu.enqueue_dma source(%dma_start3A_226 : memref<64x128xf32, #tpu.memory_space<hbm>>) target(%arg14 : memref<64x128xf32, #tpu.memory_space<vmem>>) target_semaphore(%arg23 : memref<!tpu.dma_semaphore, #tpu.memory_space<semaphore_mem>>)
      } else {
      }
    }
    %scan3A_93 = arith.constant 157 : i32
    %barrier3A_94 = arith.constant 0 : index
    tpu.barrier barrier_id(%barrier3A_94)
    %mul3A_95 = arith.constant 640 : i32
    %mul3A_96 = arith.muli %arg1, %mul3A_95 : i32
    %add3A_97 = arith.constant 0 : i32
    %add3A_98 = arith.addi %mul3A_96, %add3A_97 : i32
    "tpu.region"() ({
      %run_scoped3A = tpu.sem_alloc : memref<!tpu.dma_semaphore, #tpu.memory_space<semaphore_mem>>
      %dma_start3A_135 = arith.constant 0 : i32
      %dma_start3A_136 = tpu.memref_slice %arg6[%arg0, %add3A_98, %dma_start3A_135] : memref<2x10240x128xf32, #tpu.memory_space<hbm>> -> memref<1x64x128xf32, #tpu.memory_space<hbm>>
      %dma_start3A_137 = tpu.memref_squeeze %dma_start3A_136 : memref<1x64x128xf32, #tpu.memory_space<hbm>> -> memref<64x128xf32, #tpu.memory_space<hbm>>
      %dma_start3A_138 = arith.constant 0 : i32
      %dma_start3A_139 = tpu.memref_slice %arg15[%add3A_98, %dma_start3A_138] : memref<10240x128xf32, #tpu.memory_space<vmem_shared>> -> memref<64x128xf32, #tpu.memory_space<vmem_shared>>
      tpu.enqueue_dma source(%dma_start3A_139 : memref<64x128xf32, #tpu.memory_space<vmem_shared>>) target(%dma_start3A_137 : memref<64x128xf32, #tpu.memory_space<hbm>>) target_semaphore(%run_scoped3A : memref<!tpu.dma_semaphore, #tpu.memory_space<semaphore_mem>>)
      %dma_wait3A_140 = arith.constant 0 : i32
      %dma_wait3A_141 = tpu.memref_slice %arg6[%arg0, %add3A_98, %dma_wait3A_140] : memref<2x10240x128xf32, #tpu.memory_space<hbm>> -> memref<1x64x128xf32, #tpu.memory_space<hbm>>
      %dma_wait3A_142 = tpu.memref_squeeze %dma_wait3A_141 : memref<1x64x128xf32, #tpu.memory_space<hbm>> -> memref<64x128xf32, #tpu.memory_space<hbm>>
      %dma_wait3A_143 = arith.constant 0 : i32
      %dma_wait3A_144 = tpu.memref_slice %arg15[%add3A_98, %dma_wait3A_143] : memref<10240x128xf32, #tpu.memory_space<vmem_shared>> -> memref<64x128xf32, #tpu.memory_space<vmem_shared>>
      tpu.wait_dma2 semaphore(%run_scoped3A : memref<!tpu.dma_semaphore, #tpu.memory_space<semaphore_mem>>) src(%dma_wait3A_144 : memref<64x128xf32, #tpu.memory_space<vmem_shared>>) dst(%dma_wait3A_142 : memref<64x128xf32, #tpu.memory_space<hbm>>)
      tpu.yield
    }) : () -> ()
    %mul3A_99 = arith.constant 640 : i32
    %mul3A_100 = arith.muli %arg1, %mul3A_99 : i32
    %add3A_101 = arith.constant 64 : i32
    %add3A_102 = arith.addi %mul3A_100, %add3A_101 : i32
    "tpu.region"() ({
      %run_scoped3A = tpu.sem_alloc : memref<!tpu.dma_semaphore, #tpu.memory_space<semaphore_mem>>
      %dma_start3A_135 = arith.constant 0 : i32
      %dma_start3A_136 = tpu.memref_slice %arg6[%arg0, %add3A_102, %dma_start3A_135] : memref<2x10240x128xf32, #tpu.memory_space<hbm>> -> memref<1x64x128xf32, #tpu.memory_space<hbm>>
      %dma_start3A_137 = tpu.memref_squeeze %dma_start3A_136 : memref<1x64x128xf32, #tpu.memory_space<hbm>> -> memref<64x128xf32, #tpu.memory_space<hbm>>
      %dma_start3A_138 = arith.constant 0 : i32
      %dma_start3A_139 = tpu.memref_slice %arg15[%add3A_102, %dma_start3A_138] : memref<10240x128xf32, #tpu.memory_space<vmem_shared>> -> memref<64x128xf32, #tpu.memory_space<vmem_shared>>
      tpu.enqueue_dma source(%dma_start3A_139 : memref<64x128xf32, #tpu.memory_space<vmem_shared>>) target(%dma_start3A_137 : memref<64x128xf32, #tpu.memory_space<hbm>>) target_semaphore(%run_scoped3A : memref<!tpu.dma_semaphore, #tpu.memory_space<semaphore_mem>>)
      %dma_wait3A_140 = arith.constant 0 : i32
      %dma_wait3A_141 = tpu.memref_slice %arg6[%arg0, %add3A_102, %dma_wait3A_140] : memref<2x10240x128xf32, #tpu.memory_space<hbm>> -> memref<1x64x128xf32, #tpu.memory_space<hbm>>
      %dma_wait3A_142 = tpu.memref_squeeze %dma_wait3A_141 : memref<1x64x128xf32, #tpu.memory_space<hbm>> -> memref<64x128xf32, #tpu.memory_space<hbm>>
      %dma_wait3A_143 = arith.constant 0 : i32
      %dma_wait3A_144 = tpu.memref_slice %arg15[%add3A_102, %dma_wait3A_143] : memref<10240x128xf32, #tpu.memory_space<vmem_shared>> -> memref<64x128xf32, #tpu.memory_space<vmem_shared>>
      tpu.wait_dma2 semaphore(%run_scoped3A : memref<!tpu.dma_semaphore, #tpu.memory_space<semaphore_mem>>) src(%dma_wait3A_144 : memref<64x128xf32, #tpu.memory_space<vmem_shared>>) dst(%dma_wait3A_142 : memref<64x128xf32, #tpu.memory_space<hbm>>)
      tpu.yield
    }) : () -> ()
    %mul3A_103 = arith.constant 640 : i32
    %mul3A_104 = arith.muli %arg1, %mul3A_103 : i32
    %add3A_105 = arith.constant 128 : i32
    %add3A_106 = arith.addi %mul3A_104, %add3A_105 : i32
    "tpu.region"() ({
      %run_scoped3A = tpu.sem_alloc : memref<!tpu.dma_semaphore, #tpu.memory_space<semaphore_mem>>
      %dma_start3A_135 = arith.constant 0 : i32
      %dma_start3A_136 = tpu.memref_slice %arg6[%arg0, %add3A_106, %dma_start3A_135] : memref<2x10240x128xf32, #tpu.memory_space<hbm>> -> memref<1x64x128xf32, #tpu.memory_space<hbm>>
      %dma_start3A_137 = tpu.memref_squeeze %dma_start3A_136 : memref<1x64x128xf32, #tpu.memory_space<hbm>> -> memref<64x128xf32, #tpu.memory_space<hbm>>
      %dma_start3A_138 = arith.constant 0 : i32
      %dma_start3A_139 = tpu.memref_slice %arg15[%add3A_106, %dma_start3A_138] : memref<10240x128xf32, #tpu.memory_space<vmem_shared>> -> memref<64x128xf32, #tpu.memory_space<vmem_shared>>
      tpu.enqueue_dma source(%dma_start3A_139 : memref<64x128xf32, #tpu.memory_space<vmem_shared>>) target(%dma_start3A_137 : memref<64x128xf32, #tpu.memory_space<hbm>>) target_semaphore(%run_scoped3A : memref<!tpu.dma_semaphore, #tpu.memory_space<semaphore_mem>>)
      %dma_wait3A_140 = arith.constant 0 : i32
      %dma_wait3A_141 = tpu.memref_slice %arg6[%arg0, %add3A_106, %dma_wait3A_140] : memref<2x10240x128xf32, #tpu.memory_space<hbm>> -> memref<1x64x128xf32, #tpu.memory_space<hbm>>
      %dma_wait3A_142 = tpu.memref_squeeze %dma_wait3A_141 : memref<1x64x128xf32, #tpu.memory_space<hbm>> -> memref<64x128xf32, #tpu.memory_space<hbm>>
      %dma_wait3A_143 = arith.constant 0 : i32
      %dma_wait3A_144 = tpu.memref_slice %arg15[%add3A_106, %dma_wait3A_143] : memref<10240x128xf32, #tpu.memory_space<vmem_shared>> -> memref<64x128xf32, #tpu.memory_space<vmem_shared>>
      tpu.wait_dma2 semaphore(%run_scoped3A : memref<!tpu.dma_semaphore, #tpu.memory_space<semaphore_mem>>) src(%dma_wait3A_144 : memref<64x128xf32, #tpu.memory_space<vmem_shared>>) dst(%dma_wait3A_142 : memref<64x128xf32, #tpu.memory_space<hbm>>)
      tpu.yield
    }) : () -> ()
    %mul3A_107 = arith.constant 640 : i32
    %mul3A_108 = arith.muli %arg1, %mul3A_107 : i32
    %add3A_109 = arith.constant 192 : i32
    %add3A_110 = arith.addi %mul3A_108, %add3A_109 : i32
    "tpu.region"() ({
      %run_scoped3A = tpu.sem_alloc : memref<!tpu.dma_semaphore, #tpu.memory_space<semaphore_mem>>
      %dma_start3A_135 = arith.constant 0 : i32
      %dma_start3A_136 = tpu.memref_slice %arg6[%arg0, %add3A_110, %dma_start3A_135] : memref<2x10240x128xf32, #tpu.memory_space<hbm>> -> memref<1x64x128xf32, #tpu.memory_space<hbm>>
      %dma_start3A_137 = tpu.memref_squeeze %dma_start3A_136 : memref<1x64x128xf32, #tpu.memory_space<hbm>> -> memref<64x128xf32, #tpu.memory_space<hbm>>
      %dma_start3A_138 = arith.constant 0 : i32
      %dma_start3A_139 = tpu.memref_slice %arg15[%add3A_110, %dma_start3A_138] : memref<10240x128xf32, #tpu.memory_space<vmem_shared>> -> memref<64x128xf32, #tpu.memory_space<vmem_shared>>
      tpu.enqueue_dma source(%dma_start3A_139 : memref<64x128xf32, #tpu.memory_space<vmem_shared>>) target(%dma_start3A_137 : memref<64x128xf32, #tpu.memory_space<hbm>>) target_semaphore(%run_scoped3A : memref<!tpu.dma_semaphore, #tpu.memory_space<semaphore_mem>>)
      %dma_wait3A_140 = arith.constant 0 : i32
      %dma_wait3A_141 = tpu.memref_slice %arg6[%arg0, %add3A_110, %dma_wait3A_140] : memref<2x10240x128xf32, #tpu.memory_space<hbm>> -> memref<1x64x128xf32, #tpu.memory_space<hbm>>
      %dma_wait3A_142 = tpu.memref_squeeze %dma_wait3A_141 : memref<1x64x128xf32, #tpu.memory_space<hbm>> -> memref<64x128xf32, #tpu.memory_space<hbm>>
      %dma_wait3A_143 = arith.constant 0 : i32
      %dma_wait3A_144 = tpu.memref_slice %arg15[%add3A_110, %dma_wait3A_143] : memref<10240x128xf32, #tpu.memory_space<vmem_shared>> -> memref<64x128xf32, #tpu.memory_space<vmem_shared>>
      tpu.wait_dma2 semaphore(%run_scoped3A : memref<!tpu.dma_semaphore, #tpu.memory_space<semaphore_mem>>) src(%dma_wait3A_144 : memref<64x128xf32, #tpu.memory_space<vmem_shared>>) dst(%dma_wait3A_142 : memref<64x128xf32, #tpu.memory_space<hbm>>)
      tpu.yield
    }) : () -> ()
    %mul3A_111 = arith.constant 640 : i32
    %mul3A_112 = arith.muli %arg1, %mul3A_111 : i32
    %add3A_113 = arith.constant 256 : i32
    %add3A_114 = arith.addi %mul3A_112, %add3A_113 : i32
    "tpu.region"() ({
      %run_scoped3A = tpu.sem_alloc : memref<!tpu.dma_semaphore, #tpu.memory_space<semaphore_mem>>
      %dma_start3A_135 = arith.constant 0 : i32
      %dma_start3A_136 = tpu.memref_slice %arg6[%arg0, %add3A_114, %dma_start3A_135] : memref<2x10240x128xf32, #tpu.memory_space<hbm>> -> memref<1x64x128xf32, #tpu.memory_space<hbm>>
      %dma_start3A_137 = tpu.memref_squeeze %dma_start3A_136 : memref<1x64x128xf32, #tpu.memory_space<hbm>> -> memref<64x128xf32, #tpu.memory_space<hbm>>
      %dma_start3A_138 = arith.constant 0 : i32
      %dma_start3A_139 = tpu.memref_slice %arg15[%add3A_114, %dma_start3A_138] : memref<10240x128xf32, #tpu.memory_space<vmem_shared>> -> memref<64x128xf32, #tpu.memory_space<vmem_shared>>
      tpu.enqueue_dma source(%dma_start3A_139 : memref<64x128xf32, #tpu.memory_space<vmem_shared>>) target(%dma_start3A_137 : memref<64x128xf32, #tpu.memory_space<hbm>>) target_semaphore(%run_scoped3A : memref<!tpu.dma_semaphore, #tpu.memory_space<semaphore_mem>>)
      %dma_wait3A_140 = arith.constant 0 : i32
      %dma_wait3A_141 = tpu.memref_slice %arg6[%arg0, %add3A_114, %dma_wait3A_140] : memref<2x10240x128xf32, #tpu.memory_space<hbm>> -> memref<1x64x128xf32, #tpu.memory_space<hbm>>
      %dma_wait3A_142 = tpu.memref_squeeze %dma_wait3A_141 : memref<1x64x128xf32, #tpu.memory_space<hbm>> -> memref<64x128xf32, #tpu.memory_space<hbm>>
      %dma_wait3A_143 = arith.constant 0 : i32
      %dma_wait3A_144 = tpu.memref_slice %arg15[%add3A_114, %dma_wait3A_143] : memref<10240x128xf32, #tpu.memory_space<vmem_shared>> -> memref<64x128xf32, #tpu.memory_space<vmem_shared>>
      tpu.wait_dma2 semaphore(%run_scoped3A : memref<!tpu.dma_semaphore, #tpu.memory_space<semaphore_mem>>) src(%dma_wait3A_144 : memref<64x128xf32, #tpu.memory_space<vmem_shared>>) dst(%dma_wait3A_142 : memref<64x128xf32, #tpu.memory_space<hbm>>)
      tpu.yield
    }) : () -> ()
    %mul3A_115 = arith.constant 640 : i32
    %mul3A_116 = arith.muli %arg1, %mul3A_115 : i32
    %add3A_117 = arith.constant 320 : i32
    %add3A_118 = arith.addi %mul3A_116, %add3A_117 : i32
    "tpu.region"() ({
      %run_scoped3A = tpu.sem_alloc : memref<!tpu.dma_semaphore, #tpu.memory_space<semaphore_mem>>
      %dma_start3A_135 = arith.constant 0 : i32
      %dma_start3A_136 = tpu.memref_slice %arg6[%arg0, %add3A_118, %dma_start3A_135] : memref<2x10240x128xf32, #tpu.memory_space<hbm>> -> memref<1x64x128xf32, #tpu.memory_space<hbm>>
      %dma_start3A_137 = tpu.memref_squeeze %dma_start3A_136 : memref<1x64x128xf32, #tpu.memory_space<hbm>> -> memref<64x128xf32, #tpu.memory_space<hbm>>
      %dma_start3A_138 = arith.constant 0 : i32
      %dma_start3A_139 = tpu.memref_slice %arg15[%add3A_118, %dma_start3A_138] : memref<10240x128xf32, #tpu.memory_space<vmem_shared>> -> memref<64x128xf32, #tpu.memory_space<vmem_shared>>
      tpu.enqueue_dma source(%dma_start3A_139 : memref<64x128xf32, #tpu.memory_space<vmem_shared>>) target(%dma_start3A_137 : memref<64x128xf32, #tpu.memory_space<hbm>>) target_semaphore(%run_scoped3A : memref<!tpu.dma_semaphore, #tpu.memory_space<semaphore_mem>>)
      %dma_wait3A_140 = arith.constant 0 : i32
      %dma_wait3A_141 = tpu.memref_slice %arg6[%arg0, %add3A_118, %dma_wait3A_140] : memref<2x10240x128xf32, #tpu.memory_space<hbm>> -> memref<1x64x128xf32, #tpu.memory_space<hbm>>
      %dma_wait3A_142 = tpu.memref_squeeze %dma_wait3A_141 : memref<1x64x128xf32, #tpu.memory_space<hbm>> -> memref<64x128xf32, #tpu.memory_space<hbm>>
      %dma_wait3A_143 = arith.constant 0 : i32
      %dma_wait3A_144 = tpu.memref_slice %arg15[%add3A_118, %dma_wait3A_143] : memref<10240x128xf32, #tpu.memory_space<vmem_shared>> -> memref<64x128xf32, #tpu.memory_space<vmem_shared>>
      tpu.wait_dma2 semaphore(%run_scoped3A : memref<!tpu.dma_semaphore, #tpu.memory_space<semaphore_mem>>) src(%dma_wait3A_144 : memref<64x128xf32, #tpu.memory_space<vmem_shared>>) dst(%dma_wait3A_142 : memref<64x128xf32, #tpu.memory_space<hbm>>)
      tpu.yield
    }) : () -> ()
    %mul3A_119 = arith.constant 640 : i32
    %mul3A_120 = arith.muli %arg1, %mul3A_119 : i32
    %add3A_121 = arith.constant 384 : i32
    %add3A_122 = arith.addi %mul3A_120, %add3A_121 : i32
    "tpu.region"() ({
      %run_scoped3A = tpu.sem_alloc : memref<!tpu.dma_semaphore, #tpu.memory_space<semaphore_mem>>
      %dma_start3A_135 = arith.constant 0 : i32
      %dma_start3A_136 = tpu.memref_slice %arg6[%arg0, %add3A_122, %dma_start3A_135] : memref<2x10240x128xf32, #tpu.memory_space<hbm>> -> memref<1x64x128xf32, #tpu.memory_space<hbm>>
      %dma_start3A_137 = tpu.memref_squeeze %dma_start3A_136 : memref<1x64x128xf32, #tpu.memory_space<hbm>> -> memref<64x128xf32, #tpu.memory_space<hbm>>
      %dma_start3A_138 = arith.constant 0 : i32
      %dma_start3A_139 = tpu.memref_slice %arg15[%add3A_122, %dma_start3A_138] : memref<10240x128xf32, #tpu.memory_space<vmem_shared>> -> memref<64x128xf32, #tpu.memory_space<vmem_shared>>
      tpu.enqueue_dma source(%dma_start3A_139 : memref<64x128xf32, #tpu.memory_space<vmem_shared>>) target(%dma_start3A_137 : memref<64x128xf32, #tpu.memory_space<hbm>>) target_semaphore(%run_scoped3A : memref<!tpu.dma_semaphore, #tpu.memory_space<semaphore_mem>>)
      %dma_wait3A_140 = arith.constant 0 : i32
      %dma_wait3A_141 = tpu.memref_slice %arg6[%arg0, %add3A_122, %dma_wait3A_140] : memref<2x10240x128xf32, #tpu.memory_space<hbm>> -> memref<1x64x128xf32, #tpu.memory_space<hbm>>
      %dma_wait3A_142 = tpu.memref_squeeze %dma_wait3A_141 : memref<1x64x128xf32, #tpu.memory_space<hbm>> -> memref<64x128xf32, #tpu.memory_space<hbm>>
      %dma_wait3A_143 = arith.constant 0 : i32
      %dma_wait3A_144 = tpu.memref_slice %arg15[%add3A_122, %dma_wait3A_143] : memref<10240x128xf32, #tpu.memory_space<vmem_shared>> -> memref<64x128xf32, #tpu.memory_space<vmem_shared>>
      tpu.wait_dma2 semaphore(%run_scoped3A : memref<!tpu.dma_semaphore, #tpu.memory_space<semaphore_mem>>) src(%dma_wait3A_144 : memref<64x128xf32, #tpu.memory_space<vmem_shared>>) dst(%dma_wait3A_142 : memref<64x128xf32, #tpu.memory_space<hbm>>)
      tpu.yield
    }) : () -> ()
    %mul3A_123 = arith.constant 640 : i32
    %mul3A_124 = arith.muli %arg1, %mul3A_123 : i32
    %add3A_125 = arith.constant 448 : i32
    %add3A_126 = arith.addi %mul3A_124, %add3A_125 : i32
    "tpu.region"() ({
      %run_scoped3A = tpu.sem_alloc : memref<!tpu.dma_semaphore, #tpu.memory_space<semaphore_mem>>
      %dma_start3A_135 = arith.constant 0 : i32
      %dma_start3A_136 = tpu.memref_slice %arg6[%arg0, %add3A_126, %dma_start3A_135] : memref<2x10240x128xf32, #tpu.memory_space<hbm>> -> memref<1x64x128xf32, #tpu.memory_space<hbm>>
      %dma_start3A_137 = tpu.memref_squeeze %dma_start3A_136 : memref<1x64x128xf32, #tpu.memory_space<hbm>> -> memref<64x128xf32, #tpu.memory_space<hbm>>
      %dma_start3A_138 = arith.constant 0 : i32
      %dma_start3A_139 = tpu.memref_slice %arg15[%add3A_126, %dma_start3A_138] : memref<10240x128xf32, #tpu.memory_space<vmem_shared>> -> memref<64x128xf32, #tpu.memory_space<vmem_shared>>
      tpu.enqueue_dma source(%dma_start3A_139 : memref<64x128xf32, #tpu.memory_space<vmem_shared>>) target(%dma_start3A_137 : memref<64x128xf32, #tpu.memory_space<hbm>>) target_semaphore(%run_scoped3A : memref<!tpu.dma_semaphore, #tpu.memory_space<semaphore_mem>>)
      %dma_wait3A_140 = arith.constant 0 : i32
      %dma_wait3A_141 = tpu.memref_slice %arg6[%arg0, %add3A_126, %dma_wait3A_140] : memref<2x10240x128xf32, #tpu.memory_space<hbm>> -> memref<1x64x128xf32, #tpu.memory_space<hbm>>
      %dma_wait3A_142 = tpu.memref_squeeze %dma_wait3A_141 : memref<1x64x128xf32, #tpu.memory_space<hbm>> -> memref<64x128xf32, #tpu.memory_space<hbm>>
      %dma_wait3A_143 = arith.constant 0 : i32
      %dma_wait3A_144 = tpu.memref_slice %arg15[%add3A_126, %dma_wait3A_143] : memref<10240x128xf32, #tpu.memory_space<vmem_shared>> -> memref<64x128xf32, #tpu.memory_space<vmem_shared>>
      tpu.wait_dma2 semaphore(%run_scoped3A : memref<!tpu.dma_semaphore, #tpu.memory_space<semaphore_mem>>) src(%dma_wait3A_144 : memref<64x128xf32, #tpu.memory_space<vmem_shared>>) dst(%dma_wait3A_142 : memref<64x128xf32, #tpu.memory_space<hbm>>)
      tpu.yield
    }) : () -> ()
    %mul3A_127 = arith.constant 640 : i32
    %mul3A_128 = arith.muli %arg1, %mul3A_127 : i32
    %add3A_129 = arith.constant 512 : i32
    %add3A_130 = arith.addi %mul3A_128, %add3A_129 : i32
    "tpu.region"() ({
      %run_scoped3A = tpu.sem_alloc : memref<!tpu.dma_semaphore, #tpu.memory_space<semaphore_mem>>
      %dma_start3A_135 = arith.constant 0 : i32
      %dma_start3A_136 = tpu.memref_slice %arg6[%arg0, %add3A_130, %dma_start3A_135] : memref<2x10240x128xf32, #tpu.memory_space<hbm>> -> memref<1x64x128xf32, #tpu.memory_space<hbm>>
      %dma_start3A_137 = tpu.memref_squeeze %dma_start3A_136 : memref<1x64x128xf32, #tpu.memory_space<hbm>> -> memref<64x128xf32, #tpu.memory_space<hbm>>
      %dma_start3A_138 = arith.constant 0 : i32
      %dma_start3A_139 = tpu.memref_slice %arg15[%add3A_130, %dma_start3A_138] : memref<10240x128xf32, #tpu.memory_space<vmem_shared>> -> memref<64x128xf32, #tpu.memory_space<vmem_shared>>
      tpu.enqueue_dma source(%dma_start3A_139 : memref<64x128xf32, #tpu.memory_space<vmem_shared>>) target(%dma_start3A_137 : memref<64x128xf32, #tpu.memory_space<hbm>>) target_semaphore(%run_scoped3A : memref<!tpu.dma_semaphore, #tpu.memory_space<semaphore_mem>>)
      %dma_wait3A_140 = arith.constant 0 : i32
      %dma_wait3A_141 = tpu.memref_slice %arg6[%arg0, %add3A_130, %dma_wait3A_140] : memref<2x10240x128xf32, #tpu.memory_space<hbm>> -> memref<1x64x128xf32, #tpu.memory_space<hbm>>
      %dma_wait3A_142 = tpu.memref_squeeze %dma_wait3A_141 : memref<1x64x128xf32, #tpu.memory_space<hbm>> -> memref<64x128xf32, #tpu.memory_space<hbm>>
      %dma_wait3A_143 = arith.constant 0 : i32
      %dma_wait3A_144 = tpu.memref_slice %arg15[%add3A_130, %dma_wait3A_143] : memref<10240x128xf32, #tpu.memory_space<vmem_shared>> -> memref<64x128xf32, #tpu.memory_space<vmem_shared>>
      tpu.wait_dma2 semaphore(%run_scoped3A : memref<!tpu.dma_semaphore, #tpu.memory_space<semaphore_mem>>) src(%dma_wait3A_144 : memref<64x128xf32, #tpu.memory_space<vmem_shared>>) dst(%dma_wait3A_142 : memref<64x128xf32, #tpu.memory_space<hbm>>)
      tpu.yield
    }) : () -> ()
    %mul3A_131 = arith.constant 640 : i32
    %mul3A_132 = arith.muli %arg1, %mul3A_131 : i32
    %add3A_133 = arith.constant 576 : i32
    %add3A_134 = arith.addi %mul3A_132, %add3A_133 : i32
    "tpu.region"() ({
      %run_scoped3A = tpu.sem_alloc : memref<!tpu.dma_semaphore, #tpu.memory_space<semaphore_mem>>
      %dma_start3A_135 = arith.constant 0 : i32
      %dma_start3A_136 = tpu.memref_slice %arg6[%arg0, %add3A_134, %dma_start3A_135] : memref<2x10240x128xf32, #tpu.memory_space<hbm>> -> memref<1x64x128xf32, #tpu.memory_space<hbm>>
      %dma_start3A_137 = tpu.memref_squeeze %dma_start3A_136 : memref<1x64x128xf32, #tpu.memory_space<hbm>> -> memref<64x128xf32, #tpu.memory_space<hbm>>
      %dma_start3A_138 = arith.constant 0 : i32
      %dma_start3A_139 = tpu.memref_slice %arg15[%add3A_134, %dma_start3A_138] : memref<10240x128xf32, #tpu.memory_space<vmem_shared>> -> memref<64x128xf32, #tpu.memory_space<vmem_shared>>
      tpu.enqueue_dma source(%dma_start3A_139 : memref<64x128xf32, #tpu.memory_space<vmem_shared>>) target(%dma_start3A_137 : memref<64x128xf32, #tpu.memory_space<hbm>>) target_semaphore(%run_scoped3A : memref<!tpu.dma_semaphore, #tpu.memory_space<semaphore_mem>>)
      %dma_wait3A_140 = arith.constant 0 : i32
      %dma_wait3A_141 = tpu.memref_slice %arg6[%arg0, %add3A_134, %dma_wait3A_140] : memref<2x10240x128xf32, #tpu.memory_space<hbm>> -> memref<1x64x128xf32, #tpu.memory_space<hbm>>
      %dma_wait3A_142 = tpu.memref_squeeze %dma_wait3A_141 : memref<1x64x128xf32, #tpu.memory_space<hbm>> -> memref<64x128xf32, #tpu.memory_space<hbm>>
      %dma_wait3A_143 = arith.constant 0 : i32
      %dma_wait3A_144 = tpu.memref_slice %arg15[%add3A_134, %dma_wait3A_143] : memref<10240x128xf32, #tpu.memory_space<vmem_shared>> -> memref<64x128xf32, #tpu.memory_space<vmem_shared>>
      tpu.wait_dma2 semaphore(%run_scoped3A : memref<!tpu.dma_semaphore, #tpu.memory_space<semaphore_mem>>) src(%dma_wait3A_144 : memref<64x128xf32, #tpu.memory_space<vmem_shared>>) dst(%dma_wait3A_142 : memref<64x128xf32, #tpu.memory_space<hbm>>)
      tpu.yield
    }) : () -> ()
    return
  }
}

module attributes {stable_mosaic.version = 14 : i64} {
  func.func @body(%arg0: i32, %arg1: memref<4096x11xf32, #tpu.memory_space<vmem>>, %arg2: memref<11x128xf32, #tpu.memory_space<vmem>>, %arg3: memref<1x128xf32, #tpu.memory_space<vmem>>, %arg4: memref<4096x128xf32, #tpu.memory_space<vmem>>) attributes {dimension_semantics = [#tpu.dimension_semantics<arbitrary>], iteration_bounds = array<i64: 157>, scalar_prefetch = 0 : i64, scratch_operands = 0 : i64, tpu.core_type = #tpu.core_type<tc>, window_params = [{transform_indices = @transform_0, window_bounds = array<i64: 4096, 11>}, {pipeline_mode = #tpu.pipeline_mode<synchronous>, transform_indices = @transform_1, window_bounds = array<i64: 11, 128>}, {pipeline_mode = #tpu.pipeline_mode<synchronous>, transform_indices = @transform_2, window_bounds = array<i64: 1, 128>}, {transform_indices = @transform_3, window_bounds = array<i64: 4096, 128>}]} {
    %get3A = arith.constant 0 : index
    %get3A_0 = arith.constant 0 : index
    %get3A_1 = vector.load %arg1[%get3A, %get3A_0] : memref<4096x11xf32, #tpu.memory_space<vmem>>, vector<4096x11xf32>
    %get3A_2 = arith.constant 0 : index
    %get3A_3 = arith.constant 0 : index
    %get3A_4 = vector.load %arg2[%get3A_2, %get3A_3] : memref<11x128xf32, #tpu.memory_space<vmem>>, vector<11x128xf32>
    %dot_general3A = arith.constant dense<0.000000e+00> : vector<4096x128xf32>
    %dot_general3A_5 = tpu.matmul %get3A_1, %get3A_4, %dot_general3A {dimension_numbers = #tpu.dot_dimension_numbers<[1], [0], [0], [1], [0, 0, 1, 1], [], []>, transpose_lhs_hint = false} : vector<4096x11xf32>, vector<11x128xf32>, vector<4096x128xf32> -> vector<4096x128xf32>
    %get3A_6 = arith.constant 0 : index
    %get3A_7 = arith.constant 0 : index
    %get3A_8 = vector.load %arg3[%get3A_6, %get3A_7] : memref<1x128xf32, #tpu.memory_space<vmem>>, vector<1x128xf32>
    %add3A = vector.broadcast %get3A_8 : vector<1x128xf32> to vector<4096x128xf32>
    %add3A_9 = arith.addf %dot_general3A_5, %add3A : vector<4096x128xf32>
    %swap3A = arith.constant 0 : index
    %swap3A_10 = arith.constant 0 : index
    %swap3A_11 = vector.load %arg4[%swap3A, %swap3A_10] : memref<4096x128xf32, #tpu.memory_space<vmem>>, vector<4096x128xf32>
    tpu.vector_store %arg4[%swap3A, %swap3A_10], %add3A_9 {strides = array<i32>} : memref<4096x128xf32, #tpu.memory_space<vmem>>, vector<4096x128xf32>,
    return
  }
  func.func @transform_0(%arg0: i32) -> (i32, i32) {
    %c0_i32 = arith.constant 0 : i32
    %c0_i32_0 = arith.constant 0 : i32
    return %arg0, %c0_i32 : i32, i32
  }
  func.func @transform_1(%arg0: i32) -> (i32, i32) {
    %c0_i32 = arith.constant 0 : i32
    %c0_i32_0 = arith.constant 0 : i32
    %c0_i32_1 = arith.constant 0 : i32
    return %c0_i32, %c0_i32_0 : i32, i32
  }
  func.func @transform_2(%arg0: i32) -> (i32, i32) {
    %c0_i32 = arith.constant 0 : i32
    %c0_i32_0 = arith.constant 0 : i32
    %c0_i32_1 = arith.constant 0 : i32
    return %c0_i32, %c0_i32_0 : i32, i32
  }
  func.func @transform_3(%arg0: i32) -> (i32, i32) {
    %c0_i32 = arith.constant 0 : i32
    %c0_i32_0 = arith.constant 0 : i32
    return %arg0, %c0_i32 : i32, i32
  }
}

module attributes {stable_mosaic.version = 14 : i64} {
  func.func @body(%arg0: i32, %arg1: memref<1000x101xf32, #tpu.memory_space<vmem>>, %arg2: memref<101x128xf32, #tpu.memory_space<vmem>>, %arg3: memref<1x128xf32, #tpu.memory_space<vmem>>, %arg4: memref<1000x128xf32, #tpu.memory_space<vmem>>) attributes {dimension_semantics = [#tpu.dimension_semantics<arbitrary>], iteration_bounds = array<i64: 10>, scalar_prefetch = 0 : i64, scratch_operands = 0 : i64, tpu.core_type = #tpu.core_type<tc>, window_params = [{transform_indices = @transform_0, window_bounds = array<i64: 1000, 101>}, {pipeline_mode = #tpu.pipeline_mode<synchronous>, transform_indices = @transform_1, window_bounds = array<i64: 101, 128>}, {pipeline_mode = #tpu.pipeline_mode<synchronous>, transform_indices = @transform_2, window_bounds = array<i64: 1, 128>}, {transform_indices = @transform_3, window_bounds = array<i64: 1000, 128>}]} {
    %get3A = arith.constant 0 : index
    %get3A_0 = arith.constant 0 : index
    %get3A_1 = vector.load %arg1[%get3A, %get3A_0] : memref<1000x101xf32, #tpu.memory_space<vmem>>, vector<1000x101xf32>
    %get3A_2 = arith.constant 0 : index
    %get3A_3 = arith.constant 0 : index
    %get3A_4 = vector.load %arg2[%get3A_2, %get3A_3] : memref<101x128xf32, #tpu.memory_space<vmem>>, vector<101x128xf32>
    %dot_general3A = arith.constant dense<0.000000e+00> : vector<1000x128xf32>
    %dot_general3A_5 = tpu.matmul %get3A_1, %get3A_4, %dot_general3A {dimension_numbers = #tpu.dot_dimension_numbers<[1], [0], [0], [1], [0, 0, 1, 1], [], []>, transpose_lhs_hint = false} : vector<1000x101xf32>, vector<101x128xf32>, vector<1000x128xf32> -> vector<1000x128xf32>
    %get3A_6 = arith.constant 0 : index
    %get3A_7 = arith.constant 0 : index
    %get3A_8 = vector.load %arg3[%get3A_6, %get3A_7] : memref<1x128xf32, #tpu.memory_space<vmem>>, vector<1x128xf32>
    %add3A = vector.broadcast %get3A_8 : vector<1x128xf32> to vector<1000x128xf32>
    %add3A_9 = arith.addf %dot_general3A_5, %add3A : vector<1000x128xf32>
    %swap3A = arith.constant 0 : index
    %swap3A_10 = arith.constant 0 : index
    %swap3A_11 = vector.load %arg4[%swap3A, %swap3A_10] : memref<1000x128xf32, #tpu.memory_space<vmem>>, vector<1000x128xf32>
    tpu.vector_store %arg4[%swap3A, %swap3A_10], %add3A_9 {strides = array<i32>} : memref<1000x128xf32, #tpu.memory_space<vmem>>, vector<1000x128xf32>,
    return
  }
  func.func @transform_0(%arg0: i32) -> (i32, i32) {
    %c0_i32 = arith.constant 0 : i32
    %c0_i32_0 = arith.constant 0 : i32
    return %arg0, %c0_i32 : i32, i32
  }
  func.func @transform_1(%arg0: i32) -> (i32, i32) {
    %c0_i32 = arith.constant 0 : i32
    %c0_i32_0 = arith.constant 0 : i32
    %c0_i32_1 = arith.constant 0 : i32
    return %c0_i32, %c0_i32_0 : i32, i32
  }
  func.func @transform_2(%arg0: i32) -> (i32, i32) {
    %c0_i32 = arith.constant 0 : i32
    %c0_i32_0 = arith.constant 0 : i32
    %c0_i32_1 = arith.constant 0 : i32
    return %c0_i32, %c0_i32_0 : i32, i32
  }
  func.func @transform_3(%arg0: i32) -> (i32, i32) {
    %c0_i32 = arith.constant 0 : i32
    %c0_i32_0 = arith.constant 0 : i32
    return %arg0, %c0_i32 : i32, i32
  }
}

module attributes {stable_mosaic.version = 14 : i64} {
  func.func @body(%arg0: memref<10000x128xf32, #tpu.memory_space<vmem>>, %arg1: memref<2x10240x128xf32, #tpu.memory_space<vmem>>, %arg2: memref<128x256xf32, #tpu.memory_space<vmem>>, %arg3: memref<1x256xf32, #tpu.memory_space<vmem>>, %arg4: memref<1x256xf32, #tpu.memory_space<vmem>>, %arg5: memref<1x256xf32, #tpu.memory_space<vmem>>, %arg6: memref<256x128xf32, #tpu.memory_space<vmem>>, %arg7: memref<1x128xf32, #tpu.memory_space<vmem>>, %arg8: memref<1x128xf32, #tpu.memory_space<vmem>>, %arg9: memref<1x128xf32, #tpu.memory_space<vmem>>, %arg10: memref<10000x128xf32, #tpu.memory_space<vmem>>) attributes {dimension_semantics = [], scalar_prefetch = 0 : i64, scratch_operands = 0 : i64, tpu.core_type = #tpu.core_type<tc>} {
    %get3A = arith.constant 0 : index
    %get3A_0 = arith.constant 0 : index
    %get3A_1 = vector.load %arg0[%get3A, %get3A_0] : memref<10000x128xf32, #tpu.memory_space<vmem>>, vector<10000x128xf32>
    %get3A_2 = arith.constant 0 : index
    %get3A_3 = arith.constant 0 : index
    %get3A_4 = arith.constant 0 : index
    %get3A_5 = vector.load %arg1[%get3A_2, %get3A_3, %get3A_4] : memref<2x10240x128xf32, #tpu.memory_space<vmem>>, vector<1x10000x128xf32>
    %get3A_6 = vector.shape_cast %get3A_5 : vector<1x10000x128xf32> to vector<10000x128xf32>
    %add3A = arith.addf %get3A_1, %get3A_6 : vector<10000x128xf32>
    %get3A_7 = arith.constant 1 : index
    %get3A_8 = arith.constant 0 : index
    %get3A_9 = arith.constant 0 : index
    %get3A_10 = vector.load %arg1[%get3A_7, %get3A_8, %get3A_9] : memref<2x10240x128xf32, #tpu.memory_space<vmem>>, vector<1x10000x128xf32>
    %get3A_11 = vector.shape_cast %get3A_10 : vector<1x10000x128xf32> to vector<10000x128xf32>
    %add3A_12 = arith.addf %add3A, %get3A_11 : vector<10000x128xf32>
    %get3A_13 = arith.constant 0 : index
    %get3A_14 = arith.constant 0 : index
    %get3A_15 = vector.load %arg2[%get3A_13, %get3A_14] : memref<128x256xf32, #tpu.memory_space<vmem>>, vector<128x256xf32>
    %dot_general3A = arith.constant dense<0.000000e+00> : vector<10000x256xf32>
    %dot_general3A_16 = tpu.matmul %add3A_12, %get3A_15, %dot_general3A {dimension_numbers = #tpu.dot_dimension_numbers<[1], [0], [0], [1], [0, 0, 1, 1], [], []>, transpose_lhs_hint = false} : vector<10000x128xf32>, vector<128x256xf32>, vector<10000x256xf32> -> vector<10000x256xf32>
    %get3A_17 = arith.constant 0 : index
    %get3A_18 = arith.constant 0 : index
    %get3A_19 = vector.load %arg3[%get3A_17, %get3A_18] : memref<1x256xf32, #tpu.memory_space<vmem>>, vector<1x256xf32>
    %add3A_20 = vector.broadcast %get3A_19 : vector<1x256xf32> to vector<10000x256xf32>
    %add3A_21 = arith.addf %dot_general3A_16, %add3A_20 : vector<10000x256xf32>
    %get3A_22 = arith.constant 0 : index
    %get3A_23 = arith.constant 0 : index
    %get3A_24 = vector.load %arg4[%get3A_22, %get3A_23] : memref<1x256xf32, #tpu.memory_space<vmem>>, vector<1x256xf32>
    %get3A_25 = arith.constant 0 : index
    %get3A_26 = arith.constant 0 : index
    %get3A_27 = vector.load %arg5[%get3A_25, %get3A_26] : memref<1x256xf32, #tpu.memory_space<vmem>>, vector<1x256xf32>
    %reduce_sum3A = arith.constant dense<0.000000e+00> : vector<256xf32>
    %reduce_sum3A_28 = vector.multi_reduction <add>, %add3A_21, %reduce_sum3A [0] : vector<10000x256xf32> to vector<256xf32>
    %broadcast_in_dim3A = vector.shape_cast %reduce_sum3A_28 : vector<256xf32> to vector<1x256xf32>
    %div3A = arith.constant 1.000000e+04 : f32
    %div3A_29 = vector.broadcast %div3A : f32 to vector<1x256xf32>
    %div3A_30 = arith.divf %broadcast_in_dim3A, %div3A_29 : vector<1x256xf32>
    %sub3A = vector.broadcast %div3A_30 : vector<1x256xf32> to vector<10000x256xf32>
    %sub3A_31 = arith.subf %add3A_21, %sub3A : vector<10000x256xf32>
    %mul3A = arith.mulf %sub3A_31, %sub3A_31 : vector<10000x256xf32>
    %reduce_sum3A_32 = arith.constant dense<0.000000e+00> : vector<256xf32>
    %reduce_sum3A_33 = vector.multi_reduction <add>, %mul3A, %reduce_sum3A_32 [0] : vector<10000x256xf32> to vector<256xf32>
    %broadcast_in_dim3A_34 = vector.shape_cast %reduce_sum3A_33 : vector<256xf32> to vector<1x256xf32>
    %div3A_35 = arith.constant 1.000000e+04 : f32
    %div3A_36 = vector.broadcast %div3A_35 : f32 to vector<1x256xf32>
    %div3A_37 = arith.divf %broadcast_in_dim3A_34, %div3A_36 : vector<1x256xf32>
    %add3A_38 = arith.constant 9.99999974E-6 : f32
    %add3A_39 = vector.broadcast %add3A_38 : f32 to vector<1x256xf32>
    %add3A_40 = arith.addf %div3A_37, %add3A_39 : vector<1x256xf32>
    %rsqrt3A = math.rsqrt %add3A_40 : vector<1x256xf32>
    %mul3A_41 = vector.broadcast %rsqrt3A : vector<1x256xf32> to vector<10000x256xf32>
    %mul3A_42 = arith.mulf %sub3A_31, %mul3A_41 : vector<10000x256xf32>
    %mul3A_43 = vector.broadcast %get3A_24 : vector<1x256xf32> to vector<10000x256xf32>
    %mul3A_44 = arith.mulf %mul3A_42, %mul3A_43 : vector<10000x256xf32>
    %add3A_45 = vector.broadcast %get3A_27 : vector<1x256xf32> to vector<10000x256xf32>
    %add3A_46 = arith.addf %mul3A_44, %add3A_45 : vector<10000x256xf32>
    %max3A = arith.constant 0.000000e+00 : f32
    %max3A_47 = vector.broadcast %max3A : f32 to vector<10000x256xf32>
    %max3A_48 = arith.maximumf %add3A_46, %max3A_47 : vector<10000x256xf32>
    %get3A_49 = arith.constant 0 : index
    %get3A_50 = arith.constant 0 : index
    %get3A_51 = vector.load %arg6[%get3A_49, %get3A_50] : memref<256x128xf32, #tpu.memory_space<vmem>>, vector<256x128xf32>
    %dot_general3A_52 = arith.constant dense<0.000000e+00> : vector<10000x128xf32>
    %dot_general3A_53 = tpu.matmul %max3A_48, %get3A_51, %dot_general3A_52 {dimension_numbers = #tpu.dot_dimension_numbers<[1], [0], [0], [1], [0, 0, 1, 1], [], []>, transpose_lhs_hint = false} : vector<10000x256xf32>, vector<256x128xf32>, vector<10000x128xf32> -> vector<10000x128xf32>
    %get3A_54 = arith.constant 0 : index
    %get3A_55 = arith.constant 0 : index
    %get3A_56 = vector.load %arg7[%get3A_54, %get3A_55] : memref<1x128xf32, #tpu.memory_space<vmem>>, vector<1x128xf32>
    %add3A_57 = vector.broadcast %get3A_56 : vector<1x128xf32> to vector<10000x128xf32>
    %add3A_58 = arith.addf %dot_general3A_53, %add3A_57 : vector<10000x128xf32>
    %get3A_59 = arith.constant 0 : index
    %get3A_60 = arith.constant 0 : index
    %get3A_61 = vector.load %arg8[%get3A_59, %get3A_60] : memref<1x128xf32, #tpu.memory_space<vmem>>, vector<1x128xf32>
    %get3A_62 = arith.constant 0 : index
    %get3A_63 = arith.constant 0 : index
    %get3A_64 = vector.load %arg9[%get3A_62, %get3A_63] : memref<1x128xf32, #tpu.memory_space<vmem>>, vector<1x128xf32>
    %reduce_sum3A_65 = arith.constant dense<0.000000e+00> : vector<128xf32>
    %reduce_sum3A_66 = vector.multi_reduction <add>, %add3A_58, %reduce_sum3A_65 [0] : vector<10000x128xf32> to vector<128xf32>
    %broadcast_in_dim3A_67 = vector.shape_cast %reduce_sum3A_66 : vector<128xf32> to vector<1x128xf32>
    %div3A_68 = arith.constant 1.000000e+04 : f32
    %div3A_69 = vector.broadcast %div3A_68 : f32 to vector<1x128xf32>
    %div3A_70 = arith.divf %broadcast_in_dim3A_67, %div3A_69 : vector<1x128xf32>
    %sub3A_71 = vector.broadcast %div3A_70 : vector<1x128xf32> to vector<10000x128xf32>
    %sub3A_72 = arith.subf %add3A_58, %sub3A_71 : vector<10000x128xf32>
    %mul3A_73 = arith.mulf %sub3A_72, %sub3A_72 : vector<10000x128xf32>
    %reduce_sum3A_74 = arith.constant dense<0.000000e+00> : vector<128xf32>
    %reduce_sum3A_75 = vector.multi_reduction <add>, %mul3A_73, %reduce_sum3A_74 [0] : vector<10000x128xf32> to vector<128xf32>
    %broadcast_in_dim3A_76 = vector.shape_cast %reduce_sum3A_75 : vector<128xf32> to vector<1x128xf32>
    %div3A_77 = arith.constant 1.000000e+04 : f32
    %div3A_78 = vector.broadcast %div3A_77 : f32 to vector<1x128xf32>
    %div3A_79 = arith.divf %broadcast_in_dim3A_76, %div3A_78 : vector<1x128xf32>
    %add3A_80 = arith.constant 9.99999974E-6 : f32
    %add3A_81 = vector.broadcast %add3A_80 : f32 to vector<1x128xf32>
    %add3A_82 = arith.addf %div3A_79, %add3A_81 : vector<1x128xf32>
    %rsqrt3A_83 = math.rsqrt %add3A_82 : vector<1x128xf32>
    %mul3A_84 = vector.broadcast %rsqrt3A_83 : vector<1x128xf32> to vector<10000x128xf32>
    %mul3A_85 = arith.mulf %sub3A_72, %mul3A_84 : vector<10000x128xf32>
    %mul3A_86 = vector.broadcast %get3A_61 : vector<1x128xf32> to vector<10000x128xf32>
    %mul3A_87 = arith.mulf %mul3A_85, %mul3A_86 : vector<10000x128xf32>
    %add3A_88 = vector.broadcast %get3A_64 : vector<1x128xf32> to vector<10000x128xf32>
    %add3A_89 = arith.addf %mul3A_87, %add3A_88 : vector<10000x128xf32>
    %swap3A = arith.constant 0 : index
    %swap3A_90 = arith.constant 0 : index
    %swap3A_91 = vector.load %arg10[%swap3A, %swap3A_90] : memref<10000x128xf32, #tpu.memory_space<vmem>>, vector<10000x128xf32>
    tpu.vector_store %arg10[%swap3A, %swap3A_90], %add3A_89 {strides = array<i32>} : memref<10000x128xf32, #tpu.memory_space<vmem>>, vector<10000x128xf32>,
    return
  }
}

module attributes {stable_mosaic.version = 14 : i64} {
  func.func @body(%arg0: memref<10000x128xf32, #tpu.memory_space<vmem>>, %arg1: memref<2x10240x128xf32, #tpu.memory_space<vmem>>, %arg2: memref<128x256xf32, #tpu.memory_space<vmem>>, %arg3: memref<1x256xf32, #tpu.memory_space<vmem>>, %arg4: memref<1x256xf32, #tpu.memory_space<vmem>>, %arg5: memref<1x256xf32, #tpu.memory_space<vmem>>, %arg6: memref<256x128xf32, #tpu.memory_space<vmem>>, %arg7: memref<1x128xf32, #tpu.memory_space<vmem>>, %arg8: memref<1x128xf32, #tpu.memory_space<vmem>>, %arg9: memref<1x128xf32, #tpu.memory_space<vmem>>, %arg10: memref<10000x128xf32, #tpu.memory_space<vmem>>) attributes {dimension_semantics = [], scalar_prefetch = 0 : i64, scratch_operands = 0 : i64, tpu.core_type = #tpu.core_type<tc>} {
    %get3A = arith.constant 0 : index
    %get3A_0 = arith.constant 0 : index
    %get3A_1 = vector.load %arg0[%get3A, %get3A_0] : memref<10000x128xf32, #tpu.memory_space<vmem>>, vector<10000x128xf32>
    %get3A_2 = arith.constant 0 : index
    %get3A_3 = arith.constant 0 : index
    %get3A_4 = arith.constant 0 : index
    %get3A_5 = vector.load %arg1[%get3A_2, %get3A_3, %get3A_4] : memref<2x10240x128xf32, #tpu.memory_space<vmem>>, vector<1x10000x128xf32>
    %get3A_6 = vector.shape_cast %get3A_5 : vector<1x10000x128xf32> to vector<10000x128xf32>
    %add3A = arith.addf %get3A_1, %get3A_6 : vector<10000x128xf32>
    %get3A_7 = arith.constant 1 : index
    %get3A_8 = arith.constant 0 : index
    %get3A_9 = arith.constant 0 : index
    %get3A_10 = vector.load %arg1[%get3A_7, %get3A_8, %get3A_9] : memref<2x10240x128xf32, #tpu.memory_space<vmem>>, vector<1x10000x128xf32>
    %get3A_11 = vector.shape_cast %get3A_10 : vector<1x10000x128xf32> to vector<10000x128xf32>
    %add3A_12 = arith.addf %add3A, %get3A_11 : vector<10000x128xf32>
    %get3A_13 = arith.constant 0 : index
    %get3A_14 = arith.constant 0 : index
    %get3A_15 = vector.load %arg2[%get3A_13, %get3A_14] : memref<128x256xf32, #tpu.memory_space<vmem>>, vector<128x256xf32>
    %dot_general3A = arith.constant dense<0.000000e+00> : vector<10000x256xf32>
    %dot_general3A_16 = tpu.matmul %add3A_12, %get3A_15, %dot_general3A {dimension_numbers = #tpu.dot_dimension_numbers<[1], [0], [0], [1], [0, 0, 1, 1], [], []>, transpose_lhs_hint = false} : vector<10000x128xf32>, vector<128x256xf32>, vector<10000x256xf32> -> vector<10000x256xf32>
    %get3A_17 = arith.constant 0 : index
    %get3A_18 = arith.constant 0 : index
    %get3A_19 = vector.load %arg3[%get3A_17, %get3A_18] : memref<1x256xf32, #tpu.memory_space<vmem>>, vector<1x256xf32>
    %add3A_20 = vector.broadcast %get3A_19 : vector<1x256xf32> to vector<10000x256xf32>
    %add3A_21 = arith.addf %dot_general3A_16, %add3A_20 : vector<10000x256xf32>
    %get3A_22 = arith.constant 0 : index
    %get3A_23 = arith.constant 0 : index
    %get3A_24 = vector.load %arg4[%get3A_22, %get3A_23] : memref<1x256xf32, #tpu.memory_space<vmem>>, vector<1x256xf32>
    %get3A_25 = arith.constant 0 : index
    %get3A_26 = arith.constant 0 : index
    %get3A_27 = vector.load %arg5[%get3A_25, %get3A_26] : memref<1x256xf32, #tpu.memory_space<vmem>>, vector<1x256xf32>
    %reduce_sum3A = arith.constant dense<0.000000e+00> : vector<256xf32>
    %reduce_sum3A_28 = vector.multi_reduction <add>, %add3A_21, %reduce_sum3A [0] : vector<10000x256xf32> to vector<256xf32>
    %broadcast_in_dim3A = vector.shape_cast %reduce_sum3A_28 : vector<256xf32> to vector<1x256xf32>
    %div3A = arith.constant 1.000000e+04 : f32
    %div3A_29 = vector.broadcast %div3A : f32 to vector<1x256xf32>
    %div3A_30 = arith.divf %broadcast_in_dim3A, %div3A_29 : vector<1x256xf32>
    %sub3A = vector.broadcast %div3A_30 : vector<1x256xf32> to vector<10000x256xf32>
    %sub3A_31 = arith.subf %add3A_21, %sub3A : vector<10000x256xf32>
    %mul3A = arith.mulf %sub3A_31, %sub3A_31 : vector<10000x256xf32>
    %reduce_sum3A_32 = arith.constant dense<0.000000e+00> : vector<256xf32>
    %reduce_sum3A_33 = vector.multi_reduction <add>, %mul3A, %reduce_sum3A_32 [0] : vector<10000x256xf32> to vector<256xf32>
    %broadcast_in_dim3A_34 = vector.shape_cast %reduce_sum3A_33 : vector<256xf32> to vector<1x256xf32>
    %div3A_35 = arith.constant 1.000000e+04 : f32
    %div3A_36 = vector.broadcast %div3A_35 : f32 to vector<1x256xf32>
    %div3A_37 = arith.divf %broadcast_in_dim3A_34, %div3A_36 : vector<1x256xf32>
    %add3A_38 = arith.constant 9.99999974E-6 : f32
    %add3A_39 = vector.broadcast %add3A_38 : f32 to vector<1x256xf32>
    %add3A_40 = arith.addf %div3A_37, %add3A_39 : vector<1x256xf32>
    %rsqrt3A = math.rsqrt %add3A_40 : vector<1x256xf32>
    %mul3A_41 = vector.broadcast %rsqrt3A : vector<1x256xf32> to vector<10000x256xf32>
    %mul3A_42 = arith.mulf %sub3A_31, %mul3A_41 : vector<10000x256xf32>
    %mul3A_43 = vector.broadcast %get3A_24 : vector<1x256xf32> to vector<10000x256xf32>
    %mul3A_44 = arith.mulf %mul3A_42, %mul3A_43 : vector<10000x256xf32>
    %add3A_45 = vector.broadcast %get3A_27 : vector<1x256xf32> to vector<10000x256xf32>
    %add3A_46 = arith.addf %mul3A_44, %add3A_45 : vector<10000x256xf32>
    %max3A = arith.constant 0.000000e+00 : f32
    %max3A_47 = vector.broadcast %max3A : f32 to vector<10000x256xf32>
    %max3A_48 = arith.maximumf %add3A_46, %max3A_47 : vector<10000x256xf32>
    %get3A_49 = arith.constant 0 : index
    %get3A_50 = arith.constant 0 : index
    %get3A_51 = vector.load %arg6[%get3A_49, %get3A_50] : memref<256x128xf32, #tpu.memory_space<vmem>>, vector<256x128xf32>
    %dot_general3A_52 = arith.constant dense<0.000000e+00> : vector<10000x128xf32>
    %dot_general3A_53 = tpu.matmul %max3A_48, %get3A_51, %dot_general3A_52 {dimension_numbers = #tpu.dot_dimension_numbers<[1], [0], [0], [1], [0, 0, 1, 1], [], []>, transpose_lhs_hint = false} : vector<10000x256xf32>, vector<256x128xf32>, vector<10000x128xf32> -> vector<10000x128xf32>
    %get3A_54 = arith.constant 0 : index
    %get3A_55 = arith.constant 0 : index
    %get3A_56 = vector.load %arg7[%get3A_54, %get3A_55] : memref<1x128xf32, #tpu.memory_space<vmem>>, vector<1x128xf32>
    %add3A_57 = vector.broadcast %get3A_56 : vector<1x128xf32> to vector<10000x128xf32>
    %add3A_58 = arith.addf %dot_general3A_53, %add3A_57 : vector<10000x128xf32>
    %get3A_59 = arith.constant 0 : index
    %get3A_60 = arith.constant 0 : index
    %get3A_61 = vector.load %arg8[%get3A_59, %get3A_60] : memref<1x128xf32, #tpu.memory_space<vmem>>, vector<1x128xf32>
    %get3A_62 = arith.constant 0 : index
    %get3A_63 = arith.constant 0 : index
    %get3A_64 = vector.load %arg9[%get3A_62, %get3A_63] : memref<1x128xf32, #tpu.memory_space<vmem>>, vector<1x128xf32>
    %reduce_sum3A_65 = arith.constant dense<0.000000e+00> : vector<128xf32>
    %reduce_sum3A_66 = vector.multi_reduction <add>, %add3A_58, %reduce_sum3A_65 [0] : vector<10000x128xf32> to vector<128xf32>
    %broadcast_in_dim3A_67 = vector.shape_cast %reduce_sum3A_66 : vector<128xf32> to vector<1x128xf32>
    %div3A_68 = arith.constant 1.000000e+04 : f32
    %div3A_69 = vector.broadcast %div3A_68 : f32 to vector<1x128xf32>
    %div3A_70 = arith.divf %broadcast_in_dim3A_67, %div3A_69 : vector<1x128xf32>
    %sub3A_71 = vector.broadcast %div3A_70 : vector<1x128xf32> to vector<10000x128xf32>
    %sub3A_72 = arith.subf %add3A_58, %sub3A_71 : vector<10000x128xf32>
    %mul3A_73 = arith.mulf %sub3A_72, %sub3A_72 : vector<10000x128xf32>
    %reduce_sum3A_74 = arith.constant dense<0.000000e+00> : vector<128xf32>
    %reduce_sum3A_75 = vector.multi_reduction <add>, %mul3A_73, %reduce_sum3A_74 [0] : vector<10000x128xf32> to vector<128xf32>
    %broadcast_in_dim3A_76 = vector.shape_cast %reduce_sum3A_75 : vector<128xf32> to vector<1x128xf32>
    %div3A_77 = arith.constant 1.000000e+04 : f32
    %div3A_78 = vector.broadcast %div3A_77 : f32 to vector<1x128xf32>
    %div3A_79 = arith.divf %broadcast_in_dim3A_76, %div3A_78 : vector<1x128xf32>
    %add3A_80 = arith.constant 9.99999974E-6 : f32
    %add3A_81 = vector.broadcast %add3A_80 : f32 to vector<1x128xf32>
    %add3A_82 = arith.addf %div3A_79, %add3A_81 : vector<1x128xf32>
    %rsqrt3A_83 = math.rsqrt %add3A_82 : vector<1x128xf32>
    %mul3A_84 = vector.broadcast %rsqrt3A_83 : vector<1x128xf32> to vector<10000x128xf32>
    %mul3A_85 = arith.mulf %sub3A_72, %mul3A_84 : vector<10000x128xf32>
    %mul3A_86 = vector.broadcast %get3A_61 : vector<1x128xf32> to vector<10000x128xf32>
    %mul3A_87 = arith.mulf %mul3A_85, %mul3A_86 : vector<10000x128xf32>
    %add3A_88 = vector.broadcast %get3A_64 : vector<1x128xf32> to vector<10000x128xf32>
    %add3A_89 = arith.addf %mul3A_87, %add3A_88 : vector<10000x128xf32>
    %max3A_90 = arith.constant 0.000000e+00 : f32
    %max3A_91 = vector.broadcast %max3A_90 : f32 to vector<10000x128xf32>
    %max3A_92 = arith.maximumf %add3A_89, %max3A_91 : vector<10000x128xf32>
    %swap3A = arith.constant 0 : index
    %swap3A_93 = arith.constant 0 : index
    %swap3A_94 = vector.load %arg10[%swap3A, %swap3A_93] : memref<10000x128xf32, #tpu.memory_space<vmem>>, vector<10000x128xf32>
    tpu.vector_store %arg10[%swap3A, %swap3A_93], %max3A_92 {strides = array<i32>} : memref<10000x128xf32, #tpu.memory_space<vmem>>, vector<10000x128xf32>,
    return
  }
}

module attributes {stable_mosaic.version = 14 : i64} {
  func.func @body(%arg0: i32, %arg1: memref<10000x128xf32, #tpu.memory_space<vmem>>, %arg2: memref<1x10000xi32, #tpu.memory_space<vmem>>, %arg3: memref<64x128xf32, #tpu.memory_space<vmem>>) attributes {dimension_semantics = [#tpu.dimension_semantics<arbitrary>], iteration_bounds = array<i64: 4>, scalar_prefetch = 0 : i64, scratch_operands = 0 : i64, tpu.core_type = #tpu.core_type<tc>, window_params = [{pipeline_mode = #tpu.pipeline_mode<synchronous>, transform_indices = @transform_0, window_bounds = array<i64: 10000, 128>}, {pipeline_mode = #tpu.pipeline_mode<synchronous>, transform_indices = @transform_1, window_bounds = array<i64: 1, 10000>}, {transform_indices = @transform_2, window_bounds = array<i64: 64, 128>}]} {
    %mul3A = arith.constant 64 : i32
    %mul3A_0 = arith.muli %arg0, %mul3A : i32
    %iota3A = tpu.iota {dimensions = array<i32: 0>} : vector<64x10000xi32>
    %add3A = vector.broadcast %mul3A_0 : i32 to vector<64x10000xi32>
    %add3A_1 = arith.addi %iota3A, %add3A : vector<64x10000xi32>
    %get3A = arith.constant 0 : index
    %get3A_2 = arith.constant 0 : index
    %get3A_3 = vector.load %arg2[%get3A, %get3A_2] : memref<1x10000xi32, #tpu.memory_space<vmem>>, vector<1x10000xi32>
    %eq3A = vector.broadcast %get3A_3 : vector<1x10000xi32> to vector<64x10000xi32>
    %eq3A_4 = arith.cmpi eq, %add3A_1, %eq3A : vector<64x10000xi32>
    %convert_element_type3A = arith.extui %eq3A_4 : vector<64x10000xi1> to vector<64x10000xi32>
    %convert_element_type3A_5 = arith.sitofp %convert_element_type3A : vector<64x10000xi32> to vector<64x10000xf32>
    %get3A_6 = arith.constant 0 : index
    %get3A_7 = arith.constant 0 : index
    %get3A_8 = vector.load %arg1[%get3A_6, %get3A_7] : memref<10000x128xf32, #tpu.memory_space<vmem>>, vector<10000x128xf32>
    %dot_general3A = arith.constant dense<0.000000e+00> : vector<64x128xf32>
    %dot_general3A_9 = tpu.matmul %convert_element_type3A_5, %get3A_8, %dot_general3A {dimension_numbers = #tpu.dot_dimension_numbers<[1], [0], [0], [1], [0, 0, 1, 1], [], []>, transpose_lhs_hint = false} : vector<64x10000xf32>, vector<10000x128xf32>, vector<64x128xf32> -> vector<64x128xf32>
    %reduce_sum3A = arith.constant dense<0.000000e+00> : vector<64xf32>
    %reduce_sum3A_10 = vector.multi_reduction <add>, %convert_element_type3A_5, %reduce_sum3A [1] : vector<64x10000xf32> to vector<64xf32>
    %broadcast_in_dim3A = vector.shape_cast %reduce_sum3A_10 : vector<64xf32> to vector<64x1xf32>
    %max3A = arith.constant 1.000000e+00 : f32
    %max3A_11 = vector.broadcast %max3A : f32 to vector<64x1xf32>
    %max3A_12 = arith.maximumf %broadcast_in_dim3A, %max3A_11 : vector<64x1xf32>
    %div3A = vector.broadcast %max3A_12 : vector<64x1xf32> to vector<64x128xf32>
    %div3A_13 = arith.divf %dot_general3A_9, %div3A : vector<64x128xf32>
    %swap3A = arith.constant 0 : index
    %swap3A_14 = arith.constant 0 : index
    %swap3A_15 = vector.load %arg3[%swap3A, %swap3A_14] : memref<64x128xf32, #tpu.memory_space<vmem>>, vector<64x128xf32>
    tpu.vector_store %arg3[%swap3A, %swap3A_14], %div3A_13 {strides = array<i32>} : memref<64x128xf32, #tpu.memory_space<vmem>>, vector<64x128xf32>,
    return
  }
  func.func @transform_0(%arg0: i32) -> (i32, i32) {
    %c0_i32 = arith.constant 0 : i32
    %c0_i32_0 = arith.constant 0 : i32
    %c0_i32_1 = arith.constant 0 : i32
    return %c0_i32, %c0_i32_0 : i32, i32
  }
  func.func @transform_1(%arg0: i32) -> (i32, i32) {
    %c0_i32 = arith.constant 0 : i32
    %c0_i32_0 = arith.constant 0 : i32
    %c0_i32_1 = arith.constant 0 : i32
    return %c0_i32, %c0_i32_0 : i32, i32
  }
  func.func @transform_2(%arg0: i32) -> (i32, i32) {
    %c0_i32 = arith.constant 0 : i32
    %c0_i32_0 = arith.constant 0 : i32
    return %arg0, %c0_i32 : i32, i32
  }
}

</mosaic_0001>

<sc_bundles>
// kernel: kernel.13.cloned.1.call-start
scs
__scs_entry_jumppad:
0x0: {  	(pc) =	sbr.rel $0x88, $3  }
0x1: {  	(tag) =	ssettag $0x0;
	lr =	simm.s32 $0x1  }
0x2: {  	[smem:$0x3F91] =	sst lr;
	_ =	strace $0xD0000000  }
0x3: {  	_ = 	snop  }
0x4: {  	_ = 	snop  }
0x5: {  	_ = 	snop  }
0x6: {  	_ = 	snop  }
0x7: {  	_ = 	snop  }
__scs_overlays_trampoline_lowered:
0x8: {  	[smem:$0x3FA0] =	sst s0  }
0x9: {  	[smem:$0x3FA1] =	sst s1  }
0xa: {  	[smem:$0x3FA2] =	sst s2  }
0xb: {  	[smem:$0x3FA3] =	sst s3  }
0xc: {  	[smem:$0x3FA4] =	sst s4  }
0xd: {  	[smem:$0x3FA5] =	sst s5  }
0xe: {  	[smem:$0x3FA6] =	sst s6  }
0xf: {  	[smem:$0x3FA7] =	sst s7  }
0x10: {  	[smem:$0x3FA8] =	sst s8  }
0x11: {  	[smem:$0x3FA9] =	sst s9;
	s0 =	simm.s32 @!p0 $0x0  }
0x12: {  	s1 =	sld [smem:$0x3F8F];
	s0 =	simm.s32 @p0 $0x1  }
0x13: {  	[smem:$0x3FAA] =	sst s0;
	s0 =	simm.s32 @!p1 $0x0  }
0x14: {  	s2 =	sld [smem:$0x3F8E];
	s0 =	simm.s32 @p1 $0x1  }
0x15: {  	[smem:$0x3FAB] =	sst s0;
	s0 =	simm.s32 @!p2 $0x0  }
0x16: {  	s3 =	sld [smem:$0x3FDB];
	s0 =	simm.s32 @p2 $0x1  }
0x17: {  	s4 =	simm.s32 $0x1BF5;
	[smem:$0x3FAD] =	sst s0  }
0x18: {  	s0 =	sld [smem:$0x3F90];
	_ =	swait.ge [sflag:s4], $0x0  }
0x19: {  	s7 =	sld [smem:$0x3F91]  }
0x1a: {  	s8 =	sadd.s32 $0xFFFFE003, lr  }
0x1b: {  	s9 =	sadd.s32 $0xFFFFFEF7, lr;
	s5 =	simm.s32 $0xFFFFFFFF;
	p2 =	slt.u32 s8, $0xFFFFF086  }
0x1c: {  	p1 =	slt.u32 s9, $0xF7A;
	s5 =	simm.s32 @!p2 $0x0  }
0x1d: {  	s5 =	simm.s32 @p1 $0x1;
	p0 =	seq.s32 s7, s2  }
0x1e: {  	s7 =	smul.u32 @!p0 $0xF7A, s2;
	p2 =	seq.s32 @!p0 s5, $0x0  }
0x1f: {  	s9 =	smul.u32 $0xF7A, s1;
	s8 =	simm.s32 @!p0 $0x1BF5;
	p2 =	por !p2, p0  }
0x20: {  	[sflag:s8] =	ssyncset.s32 @!p0 $0xFFFFF086;
	s6 =	sadd.s32 @!p0 s3, s7;
	s7 =	simm.s32 @!p0 $0x108  }
0x21: {  	s3 =	sadd.s32 s3, s9;
	s6 =	sadd.s32 @!p0 $0x88, s6;
	s7 =	simm.s32 @p2 $0x1082  }
0x22: {  	[simem:s7], [sflag:s8] =	dma.local @!p0 [hbm:s6], $0xF7A  }
0x23: {  	s9 =	sor.u32 $0xD0000000, s2;
	s6 =	simm.s32 $0x108;
	_ =	swait.ge @!p0 [sflag:s8], $0x0  }
0x24: {  	s3 =	sadd.s32 $0x88, s3;
	s6 =	simm.s32 @!p1 $0x1082;
	[sflag:s4] =	ssyncset.s32 $0xFFFFF086  }
0x25: {  	[simem:s6], [sflag:s4] =	dma.local [hbm:s3], $0xF7A  }
0x26: {  	[smem:$0x3F91] =	sst s1;
	(tag) =	ssettag s2;
	_ =	strace s9  }
0x27: {  	s1 =	sld [smem:$0x3FA1]  }
0x28: {  	s2 =	sld [smem:$0x3FA2]  }
0x29: {  	s4 =	sld [smem:$0x3FA4]  }
0x2a: {  	p0 =	seq.s32 s5, $0x0;
	s5 =	sld [smem:$0x3FA5]  }
0x2b: {  	s6 =	sld [smem:$0x3FA6]  }
0x2c: {  	s7 =	sld [smem:$0x3FA7]  }
0x2d: {  	s3 =	simm.s32 $0x108;
	s8 =	sld [smem:$0x3FA8]  }
0x2e: {  	s3 =	simm.s32 @!p0 $0x1082;
	s9 =	sld [smem:$0x3FA9]  }
0x2f: {  	lr =	sadd.s32 s0, s3;
	s0 =	sld [smem:$0x3FA0]  }
0x30: {  	s3 =	sld [smem:$0x3FA3]  }
0x31: {  	[smem:$0x3FAC] =	sst s10  }
0x32: {  	s10 =	sld [smem:$0x3FAA];
	_ =	sdelay $0x3  }
0x33: {  	p0 =	seq.s32 s10, $0x1;
	s10 =	sld [smem:$0x3FAC];
	_ =	sdelay $0x3  }
0x34: {  	[smem:$0x3FAC] =	sst s10  }
0x35: {  	s10 =	sld [smem:$0x3FAB];
	_ =	sdelay $0x3  }
0x36: {  	p1 =	seq.s32 s10, $0x1;
	s10 =	sld [smem:$0x3FAC];
	_ =	sdelay $0x3  }
0x37: {  	[smem:$0x3FAC] =	sst s10  }
0x38: {  	s10 =	sld [smem:$0x3FAD]  }
0x39: {  	_ = 	snop;
	(pc) =	sbr.ind lr, $3  }
0x3a: {  	_ = 	snop  }
0x3b: {  	_ = 	snop  }
0x3c: {  	p2 =	seq.s32 s10, $0x1;
	s10 =	sld [smem:$0x3FAC]  }
0x3d: {  	_ =	shalt  }
0x3e: {  	_ =	shalt  }
0x3f: {  	_ =	shalt  }
0x40: {  	_ =	shalt  }
0x41: {  	_ =	shalt  }
0x42: {  	_ =	shalt  }
0x43: {  	_ =	shalt  }
0x44: {  	_ =	shalt  }
0x45: {  	_ =	shalt  }
0x46: {  	_ =	shalt  }
0x47: {  	_ =	shalt  }
0x48: {  	_ =	shalt  }
0x49: {  	_ =	shalt  }
0x4a: {  	_ =	shalt  }
0x4b: {  	_ =	shalt  }
0x4c: {  	_ =	shalt  }
0x4d: {  	_ =	shalt  }
0x4e: {  	_ =	shalt  }
0x4f: {  	_ =	shalt  }
0x50: {  	_ =	shalt  }
0x51: {  	_ =	shalt  }
0x52: {  	_ =	shalt  }
0x53: {  	_ =	shalt  }
0x54: {  	_ =	shalt  }
0x55: {  	_ =	shalt  }
0x56: {  	_ =	shalt  }
0x57: {  	_ =	shalt  }
0x58: {  	_ =	shalt  }
0x59: {  	_ =	shalt  }
0x5a: {  	_ =	shalt  }
0x5b: {  	_ =	shalt  }
0x5c: {  	_ =	shalt  }
0x5d: {  	_ =	shalt  }
0x5e: {  	_ =	shalt  }
0x5f: {  	_ =	shalt  }
0x60: {  	_ =	shalt  }
0x61: {  	_ =	shalt  }
0x62: {  	_ =	shalt  }
0x63: {  	_ =	shalt  }
0x64: {  	_ =	shalt  }
0x65: {  	_ =	shalt  }
0x66: {  	_ =	shalt  }
0x67: {  	_ =	shalt  }
0x68: {  	_ =	shalt  }
0x69: {  	_ =	shalt  }
0x6a: {  	_ =	shalt  }
0x6b: {  	_ =	shalt  }
0x6c: {  	_ =	shalt  }
0x6d: {  	_ =	shalt  }
0x6e: {  	_ =	shalt  }
0x6f: {  	_ =	shalt  }
0x70: {  	_ =	shalt  }
0x71: {  	_ =	shalt  }
0x72: {  	_ =	shalt  }
0x73: {  	_ =	shalt  }
0x74: {  	_ =	shalt  }
0x75: {  	_ =	shalt  }
0x76: {  	_ =	shalt  }
0x77: {  	_ =	shalt  }
0x78: {  	_ =	shalt  }
0x79: {  	_ =	shalt  }
0x7a: {  	_ =	shalt  }
0x7b: {  	_ =	shalt  }
0x7c: {  	_ =	shalt  }
0x7d: {  	_ =	shalt  }
0x7e: {  	_ =	shalt  }
0x7f: {  	_ =	shalt  }
0x80: {  	_ =	shalt  }
0x81: {  	_ =	shalt  }
0x82: {  	_ =	shalt  }
0x83: {  	_ =	shalt  }
0x84: {  	_ =	shalt  }
0x85: {  	_ =	shalt  }
0x86: {  	_ =	shalt  }
0x87: {  	_ =	shalt  }
.Lfunc_end0:
.L_simem_size_0:
called_computation_lowered:
.L_overlay_start_0:
0x88: {  	s2 =	sld [smem:$0x3FD9]  }
0x89: {  	s3 =	sld [smem:$0x3FFE];
	_ =	sdelay $0x1  }
0x8a: {  	s1 =	srdreg.scid  }
0x8b: {  	s0 =	sand.u32 $0x1, s1  }
0x8c: {  	s16 =	sshll.u32 s0, $0xA;
	s2 =	sadd.s32 s3, s2  }
0x8d: {  	s2 =	sadd.s32 s2, s16  }
0x8e: {  	[smem:$0x3FB8] =	sst s2  }
0x8f: {  	_ = 	snop  }
0x90: {  	(tm) =	ssettm $0x1  }
0x91: {  	s17 =	sld [smem:$0x3FFB];
	_ =	sdelay $0x3  }
0x92: {  	_ =	strace s17  }
0x93: {  	s2 =	sld [smem:$0x3FFC];
	_ =	sdelay $0x3  }
0x94: {  	_ =	strace s2  }
0x95: {  	s2 =	sld [smem:$0x3FFD];
	_ =	sdelay $0x3  }
0x96: {  	_ =	strace s2  }
0x97: {  	_ =	strace $0x8FFFFFFF  }
0x98: {  	s18 =	sld [smem:$0x3FDB];
	_ =	sdelay $0x1  }
0x99: {  	s19 =	simm.s32 $_scs_section_size  }
0x9a: {  	s4 =	simm.s32 $_size__tile_overlayer_lowered;
	s5 =	simm.s32 $_tile_overlayer_lowered  }
0x9b: {  	s22 =	simm.s32 $0x1BFF;
	s21 =	sshll.u32 s5, $0x1;
	s2 =	sadd.s32 s19, s18  }
0x9c: {  	s6 =	simm.s32 $0x0;
	s20 =	sshll.u32 s4, $0x1;
	s4 =	sadd.s32 s21, s2  }
0x9d: {  	[timem:s6], [sflag:s22] =	dma.local [hbm:s4], s20  }
0x9e: {  	_ =	swait.ge [sflag:s22], s20  }
0x9f: {  	s3 =	ssub.s32 $0x0, s20;
	[sflag:s22] =	ssyncset.done $0x0  }
0xa0: {  	[sflag:s22] =	ssyncadd.s32 s3;
	_ =	sdelay $0x1  }
0xa1: {  	s23 =	simm.s32 $0x1B8B  }
0xa2: {  	_ =	swait.ge [sflag:s23], $0x1  }
0xa3: {  	[sflag:s23] =	ssyncset.done $0x0  }
0xa4: {  	s25 =	simm.s32 $0x1B8E;
	s24 =	sld [smem:$0x3FFE];
	[sflag:s23] =	ssyncadd.s32 $0xFFFFFFFF  }
0xa5: {  	s26 =	simm.s32 $execute0_lowered;
	[smem:$0x3FD2] =	sst s25  }
0xa6: {  	s4 =	sshll.u32 s26, $0x1;
	_ =	strace $0x80000046;
	[dreg:$0x1] =	wrdreg $0xFFFFFFFF  }
0xa7: {  	s28 =	simm.s32 $_size_execute0_lowered;
	s2 =	sadd.s32 s2, s4;
	[dreg:$0x0] =	wrdreg $0x0  }
0xa8: {  	s4 =	sshll.u32 s28, $0x1;
	[dreg:$0x2] =	wrdreg s2  }
0xa9: {  	[dreg:$0x3] =	wrdreg s4  }
0xaa: {  	[dreg:$0x4] =	wrdreg $0xC0  }
0xab: {  	_ =	task [dreg:s6], $0x5FFFF  }
0xac: {  	[dreg:$0x1] =	wrdreg $0xFFFFFFFF  }
0xad: {  	[dreg:$0x0] =	wrdreg $0x60  }
0xae: {  	[dreg:$0x2] =	wrdreg s24  }
0xaf: {  	[dreg:$0x3] =	wrdreg $0x82000  }
0xb0: {  	[dreg:$0x4] =	wrdreg $0x9  }
0xb1: {  	_ =	task.clear_ibuf [dreg:s6], $0x5FFFF;
	_ =	strace $0x90000046  }
0xb2: {  	s29 =	simm.s32 $0x9;
	_ =	strace $0x80000048  }
0xb3: {  	_ =	swait.ge [sflag:s29], $0x1  }
0xb4: {  	[sflag:s29] =	ssyncadd.s32 $0xFFFFFFFF  }
0xb5: {  	_ =	strace $0x90000048  }
0xb6: {  	_ =	sfence  }
0xb7: {  	s30 =	sld [smem:$0x0];
	_ =	sdelay $0x2  }
0xb8: {  	s31 =	sshll.u32 s1, $0xD;
	s1 =	sshrl.u32 s1, $0x2  }
0xb9: {  	s3 =	sand.u32 $0x4000, s31;
	s1 =	sadd.s32 s1, s30  }
0xba: {  	s0 =	sor.u32 s3, s0;
	s1 =	sshll.u32 s1, $0x11  }
0xbb: {  	s0 =	sor.u32 s1, s0  }
0xbc: {  	s0 =	sadd.s32 $0x8F2B, s0  }
0xbd: {  	[sflag:s0] =	ssyncadd.remote.s32 $0x1  }
0xbe: {  	_ =	sfence.sel $0xFFFF  }
0xbf: {  	[dreg:$0x0] =	wrdreg $0xFFFFFFFF;
	(pc) =	sbr.abs _section_cstart, $3  }
0xc0: {  	[dreg:$0x1] =	wrdreg $0xFFFFFFFF  }
0xc1: {  	_ =	task.clear_ibuf [dreg:s6], $0x2FFFF;
	_ =	strace $0x9FFFFFFF  }
0xc2: {  	(tm) =	ssettm $0x7FFFFFFF  }
0xc3: {  	_ =	shalt  }
tec
execute0_lowered:
.L_overlay_start_1:
0x0: {  	(tag) =	ssettag $0x1  }
0x1: {  	s0 =	srdreg.scid  }
0x2: {  	s1 =	rddreg [dreg:$0x0];
	s20 =	stileid.u32  }
0x3: {  	s2 =	rddreg [dreg:$0x1];
	s29 =	simm.s32 $0x40;
	s30 =	simm.s32 $0x5  }
0x4: {  	s31 =	simm.s32 $0x4200;
	s3 =	sand.u32 $0x1, s0;
	s4 =	smul.u32 $0x14000, s20  }
0x5: {  	s6 =	sadd.s32 $0x1BE00, s1;
	s0 =	ssub.s32 $0x2, s3;
	s9 =	smul.u32 $0x140000, s3  }
0x6: {  	s3 =	sshll.u32 s3, $0x4;
	s5 =	sshrl.u32 s0, $0x1;
	s7 =	sadd.s32 $0x4000, s4  }
0x7: {  	s8 =	sadd.s32 $0x6000, s4;
	s10 =	sadd.s32 $0x8000, s4;
	s11 =	sadd.s32 $0xA000, s4  }
0x8: {  	s13 =	sadd.s32 $0xC000, s4;
	s18 =	sadd.s32 $0xE000, s4;
	s19 =	sadd.s32 $0x10000, s4  }
0x9: {  	s0 =	ssub.s32 s0, s5;
	s5 =	sor.u32 $0x2000, s4;
	s12 =	sadd.s32 s4, s9  }
0xa: {  	s4 =	sadd.s32 $0x12000, s4;
	s17 =	sadd.s32 s9, s7;
	s22 =	sadd.s32 s9, s8  }
0xb: {  	s24 =	sadd.s32 s9, s10;
	s26 =	sadd.s32 s9, s11;
	s12 =	sshrl.u32 s12, $0x3  }
0xc: {  	s14 =	sadd.s32 s9, s5;
	s21 =	sshrl.u32 s17, $0x3;
	s23 =	sshrl.u32 s22, $0x3  }
0xd: {  	s25 =	sshrl.u32 s24, $0x3;
	s12 =	sadd.s32 s6, s12;
	s16 =	sshrl.u32 s14, $0x3  }
0xe: {  	s15 =	sshrl.u32 s26, $0x3;
	[dreg:$0x3] =	wrdreg s12;
	s12 =	sadd.s32 s6, s16  }
0xf: {  	s26 =	sor.u32 s20, s3;
	s16 =	sadd.s32 s9, s13;
	[dreg:$0x4] =	wrdreg s12  }
0x10: {  	s12 =	sadd.s32 s6, s21;
	s17 =	sshrl.u32 s16, $0x3;
	s21 =	sadd.s32 s9, s18  }
0x11: {  	[dreg:$0x5] =	wrdreg s12;
	s12 =	sadd.s32 s6, s23;
	s22 =	sshrl.u32 s21, $0x3  }
0x12: {  	s23 =	sadd.s32 s9, s19;
	[dreg:$0x6] =	wrdreg s12;
	s12 =	sadd.s32 s6, s25  }
0x13: {  	s9 =	sadd.s32 s9, s4;
	[dreg:$0x7] =	wrdreg s12;
	s12 =	sadd.s32 s6, s15  }
0x14: {  	s24 =	sshrl.u32 s23, $0x3;
	[dreg:$0x8] =	wrdreg s12;
	s12 =	sadd.s32 s6, s17  }
0x15: {  	s9 =	sshrl.u32 s9, $0x3;
	[dreg:$0x9] =	wrdreg s12;
	s12 =	sadd.s32 s6, s22  }
0x16: {  	s25 =	smul.u32 $0x50000, s20;
	[dreg:$0xa] =	wrdreg s12;
	s12 =	sadd.s32 s6, s24  }
0x17: {  	s14 =	sadd.s32 $0x9E0800, s1;
	s6 =	sadd.s32 s6, s9;
	[dreg:$0xb] =	wrdreg s12  }
0x18: {  	s12 =	simm.s32 $0x0;
	[dreg:$0xc] =	wrdreg s6;
	s6 =	sshrl.u32 s25, $0x2  }
0x19: {  	[smem:$0x7FF] =	sst s12;
	s20 =	sadd.s32 s6, s2;
	s6 =	sadd.s32 s7, s2  }
0x1a: {  	s7 =	sadd.s32 s8, s2;
	_ =	strace $0x80000047;
	[dreg:$0xd] =	wrdreg s6  }
0x1b: {  	s16 =	sadd.s32 $0x8400, s1;
	s8 =	sadd.s32 s10, s2;
	[dreg:$0xe] =	wrdreg s7  }
0x1c: {  	s15 =	sadd.s32 $0x13EB400, s1;
	s9 =	sadd.s32 s11, s2;
	[dreg:$0xf] =	wrdreg s8  }
0x1d: {  	s17 =	sadd.s32 $0x9CCE00, s1;
	s11 =	sadd.s32 s13, s2;
	[dreg:$0x10] =	wrdreg s9  }
0x1e: {  	s1 =	smul.u32 $0x4E800, s26;
	s13 =	sadd.s32 s18, s2;
	[dreg:$0x11] =	wrdreg s11  }
0x1f: {  	s28 =	sadd.s32 s4, s2;
	s18 =	sadd.s32 s19, s2;
	[dreg:$0x12] =	wrdreg s13  }
0x20: {  	s0 =	smax.u32 s0, $0x1;
	s1 =	sadd.s32 s15, s1;
	[dreg:$0x13] =	wrdreg s18  }
0x21: {  	s3 =	simm.s32 $0x6;
	s21 =	sadd.s32 s5, s2;
	[dreg:$0x16] =	wrdreg s1  }
0x22: {  	s10 =	smul.u32 $0x4E80, s26;
	[dreg:$0x1a] =	wrdreg s0;
	s7 =	simm.s32 $0x2200  }
0x23: {  	s8 =	simm.s32 $0x9;
	s9 =	simm.s32 $0x100;
	s11 =	simm.s32 $0x6200  }
0x24: {  	s0 =	simm.s32 $0x4;
	s6 =	simm.s32 $0x0;
	s19 =	sshrl.u32 s10, $0x3  }
0x25: {  	s23 =	sor.u32 $0x40, s10;
	s22 =	sadd.s32 s16, s19;
	s4 =	sadd.s32 s17, s19  }
.Ltmp0:
0x26: {  	s24 =	sshrl.u32 s23, $0x3;
	[dreg:$0x14] =	wrdreg s22;
	(pc) =	sbr.rel .LBB2_1-.Ltmp0, $4  }
0x27: {  	s5 =	sadd.s32 $0xC0, s10;
	[dreg:$0x15] =	wrdreg s4;
	s25 =	sadd.s32 s16, s24  }
0x28: {  	s4 =	sshll.u32 s23, $0x4;
	s1 =	sadd.s32 s17, s24;
	[dreg:$0x17] =	wrdreg s25  }
0x29: {  	[dreg:$0x18] =	wrdreg s1;
	s26 =	sadd.s32 s15, s4;
	s4 =	sadd.s32 $0x80, s10  }
0x2a: {  	v0 =	vimm.f32 $0.0e+00;
	s10 =	simm.s32 $0x180;
	s1 =	simm.s32 $0x3;
	[dreg:$0x19] =	wrdreg s26  }
.LBB2_10:
0x2b: {  	_ =	swait.ge [sflag:s3], $0x40  }
0x2c: {  	[sflag:s3] =	ssyncset.done $0x0  }
0x2d: {  	[sflag:s3] =	ssyncadd.s32 $0xFFFFFFC0  }
0x2e: {  	[spmem:s2] =	stream.indirect.scatter.add.f32 [tilespmem:s11], [sflag:$0x9], $0x80, s10, s29, $0xb8;
	[tilespmem:$0x1C200] =	vst v63  }
0x2f: {  	_ =	swait.ge [sflag:s8], $0x2000  }
0x30: {  	[sflag:s8] =	ssyncset.done $0x0  }
0x31: {  	s13 =	stileid.u32;
	[sflag:s8] =	ssyncadd.s32 $0xFFFFE000  }
0x32: {  	s13 =	sshll.u32 s13, $0x6;
	[bflag:$0x0] =	sbarrier.arrive $0xFFFF  }
0x33: {  	s18 =	sshrl.u32 s25, $0x3;
	s13 =	sor.u32 $0x1C09, s13;
	s19 =	rddreg [dreg:$0x3]  }
0x34: {  	[hbm:s19], [sflag:s13] =	dma.local [spmem:s18], $0x400  }
0x35: {  	_ =	swait.ge [sflag:s8], $0x400  }
0x36: {  	s20 =	smov.u32 s25;
	s21 =	smov.u32 s26;
	[sflag:s8] =	ssyncset.done $0x0  }
0x37: {  	s25 =	sshrl.u32 s26, $0x3;
	s26 =	rddreg [dreg:$0x4];
	[sflag:s8] =	ssyncadd.s32 $0xFFFFFC00  }
0x38: {  	[hbm:s26], [sflag:s13] =	dma.local [spmem:s25], $0x400  }
0x39: {  	_ =	swait.ge [sflag:s8], $0x400  }
0x3a: {  	[sflag:s8] =	ssyncset.done $0x0;
	s19 =	rddreg [dreg:$0xd]  }
0x3b: {  	s22 =	rddreg [dreg:$0x5];
	[sflag:s8] =	ssyncadd.s32 $0xFFFFFC00;
	s18 =	sshrl.u32 s19, $0x3  }
0x3c: {  	[hbm:s22], [sflag:s13] =	dma.local [spmem:s18], $0x400  }
0x3d: {  	_ =	swait.ge [sflag:s8], $0x400  }
0x3e: {  	[sflag:s8] =	ssyncset.done $0x0;
	s23 =	rddreg [dreg:$0xe]  }
0x3f: {  	s24 =	rddreg [dreg:$0x6];
	[sflag:s8] =	ssyncadd.s32 $0xFFFFFC00;
	s18 =	sshrl.u32 s23, $0x3  }
0x40: {  	[hbm:s24], [sflag:s13] =	dma.local [spmem:s18], $0x400  }
0x41: {  	_ =	swait.ge [sflag:s8], $0x400  }
0x42: {  	[sflag:s8] =	ssyncset.done $0x0;
	s25 =	rddreg [dreg:$0xf]  }
0x43: {  	s26 =	rddreg [dreg:$0x7];
	[sflag:s8] =	ssyncadd.s32 $0xFFFFFC00;
	s18 =	sshrl.u32 s25, $0x3  }
0x44: {  	[hbm:s26], [sflag:s13] =	dma.local [spmem:s18], $0x400  }
0x45: {  	_ =	swait.ge [sflag:s8], $0x400  }
0x46: {  	[sflag:s8] =	ssyncset.done $0x0;
	s19 =	rddreg [dreg:$0x10]  }
0x47: {  	s22 =	rddreg [dreg:$0x8];
	[sflag:s8] =	ssyncadd.s32 $0xFFFFFC00;
	s18 =	sshrl.u32 s19, $0x3  }
0x48: {  	[hbm:s22], [sflag:s13] =	dma.local [spmem:s18], $0x400  }
0x49: {  	_ =	swait.ge [sflag:s8], $0x400  }
0x4a: {  	[sflag:s8] =	ssyncset.done $0x0;
	s23 =	rddreg [dreg:$0x11]  }
0x4b: {  	s24 =	rddreg [dreg:$0x9];
	[sflag:s8] =	ssyncadd.s32 $0xFFFFFC00;
	s18 =	sshrl.u32 s23, $0x3  }
0x4c: {  	[hbm:s24], [sflag:s13] =	dma.local [spmem:s18], $0x400  }
0x4d: {  	_ =	swait.ge [sflag:s8], $0x400  }
0x4e: {  	[sflag:s8] =	ssyncset.done $0x0;
	s25 =	rddreg [dreg:$0x12]  }
0x4f: {  	s26 =	rddreg [dreg:$0xa];
	[sflag:s8] =	ssyncadd.s32 $0xFFFFFC00;
	s18 =	sshrl.u32 s25, $0x3  }
0x50: {  	[hbm:s26], [sflag:s13] =	dma.local [spmem:s18], $0x400  }
0x51: {  	_ =	swait.ge [sflag:s8], $0x400  }
0x52: {  	[sflag:s8] =	ssyncset.done $0x0;
	s22 =	rddreg [dreg:$0x13]  }
0x53: {  	s23 =	rddreg [dreg:$0xb];
	[sflag:s8] =	ssyncadd.s32 $0xFFFFFC00;
	s18 =	sshrl.u32 s22, $0x3  }
0x54: {  	[hbm:s23], [sflag:s13] =	dma.local [spmem:s18], $0x400  }
0x55: {  	_ =	swait.ge [sflag:s8], $0x400  }
0x56: {  	[sflag:s8] =	ssyncset.done $0x0  }
0x57: {  	s24 =	sshrl.u32 s28, $0x3;
	s25 =	rddreg [dreg:$0xc];
	[sflag:s8] =	ssyncadd.s32 $0xFFFFFC00  }
0x58: {  	[hbm:s25], [sflag:s13] =	dma.local [spmem:s24], $0x400  }
0x59: {  	_ =	swait.ge [sflag:s8], $0x400  }
0x5a: {  	s6 =	sadd.s32 $0x1, s6;
	s26 =	rddreg [dreg:$0x1a]  }
0x5b: {  	p0 =	sne.s32 s6, s26  }
.Ltmp1:
0x5c: {  	_ = 	snop;
	(pc) =	sbr.rel @!p0 .LBB2_11-.Ltmp1, $3  }
0x5d: {  	_ =	sdelay $0x1  }
0x5e: {  	[sflag:s8] =	ssyncset.done $0x0  }
0x5f: {  	[sflag:s8] =	ssyncadd.s32 $0xFFFFFC00  }
.LBB2_1:
0x60: {  	s13 =	simm.s32 $0x0;
	s18 =	simm.s32 $0x200  }
.LBB2_2:
0x61: {  	p0 =	sne.s32 s18, $0x7E00;
	[tilespmem:s13+$0x2270] =	vst v0  }
0x62: {  	[tilespmem:s13+$0x2200] =	vst v0  }
0x63: {  	[tilespmem:s13+$0x2210] =	vst v0  }
.Ltmp2:
0x64: {  	[tilespmem:s13+$0x2220] =	vst v0;
	(pc) =	sbr.rel @p0 .LBB2_2-.Ltmp2, $4  }
0x65: {  	[tilespmem:s13+$0x2230] =	vst v0  }
0x66: {  	[tilespmem:s13+$0x2240] =	vst v0  }
0x67: {  	[tilespmem:s13+$0x2250] =	vst v0  }
0x68: {  	[tilespmem:s13+$0x2260] =	vst v0;
	s13 =	sshra.s32 s18, $0x2;
	s18 =	sadd.s32 $0x200, s18  }
0x69: {  	[tilespmem:s13+$0x2270] =	vst v0  }
0x6a: {  	[tilespmem:s13+$0x2200] =	vst v0  }
0x6b: {  	[tilespmem:s13+$0x2210] =	vst v0  }
0x6c: {  	[tilespmem:s13+$0x2220] =	vst v0  }
0x6d: {  	[tilespmem:s13+$0x2230] =	vst v0  }
0x6e: {  	[tilespmem:s13+$0x2240] =	vst v0  }
0x6f: {  	[tilespmem:s13+$0x2250] =	vst v0  }
0x70: {  	[tilespmem:s13+$0x2260] =	vst v0  }
0x71: {  	[spmem:s20] =	stream.linear.scatter [tilespmem:s7], [sflag:$0x9], $0x2000, $0x38;
	[tilespmem:$0x1C200] =	vst v63  }
0x72: {  	_ =	swait.ge [sflag:s8], $0x2000  }
0x73: {  	[sflag:s8] =	ssyncset.done $0x0  }
0x74: {  	[sflag:s8] =	ssyncadd.s32 $0xFFFFE000  }
0x75: {  	[spmem:s21] =	stream.linear.scatter [tilespmem:s7], [sflag:$0x9], $0x2000, $0x38;
	[tilespmem:$0x1C200] =	vst v63  }
0x76: {  	_ =	swait.ge [sflag:s8], $0x2000  }
0x77: {  	[sflag:s8] =	ssyncset.done $0x0  }
0x78: {  	s24 =	rddreg [dreg:$0xd];
	[sflag:s8] =	ssyncadd.s32 $0xFFFFE000  }
0x79: {  	[spmem:s24] =	stream.linear.scatter [tilespmem:s7], [sflag:$0x9], $0x2000, $0x38;
	[tilespmem:$0x1C200] =	vst v63  }
0x7a: {  	_ =	swait.ge [sflag:s8], $0x2000  }
0x7b: {  	[sflag:s8] =	ssyncset.done $0x0  }
0x7c: {  	s18 =	rddreg [dreg:$0xe];
	[sflag:s8] =	ssyncadd.s32 $0xFFFFE000  }
0x7d: {  	[spmem:s18] =	stream.linear.scatter [tilespmem:s7], [sflag:$0x9], $0x2000, $0x38;
	[tilespmem:$0x1C200] =	vst v63  }
0x7e: {  	_ =	swait.ge [sflag:s8], $0x2000  }
0x7f: {  	[sflag:s8] =	ssyncset.done $0x0  }
0x80: {  	s19 =	rddreg [dreg:$0xf];
	[sflag:s8] =	ssyncadd.s32 $0xFFFFE000  }
0x81: {  	[spmem:s19] =	stream.linear.scatter [tilespmem:s7], [sflag:$0x9], $0x2000, $0x38;
	[tilespmem:$0x1C200] =	vst v63  }
0x82: {  	_ =	swait.ge [sflag:s8], $0x2000  }
0x83: {  	[sflag:s8] =	ssyncset.done $0x0  }
0x84: {  	s25 =	smov.u32 s20;
	s20 =	rddreg [dreg:$0x10];
	[sflag:s8] =	ssyncadd.s32 $0xFFFFE000  }
0x85: {  	[spmem:s20] =	stream.linear.scatter [tilespmem:s7], [sflag:$0x9], $0x2000, $0x38;
	[tilespmem:$0x1C200] =	vst v63  }
0x86: {  	_ =	swait.ge [sflag:s8], $0x2000  }
0x87: {  	[sflag:s8] =	ssyncset.done $0x0  }
0x88: {  	s26 =	smov.u32 s21;
	s21 =	rddreg [dreg:$0x11];
	[sflag:s8] =	ssyncadd.s32 $0xFFFFE000  }
0x89: {  	[spmem:s21] =	stream.linear.scatter [tilespmem:s7], [sflag:$0x9], $0x2000, $0x38;
	[tilespmem:$0x1C200] =	vst v63  }
0x8a: {  	_ =	swait.ge [sflag:s8], $0x2000  }
0x8b: {  	[sflag:s8] =	ssyncset.done $0x0  }
0x8c: {  	s22 =	rddreg [dreg:$0x12];
	[sflag:s8] =	ssyncadd.s32 $0xFFFFE000  }
0x8d: {  	[spmem:s22] =	stream.linear.scatter [tilespmem:s7], [sflag:$0x9], $0x2000, $0x38;
	[tilespmem:$0x1C200] =	vst v63  }
0x8e: {  	_ =	swait.ge [sflag:s8], $0x2000  }
0x8f: {  	[sflag:s8] =	ssyncset.done $0x0  }
0x90: {  	s23 =	rddreg [dreg:$0x13];
	[sflag:s8] =	ssyncadd.s32 $0xFFFFE000  }
0x91: {  	[spmem:s23] =	stream.linear.scatter [tilespmem:s7], [sflag:$0x9], $0x2000, $0x38;
	[tilespmem:$0x1C200] =	vst v63  }
0x92: {  	_ =	swait.ge [sflag:s8], $0x2000  }
0x93: {  	[sflag:s8] =	ssyncset.done $0x0  }
0x94: {  	[sflag:s8] =	ssyncadd.s32 $0xFFFFE000  }
0x95: {  	[spmem:s28] =	stream.linear.scatter [tilespmem:s7], [sflag:$0x9], $0x2000, $0x38;
	[tilespmem:$0x1C200] =	vst v63  }
0x96: {  	_ =	swait.ge [sflag:s8], $0x2000  }
0x97: {  	[sflag:s8] =	ssyncset.done $0x0  }
0x98: {  	[sflag:s8] =	ssyncadd.s32 $0xFFFFE000  }
0x99: {  	[bflag:$0x0] =	sbarrier.arrive $0xFFFF  }
0x9a: {  	s13 =	simm.s32 $0x0;
	s18 =	rddreg [dreg:$0x14]  }
0x9b: {  	[tilespmem:s13], [sflag:$0x1] =	stream.linear.gather [hbm4b:s18+s13], $0x40, $0x38;
	[tilespmem:$0x1C200] =	vst v63  }
0x9c: {  	s19 =	simm.s32 $0x80;
	s24 =	rddreg [dreg:$0x15]  }
0x9d: {  	[tilespmem:s19], [sflag:$0x2] =	stream.linear.gather [hbm4b:s24+s13], $0x40, $0x38;
	[tilespmem:$0x1C200] =	vst v63  }
0x9e: {  	s19 =	rddreg [dreg:$0x16]  }
0x9f: {  	[tilespmem:s7], [sflag:$0x4] =	stream.linear.gather [hbm4b:s19+s13], $0x2000, $0x38;
	[tilespmem:$0x1C200] =	vst v63  }
0xa0: {  	s20 =	rddreg [dreg:$0x17]  }
0xa1: {  	[tilespmem:s9], [sflag:$0x5] =	stream.linear.gather [hbm4b:s20+s13], $0x40, $0x38;
	[tilespmem:$0x1C200] =	vst v63  }
0xa2: {  	s21 =	rddreg [dreg:$0x18]  }
0xa3: {  	[tilespmem:s10], [sflag:$0x6] =	stream.linear.gather [hbm4b:s21+s13], $0x40, $0x38;
	[tilespmem:$0x1C200] =	vst v63  }
0xa4: {  	s23 =	simm.s32 $0x1;
	s22 =	rddreg [dreg:$0x19]  }
0xa5: {  	[tilespmem:s11], [sflag:$0x8] =	stream.linear.gather [hbm4b:s22+s13], $0x2000, $0x38;
	[tilespmem:$0x1C200] =	vst v63  }
0xa6: {  	_ =	swait.ge [sflag:s23], $0x40  }
0xa7: {  	[sflag:s23] =	ssyncset.done $0x0  }
0xa8: {  	s24 =	simm.s32 $0x200;
	[sflag:s23] =	ssyncadd.s32 $0xFFFFFFC0  }
0xa9: {  	[tilespmem:s24], [sflag:$0x3] =	stream.indirect.gather [hbm4b:s14+s29], $0x80, s13, s29, $0xb8;
	[tilespmem:$0x1C200] =	vst v63  }
0xaa: {  	_ =	swait.ge [sflag:s30], $0x40  }
0xab: {  	[sflag:s30] =	ssyncset.done $0x0  }
0xac: {  	[sflag:s30] =	ssyncadd.s32 $0xFFFFFFC0  }
0xad: {  	[tilespmem:s31], [sflag:$0x7] =	stream.indirect.gather [hbm4b:s14+s29], $0x80, s9, s29, $0xb8;
	[tilespmem:$0x1C200] =	vst v63  }
.LBB2_4:
0xae: {  	_ =	swait.ge [sflag:s1], $0x2000  }
0xaf: {  	[sflag:s1] =	ssyncset.done $0x0  }
0xb0: {  	s18 =	sshll.u32 s13, $0x7;
	p0 =	seq.s32 s13, $0x9C;
	[sflag:s1] =	ssyncadd.s32 $0xFFFFE000  }
0xb1: {  	s19 =	sadd.s32 @!p0 s18, s4;
	_ =	swait.ge [sflag:s0], $0x2000  }
0xb2: {  	s20 =	sshrl.u32 @!p0 s19, $0x3;
	[sflag:s0] =	ssyncset.done $0x0  }
0xb3: {  	s22 =	simm.s32 @!p0 $0x0;
	s21 =	sadd.s32 @!p0 s16, s20;
	[sflag:s0] =	ssyncadd.s32 $0xFFFFE000  }
0xb4: {  	[tilespmem:s22], [sflag:$0x1] =	stream.linear.gather @!p0 [hbm4b:s21+s22], $0x40, $0x38;
	[tilespmem:$0x1C200] =	vst v63  }
0xb5: {  	s21 =	simm.s32 $0x0  }
0xb6: {  	v7 =	vld [tilespmem:s21+$0x200]  }
0xb7: {  	v12 =	vld [tilespmem:s21+$0x210]  }
0xb8: {  	v6 =	vld [tilespmem:s21+$0x220]  }
0xb9: {  	v5 =	vld [tilespmem:s21+$0x230]  }
0xba: {  	v4 =	vld [tilespmem:s21+$0x240]  }
0xbb: {  	v3 =	vld [tilespmem:s21+$0x250]  }
0xbc: {  	v2 =	vld [tilespmem:s21+$0x260]  }
0xbd: {  	v1 =	vld [tilespmem:s21+$0x270]  }
0xbe: {  	v13 =	vld [tilespmem:s21+$0x2200]  }
0xbf: {  	v14 =	vld [tilespmem:s21+$0x2210]  }
0xc0: {  	v11 =	vld [tilespmem:s21+$0x2220]  }
0xc1: {  	v10 =	vld [tilespmem:s21+$0x2230]  }
0xc2: {  	v9 =	vld [tilespmem:s21+$0x2240]  }
0xc3: {  	v8 =	vld [tilespmem:s21+$0x2250];
	v13 =	vadd.f32 v13, v7  }
0xc4: {  	s22 =	simm.s32 $0x200;
	v12 =	vadd.f32 v14, v12;
	v7 =	vld [tilespmem:s21+$0x2260]  }
.LBB2_5:
0xc5: {  	s23 =	sshra.s32 s22, $0x2;
	p1 =	sne.s32 s22, $0x7E00;
	v13 =	vmax.f32 v13, $0.0e+00;
	v6 =	vadd.f32 v11, v6;
	v11 =	vld [tilespmem:s21+$0x2270]  }
0xc6: {  	v14 =	vld [tilespmem:s23+$0x200];
	[tilespmem:s21+$0x2200] =	vst v13;
	v12 =	vmax.f32 v12, $0.0e+00;
	v5 =	vadd.f32 v10, v5  }
0xc7: {  	v15 =	vld [tilespmem:s23+$0x210];
	[tilespmem:s21+$0x2210] =	vst v12;
	v10 =	vmax.f32 v6, $0.0e+00;
	v4 =	vadd.f32 v9, v4  }
0xc8: {  	v6 =	vld [tilespmem:s23+$0x220];
	[tilespmem:s21+$0x2220] =	vst v10;
	v9 =	vmax.f32 v5, $0.0e+00;
	v3 =	vadd.f32 v8, v3  }
0xc9: {  	v5 =	vld [tilespmem:s23+$0x230];
	[tilespmem:s21+$0x2230] =	vst v9;
	v8 =	vmax.f32 v4, $0.0e+00;
	v2 =	vadd.f32 v7, v2  }
0xca: {  	v4 =	vld [tilespmem:s23+$0x240];
	[tilespmem:s21+$0x2240] =	vst v8;
	v7 =	vmax.f32 v3, $0.0e+00;
	v1 =	vadd.f32 v11, v1  }
0xcb: {  	v3 =	vld [tilespmem:s23+$0x250];
	[tilespmem:s21+$0x2250] =	vst v7;
	v7 =	vmax.f32 v2, $0.0e+00  }
0xcc: {  	v2 =	vld [tilespmem:s23+$0x260];
	[tilespmem:s21+$0x2260] =	vst v7;
	v7 =	vmax.f32 v1, $0.0e+00  }
0xcd: {  	v1 =	vld [tilespmem:s23+$0x270];
	[tilespmem:s21+$0x2270] =	vst v7;
	s21 =	smov.u32 s23  }
0xce: {  	v7 =	vld [tilespmem:s21+$0x2200]  }
0xcf: {  	v12 =	vld [tilespmem:s21+$0x2210]  }
.Ltmp3:
0xd0: {  	v11 =	vld [tilespmem:s21+$0x2220];
	(pc) =	sbr.rel @p1 .LBB2_5-.Ltmp3, $4  }
0xd1: {  	v10 =	vld [tilespmem:s21+$0x2230]  }
0xd2: {  	v9 =	vld [tilespmem:s21+$0x2240]  }
0xd3: {  	v13 =	vadd.f32 v7, v14;
	v8 =	vld [tilespmem:s21+$0x2250]  }
0xd4: {  	s22 =	sadd.s32 $0x200, s22;
	v12 =	vadd.f32 v12, v15;
	v7 =	vld [tilespmem:s21+$0x2260]  }
0xd5: {  	v13 =	vmax.f32 v13, $0.0e+00;
	v6 =	vadd.f32 v11, v6;
	v11 =	vld [tilespmem:s21+$0x2270]  }
0xd6: {  	[tilespmem:s21+$0x2200] =	vst v13;
	v12 =	vmax.f32 v12, $0.0e+00;
	v5 =	vadd.f32 v10, v5  }
0xd7: {  	[tilespmem:s21+$0x2210] =	vst v12;
	v6 =	vmax.f32 v6, $0.0e+00;
	v4 =	vadd.f32 v9, v4  }
0xd8: {  	[tilespmem:s21+$0x2220] =	vst v6;
	v5 =	vmax.f32 v5, $0.0e+00;
	v3 =	vadd.f32 v8, v3  }
0xd9: {  	[tilespmem:s21+$0x2230] =	vst v5;
	v4 =	vmax.f32 v4, $0.0e+00;
	v2 =	vadd.f32 v7, v2  }
0xda: {  	[tilespmem:s21+$0x2240] =	vst v4;
	v3 =	vmax.f32 v3, $0.0e+00;
	v1 =	vadd.f32 v11, v1  }
0xdb: {  	[tilespmem:s21+$0x2250] =	vst v3;
	v2 =	vmax.f32 v2, $0.0e+00  }
0xdc: {  	[tilespmem:s21+$0x2260] =	vst v2;
	v1 =	vmax.f32 v1, $0.0e+00  }
0xdd: {  	[tilespmem:s21+$0x2270] =	vst v1;
	s21 =	simm.s32 @p0 $0x2  }
0xde: {  	_ =	swait.ge @p0 [sflag:s21], $0x40  }
0xdf: {  	s22 =	simm.s32 @p0 $0x80;
	[sflag:s21] =	ssyncset.done @p0 $0x0  }
0xe0: {  	s23 =	simm.s32 @p0 $0x2200;
	[sflag:s21] =	ssyncadd.s32 @p0 $0xFFFFFFC0;
	s21 =	simm.s32 @p0 $0x40  }
0xe1: {  	[spmem:s2] =	stream.indirect.scatter.add.f32 @p0 [tilespmem:s23], [sflag:$0x9], $0x80, s22, s21, $0xb8;
	[tilespmem:$0x1C200] =	vst v63  }
0xe2: {  	s21 =	simm.s32 @p0 $0x9  }
0xe3: {  	_ =	swait.ge @p0 [sflag:s21], $0x2000  }
0xe4: {  	[sflag:s21] =	ssyncset.done @p0 $0x0  }
0xe5: {  	[sflag:s21] =	ssyncadd.s32 @p0 $0xFFFFE000;
	s21 =	simm.s32 @p0 $0x7  }
0xe6: {  	_ =	swait.ge @p0 [sflag:s21], $0x2000  }
0xe7: {  	[sflag:s21] =	ssyncset.done @p0 $0x0  }
0xe8: {  	[sflag:s21] =	ssyncadd.s32 @p0 $0xFFFFE000;
	s21 =	simm.s32 @p0 $0x8  }
0xe9: {  	_ =	swait.ge @p0 [sflag:s21], $0x2000  }
0xea: {  	[sflag:s21] =	ssyncset.done @p0 $0x0  }
0xeb: {  	[sflag:s21] =	ssyncadd.s32 @p0 $0xFFFFE000;
	s21 =	simm.s32 @!p0 $0x1  }
0xec: {  	_ =	swait.ge @!p0 [sflag:s21], $0x40  }
0xed: {  	s22 =	simm.s32 @!p0 $0x0;
	[sflag:s21] =	ssyncset.done @!p0 $0x0  }
0xee: {  	s23 =	simm.s32 @!p0 $0x200;
	[sflag:s21] =	ssyncadd.s32 @!p0 $0xFFFFFFC0;
	s21 =	simm.s32 @!p0 $0x40  }
0xef: {  	[tilespmem:s23], [sflag:$0x3] =	stream.indirect.gather @!p0 [hbm4b:s14+s21], $0x80, s22, s21, $0xb8;
	[tilespmem:$0x1C200] =	vst v63  }
0xf0: {  	s23 =	simm.s32 @!p0 $0x2  }
0xf1: {  	_ =	swait.ge @!p0 [sflag:s23], $0x40  }
0xf2: {  	[sflag:s23] =	ssyncset.done @!p0 $0x0  }
0xf3: {  	s24 =	simm.s32 @!p0 $0x2200;
	[sflag:s23] =	ssyncadd.s32 @!p0 $0xFFFFFFC0;
	s23 =	simm.s32 @!p0 $0x80  }
0xf4: {  	[spmem:s2] =	stream.indirect.scatter.add.f32 @!p0 [tilespmem:s24], [sflag:$0x9], $0x80, s23, s21, $0xb8;
	[tilespmem:$0x1C200] =	vst v63  }
0xf5: {  	s21 =	simm.s32 @!p0 $0x9  }
0xf6: {  	_ =	swait.ge @!p0 [sflag:s21], $0x2000  }
0xf7: {  	[sflag:s21] =	ssyncset.done @!p0 $0x0  }
0xf8: {  	s20 =	sadd.s32 @!p0 s17, s20;
	s19 =	sshll.u32 @!p0 s19, $0x4;
	[sflag:s21] =	ssyncadd.s32 @!p0 $0xFFFFE000  }
0xf9: {  	[tilespmem:s23], [sflag:$0x2] =	stream.linear.gather @!p0 [hbm4b:s20+s22], $0x40, $0x38;
	[tilespmem:$0x1C200] =	vst v63  }
0xfa: {  	s19 =	sadd.s32 @!p0 s15, s19  }
0xfb: {  	[tilespmem:s24], [sflag:$0x4] =	stream.linear.gather @!p0 [hbm4b:s19+s22], $0x2000, $0x38;
	[tilespmem:$0x1C200] =	vst v63  }
0xfc: {  	s19 =	simm.s32 @!p0 $0x7  }
0xfd: {  	_ =	swait.ge @!p0 [sflag:s19], $0x2000  }
0xfe: {  	[sflag:s19] =	ssyncset.done @!p0 $0x0  }
0xff: {  	[sflag:s19] =	ssyncadd.s32 @!p0 $0xFFFFE000;
	s19 =	simm.s32 @!p0 $0x8  }
0x100: {  	s20 =	sadd.s32 @!p0 s18, s5;
	_ =	swait.ge @!p0 [sflag:s19], $0x2000  }
0x101: {  	s20 =	sshrl.u32 @!p0 s20, $0x3;
	[sflag:s19] =	ssyncset.done @!p0 $0x0  }
0x102: {  	[sflag:s19] =	ssyncadd.s32 @!p0 $0xFFFFE000;
	s19 =	sadd.s32 @!p0 s16, s20;
	s20 =	simm.s32 @!p0 $0x100  }
0x103: {  	[tilespmem:s20], [sflag:$0x5] =	stream.linear.gather @!p0 [hbm4b:s19+s22], $0x40, $0x38;
	[tilespmem:$0x1C200] =	vst v63  }
0x104: {  	s19 =	simm.s32 $0x0  }
0x105: {  	v7 =	vld [tilespmem:s19+$0x4200]  }
0x106: {  	v12 =	vld [tilespmem:s19+$0x4210]  }
0x107: {  	v6 =	vld [tilespmem:s19+$0x4220]  }
0x108: {  	v5 =	vld [tilespmem:s19+$0x4230]  }
0x109: {  	v4 =	vld [tilespmem:s19+$0x4240]  }
0x10a: {  	v3 =	vld [tilespmem:s19+$0x4250]  }
0x10b: {  	v2 =	vld [tilespmem:s19+$0x4260]  }
0x10c: {  	v1 =	vld [tilespmem:s19+$0x4270]  }
0x10d: {  	v13 =	vld [tilespmem:s19+$0x6200]  }
0x10e: {  	v14 =	vld [tilespmem:s19+$0x6210]  }
0x10f: {  	v11 =	vld [tilespmem:s19+$0x6220]  }
0x110: {  	v10 =	vld [tilespmem:s19+$0x6230]  }
0x111: {  	v9 =	vld [tilespmem:s19+$0x6240]  }
0x112: {  	v8 =	vld [tilespmem:s19+$0x6250];
	v13 =	vadd.f32 v13, v7  }
0x113: {  	s20 =	simm.s32 $0x200;
	v12 =	vadd.f32 v14, v12;
	v7 =	vld [tilespmem:s19+$0x6260]  }
.LBB2_7:
0x114: {  	s21 =	sshra.s32 s20, $0x2;
	p1 =	sne.s32 s20, $0x7E00;
	v13 =	vmax.f32 v13, $0.0e+00;
	v6 =	vadd.f32 v11, v6;
	v11 =	vld [tilespmem:s19+$0x6270]  }
0x115: {  	v14 =	vld [tilespmem:s21+$0x4200];
	[tilespmem:s19+$0x6200] =	vst v13;
	v12 =	vmax.f32 v12, $0.0e+00;
	v5 =	vadd.f32 v10, v5  }
0x116: {  	v15 =	vld [tilespmem:s21+$0x4210];
	[tilespmem:s19+$0x6210] =	vst v12;
	v10 =	vmax.f32 v6, $0.0e+00;
	v4 =	vadd.f32 v9, v4  }
0x117: {  	v6 =	vld [tilespmem:s21+$0x4220];
	[tilespmem:s19+$0x6220] =	vst v10;
	v9 =	vmax.f32 v5, $0.0e+00;
	v3 =	vadd.f32 v8, v3  }
0x118: {  	v5 =	vld [tilespmem:s21+$0x4230];
	[tilespmem:s19+$0x6230] =	vst v9;
	v8 =	vmax.f32 v4, $0.0e+00;
	v2 =	vadd.f32 v7, v2  }
0x119: {  	v4 =	vld [tilespmem:s21+$0x4240];
	[tilespmem:s19+$0x6240] =	vst v8;
	v7 =	vmax.f32 v3, $0.0e+00;
	v1 =	vadd.f32 v11, v1  }
0x11a: {  	v3 =	vld [tilespmem:s21+$0x4250];
	[tilespmem:s19+$0x6250] =	vst v7;
	v7 =	vmax.f32 v2, $0.0e+00  }
0x11b: {  	v2 =	vld [tilespmem:s21+$0x4260];
	[tilespmem:s19+$0x6260] =	vst v7;
	v7 =	vmax.f32 v1, $0.0e+00  }
0x11c: {  	v1 =	vld [tilespmem:s21+$0x4270];
	[tilespmem:s19+$0x6270] =	vst v7;
	s19 =	smov.u32 s21  }
0x11d: {  	v7 =	vld [tilespmem:s19+$0x6200]  }
0x11e: {  	v12 =	vld [tilespmem:s19+$0x6210]  }
.Ltmp4:
0x11f: {  	v11 =	vld [tilespmem:s19+$0x6220];
	(pc) =	sbr.rel @p1 .LBB2_7-.Ltmp4, $4  }
0x120: {  	v10 =	vld [tilespmem:s19+$0x6230]  }
0x121: {  	v9 =	vld [tilespmem:s19+$0x6240]  }
0x122: {  	v13 =	vadd.f32 v7, v14;
	v8 =	vld [tilespmem:s19+$0x6250]  }
0x123: {  	s20 =	sadd.s32 $0x200, s20;
	v12 =	vadd.f32 v12, v15;
	v7 =	vld [tilespmem:s19+$0x6260]  }
0x124: {  	v13 =	vmax.f32 v13, $0.0e+00;
	v6 =	vadd.f32 v11, v6;
	v63 =	vld [tilespmem:s19+$0x6270]  }
0x125: {  	[tilespmem:s19+$0x6200] =	vst v13;
	v12 =	vmax.f32 v12, $0.0e+00;
	v5 =	vadd.f32 v10, v5  }
0x126: {  	[tilespmem:s19+$0x6210] =	vst v12;
	v6 =	vmax.f32 v6, $0.0e+00;
	v4 =	vadd.f32 v9, v4  }
0x127: {  	[tilespmem:s19+$0x6220] =	vst v6;
	v5 =	vmax.f32 v5, $0.0e+00;
	v3 =	vadd.f32 v8, v3  }
.Ltmp5:
0x128: {  	[tilespmem:s19+$0x6230] =	vst v5;
	v4 =	vmax.f32 v4, $0.0e+00;
	v2 =	vadd.f32 v7, v2;
	(pc) =	sbr.rel @p0 .LBB2_10-.Ltmp5, $4  }
0x129: {  	[tilespmem:s19+$0x6240] =	vst v4;
	v3 =	vmax.f32 v3, $0.0e+00;
	v1 =	vadd.f32 v63, v1  }
0x12a: {  	[tilespmem:s19+$0x6250] =	vst v3;
	v2 =	vmax.f32 v2, $0.0e+00  }
0x12b: {  	[tilespmem:s19+$0x6260] =	vst v2;
	v1 =	vmax.f32 v1, $0.0e+00  }
0x12c: {  	[tilespmem:s19+$0x6270] =	vst v1  }
0x12d: {  	_ =	swait.ge [sflag:s30], $0x40  }
0x12e: {  	[sflag:s30] =	ssyncset.done $0x0  }
0x12f: {  	[sflag:s30] =	ssyncadd.s32 $0xFFFFFFC0  }
0x130: {  	[tilespmem:s31], [sflag:$0x7] =	stream.indirect.gather [hbm4b:s14+s29], $0x80, s9, s29, $0xb8;
	[tilespmem:$0x1C200] =	vst v63  }
0x131: {  	_ =	swait.ge [sflag:s3], $0x40  }
0x132: {  	[sflag:s3] =	ssyncset.done $0x0  }
0x133: {  	[sflag:s3] =	ssyncadd.s32 $0xFFFFFFC0  }
0x134: {  	[spmem:s2] =	stream.indirect.scatter.add.f32 [tilespmem:s11], [sflag:$0x9], $0x80, s10, s29, $0xb8;
	[tilespmem:$0x1C200] =	vst v63  }
0x135: {  	s18 =	sadd.s32 s18, s5;
	_ =	swait.ge [sflag:s8], $0x2000  }
.Ltmp6:
0x136: {  	s19 =	sshrl.u32 s18, $0x3;
	[sflag:s8] =	ssyncset.done $0x0;
	(pc) =	sbr.rel .LBB2_4-.Ltmp6, $4  }
0x137: {  	s18 =	sshll.u32 s18, $0x4;
	s19 =	sadd.s32 s17, s19;
	[sflag:s8] =	ssyncadd.s32 $0xFFFFE000  }
0x138: {  	[tilespmem:s10], [sflag:$0x6] =	stream.linear.gather [hbm4b:s19+s12], $0x40, $0x38;
	[tilespmem:$0x1C200] =	vst v63  }
0x139: {  	s13 =	sadd.s32 $0x1, s13;
	s18 =	sadd.s32 s15, s18  }
0x13a: {  	[tilespmem:s11], [sflag:$0x8] =	stream.linear.gather [hbm4b:s18+s12], $0x2000, $0x38;
	[tilespmem:$0x1C200] =	vst v63  }
.LBB2_11:
0x13b: {  	_ =	sfence.sel $0x180000  }
0x13c: {  	[bflag:$0x0] =	sbarrier.arrive $0xFFFF  }
0x13d: {  	_ =	strace $0x90000047  }
0x13e: {  	s0 =	stileid.u32;
	[bflag:$0x2] =	sbarrier.arrive $0xFFFF  }
0x13f: {  	p0 =	sne.s32 s0, $0x0;
	s0 =	rddreg [dreg:$0x2]  }
0x140: {  	s0 =	sadd.s32 @!p0 $0x100000, s0  }
0x141: {  	[sflag:s0] =	ssyncadd.tile.s32 @!p0 $0x1;
	_ =	shalt  }
.Lfunc_end2:
_tile_overlayer_lowered:
.L_overlay_start_2:
0x142: {  	(tag) =	ssettag $0x2  }
0x143: {  	s0 =	rddreg [dreg:$0x0];
	s2 =	stileid.u32  }
0x144: {  	s1 =	rddreg [dreg:$0x1];
	p0 =	sne.s32 s2, $0x0  }
0x145: {  	s3 =	rddreg [dreg:$0x2];
	[bflag:$0x3] =	sbarrier.arrive $0xFFFF;
	s2 =	simm.s32 @!p0 $0x1C09  }
0x146: {  	[timem:s3], [sflag:s2] =	dma.local @!p0 [hbm:s0], s1  }
0x147: {  	s0 =	simm.s32 @!p0 $0x9  }
0x148: {  	_ =	swait.ge @!p0 [sflag:s0], s1  }
0x149: {  	s1 =	ssub.s32 @!p0 $0x0, s1;
	[sflag:s0] =	ssyncset.done @!p0 $0x0  }
0x14a: {  	[sflag:s0] =	ssyncadd.s32 @!p0 s1  }
0x14b: {  	[bflag:$0x3] =	sbarrier.arrive $0xFFFF  }
0x14c: {  	_ =	shalt  }

// kernel: kernel.16.cloned.1.call-start
scs
__scs_entry_jumppad:
0x0: {  	(pc) =	sbr.rel $0x88, $3  }
0x1: {  	(tag) =	ssettag $0x0;
	lr =	simm.s32 $0x1  }
0x2: {  	[smem:$0x3F91] =	sst lr;
	_ =	strace $0xD0000000  }
0x3: {  	_ = 	snop  }
0x4: {  	_ = 	snop  }
0x5: {  	_ = 	snop  }
0x6: {  	_ = 	snop  }
0x7: {  	_ = 	snop  }
__scs_overlays_trampoline_lowered:
0x8: {  	[smem:$0x3FA0] =	sst s0  }
0x9: {  	[smem:$0x3FA1] =	sst s1  }
0xa: {  	[smem:$0x3FA2] =	sst s2  }
0xb: {  	[smem:$0x3FA3] =	sst s3  }
0xc: {  	[smem:$0x3FA4] =	sst s4  }
0xd: {  	[smem:$0x3FA5] =	sst s5  }
0xe: {  	[smem:$0x3FA6] =	sst s6  }
0xf: {  	[smem:$0x3FA7] =	sst s7  }
0x10: {  	[smem:$0x3FA8] =	sst s8  }
0x11: {  	[smem:$0x3FA9] =	sst s9;
	s0 =	simm.s32 @!p0 $0x0  }
0x12: {  	s1 =	sld [smem:$0x3F8F];
	s0 =	simm.s32 @p0 $0x1  }
0x13: {  	[smem:$0x3FAA] =	sst s0;
	s0 =	simm.s32 @!p1 $0x0  }
0x14: {  	s2 =	sld [smem:$0x3F8E];
	s0 =	simm.s32 @p1 $0x1  }
0x15: {  	[smem:$0x3FAB] =	sst s0;
	s0 =	simm.s32 @!p2 $0x0  }
0x16: {  	s3 =	sld [smem:$0x3FDB];
	s0 =	simm.s32 @p2 $0x1  }
0x17: {  	s4 =	simm.s32 $0x1BF5;
	[smem:$0x3FAD] =	sst s0  }
0x18: {  	s0 =	sld [smem:$0x3F90];
	_ =	swait.ge [sflag:s4], $0x0  }
0x19: {  	s7 =	sld [smem:$0x3F91]  }
0x1a: {  	s8 =	sadd.s32 $0xFFFFE003, lr  }
0x1b: {  	s9 =	sadd.s32 $0xFFFFFEF7, lr;
	s5 =	simm.s32 $0xFFFFFFFF;
	p2 =	slt.u32 s8, $0xFFFFF086  }
0x1c: {  	p1 =	slt.u32 s9, $0xF7A;
	s5 =	simm.s32 @!p2 $0x0  }
0x1d: {  	s5 =	simm.s32 @p1 $0x1;
	p0 =	seq.s32 s7, s2  }
0x1e: {  	s7 =	smul.u32 @!p0 $0xF7A, s2;
	p2 =	seq.s32 @!p0 s5, $0x0  }
0x1f: {  	s9 =	smul.u32 $0xF7A, s1;
	s8 =	simm.s32 @!p0 $0x1BF5;
	p2 =	por !p2, p0  }
0x20: {  	[sflag:s8] =	ssyncset.s32 @!p0 $0xFFFFF086;
	s6 =	sadd.s32 @!p0 s3, s7;
	s7 =	simm.s32 @!p0 $0x108  }
0x21: {  	s3 =	sadd.s32 s3, s9;
	s6 =	sadd.s32 @!p0 $0x88, s6;
	s7 =	simm.s32 @p2 $0x1082  }
0x22: {  	[simem:s7], [sflag:s8] =	dma.local @!p0 [hbm:s6], $0xF7A  }
0x23: {  	s9 =	sor.u32 $0xD0000000, s2;
	s6 =	simm.s32 $0x108;
	_ =	swait.ge @!p0 [sflag:s8], $0x0  }
0x24: {  	s3 =	sadd.s32 $0x88, s3;
	s6 =	simm.s32 @!p1 $0x1082;
	[sflag:s4] =	ssyncset.s32 $0xFFFFF086  }
0x25: {  	[simem:s6], [sflag:s4] =	dma.local [hbm:s3], $0xF7A  }
0x26: {  	[smem:$0x3F91] =	sst s1;
	(tag) =	ssettag s2;
	_ =	strace s9  }
0x27: {  	s1 =	sld [smem:$0x3FA1]  }
0x28: {  	s2 =	sld [smem:$0x3FA2]  }
0x29: {  	s4 =	sld [smem:$0x3FA4]  }
0x2a: {  	p0 =	seq.s32 s5, $0x0;
	s5 =	sld [smem:$0x3FA5]  }
0x2b: {  	s6 =	sld [smem:$0x3FA6]  }
0x2c: {  	s7 =	sld [smem:$0x3FA7]  }
0x2d: {  	s3 =	simm.s32 $0x108;
	s8 =	sld [smem:$0x3FA8]  }
0x2e: {  	s3 =	simm.s32 @!p0 $0x1082;
	s9 =	sld [smem:$0x3FA9]  }
0x2f: {  	lr =	sadd.s32 s0, s3;
	s0 =	sld [smem:$0x3FA0]  }
0x30: {  	s3 =	sld [smem:$0x3FA3]  }
0x31: {  	[smem:$0x3FAC] =	sst s10  }
0x32: {  	s10 =	sld [smem:$0x3FAA];
	_ =	sdelay $0x3  }
0x33: {  	p0 =	seq.s32 s10, $0x1;
	s10 =	sld [smem:$0x3FAC];
	_ =	sdelay $0x3  }
0x34: {  	[smem:$0x3FAC] =	sst s10  }
0x35: {  	s10 =	sld [smem:$0x3FAB];
	_ =	sdelay $0x3  }
0x36: {  	p1 =	seq.s32 s10, $0x1;
	s10 =	sld [smem:$0x3FAC];
	_ =	sdelay $0x3  }
0x37: {  	[smem:$0x3FAC] =	sst s10  }
0x38: {  	s10 =	sld [smem:$0x3FAD]  }
0x39: {  	_ = 	snop;
	(pc) =	sbr.ind lr, $3  }
0x3a: {  	_ = 	snop  }
0x3b: {  	_ = 	snop  }
0x3c: {  	p2 =	seq.s32 s10, $0x1;
	s10 =	sld [smem:$0x3FAC]  }
0x3d: {  	_ =	shalt  }
0x3e: {  	_ =	shalt  }
0x3f: {  	_ =	shalt  }
0x40: {  	_ =	shalt  }
0x41: {  	_ =	shalt  }
0x42: {  	_ =	shalt  }
0x43: {  	_ =	shalt  }
0x44: {  	_ =	shalt  }
0x45: {  	_ =	shalt  }
0x46: {  	_ =	shalt  }
0x47: {  	_ =	shalt  }
0x48: {  	_ =	shalt  }
0x49: {  	_ =	shalt  }
0x4a: {  	_ =	shalt  }
0x4b: {  	_ =	shalt  }
0x4c: {  	_ =	shalt  }
0x4d: {  	_ =	shalt  }
0x4e: {  	_ =	shalt  }
0x4f: {  	_ =	shalt  }
0x50: {  	_ =	shalt  }
0x51: {  	_ =	shalt  }
0x52: {  	_ =	shalt  }
0x53: {  	_ =	shalt  }
0x54: {  	_ =	shalt  }
0x55: {  	_ =	shalt  }
0x56: {  	_ =	shalt  }
0x57: {  	_ =	shalt  }
0x58: {  	_ =	shalt  }
0x59: {  	_ =	shalt  }
0x5a: {  	_ =	shalt  }
0x5b: {  	_ =	shalt  }
0x5c: {  	_ =	shalt  }
0x5d: {  	_ =	shalt  }
0x5e: {  	_ =	shalt  }
0x5f: {  	_ =	shalt  }
0x60: {  	_ =	shalt  }
0x61: {  	_ =	shalt  }
0x62: {  	_ =	shalt  }
0x63: {  	_ =	shalt  }
0x64: {  	_ =	shalt  }
0x65: {  	_ =	shalt  }
0x66: {  	_ =	shalt  }
0x67: {  	_ =	shalt  }
0x68: {  	_ =	shalt  }
0x69: {  	_ =	shalt  }
0x6a: {  	_ =	shalt  }
0x6b: {  	_ =	shalt  }
0x6c: {  	_ =	shalt  }
0x6d: {  	_ =	shalt  }
0x6e: {  	_ =	shalt  }
0x6f: {  	_ =	shalt  }
0x70: {  	_ =	shalt  }
0x71: {  	_ =	shalt  }
0x72: {  	_ =	shalt  }
0x73: {  	_ =	shalt  }
0x74: {  	_ =	shalt  }
0x75: {  	_ =	shalt  }
0x76: {  	_ =	shalt  }
0x77: {  	_ =	shalt  }
0x78: {  	_ =	shalt  }
0x79: {  	_ =	shalt  }
0x7a: {  	_ =	shalt  }
0x7b: {  	_ =	shalt  }
0x7c: {  	_ =	shalt  }
0x7d: {  	_ =	shalt  }
0x7e: {  	_ =	shalt  }
0x7f: {  	_ =	shalt  }
0x80: {  	_ =	shalt  }
0x81: {  	_ =	shalt  }
0x82: {  	_ =	shalt  }
0x83: {  	_ =	shalt  }
0x84: {  	_ =	shalt  }
0x85: {  	_ =	shalt  }
0x86: {  	_ =	shalt  }
0x87: {  	_ =	shalt  }
.Lfunc_end0:
.L_simem_size_0:
called_computation.1_lowered:
.L_overlay_start_0:
0x88: {  	s2 =	sld [smem:$0x3FD9]  }
0x89: {  	s3 =	sld [smem:$0x3FFE];
	_ =	sdelay $0x1  }
0x8a: {  	s1 =	srdreg.scid  }
0x8b: {  	s0 =	sand.u32 $0x1, s1  }
0x8c: {  	s16 =	sshll.u32 s0, $0xA;
	s2 =	sadd.s32 s3, s2  }
0x8d: {  	s2 =	sadd.s32 s2, s16  }
0x8e: {  	[smem:$0x3FB8] =	sst s2  }
0x8f: {  	_ = 	snop  }
0x90: {  	(tm) =	ssettm $0x1  }
0x91: {  	s17 =	sld [smem:$0x3FFB];
	_ =	sdelay $0x3  }
0x92: {  	_ =	strace s17  }
0x93: {  	s2 =	sld [smem:$0x3FFC];
	_ =	sdelay $0x3  }
0x94: {  	_ =	strace s2  }
0x95: {  	s2 =	sld [smem:$0x3FFD];
	_ =	sdelay $0x3  }
0x96: {  	_ =	strace s2  }
0x97: {  	_ =	strace $0x8FFFFFFF  }
0x98: {  	s18 =	sld [smem:$0x3FDB];
	_ =	sdelay $0x1  }
0x99: {  	s19 =	simm.s32 $_scs_section_size  }
0x9a: {  	s4 =	simm.s32 $_size__tile_overlayer_lowered;
	s5 =	simm.s32 $_tile_overlayer_lowered  }
0x9b: {  	s22 =	simm.s32 $0x1BFF;
	s21 =	sshll.u32 s5, $0x1;
	s2 =	sadd.s32 s19, s18  }
0x9c: {  	s6 =	simm.s32 $0x0;
	s20 =	sshll.u32 s4, $0x1;
	s4 =	sadd.s32 s21, s2  }
0x9d: {  	[timem:s6], [sflag:s22] =	dma.local [hbm:s4], s20  }
0x9e: {  	_ =	swait.ge [sflag:s22], s20  }
0x9f: {  	s3 =	ssub.s32 $0x0, s20;
	[sflag:s22] =	ssyncset.done $0x0  }
0xa0: {  	[sflag:s22] =	ssyncadd.s32 s3;
	_ =	sdelay $0x1  }
0xa1: {  	s23 =	simm.s32 $0x1B8B  }
0xa2: {  	_ =	swait.ge [sflag:s23], $0x1  }
0xa3: {  	[sflag:s23] =	ssyncset.done $0x0  }
0xa4: {  	s25 =	simm.s32 $0x1B8E;
	s24 =	sld [smem:$0x3FFE];
	[sflag:s23] =	ssyncadd.s32 $0xFFFFFFFF  }
0xa5: {  	s26 =	simm.s32 $execute0_lowered;
	[smem:$0x3FD2] =	sst s25  }
0xa6: {  	s4 =	sshll.u32 s26, $0x1;
	_ =	strace $0x80000049;
	[dreg:$0x1] =	wrdreg $0xFFFFFFFF  }
0xa7: {  	s28 =	simm.s32 $_size_execute0_lowered;
	s2 =	sadd.s32 s2, s4;
	[dreg:$0x0] =	wrdreg $0x0  }
0xa8: {  	s4 =	sshll.u32 s28, $0x1;
	[dreg:$0x2] =	wrdreg s2  }
0xa9: {  	[dreg:$0x3] =	wrdreg s4  }
0xaa: {  	[dreg:$0x4] =	wrdreg $0xC0  }
0xab: {  	_ =	task [dreg:s6], $0x5FFFF  }
0xac: {  	[dreg:$0x1] =	wrdreg $0xFFFFFFFF  }
0xad: {  	[dreg:$0x0] =	wrdreg $0x60  }
0xae: {  	[dreg:$0x2] =	wrdreg s24  }
0xaf: {  	[dreg:$0x3] =	wrdreg $0x82000  }
0xb0: {  	[dreg:$0x4] =	wrdreg $0x9  }
0xb1: {  	_ =	task.clear_ibuf [dreg:s6], $0x5FFFF;
	_ =	strace $0x90000049  }
0xb2: {  	s29 =	simm.s32 $0x9;
	_ =	strace $0x8000004B  }
0xb3: {  	_ =	swait.ge [sflag:s29], $0x1  }
0xb4: {  	[sflag:s29] =	ssyncadd.s32 $0xFFFFFFFF  }
0xb5: {  	_ =	strace $0x9000004B  }
0xb6: {  	_ =	sfence  }
0xb7: {  	s30 =	sld [smem:$0x0];
	_ =	sdelay $0x2  }
0xb8: {  	s31 =	sshll.u32 s1, $0xD;
	s1 =	sshrl.u32 s1, $0x2  }
0xb9: {  	s3 =	sand.u32 $0x4000, s31;
	s1 =	sadd.s32 s1, s30  }
0xba: {  	s0 =	sor.u32 s3, s0;
	s1 =	sshll.u32 s1, $0x11  }
0xbb: {  	s0 =	sor.u32 s1, s0  }
0xbc: {  	s0 =	sadd.s32 $0x8F2B, s0  }
0xbd: {  	[sflag:s0] =	ssyncadd.remote.s32 $0x1  }
0xbe: {  	_ =	sfence.sel $0xFFFF  }
0xbf: {  	[dreg:$0x0] =	wrdreg $0xFFFFFFFF;
	(pc) =	sbr.abs _section_cstart, $3  }
0xc0: {  	[dreg:$0x1] =	wrdreg $0xFFFFFFFF  }
0xc1: {  	_ =	task.clear_ibuf [dreg:s6], $0x2FFFF;
	_ =	strace $0x9FFFFFFF  }
0xc2: {  	(tm) =	ssettm $0x7FFFFFFF  }
0xc3: {  	_ =	shalt  }
tec
execute0_lowered:
.L_overlay_start_1:
0x0: {  	(tag) =	ssettag $0x1  }
0x1: {  	s0 =	srdreg.scid  }
0x2: {  	s1 =	rddreg [dreg:$0x0];
	s20 =	stileid.u32  }
0x3: {  	s2 =	rddreg [dreg:$0x1];
	s29 =	simm.s32 $0x40;
	s30 =	simm.s32 $0x5  }
0x4: {  	s31 =	simm.s32 $0x4200;
	s3 =	sand.u32 $0x1, s0;
	s4 =	smul.u32 $0x14000, s20  }
0x5: {  	s6 =	sadd.s32 $0x1BE00, s1;
	s0 =	ssub.s32 $0x2, s3;
	s9 =	smul.u32 $0x140000, s3  }
0x6: {  	s3 =	sshll.u32 s3, $0x4;
	s5 =	sshrl.u32 s0, $0x1;
	s7 =	sadd.s32 $0x4000, s4  }
0x7: {  	s8 =	sadd.s32 $0x6000, s4;
	s10 =	sadd.s32 $0x8000, s4;
	s11 =	sadd.s32 $0xA000, s4  }
0x8: {  	s13 =	sadd.s32 $0xC000, s4;
	s18 =	sadd.s32 $0xE000, s4;
	s19 =	sadd.s32 $0x10000, s4  }
0x9: {  	s0 =	ssub.s32 s0, s5;
	s5 =	sor.u32 $0x2000, s4;
	s12 =	sadd.s32 s4, s9  }
0xa: {  	s4 =	sadd.s32 $0x12000, s4;
	s17 =	sadd.s32 s9, s7;
	s22 =	sadd.s32 s9, s8  }
0xb: {  	s24 =	sadd.s32 s9, s10;
	s26 =	sadd.s32 s9, s11;
	s12 =	sshrl.u32 s12, $0x3  }
0xc: {  	s14 =	sadd.s32 s9, s5;
	s21 =	sshrl.u32 s17, $0x3;
	s23 =	sshrl.u32 s22, $0x3  }
0xd: {  	s25 =	sshrl.u32 s24, $0x3;
	s12 =	sadd.s32 s6, s12;
	s16 =	sshrl.u32 s14, $0x3  }
0xe: {  	s15 =	sshrl.u32 s26, $0x3;
	[dreg:$0x3] =	wrdreg s12;
	s12 =	sadd.s32 s6, s16  }
0xf: {  	s26 =	sor.u32 s20, s3;
	s16 =	sadd.s32 s9, s13;
	[dreg:$0x4] =	wrdreg s12  }
0x10: {  	s12 =	sadd.s32 s6, s21;
	s17 =	sshrl.u32 s16, $0x3;
	s21 =	sadd.s32 s9, s18  }
0x11: {  	[dreg:$0x5] =	wrdreg s12;
	s12 =	sadd.s32 s6, s23;
	s22 =	sshrl.u32 s21, $0x3  }
0x12: {  	s23 =	sadd.s32 s9, s19;
	[dreg:$0x6] =	wrdreg s12;
	s12 =	sadd.s32 s6, s25  }
0x13: {  	s9 =	sadd.s32 s9, s4;
	[dreg:$0x7] =	wrdreg s12;
	s12 =	sadd.s32 s6, s15  }
0x14: {  	s24 =	sshrl.u32 s23, $0x3;
	[dreg:$0x8] =	wrdreg s12;
	s12 =	sadd.s32 s6, s17  }
0x15: {  	s9 =	sshrl.u32 s9, $0x3;
	[dreg:$0x9] =	wrdreg s12;
	s12 =	sadd.s32 s6, s22  }
0x16: {  	s25 =	smul.u32 $0x50000, s20;
	[dreg:$0xa] =	wrdreg s12;
	s12 =	sadd.s32 s6, s24  }
0x17: {  	s14 =	sadd.s32 $0x9E0800, s1;
	s6 =	sadd.s32 s6, s9;
	[dreg:$0xb] =	wrdreg s12  }
0x18: {  	s12 =	simm.s32 $0x0;
	[dreg:$0xc] =	wrdreg s6;
	s6 =	sshrl.u32 s25, $0x2  }
0x19: {  	[smem:$0x7FF] =	sst s12;
	s20 =	sadd.s32 s6, s2;
	s6 =	sadd.s32 s7, s2  }
0x1a: {  	s7 =	sadd.s32 s8, s2;
	_ =	strace $0x8000004A;
	[dreg:$0xd] =	wrdreg s6  }
0x1b: {  	s16 =	sadd.s32 $0x8400, s1;
	s8 =	sadd.s32 s10, s2;
	[dreg:$0xe] =	wrdreg s7  }
0x1c: {  	s15 =	sadd.s32 $0x1DBB400, s1;
	s9 =	sadd.s32 s11, s2;
	[dreg:$0xf] =	wrdreg s8  }
0x1d: {  	s17 =	sadd.s32 $0x9CCE00, s1;
	s11 =	sadd.s32 s13, s2;
	[dreg:$0x10] =	wrdreg s9  }
0x1e: {  	s1 =	smul.u32 $0x4E800, s26;
	s13 =	sadd.s32 s18, s2;
	[dreg:$0x11] =	wrdreg s11  }
0x1f: {  	s28 =	sadd.s32 s4, s2;
	s18 =	sadd.s32 s19, s2;
	[dreg:$0x12] =	wrdreg s13  }
0x20: {  	s0 =	smax.u32 s0, $0x1;
	s1 =	sadd.s32 s15, s1;
	[dreg:$0x13] =	wrdreg s18  }
0x21: {  	s3 =	simm.s32 $0x6;
	s21 =	sadd.s32 s5, s2;
	[dreg:$0x16] =	wrdreg s1  }
0x22: {  	s10 =	smul.u32 $0x4E80, s26;
	[dreg:$0x1a] =	wrdreg s0;
	s7 =	simm.s32 $0x2200  }
0x23: {  	s8 =	simm.s32 $0x9;
	s9 =	simm.s32 $0x100;
	s11 =	simm.s32 $0x6200  }
0x24: {  	s0 =	simm.s32 $0x4;
	s6 =	simm.s32 $0x0;
	s19 =	sshrl.u32 s10, $0x3  }
0x25: {  	s23 =	sor.u32 $0x40, s10;
	s22 =	sadd.s32 s16, s19;
	s4 =	sadd.s32 s17, s19  }
.Ltmp0:
0x26: {  	s24 =	sshrl.u32 s23, $0x3;
	[dreg:$0x14] =	wrdreg s22;
	(pc) =	sbr.rel .LBB2_1-.Ltmp0, $4  }
0x27: {  	s5 =	sadd.s32 $0xC0, s10;
	[dreg:$0x15] =	wrdreg s4;
	s25 =	sadd.s32 s16, s24  }
0x28: {  	s4 =	sshll.u32 s23, $0x4;
	s1 =	sadd.s32 s17, s24;
	[dreg:$0x17] =	wrdreg s25  }
0x29: {  	[dreg:$0x18] =	wrdreg s1;
	s26 =	sadd.s32 s15, s4;
	s4 =	sadd.s32 $0x80, s10  }
0x2a: {  	v0 =	vimm.f32 $0.0e+00;
	s10 =	simm.s32 $0x180;
	s1 =	simm.s32 $0x3;
	[dreg:$0x19] =	wrdreg s26  }
.LBB2_10:
0x2b: {  	_ =	swait.ge [sflag:s3], $0x40  }
0x2c: {  	[sflag:s3] =	ssyncset.done $0x0  }
0x2d: {  	[sflag:s3] =	ssyncadd.s32 $0xFFFFFFC0  }
0x2e: {  	[spmem:s2] =	stream.indirect.scatter.add.f32 [tilespmem:s11], [sflag:$0x9], $0x80, s10, s29, $0xb8;
	[tilespmem:$0x1C200] =	vst v63  }
0x2f: {  	_ =	swait.ge [sflag:s8], $0x2000  }
0x30: {  	[sflag:s8] =	ssyncset.done $0x0  }
0x31: {  	s13 =	stileid.u32;
	[sflag:s8] =	ssyncadd.s32 $0xFFFFE000  }
0x32: {  	s13 =	sshll.u32 s13, $0x6;
	[bflag:$0x0] =	sbarrier.arrive $0xFFFF  }
0x33: {  	s18 =	sshrl.u32 s25, $0x3;
	s13 =	sor.u32 $0x1C09, s13;
	s19 =	rddreg [dreg:$0x3]  }
0x34: {  	[hbm:s19], [sflag:s13] =	dma.local [spmem:s18], $0x400  }
0x35: {  	_ =	swait.ge [sflag:s8], $0x400  }
0x36: {  	s20 =	smov.u32 s25;
	s21 =	smov.u32 s26;
	[sflag:s8] =	ssyncset.done $0x0  }
0x37: {  	s25 =	sshrl.u32 s26, $0x3;
	s26 =	rddreg [dreg:$0x4];
	[sflag:s8] =	ssyncadd.s32 $0xFFFFFC00  }
0x38: {  	[hbm:s26], [sflag:s13] =	dma.local [spmem:s25], $0x400  }
0x39: {  	_ =	swait.ge [sflag:s8], $0x400  }
0x3a: {  	[sflag:s8] =	ssyncset.done $0x0;
	s19 =	rddreg [dreg:$0xd]  }
0x3b: {  	s22 =	rddreg [dreg:$0x5];
	[sflag:s8] =	ssyncadd.s32 $0xFFFFFC00;
	s18 =	sshrl.u32 s19, $0x3  }
0x3c: {  	[hbm:s22], [sflag:s13] =	dma.local [spmem:s18], $0x400  }
0x3d: {  	_ =	swait.ge [sflag:s8], $0x400  }
0x3e: {  	[sflag:s8] =	ssyncset.done $0x0;
	s23 =	rddreg [dreg:$0xe]  }
0x3f: {  	s24 =	rddreg [dreg:$0x6];
	[sflag:s8] =	ssyncadd.s32 $0xFFFFFC00;
	s18 =	sshrl.u32 s23, $0x3  }
0x40: {  	[hbm:s24], [sflag:s13] =	dma.local [spmem:s18], $0x400  }
0x41: {  	_ =	swait.ge [sflag:s8], $0x400  }
0x42: {  	[sflag:s8] =	ssyncset.done $0x0;
	s25 =	rddreg [dreg:$0xf]  }
0x43: {  	s26 =	rddreg [dreg:$0x7];
	[sflag:s8] =	ssyncadd.s32 $0xFFFFFC00;
	s18 =	sshrl.u32 s25, $0x3  }
0x44: {  	[hbm:s26], [sflag:s13] =	dma.local [spmem:s18], $0x400  }
0x45: {  	_ =	swait.ge [sflag:s8], $0x400  }
0x46: {  	[sflag:s8] =	ssyncset.done $0x0;
	s19 =	rddreg [dreg:$0x10]  }
0x47: {  	s22 =	rddreg [dreg:$0x8];
	[sflag:s8] =	ssyncadd.s32 $0xFFFFFC00;
	s18 =	sshrl.u32 s19, $0x3  }
0x48: {  	[hbm:s22], [sflag:s13] =	dma.local [spmem:s18], $0x400  }
0x49: {  	_ =	swait.ge [sflag:s8], $0x400  }
0x4a: {  	[sflag:s8] =	ssyncset.done $0x0;
	s23 =	rddreg [dreg:$0x11]  }
0x4b: {  	s24 =	rddreg [dreg:$0x9];
	[sflag:s8] =	ssyncadd.s32 $0xFFFFFC00;
	s18 =	sshrl.u32 s23, $0x3  }
0x4c: {  	[hbm:s24], [sflag:s13] =	dma.local [spmem:s18], $0x400  }
0x4d: {  	_ =	swait.ge [sflag:s8], $0x400  }
0x4e: {  	[sflag:s8] =	ssyncset.done $0x0;
	s25 =	rddreg [dreg:$0x12]  }
0x4f: {  	s26 =	rddreg [dreg:$0xa];
	[sflag:s8] =	ssyncadd.s32 $0xFFFFFC00;
	s18 =	sshrl.u32 s25, $0x3  }
0x50: {  	[hbm:s26], [sflag:s13] =	dma.local [spmem:s18], $0x400  }
0x51: {  	_ =	swait.ge [sflag:s8], $0x400  }
0x52: {  	[sflag:s8] =	ssyncset.done $0x0;
	s22 =	rddreg [dreg:$0x13]  }
0x53: {  	s23 =	rddreg [dreg:$0xb];
	[sflag:s8] =	ssyncadd.s32 $0xFFFFFC00;
	s18 =	sshrl.u32 s22, $0x3  }
0x54: {  	[hbm:s23], [sflag:s13] =	dma.local [spmem:s18], $0x400  }
0x55: {  	_ =	swait.ge [sflag:s8], $0x400  }
0x56: {  	[sflag:s8] =	ssyncset.done $0x0  }
0x57: {  	s24 =	sshrl.u32 s28, $0x3;
	s25 =	rddreg [dreg:$0xc];
	[sflag:s8] =	ssyncadd.s32 $0xFFFFFC00  }
0x58: {  	[hbm:s25], [sflag:s13] =	dma.local [spmem:s24], $0x400  }
0x59: {  	_ =	swait.ge [sflag:s8], $0x400  }
0x5a: {  	s6 =	sadd.s32 $0x1, s6;
	s26 =	rddreg [dreg:$0x1a]  }
0x5b: {  	p0 =	sne.s32 s6, s26  }
.Ltmp1:
0x5c: {  	_ = 	snop;
	(pc) =	sbr.rel @!p0 .LBB2_11-.Ltmp1, $3  }
0x5d: {  	_ =	sdelay $0x1  }
0x5e: {  	[sflag:s8] =	ssyncset.done $0x0  }
0x5f: {  	[sflag:s8] =	ssyncadd.s32 $0xFFFFFC00  }
.LBB2_1:
0x60: {  	s13 =	simm.s32 $0x0;
	s18 =	simm.s32 $0x200  }
.LBB2_2:
0x61: {  	p0 =	sne.s32 s18, $0x7E00;
	[tilespmem:s13+$0x2270] =	vst v0  }
0x62: {  	[tilespmem:s13+$0x2200] =	vst v0  }
0x63: {  	[tilespmem:s13+$0x2210] =	vst v0  }
.Ltmp2:
0x64: {  	[tilespmem:s13+$0x2220] =	vst v0;
	(pc) =	sbr.rel @p0 .LBB2_2-.Ltmp2, $4  }
0x65: {  	[tilespmem:s13+$0x2230] =	vst v0  }
0x66: {  	[tilespmem:s13+$0x2240] =	vst v0  }
0x67: {  	[tilespmem:s13+$0x2250] =	vst v0  }
0x68: {  	[tilespmem:s13+$0x2260] =	vst v0;
	s13 =	sshra.s32 s18, $0x2;
	s18 =	sadd.s32 $0x200, s18  }
0x69: {  	[tilespmem:s13+$0x2270] =	vst v0  }
0x6a: {  	[tilespmem:s13+$0x2200] =	vst v0  }
0x6b: {  	[tilespmem:s13+$0x2210] =	vst v0  }
0x6c: {  	[tilespmem:s13+$0x2220] =	vst v0  }
0x6d: {  	[tilespmem:s13+$0x2230] =	vst v0  }
0x6e: {  	[tilespmem:s13+$0x2240] =	vst v0  }
0x6f: {  	[tilespmem:s13+$0x2250] =	vst v0  }
0x70: {  	[tilespmem:s13+$0x2260] =	vst v0  }
0x71: {  	[spmem:s20] =	stream.linear.scatter [tilespmem:s7], [sflag:$0x9], $0x2000, $0x38;
	[tilespmem:$0x1C200] =	vst v63  }
0x72: {  	_ =	swait.ge [sflag:s8], $0x2000  }
0x73: {  	[sflag:s8] =	ssyncset.done $0x0  }
0x74: {  	[sflag:s8] =	ssyncadd.s32 $0xFFFFE000  }
0x75: {  	[spmem:s21] =	stream.linear.scatter [tilespmem:s7], [sflag:$0x9], $0x2000, $0x38;
	[tilespmem:$0x1C200] =	vst v63  }
0x76: {  	_ =	swait.ge [sflag:s8], $0x2000  }
0x77: {  	[sflag:s8] =	ssyncset.done $0x0  }
0x78: {  	s24 =	rddreg [dreg:$0xd];
	[sflag:s8] =	ssyncadd.s32 $0xFFFFE000  }
0x79: {  	[spmem:s24] =	stream.linear.scatter [tilespmem:s7], [sflag:$0x9], $0x2000, $0x38;
	[tilespmem:$0x1C200] =	vst v63  }
0x7a: {  	_ =	swait.ge [sflag:s8], $0x2000  }
0x7b: {  	[sflag:s8] =	ssyncset.done $0x0  }
0x7c: {  	s18 =	rddreg [dreg:$0xe];
	[sflag:s8] =	ssyncadd.s32 $0xFFFFE000  }
0x7d: {  	[spmem:s18] =	stream.linear.scatter [tilespmem:s7], [sflag:$0x9], $0x2000, $0x38;
	[tilespmem:$0x1C200] =	vst v63  }
0x7e: {  	_ =	swait.ge [sflag:s8], $0x2000  }
0x7f: {  	[sflag:s8] =	ssyncset.done $0x0  }
0x80: {  	s19 =	rddreg [dreg:$0xf];
	[sflag:s8] =	ssyncadd.s32 $0xFFFFE000  }
0x81: {  	[spmem:s19] =	stream.linear.scatter [tilespmem:s7], [sflag:$0x9], $0x2000, $0x38;
	[tilespmem:$0x1C200] =	vst v63  }
0x82: {  	_ =	swait.ge [sflag:s8], $0x2000  }
0x83: {  	[sflag:s8] =	ssyncset.done $0x0  }
0x84: {  	s25 =	smov.u32 s20;
	s20 =	rddreg [dreg:$0x10];
	[sflag:s8] =	ssyncadd.s32 $0xFFFFE000  }
0x85: {  	[spmem:s20] =	stream.linear.scatter [tilespmem:s7], [sflag:$0x9], $0x2000, $0x38;
	[tilespmem:$0x1C200] =	vst v63  }
0x86: {  	_ =	swait.ge [sflag:s8], $0x2000  }
0x87: {  	[sflag:s8] =	ssyncset.done $0x0  }
0x88: {  	s26 =	smov.u32 s21;
	s21 =	rddreg [dreg:$0x11];
	[sflag:s8] =	ssyncadd.s32 $0xFFFFE000  }
0x89: {  	[spmem:s21] =	stream.linear.scatter [tilespmem:s7], [sflag:$0x9], $0x2000, $0x38;
	[tilespmem:$0x1C200] =	vst v63  }
0x8a: {  	_ =	swait.ge [sflag:s8], $0x2000  }
0x8b: {  	[sflag:s8] =	ssyncset.done $0x0  }
0x8c: {  	s22 =	rddreg [dreg:$0x12];
	[sflag:s8] =	ssyncadd.s32 $0xFFFFE000  }
0x8d: {  	[spmem:s22] =	stream.linear.scatter [tilespmem:s7], [sflag:$0x9], $0x2000, $0x38;
	[tilespmem:$0x1C200] =	vst v63  }
0x8e: {  	_ =	swait.ge [sflag:s8], $0x2000  }
0x8f: {  	[sflag:s8] =	ssyncset.done $0x0  }
0x90: {  	s23 =	rddreg [dreg:$0x13];
	[sflag:s8] =	ssyncadd.s32 $0xFFFFE000  }
0x91: {  	[spmem:s23] =	stream.linear.scatter [tilespmem:s7], [sflag:$0x9], $0x2000, $0x38;
	[tilespmem:$0x1C200] =	vst v63  }
0x92: {  	_ =	swait.ge [sflag:s8], $0x2000  }
0x93: {  	[sflag:s8] =	ssyncset.done $0x0  }
0x94: {  	[sflag:s8] =	ssyncadd.s32 $0xFFFFE000  }
0x95: {  	[spmem:s28] =	stream.linear.scatter [tilespmem:s7], [sflag:$0x9], $0x2000, $0x38;
	[tilespmem:$0x1C200] =	vst v63  }
0x96: {  	_ =	swait.ge [sflag:s8], $0x2000  }
0x97: {  	[sflag:s8] =	ssyncset.done $0x0  }
0x98: {  	[sflag:s8] =	ssyncadd.s32 $0xFFFFE000  }
0x99: {  	[bflag:$0x0] =	sbarrier.arrive $0xFFFF  }
0x9a: {  	s13 =	simm.s32 $0x0;
	s18 =	rddreg [dreg:$0x14]  }
0x9b: {  	[tilespmem:s13], [sflag:$0x1] =	stream.linear.gather [hbm4b:s18+s13], $0x40, $0x38;
	[tilespmem:$0x1C200] =	vst v63  }
0x9c: {  	s19 =	simm.s32 $0x80;
	s24 =	rddreg [dreg:$0x15]  }
0x9d: {  	[tilespmem:s19], [sflag:$0x2] =	stream.linear.gather [hbm4b:s24+s13], $0x40, $0x38;
	[tilespmem:$0x1C200] =	vst v63  }
0x9e: {  	s19 =	rddreg [dreg:$0x16]  }
0x9f: {  	[tilespmem:s7], [sflag:$0x4] =	stream.linear.gather [hbm4b:s19+s13], $0x2000, $0x38;
	[tilespmem:$0x1C200] =	vst v63  }
0xa0: {  	s20 =	rddreg [dreg:$0x17]  }
0xa1: {  	[tilespmem:s9], [sflag:$0x5] =	stream.linear.gather [hbm4b:s20+s13], $0x40, $0x38;
	[tilespmem:$0x1C200] =	vst v63  }
0xa2: {  	s21 =	rddreg [dreg:$0x18]  }
0xa3: {  	[tilespmem:s10], [sflag:$0x6] =	stream.linear.gather [hbm4b:s21+s13], $0x40, $0x38;
	[tilespmem:$0x1C200] =	vst v63  }
0xa4: {  	s23 =	simm.s32 $0x1;
	s22 =	rddreg [dreg:$0x19]  }
0xa5: {  	[tilespmem:s11], [sflag:$0x8] =	stream.linear.gather [hbm4b:s22+s13], $0x2000, $0x38;
	[tilespmem:$0x1C200] =	vst v63  }
0xa6: {  	_ =	swait.ge [sflag:s23], $0x40  }
0xa7: {  	[sflag:s23] =	ssyncset.done $0x0  }
0xa8: {  	s24 =	simm.s32 $0x200;
	[sflag:s23] =	ssyncadd.s32 $0xFFFFFFC0  }
0xa9: {  	[tilespmem:s24], [sflag:$0x3] =	stream.indirect.gather [hbm4b:s14+s29], $0x80, s13, s29, $0xb8;
	[tilespmem:$0x1C200] =	vst v63  }
0xaa: {  	_ =	swait.ge [sflag:s30], $0x40  }
0xab: {  	[sflag:s30] =	ssyncset.done $0x0  }
0xac: {  	[sflag:s30] =	ssyncadd.s32 $0xFFFFFFC0  }
0xad: {  	[tilespmem:s31], [sflag:$0x7] =	stream.indirect.gather [hbm4b:s14+s29], $0x80, s9, s29, $0xb8;
	[tilespmem:$0x1C200] =	vst v63  }
.LBB2_4:
0xae: {  	_ =	swait.ge [sflag:s1], $0x2000  }
0xaf: {  	[sflag:s1] =	ssyncset.done $0x0  }
0xb0: {  	s18 =	sshll.u32 s13, $0x7;
	p0 =	seq.s32 s13, $0x9C;
	[sflag:s1] =	ssyncadd.s32 $0xFFFFE000  }
0xb1: {  	s19 =	sadd.s32 @!p0 s18, s4;
	_ =	swait.ge [sflag:s0], $0x2000  }
0xb2: {  	s20 =	sshrl.u32 @!p0 s19, $0x3;
	[sflag:s0] =	ssyncset.done $0x0  }
0xb3: {  	s22 =	simm.s32 @!p0 $0x0;
	s21 =	sadd.s32 @!p0 s16, s20;
	[sflag:s0] =	ssyncadd.s32 $0xFFFFE000  }
0xb4: {  	[tilespmem:s22], [sflag:$0x1] =	stream.linear.gather @!p0 [hbm4b:s21+s22], $0x40, $0x38;
	[tilespmem:$0x1C200] =	vst v63  }
0xb5: {  	s21 =	simm.s32 $0x0  }
0xb6: {  	v7 =	vld [tilespmem:s21+$0x200]  }
0xb7: {  	v12 =	vld [tilespmem:s21+$0x210]  }
0xb8: {  	v6 =	vld [tilespmem:s21+$0x220]  }
0xb9: {  	v5 =	vld [tilespmem:s21+$0x230]  }
0xba: {  	v4 =	vld [tilespmem:s21+$0x240]  }
0xbb: {  	v3 =	vld [tilespmem:s21+$0x250]  }
0xbc: {  	v2 =	vld [tilespmem:s21+$0x260]  }
0xbd: {  	v1 =	vld [tilespmem:s21+$0x270]  }
0xbe: {  	v13 =	vld [tilespmem:s21+$0x2200]  }
0xbf: {  	v14 =	vld [tilespmem:s21+$0x2210]  }
0xc0: {  	v11 =	vld [tilespmem:s21+$0x2220]  }
0xc1: {  	v10 =	vld [tilespmem:s21+$0x2230]  }
0xc2: {  	v9 =	vld [tilespmem:s21+$0x2240]  }
0xc3: {  	v8 =	vld [tilespmem:s21+$0x2250];
	v13 =	vadd.f32 v13, v7  }
0xc4: {  	s22 =	simm.s32 $0x200;
	v12 =	vadd.f32 v14, v12;
	v7 =	vld [tilespmem:s21+$0x2260]  }
.LBB2_5:
0xc5: {  	s23 =	sshra.s32 s22, $0x2;
	p1 =	sne.s32 s22, $0x7E00;
	v13 =	vmax.f32 v13, $0.0e+00;
	v6 =	vadd.f32 v11, v6;
	v11 =	vld [tilespmem:s21+$0x2270]  }
0xc6: {  	v14 =	vld [tilespmem:s23+$0x200];
	[tilespmem:s21+$0x2200] =	vst v13;
	v12 =	vmax.f32 v12, $0.0e+00;
	v5 =	vadd.f32 v10, v5  }
0xc7: {  	v15 =	vld [tilespmem:s23+$0x210];
	[tilespmem:s21+$0x2210] =	vst v12;
	v10 =	vmax.f32 v6, $0.0e+00;
	v4 =	vadd.f32 v9, v4  }
0xc8: {  	v6 =	vld [tilespmem:s23+$0x220];
	[tilespmem:s21+$0x2220] =	vst v10;
	v9 =	vmax.f32 v5, $0.0e+00;
	v3 =	vadd.f32 v8, v3  }
0xc9: {  	v5 =	vld [tilespmem:s23+$0x230];
	[tilespmem:s21+$0x2230] =	vst v9;
	v8 =	vmax.f32 v4, $0.0e+00;
	v2 =	vadd.f32 v7, v2  }
0xca: {  	v4 =	vld [tilespmem:s23+$0x240];
	[tilespmem:s21+$0x2240] =	vst v8;
	v7 =	vmax.f32 v3, $0.0e+00;
	v1 =	vadd.f32 v11, v1  }
0xcb: {  	v3 =	vld [tilespmem:s23+$0x250];
	[tilespmem:s21+$0x2250] =	vst v7;
	v7 =	vmax.f32 v2, $0.0e+00  }
0xcc: {  	v2 =	vld [tilespmem:s23+$0x260];
	[tilespmem:s21+$0x2260] =	vst v7;
	v7 =	vmax.f32 v1, $0.0e+00  }
0xcd: {  	v1 =	vld [tilespmem:s23+$0x270];
	[tilespmem:s21+$0x2270] =	vst v7;
	s21 =	smov.u32 s23  }
0xce: {  	v7 =	vld [tilespmem:s21+$0x2200]  }
0xcf: {  	v12 =	vld [tilespmem:s21+$0x2210]  }
.Ltmp3:
0xd0: {  	v11 =	vld [tilespmem:s21+$0x2220];
	(pc) =	sbr.rel @p1 .LBB2_5-.Ltmp3, $4  }
0xd1: {  	v10 =	vld [tilespmem:s21+$0x2230]  }
0xd2: {  	v9 =	vld [tilespmem:s21+$0x2240]  }
0xd3: {  	v13 =	vadd.f32 v7, v14;
	v8 =	vld [tilespmem:s21+$0x2250]  }
0xd4: {  	s22 =	sadd.s32 $0x200, s22;
	v12 =	vadd.f32 v12, v15;
	v7 =	vld [tilespmem:s21+$0x2260]  }
0xd5: {  	v13 =	vmax.f32 v13, $0.0e+00;
	v6 =	vadd.f32 v11, v6;
	v11 =	vld [tilespmem:s21+$0x2270]  }
0xd6: {  	[tilespmem:s21+$0x2200] =	vst v13;
	v12 =	vmax.f32 v12, $0.0e+00;
	v5 =	vadd.f32 v10, v5  }
0xd7: {  	[tilespmem:s21+$0x2210] =	vst v12;
	v6 =	vmax.f32 v6, $0.0e+00;
	v4 =	vadd.f32 v9, v4  }
0xd8: {  	[tilespmem:s21+$0x2220] =	vst v6;
	v5 =	vmax.f32 v5, $0.0e+00;
	v3 =	vadd.f32 v8, v3  }
0xd9: {  	[tilespmem:s21+$0x2230] =	vst v5;
	v4 =	vmax.f32 v4, $0.0e+00;
	v2 =	vadd.f32 v7, v2  }
0xda: {  	[tilespmem:s21+$0x2240] =	vst v4;
	v3 =	vmax.f32 v3, $0.0e+00;
	v1 =	vadd.f32 v11, v1  }
0xdb: {  	[tilespmem:s21+$0x2250] =	vst v3;
	v2 =	vmax.f32 v2, $0.0e+00  }
0xdc: {  	[tilespmem:s21+$0x2260] =	vst v2;
	v1 =	vmax.f32 v1, $0.0e+00  }
0xdd: {  	[tilespmem:s21+$0x2270] =	vst v1;
	s21 =	simm.s32 @p0 $0x2  }
0xde: {  	_ =	swait.ge @p0 [sflag:s21], $0x40  }
0xdf: {  	s22 =	simm.s32 @p0 $0x80;
	[sflag:s21] =	ssyncset.done @p0 $0x0  }
0xe0: {  	s23 =	simm.s32 @p0 $0x2200;
	[sflag:s21] =	ssyncadd.s32 @p0 $0xFFFFFFC0;
	s21 =	simm.s32 @p0 $0x40  }
0xe1: {  	[spmem:s2] =	stream.indirect.scatter.add.f32 @p0 [tilespmem:s23], [sflag:$0x9], $0x80, s22, s21, $0xb8;
	[tilespmem:$0x1C200] =	vst v63  }
0xe2: {  	s21 =	simm.s32 @p0 $0x9  }
0xe3: {  	_ =	swait.ge @p0 [sflag:s21], $0x2000  }
0xe4: {  	[sflag:s21] =	ssyncset.done @p0 $0x0  }
0xe5: {  	[sflag:s21] =	ssyncadd.s32 @p0 $0xFFFFE000;
	s21 =	simm.s32 @p0 $0x7  }
0xe6: {  	_ =	swait.ge @p0 [sflag:s21], $0x2000  }
0xe7: {  	[sflag:s21] =	ssyncset.done @p0 $0x0  }
0xe8: {  	[sflag:s21] =	ssyncadd.s32 @p0 $0xFFFFE000;
	s21 =	simm.s32 @p0 $0x8  }
0xe9: {  	_ =	swait.ge @p0 [sflag:s21], $0x2000  }
0xea: {  	[sflag:s21] =	ssyncset.done @p0 $0x0  }
0xeb: {  	[sflag:s21] =	ssyncadd.s32 @p0 $0xFFFFE000;
	s21 =	simm.s32 @!p0 $0x1  }
0xec: {  	_ =	swait.ge @!p0 [sflag:s21], $0x40  }
0xed: {  	s22 =	simm.s32 @!p0 $0x0;
	[sflag:s21] =	ssyncset.done @!p0 $0x0  }
0xee: {  	s23 =	simm.s32 @!p0 $0x200;
	[sflag:s21] =	ssyncadd.s32 @!p0 $0xFFFFFFC0;
	s21 =	simm.s32 @!p0 $0x40  }
0xef: {  	[tilespmem:s23], [sflag:$0x3] =	stream.indirect.gather @!p0 [hbm4b:s14+s21], $0x80, s22, s21, $0xb8;
	[tilespmem:$0x1C200] =	vst v63  }
0xf0: {  	s23 =	simm.s32 @!p0 $0x2  }
0xf1: {  	_ =	swait.ge @!p0 [sflag:s23], $0x40  }
0xf2: {  	[sflag:s23] =	ssyncset.done @!p0 $0x0  }
0xf3: {  	s24 =	simm.s32 @!p0 $0x2200;
	[sflag:s23] =	ssyncadd.s32 @!p0 $0xFFFFFFC0;
	s23 =	simm.s32 @!p0 $0x80  }
0xf4: {  	[spmem:s2] =	stream.indirect.scatter.add.f32 @!p0 [tilespmem:s24], [sflag:$0x9], $0x80, s23, s21, $0xb8;
	[tilespmem:$0x1C200] =	vst v63  }
0xf5: {  	s21 =	simm.s32 @!p0 $0x9  }
0xf6: {  	_ =	swait.ge @!p0 [sflag:s21], $0x2000  }
0xf7: {  	[sflag:s21] =	ssyncset.done @!p0 $0x0  }
0xf8: {  	s20 =	sadd.s32 @!p0 s17, s20;
	s19 =	sshll.u32 @!p0 s19, $0x4;
	[sflag:s21] =	ssyncadd.s32 @!p0 $0xFFFFE000  }
0xf9: {  	[tilespmem:s23], [sflag:$0x2] =	stream.linear.gather @!p0 [hbm4b:s20+s22], $0x40, $0x38;
	[tilespmem:$0x1C200] =	vst v63  }
0xfa: {  	s19 =	sadd.s32 @!p0 s15, s19  }
0xfb: {  	[tilespmem:s24], [sflag:$0x4] =	stream.linear.gather @!p0 [hbm4b:s19+s22], $0x2000, $0x38;
	[tilespmem:$0x1C200] =	vst v63  }
0xfc: {  	s19 =	simm.s32 @!p0 $0x7  }
0xfd: {  	_ =	swait.ge @!p0 [sflag:s19], $0x2000  }
0xfe: {  	[sflag:s19] =	ssyncset.done @!p0 $0x0  }
0xff: {  	[sflag:s19] =	ssyncadd.s32 @!p0 $0xFFFFE000;
	s19 =	simm.s32 @!p0 $0x8  }
0x100: {  	s20 =	sadd.s32 @!p0 s18, s5;
	_ =	swait.ge @!p0 [sflag:s19], $0x2000  }
0x101: {  	s20 =	sshrl.u32 @!p0 s20, $0x3;
	[sflag:s19] =	ssyncset.done @!p0 $0x0  }
0x102: {  	[sflag:s19] =	ssyncadd.s32 @!p0 $0xFFFFE000;
	s19 =	sadd.s32 @!p0 s16, s20;
	s20 =	simm.s32 @!p0 $0x100  }
0x103: {  	[tilespmem:s20], [sflag:$0x5] =	stream.linear.gather @!p0 [hbm4b:s19+s22], $0x40, $0x38;
	[tilespmem:$0x1C200] =	vst v63  }
0x104: {  	s19 =	simm.s32 $0x0  }
0x105: {  	v7 =	vld [tilespmem:s19+$0x4200]  }
0x106: {  	v12 =	vld [tilespmem:s19+$0x4210]  }
0x107: {  	v6 =	vld [tilespmem:s19+$0x4220]  }
0x108: {  	v5 =	vld [tilespmem:s19+$0x4230]  }
0x109: {  	v4 =	vld [tilespmem:s19+$0x4240]  }
0x10a: {  	v3 =	vld [tilespmem:s19+$0x4250]  }
0x10b: {  	v2 =	vld [tilespmem:s19+$0x4260]  }
0x10c: {  	v1 =	vld [tilespmem:s19+$0x4270]  }
0x10d: {  	v13 =	vld [tilespmem:s19+$0x6200]  }
0x10e: {  	v14 =	vld [tilespmem:s19+$0x6210]  }
0x10f: {  	v11 =	vld [tilespmem:s19+$0x6220]  }
0x110: {  	v10 =	vld [tilespmem:s19+$0x6230]  }
0x111: {  	v9 =	vld [tilespmem:s19+$0x6240]  }
0x112: {  	v8 =	vld [tilespmem:s19+$0x6250];
	v13 =	vadd.f32 v13, v7  }
0x113: {  	s20 =	simm.s32 $0x200;
	v12 =	vadd.f32 v14, v12;
	v7 =	vld [tilespmem:s19+$0x6260]  }
.LBB2_7:
0x114: {  	s21 =	sshra.s32 s20, $0x2;
	p1 =	sne.s32 s20, $0x7E00;
	v13 =	vmax.f32 v13, $0.0e+00;
	v6 =	vadd.f32 v11, v6;
	v11 =	vld [tilespmem:s19+$0x6270]  }
0x115: {  	v14 =	vld [tilespmem:s21+$0x4200];
	[tilespmem:s19+$0x6200] =	vst v13;
	v12 =	vmax.f32 v12, $0.0e+00;
	v5 =	vadd.f32 v10, v5  }
0x116: {  	v15 =	vld [tilespmem:s21+$0x4210];
	[tilespmem:s19+$0x6210] =	vst v12;
	v10 =	vmax.f32 v6, $0.0e+00;
	v4 =	vadd.f32 v9, v4  }
0x117: {  	v6 =	vld [tilespmem:s21+$0x4220];
	[tilespmem:s19+$0x6220] =	vst v10;
	v9 =	vmax.f32 v5, $0.0e+00;
	v3 =	vadd.f32 v8, v3  }
0x118: {  	v5 =	vld [tilespmem:s21+$0x4230];
	[tilespmem:s19+$0x6230] =	vst v9;
	v8 =	vmax.f32 v4, $0.0e+00;
	v2 =	vadd.f32 v7, v2  }
0x119: {  	v4 =	vld [tilespmem:s21+$0x4240];
	[tilespmem:s19+$0x6240] =	vst v8;
	v7 =	vmax.f32 v3, $0.0e+00;
	v1 =	vadd.f32 v11, v1  }
0x11a: {  	v3 =	vld [tilespmem:s21+$0x4250];
	[tilespmem:s19+$0x6250] =	vst v7;
	v7 =	vmax.f32 v2, $0.0e+00  }
0x11b: {  	v2 =	vld [tilespmem:s21+$0x4260];
	[tilespmem:s19+$0x6260] =	vst v7;
	v7 =	vmax.f32 v1, $0.0e+00  }
0x11c: {  	v1 =	vld [tilespmem:s21+$0x4270];
	[tilespmem:s19+$0x6270] =	vst v7;
	s19 =	smov.u32 s21  }
0x11d: {  	v7 =	vld [tilespmem:s19+$0x6200]  }
0x11e: {  	v12 =	vld [tilespmem:s19+$0x6210]  }
.Ltmp4:
0x11f: {  	v11 =	vld [tilespmem:s19+$0x6220];
	(pc) =	sbr.rel @p1 .LBB2_7-.Ltmp4, $4  }
0x120: {  	v10 =	vld [tilespmem:s19+$0x6230]  }
0x121: {  	v9 =	vld [tilespmem:s19+$0x6240]  }
0x122: {  	v13 =	vadd.f32 v7, v14;
	v8 =	vld [tilespmem:s19+$0x6250]  }
0x123: {  	s20 =	sadd.s32 $0x200, s20;
	v12 =	vadd.f32 v12, v15;
	v7 =	vld [tilespmem:s19+$0x6260]  }
0x124: {  	v13 =	vmax.f32 v13, $0.0e+00;
	v6 =	vadd.f32 v11, v6;
	v63 =	vld [tilespmem:s19+$0x6270]  }
0x125: {  	[tilespmem:s19+$0x6200] =	vst v13;
	v12 =	vmax.f32 v12, $0.0e+00;
	v5 =	vadd.f32 v10, v5  }
0x126: {  	[tilespmem:s19+$0x6210] =	vst v12;
	v6 =	vmax.f32 v6, $0.0e+00;
	v4 =	vadd.f32 v9, v4  }
0x127: {  	[tilespmem:s19+$0x6220] =	vst v6;
	v5 =	vmax.f32 v5, $0.0e+00;
	v3 =	vadd.f32 v8, v3  }
.Ltmp5:
0x128: {  	[tilespmem:s19+$0x6230] =	vst v5;
	v4 =	vmax.f32 v4, $0.0e+00;
	v2 =	vadd.f32 v7, v2;
	(pc) =	sbr.rel @p0 .LBB2_10-.Ltmp5, $4  }
0x129: {  	[tilespmem:s19+$0x6240] =	vst v4;
	v3 =	vmax.f32 v3, $0.0e+00;
	v1 =	vadd.f32 v63, v1  }
0x12a: {  	[tilespmem:s19+$0x6250] =	vst v3;
	v2 =	vmax.f32 v2, $0.0e+00  }
0x12b: {  	[tilespmem:s19+$0x6260] =	vst v2;
	v1 =	vmax.f32 v1, $0.0e+00  }
0x12c: {  	[tilespmem:s19+$0x6270] =	vst v1  }
0x12d: {  	_ =	swait.ge [sflag:s30], $0x40  }
0x12e: {  	[sflag:s30] =	ssyncset.done $0x0  }
0x12f: {  	[sflag:s30] =	ssyncadd.s32 $0xFFFFFFC0  }
0x130: {  	[tilespmem:s31], [sflag:$0x7] =	stream.indirect.gather [hbm4b:s14+s29], $0x80, s9, s29, $0xb8;
	[tilespmem:$0x1C200] =	vst v63  }
0x131: {  	_ =	swait.ge [sflag:s3], $0x40  }
0x132: {  	[sflag:s3] =	ssyncset.done $0x0  }
0x133: {  	[sflag:s3] =	ssyncadd.s32 $0xFFFFFFC0  }
0x134: {  	[spmem:s2] =	stream.indirect.scatter.add.f32 [tilespmem:s11], [sflag:$0x9], $0x80, s10, s29, $0xb8;
	[tilespmem:$0x1C200] =	vst v63  }
0x135: {  	s18 =	sadd.s32 s18, s5;
	_ =	swait.ge [sflag:s8], $0x2000  }
.Ltmp6:
0x136: {  	s19 =	sshrl.u32 s18, $0x3;
	[sflag:s8] =	ssyncset.done $0x0;
	(pc) =	sbr.rel .LBB2_4-.Ltmp6, $4  }
0x137: {  	s18 =	sshll.u32 s18, $0x4;
	s19 =	sadd.s32 s17, s19;
	[sflag:s8] =	ssyncadd.s32 $0xFFFFE000  }
0x138: {  	[tilespmem:s10], [sflag:$0x6] =	stream.linear.gather [hbm4b:s19+s12], $0x40, $0x38;
	[tilespmem:$0x1C200] =	vst v63  }
0x139: {  	s13 =	sadd.s32 $0x1, s13;
	s18 =	sadd.s32 s15, s18  }
0x13a: {  	[tilespmem:s11], [sflag:$0x8] =	stream.linear.gather [hbm4b:s18+s12], $0x2000, $0x38;
	[tilespmem:$0x1C200] =	vst v63  }
.LBB2_11:
0x13b: {  	_ =	sfence.sel $0x180000  }
0x13c: {  	[bflag:$0x0] =	sbarrier.arrive $0xFFFF  }
0x13d: {  	_ =	strace $0x9000004A  }
0x13e: {  	s0 =	stileid.u32;
	[bflag:$0x2] =	sbarrier.arrive $0xFFFF  }
0x13f: {  	p0 =	sne.s32 s0, $0x0;
	s0 =	rddreg [dreg:$0x2]  }
0x140: {  	s0 =	sadd.s32 @!p0 $0x100000, s0  }
0x141: {  	[sflag:s0] =	ssyncadd.tile.s32 @!p0 $0x1;
	_ =	shalt  }
.Lfunc_end2:
_tile_overlayer_lowered:
.L_overlay_start_2:
0x142: {  	(tag) =	ssettag $0x2  }
0x143: {  	s0 =	rddreg [dreg:$0x0];
	s2 =	stileid.u32  }
0x144: {  	s1 =	rddreg [dreg:$0x1];
	p0 =	sne.s32 s2, $0x0  }
0x145: {  	s3 =	rddreg [dreg:$0x2];
	[bflag:$0x3] =	sbarrier.arrive $0xFFFF;
	s2 =	simm.s32 @!p0 $0x1C09  }
0x146: {  	[timem:s3], [sflag:s2] =	dma.local @!p0 [hbm:s0], s1  }
0x147: {  	s0 =	simm.s32 @!p0 $0x9  }
0x148: {  	_ =	swait.ge @!p0 [sflag:s0], s1  }
0x149: {  	s1 =	ssub.s32 @!p0 $0x0, s1;
	[sflag:s0] =	ssyncset.done @!p0 $0x0  }
0x14a: {  	[sflag:s0] =	ssyncadd.s32 @!p0 s1  }
0x14b: {  	[bflag:$0x3] =	sbarrier.arrive $0xFFFF  }
0x14c: {  	_ =	shalt  }

// kernel: kernel.19.cloned.1.call-start
scs
__scs_entry_jumppad:
0x0: {  	(pc) =	sbr.rel $0x88, $3  }
0x1: {  	(tag) =	ssettag $0x0;
	lr =	simm.s32 $0x1  }
0x2: {  	[smem:$0x3F91] =	sst lr;
	_ =	strace $0xD0000000  }
0x3: {  	_ = 	snop  }
0x4: {  	_ = 	snop  }
0x5: {  	_ = 	snop  }
0x6: {  	_ = 	snop  }
0x7: {  	_ = 	snop  }
__scs_overlays_trampoline_lowered:
0x8: {  	[smem:$0x3FA0] =	sst s0  }
0x9: {  	[smem:$0x3FA1] =	sst s1  }
0xa: {  	[smem:$0x3FA2] =	sst s2  }
0xb: {  	[smem:$0x3FA3] =	sst s3  }
0xc: {  	[smem:$0x3FA4] =	sst s4  }
0xd: {  	[smem:$0x3FA5] =	sst s5  }
0xe: {  	[smem:$0x3FA6] =	sst s6  }
0xf: {  	[smem:$0x3FA7] =	sst s7  }
0x10: {  	[smem:$0x3FA8] =	sst s8  }
0x11: {  	[smem:$0x3FA9] =	sst s9;
	s0 =	simm.s32 @!p0 $0x0  }
0x12: {  	s1 =	sld [smem:$0x3F8F];
	s0 =	simm.s32 @p0 $0x1  }
0x13: {  	[smem:$0x3FAA] =	sst s0;
	s0 =	simm.s32 @!p1 $0x0  }
0x14: {  	s2 =	sld [smem:$0x3F8E];
	s0 =	simm.s32 @p1 $0x1  }
0x15: {  	[smem:$0x3FAB] =	sst s0;
	s0 =	simm.s32 @!p2 $0x0  }
0x16: {  	s3 =	sld [smem:$0x3FDB];
	s0 =	simm.s32 @p2 $0x1  }
0x17: {  	s4 =	simm.s32 $0x1BF5;
	[smem:$0x3FAD] =	sst s0  }
0x18: {  	s0 =	sld [smem:$0x3F90];
	_ =	swait.ge [sflag:s4], $0x0  }
0x19: {  	s7 =	sld [smem:$0x3F91]  }
0x1a: {  	s8 =	sadd.s32 $0xFFFFE003, lr  }
0x1b: {  	s9 =	sadd.s32 $0xFFFFFEF7, lr;
	s5 =	simm.s32 $0xFFFFFFFF;
	p2 =	slt.u32 s8, $0xFFFFF086  }
0x1c: {  	p1 =	slt.u32 s9, $0xF7A;
	s5 =	simm.s32 @!p2 $0x0  }
0x1d: {  	s5 =	simm.s32 @p1 $0x1;
	p0 =	seq.s32 s7, s2  }
0x1e: {  	s7 =	smul.u32 @!p0 $0xF7A, s2;
	p2 =	seq.s32 @!p0 s5, $0x0  }
0x1f: {  	s9 =	smul.u32 $0xF7A, s1;
	s8 =	simm.s32 @!p0 $0x1BF5;
	p2 =	por !p2, p0  }
0x20: {  	[sflag:s8] =	ssyncset.s32 @!p0 $0xFFFFF086;
	s6 =	sadd.s32 @!p0 s3, s7;
	s7 =	simm.s32 @!p0 $0x108  }
0x21: {  	s3 =	sadd.s32 s3, s9;
	s6 =	sadd.s32 @!p0 $0x88, s6;
	s7 =	simm.s32 @p2 $0x1082  }
0x22: {  	[simem:s7], [sflag:s8] =	dma.local @!p0 [hbm:s6], $0xF7A  }
0x23: {  	s9 =	sor.u32 $0xD0000000, s2;
	s6 =	simm.s32 $0x108;
	_ =	swait.ge @!p0 [sflag:s8], $0x0  }
0x24: {  	s3 =	sadd.s32 $0x88, s3;
	s6 =	simm.s32 @!p1 $0x1082;
	[sflag:s4] =	ssyncset.s32 $0xFFFFF086  }
0x25: {  	[simem:s6], [sflag:s4] =	dma.local [hbm:s3], $0xF7A  }
0x26: {  	[smem:$0x3F91] =	sst s1;
	(tag) =	ssettag s2;
	_ =	strace s9  }
0x27: {  	s1 =	sld [smem:$0x3FA1]  }
0x28: {  	s2 =	sld [smem:$0x3FA2]  }
0x29: {  	s4 =	sld [smem:$0x3FA4]  }
0x2a: {  	p0 =	seq.s32 s5, $0x0;
	s5 =	sld [smem:$0x3FA5]  }
0x2b: {  	s6 =	sld [smem:$0x3FA6]  }
0x2c: {  	s7 =	sld [smem:$0x3FA7]  }
0x2d: {  	s3 =	simm.s32 $0x108;
	s8 =	sld [smem:$0x3FA8]  }
0x2e: {  	s3 =	simm.s32 @!p0 $0x1082;
	s9 =	sld [smem:$0x3FA9]  }
0x2f: {  	lr =	sadd.s32 s0, s3;
	s0 =	sld [smem:$0x3FA0]  }
0x30: {  	s3 =	sld [smem:$0x3FA3]  }
0x31: {  	[smem:$0x3FAC] =	sst s10  }
0x32: {  	s10 =	sld [smem:$0x3FAA];
	_ =	sdelay $0x3  }
0x33: {  	p0 =	seq.s32 s10, $0x1;
	s10 =	sld [smem:$0x3FAC];
	_ =	sdelay $0x3  }
0x34: {  	[smem:$0x3FAC] =	sst s10  }
0x35: {  	s10 =	sld [smem:$0x3FAB];
	_ =	sdelay $0x3  }
0x36: {  	p1 =	seq.s32 s10, $0x1;
	s10 =	sld [smem:$0x3FAC];
	_ =	sdelay $0x3  }
0x37: {  	[smem:$0x3FAC] =	sst s10  }
0x38: {  	s10 =	sld [smem:$0x3FAD]  }
0x39: {  	_ = 	snop;
	(pc) =	sbr.ind lr, $3  }
0x3a: {  	_ = 	snop  }
0x3b: {  	_ = 	snop  }
0x3c: {  	p2 =	seq.s32 s10, $0x1;
	s10 =	sld [smem:$0x3FAC]  }
0x3d: {  	_ =	shalt  }
0x3e: {  	_ =	shalt  }
0x3f: {  	_ =	shalt  }
0x40: {  	_ =	shalt  }
0x41: {  	_ =	shalt  }
0x42: {  	_ =	shalt  }
0x43: {  	_ =	shalt  }
0x44: {  	_ =	shalt  }
0x45: {  	_ =	shalt  }
0x46: {  	_ =	shalt  }
0x47: {  	_ =	shalt  }
0x48: {  	_ =	shalt  }
0x49: {  	_ =	shalt  }
0x4a: {  	_ =	shalt  }
0x4b: {  	_ =	shalt  }
0x4c: {  	_ =	shalt  }
0x4d: {  	_ =	shalt  }
0x4e: {  	_ =	shalt  }
0x4f: {  	_ =	shalt  }
0x50: {  	_ =	shalt  }
0x51: {  	_ =	shalt  }
0x52: {  	_ =	shalt  }
0x53: {  	_ =	shalt  }
0x54: {  	_ =	shalt  }
0x55: {  	_ =	shalt  }
0x56: {  	_ =	shalt  }
0x57: {  	_ =	shalt  }
0x58: {  	_ =	shalt  }
0x59: {  	_ =	shalt  }
0x5a: {  	_ =	shalt  }
0x5b: {  	_ =	shalt  }
0x5c: {  	_ =	shalt  }
0x5d: {  	_ =	shalt  }
0x5e: {  	_ =	shalt  }
0x5f: {  	_ =	shalt  }
0x60: {  	_ =	shalt  }
0x61: {  	_ =	shalt  }
0x62: {  	_ =	shalt  }
0x63: {  	_ =	shalt  }
0x64: {  	_ =	shalt  }
0x65: {  	_ =	shalt  }
0x66: {  	_ =	shalt  }
0x67: {  	_ =	shalt  }
0x68: {  	_ =	shalt  }
0x69: {  	_ =	shalt  }
0x6a: {  	_ =	shalt  }
0x6b: {  	_ =	shalt  }
0x6c: {  	_ =	shalt  }
0x6d: {  	_ =	shalt  }
0x6e: {  	_ =	shalt  }
0x6f: {  	_ =	shalt  }
0x70: {  	_ =	shalt  }
0x71: {  	_ =	shalt  }
0x72: {  	_ =	shalt  }
0x73: {  	_ =	shalt  }
0x74: {  	_ =	shalt  }
0x75: {  	_ =	shalt  }
0x76: {  	_ =	shalt  }
0x77: {  	_ =	shalt  }
0x78: {  	_ =	shalt  }
0x79: {  	_ =	shalt  }
0x7a: {  	_ =	shalt  }
0x7b: {  	_ =	shalt  }
0x7c: {  	_ =	shalt  }
0x7d: {  	_ =	shalt  }
0x7e: {  	_ =	shalt  }
0x7f: {  	_ =	shalt  }
0x80: {  	_ =	shalt  }
0x81: {  	_ =	shalt  }
0x82: {  	_ =	shalt  }
0x83: {  	_ =	shalt  }
0x84: {  	_ =	shalt  }
0x85: {  	_ =	shalt  }
0x86: {  	_ =	shalt  }
0x87: {  	_ =	shalt  }
.Lfunc_end0:
.L_simem_size_0:
called_computation.2_lowered:
.L_overlay_start_0:
0x88: {  	s2 =	sld [smem:$0x3FD9]  }
0x89: {  	s3 =	sld [smem:$0x3FFE];
	_ =	sdelay $0x1  }
0x8a: {  	s1 =	srdreg.scid  }
0x8b: {  	s0 =	sand.u32 $0x1, s1  }
0x8c: {  	s16 =	sshll.u32 s0, $0xA;
	s2 =	sadd.s32 s3, s2  }
0x8d: {  	s2 =	sadd.s32 s2, s16  }
0x8e: {  	[smem:$0x3FB8] =	sst s2  }
0x8f: {  	_ = 	snop  }
0x90: {  	(tm) =	ssettm $0x1  }
0x91: {  	s17 =	sld [smem:$0x3FFB];
	_ =	sdelay $0x3  }
0x92: {  	_ =	strace s17  }
0x93: {  	s2 =	sld [smem:$0x3FFC];
	_ =	sdelay $0x3  }
0x94: {  	_ =	strace s2  }
0x95: {  	s2 =	sld [smem:$0x3FFD];
	_ =	sdelay $0x3  }
0x96: {  	_ =	strace s2  }
0x97: {  	_ =	strace $0x8FFFFFFF  }
0x98: {  	s18 =	sld [smem:$0x3FDB];
	_ =	sdelay $0x1  }
0x99: {  	s19 =	simm.s32 $_scs_section_size  }
0x9a: {  	s4 =	simm.s32 $_size__tile_overlayer_lowered;
	s5 =	simm.s32 $_tile_overlayer_lowered  }
0x9b: {  	s22 =	simm.s32 $0x1BFF;
	s21 =	sshll.u32 s5, $0x1;
	s2 =	sadd.s32 s19, s18  }
0x9c: {  	s6 =	simm.s32 $0x0;
	s20 =	sshll.u32 s4, $0x1;
	s4 =	sadd.s32 s21, s2  }
0x9d: {  	[timem:s6], [sflag:s22] =	dma.local [hbm:s4], s20  }
0x9e: {  	_ =	swait.ge [sflag:s22], s20  }
0x9f: {  	s3 =	ssub.s32 $0x0, s20;
	[sflag:s22] =	ssyncset.done $0x0  }
0xa0: {  	[sflag:s22] =	ssyncadd.s32 s3;
	_ =	sdelay $0x1  }
0xa1: {  	s23 =	simm.s32 $0x1B8B  }
0xa2: {  	_ =	swait.ge [sflag:s23], $0x1  }
0xa3: {  	[sflag:s23] =	ssyncset.done $0x0  }
0xa4: {  	s25 =	simm.s32 $0x1B8E;
	s24 =	sld [smem:$0x3FFE];
	[sflag:s23] =	ssyncadd.s32 $0xFFFFFFFF  }
0xa5: {  	s26 =	simm.s32 $execute0_lowered;
	[smem:$0x3FD2] =	sst s25  }
0xa6: {  	s4 =	sshll.u32 s26, $0x1;
	_ =	strace $0x8000004C;
	[dreg:$0x1] =	wrdreg $0xFFFFFFFF  }
0xa7: {  	s28 =	simm.s32 $_size_execute0_lowered;
	s2 =	sadd.s32 s2, s4;
	[dreg:$0x0] =	wrdreg $0x0  }
0xa8: {  	s4 =	sshll.u32 s28, $0x1;
	[dreg:$0x2] =	wrdreg s2  }
0xa9: {  	[dreg:$0x3] =	wrdreg s4  }
0xaa: {  	[dreg:$0x4] =	wrdreg $0xC0  }
0xab: {  	_ =	task [dreg:s6], $0x5FFFF  }
0xac: {  	[dreg:$0x1] =	wrdreg $0xFFFFFFFF  }
0xad: {  	[dreg:$0x0] =	wrdreg $0x60  }
0xae: {  	[dreg:$0x2] =	wrdreg s24  }
0xaf: {  	[dreg:$0x3] =	wrdreg $0x82000  }
0xb0: {  	[dreg:$0x4] =	wrdreg $0x9  }
0xb1: {  	_ =	task.clear_ibuf [dreg:s6], $0x5FFFF;
	_ =	strace $0x9000004C  }
0xb2: {  	s29 =	simm.s32 $0x9;
	_ =	strace $0x8000004E  }
0xb3: {  	_ =	swait.ge [sflag:s29], $0x1  }
0xb4: {  	[sflag:s29] =	ssyncadd.s32 $0xFFFFFFFF  }
0xb5: {  	_ =	strace $0x9000004E  }
0xb6: {  	_ =	sfence  }
0xb7: {  	s30 =	sld [smem:$0x0];
	_ =	sdelay $0x2  }
0xb8: {  	s31 =	sshll.u32 s1, $0xD;
	s1 =	sshrl.u32 s1, $0x2  }
0xb9: {  	s3 =	sand.u32 $0x4000, s31;
	s1 =	sadd.s32 s1, s30  }
0xba: {  	s0 =	sor.u32 s3, s0;
	s1 =	sshll.u32 s1, $0x11  }
0xbb: {  	s0 =	sor.u32 s1, s0  }
0xbc: {  	s0 =	sadd.s32 $0x8F2B, s0  }
0xbd: {  	[sflag:s0] =	ssyncadd.remote.s32 $0x1  }
0xbe: {  	_ =	sfence.sel $0xFFFF  }
0xbf: {  	[dreg:$0x0] =	wrdreg $0xFFFFFFFF;
	(pc) =	sbr.abs _section_cstart, $3  }
0xc0: {  	[dreg:$0x1] =	wrdreg $0xFFFFFFFF  }
0xc1: {  	_ =	task.clear_ibuf [dreg:s6], $0x2FFFF;
	_ =	strace $0x9FFFFFFF  }
0xc2: {  	(tm) =	ssettm $0x7FFFFFFF  }
0xc3: {  	_ =	shalt  }
tec
execute0_lowered:
.L_overlay_start_1:
0x0: {  	(tag) =	ssettag $0x1  }
0x1: {  	s0 =	srdreg.scid  }
0x2: {  	s1 =	rddreg [dreg:$0x0];
	s20 =	stileid.u32  }
0x3: {  	s2 =	rddreg [dreg:$0x1];
	s29 =	simm.s32 $0x40;
	s30 =	simm.s32 $0x5  }
0x4: {  	s31 =	simm.s32 $0x4200;
	s3 =	sand.u32 $0x1, s0;
	s4 =	smul.u32 $0x14000, s20  }
0x5: {  	s6 =	sadd.s32 $0x1BE00, s1;
	s0 =	ssub.s32 $0x2, s3;
	s9 =	smul.u32 $0x140000, s3  }
0x6: {  	s3 =	sshll.u32 s3, $0x4;
	s5 =	sshrl.u32 s0, $0x1;
	s7 =	sadd.s32 $0x4000, s4  }
0x7: {  	s8 =	sadd.s32 $0x6000, s4;
	s10 =	sadd.s32 $0x8000, s4;
	s11 =	sadd.s32 $0xA000, s4  }
0x8: {  	s13 =	sadd.s32 $0xC000, s4;
	s18 =	sadd.s32 $0xE000, s4;
	s19 =	sadd.s32 $0x10000, s4  }
0x9: {  	s0 =	ssub.s32 s0, s5;
	s5 =	sor.u32 $0x2000, s4;
	s12 =	sadd.s32 s4, s9  }
0xa: {  	s4 =	sadd.s32 $0x12000, s4;
	s17 =	sadd.s32 s9, s7;
	s22 =	sadd.s32 s9, s8  }
0xb: {  	s24 =	sadd.s32 s9, s10;
	s26 =	sadd.s32 s9, s11;
	s12 =	sshrl.u32 s12, $0x3  }
0xc: {  	s14 =	sadd.s32 s9, s5;
	s21 =	sshrl.u32 s17, $0x3;
	s23 =	sshrl.u32 s22, $0x3  }
0xd: {  	s25 =	sshrl.u32 s24, $0x3;
	s12 =	sadd.s32 s6, s12;
	s16 =	sshrl.u32 s14, $0x3  }
0xe: {  	s15 =	sshrl.u32 s26, $0x3;
	[dreg:$0x3] =	wrdreg s12;
	s12 =	sadd.s32 s6, s16  }
0xf: {  	s26 =	sor.u32 s20, s3;
	s16 =	sadd.s32 s9, s13;
	[dreg:$0x4] =	wrdreg s12  }
0x10: {  	s12 =	sadd.s32 s6, s21;
	s17 =	sshrl.u32 s16, $0x3;
	s21 =	sadd.s32 s9, s18  }
0x11: {  	[dreg:$0x5] =	wrdreg s12;
	s12 =	sadd.s32 s6, s23;
	s22 =	sshrl.u32 s21, $0x3  }
0x12: {  	s23 =	sadd.s32 s9, s19;
	[dreg:$0x6] =	wrdreg s12;
	s12 =	sadd.s32 s6, s25  }
0x13: {  	s9 =	sadd.s32 s9, s4;
	[dreg:$0x7] =	wrdreg s12;
	s12 =	sadd.s32 s6, s15  }
0x14: {  	s24 =	sshrl.u32 s23, $0x3;
	[dreg:$0x8] =	wrdreg s12;
	s12 =	sadd.s32 s6, s17  }
0x15: {  	s9 =	sshrl.u32 s9, $0x3;
	[dreg:$0x9] =	wrdreg s12;
	s12 =	sadd.s32 s6, s22  }
0x16: {  	s25 =	smul.u32 $0x50000, s20;
	[dreg:$0xa] =	wrdreg s12;
	s12 =	sadd.s32 s6, s24  }
0x17: {  	s14 =	sadd.s32 $0x9E0800, s1;
	s6 =	sadd.s32 s6, s9;
	[dreg:$0xb] =	wrdreg s12  }
0x18: {  	s12 =	simm.s32 $0x0;
	[dreg:$0xc] =	wrdreg s6;
	s6 =	sshrl.u32 s25, $0x2  }
0x19: {  	[smem:$0x7FF] =	sst s12;
	s20 =	sadd.s32 s6, s2;
	s6 =	sadd.s32 s7, s2  }
0x1a: {  	s7 =	sadd.s32 s8, s2;
	_ =	strace $0x8000004D;
	[dreg:$0xd] =	wrdreg s6  }
0x1b: {  	s16 =	sadd.s32 $0x8400, s1;
	s8 =	sadd.s32 s10, s2;
	[dreg:$0xe] =	wrdreg s7  }
0x1c: {  	s15 =	sadd.s32 $0x13EB400, s1;
	s9 =	sadd.s32 s11, s2;
	[dreg:$0xf] =	wrdreg s8  }
0x1d: {  	s17 =	sadd.s32 $0x9CCE00, s1;
	s11 =	sadd.s32 s13, s2;
	[dreg:$0x10] =	wrdreg s9  }
0x1e: {  	s1 =	smul.u32 $0x4E800, s26;
	s13 =	sadd.s32 s18, s2;
	[dreg:$0x11] =	wrdreg s11  }
0x1f: {  	s28 =	sadd.s32 s4, s2;
	s18 =	sadd.s32 s19, s2;
	[dreg:$0x12] =	wrdreg s13  }
0x20: {  	s0 =	smax.u32 s0, $0x1;
	s1 =	sadd.s32 s15, s1;
	[dreg:$0x13] =	wrdreg s18  }
0x21: {  	s3 =	simm.s32 $0x6;
	s21 =	sadd.s32 s5, s2;
	[dreg:$0x16] =	wrdreg s1  }
0x22: {  	s10 =	smul.u32 $0x4E80, s26;
	[dreg:$0x1a] =	wrdreg s0;
	s7 =	simm.s32 $0x2200  }
0x23: {  	s8 =	simm.s32 $0x9;
	s9 =	simm.s32 $0x100;
	s11 =	simm.s32 $0x6200  }
0x24: {  	s0 =	simm.s32 $0x4;
	s6 =	simm.s32 $0x0;
	s19 =	sshrl.u32 s10, $0x3  }
0x25: {  	s23 =	sor.u32 $0x40, s10;
	s22 =	sadd.s32 s16, s19;
	s4 =	sadd.s32 s17, s19  }
.Ltmp0:
0x26: {  	s24 =	sshrl.u32 s23, $0x3;
	[dreg:$0x14] =	wrdreg s22;
	(pc) =	sbr.rel .LBB2_1-.Ltmp0, $4  }
0x27: {  	s5 =	sadd.s32 $0xC0, s10;
	[dreg:$0x15] =	wrdreg s4;
	s25 =	sadd.s32 s16, s24  }
0x28: {  	s4 =	sshll.u32 s23, $0x4;
	s1 =	sadd.s32 s17, s24;
	[dreg:$0x17] =	wrdreg s25  }
0x29: {  	[dreg:$0x18] =	wrdreg s1;
	s26 =	sadd.s32 s15, s4;
	s4 =	sadd.s32 $0x80, s10  }
0x2a: {  	v0 =	vimm.f32 $0.0e+00;
	s10 =	simm.s32 $0x180;
	s1 =	simm.s32 $0x3;
	[dreg:$0x19] =	wrdreg s26  }
.LBB2_10:
0x2b: {  	_ =	swait.ge [sflag:s3], $0x40  }
0x2c: {  	[sflag:s3] =	ssyncset.done $0x0  }
0x2d: {  	[sflag:s3] =	ssyncadd.s32 $0xFFFFFFC0  }
0x2e: {  	[spmem:s2] =	stream.indirect.scatter.add.f32 [tilespmem:s11], [sflag:$0x9], $0x80, s10, s29, $0xb8;
	[tilespmem:$0x1C200] =	vst v63  }
0x2f: {  	_ =	swait.ge [sflag:s8], $0x2000  }
0x30: {  	[sflag:s8] =	ssyncset.done $0x0  }
0x31: {  	s13 =	stileid.u32;
	[sflag:s8] =	ssyncadd.s32 $0xFFFFE000  }
0x32: {  	s13 =	sshll.u32 s13, $0x6;
	[bflag:$0x0] =	sbarrier.arrive $0xFFFF  }
0x33: {  	s18 =	sshrl.u32 s25, $0x3;
	s13 =	sor.u32 $0x1C09, s13;
	s19 =	rddreg [dreg:$0x3]  }
0x34: {  	[hbm:s19], [sflag:s13] =	dma.local [spmem:s18], $0x400  }
0x35: {  	_ =	swait.ge [sflag:s8], $0x400  }
0x36: {  	s20 =	smov.u32 s25;
	s21 =	smov.u32 s26;
	[sflag:s8] =	ssyncset.done $0x0  }
0x37: {  	s25 =	sshrl.u32 s26, $0x3;
	s26 =	rddreg [dreg:$0x4];
	[sflag:s8] =	ssyncadd.s32 $0xFFFFFC00  }
0x38: {  	[hbm:s26], [sflag:s13] =	dma.local [spmem:s25], $0x400  }
0x39: {  	_ =	swait.ge [sflag:s8], $0x400  }
0x3a: {  	[sflag:s8] =	ssyncset.done $0x0;
	s19 =	rddreg [dreg:$0xd]  }
0x3b: {  	s22 =	rddreg [dreg:$0x5];
	[sflag:s8] =	ssyncadd.s32 $0xFFFFFC00;
	s18 =	sshrl.u32 s19, $0x3  }
0x3c: {  	[hbm:s22], [sflag:s13] =	dma.local [spmem:s18], $0x400  }
0x3d: {  	_ =	swait.ge [sflag:s8], $0x400  }
0x3e: {  	[sflag:s8] =	ssyncset.done $0x0;
	s23 =	rddreg [dreg:$0xe]  }
0x3f: {  	s24 =	rddreg [dreg:$0x6];
	[sflag:s8] =	ssyncadd.s32 $0xFFFFFC00;
	s18 =	sshrl.u32 s23, $0x3  }
0x40: {  	[hbm:s24], [sflag:s13] =	dma.local [spmem:s18], $0x400  }
0x41: {  	_ =	swait.ge [sflag:s8], $0x400  }
0x42: {  	[sflag:s8] =	ssyncset.done $0x0;
	s25 =	rddreg [dreg:$0xf]  }
0x43: {  	s26 =	rddreg [dreg:$0x7];
	[sflag:s8] =	ssyncadd.s32 $0xFFFFFC00;
	s18 =	sshrl.u32 s25, $0x3  }
0x44: {  	[hbm:s26], [sflag:s13] =	dma.local [spmem:s18], $0x400  }
0x45: {  	_ =	swait.ge [sflag:s8], $0x400  }
0x46: {  	[sflag:s8] =	ssyncset.done $0x0;
	s19 =	rddreg [dreg:$0x10]  }
0x47: {  	s22 =	rddreg [dreg:$0x8];
	[sflag:s8] =	ssyncadd.s32 $0xFFFFFC00;
	s18 =	sshrl.u32 s19, $0x3  }
0x48: {  	[hbm:s22], [sflag:s13] =	dma.local [spmem:s18], $0x400  }
0x49: {  	_ =	swait.ge [sflag:s8], $0x400  }
0x4a: {  	[sflag:s8] =	ssyncset.done $0x0;
	s23 =	rddreg [dreg:$0x11]  }
0x4b: {  	s24 =	rddreg [dreg:$0x9];
	[sflag:s8] =	ssyncadd.s32 $0xFFFFFC00;
	s18 =	sshrl.u32 s23, $0x3  }
0x4c: {  	[hbm:s24], [sflag:s13] =	dma.local [spmem:s18], $0x400  }
0x4d: {  	_ =	swait.ge [sflag:s8], $0x400  }
0x4e: {  	[sflag:s8] =	ssyncset.done $0x0;
	s25 =	rddreg [dreg:$0x12]  }
0x4f: {  	s26 =	rddreg [dreg:$0xa];
	[sflag:s8] =	ssyncadd.s32 $0xFFFFFC00;
	s18 =	sshrl.u32 s25, $0x3  }
0x50: {  	[hbm:s26], [sflag:s13] =	dma.local [spmem:s18], $0x400  }
0x51: {  	_ =	swait.ge [sflag:s8], $0x400  }
0x52: {  	[sflag:s8] =	ssyncset.done $0x0;
	s22 =	rddreg [dreg:$0x13]  }
0x53: {  	s23 =	rddreg [dreg:$0xb];
	[sflag:s8] =	ssyncadd.s32 $0xFFFFFC00;
	s18 =	sshrl.u32 s22, $0x3  }
0x54: {  	[hbm:s23], [sflag:s13] =	dma.local [spmem:s18], $0x400  }
0x55: {  	_ =	swait.ge [sflag:s8], $0x400  }
0x56: {  	[sflag:s8] =	ssyncset.done $0x0  }
0x57: {  	s24 =	sshrl.u32 s28, $0x3;
	s25 =	rddreg [dreg:$0xc];
	[sflag:s8] =	ssyncadd.s32 $0xFFFFFC00  }
0x58: {  	[hbm:s25], [sflag:s13] =	dma.local [spmem:s24], $0x400  }
0x59: {  	_ =	swait.ge [sflag:s8], $0x400  }
0x5a: {  	s6 =	sadd.s32 $0x1, s6;
	s26 =	rddreg [dreg:$0x1a]  }
0x5b: {  	p0 =	sne.s32 s6, s26  }
.Ltmp1:
0x5c: {  	_ = 	snop;
	(pc) =	sbr.rel @!p0 .LBB2_11-.Ltmp1, $3  }
0x5d: {  	_ =	sdelay $0x1  }
0x5e: {  	[sflag:s8] =	ssyncset.done $0x0  }
0x5f: {  	[sflag:s8] =	ssyncadd.s32 $0xFFFFFC00  }
.LBB2_1:
0x60: {  	s13 =	simm.s32 $0x0;
	s18 =	simm.s32 $0x200  }
.LBB2_2:
0x61: {  	p0 =	sne.s32 s18, $0x7E00;
	[tilespmem:s13+$0x2270] =	vst v0  }
0x62: {  	[tilespmem:s13+$0x2200] =	vst v0  }
0x63: {  	[tilespmem:s13+$0x2210] =	vst v0  }
.Ltmp2:
0x64: {  	[tilespmem:s13+$0x2220] =	vst v0;
	(pc) =	sbr.rel @p0 .LBB2_2-.Ltmp2, $4  }
0x65: {  	[tilespmem:s13+$0x2230] =	vst v0  }
0x66: {  	[tilespmem:s13+$0x2240] =	vst v0  }
0x67: {  	[tilespmem:s13+$0x2250] =	vst v0  }
0x68: {  	[tilespmem:s13+$0x2260] =	vst v0;
	s13 =	sshra.s32 s18, $0x2;
	s18 =	sadd.s32 $0x200, s18  }
0x69: {  	[tilespmem:s13+$0x2270] =	vst v0  }
0x6a: {  	[tilespmem:s13+$0x2200] =	vst v0  }
0x6b: {  	[tilespmem:s13+$0x2210] =	vst v0  }
0x6c: {  	[tilespmem:s13+$0x2220] =	vst v0  }
0x6d: {  	[tilespmem:s13+$0x2230] =	vst v0  }
0x6e: {  	[tilespmem:s13+$0x2240] =	vst v0  }
0x6f: {  	[tilespmem:s13+$0x2250] =	vst v0  }
0x70: {  	[tilespmem:s13+$0x2260] =	vst v0  }
0x71: {  	[spmem:s20] =	stream.linear.scatter [tilespmem:s7], [sflag:$0x9], $0x2000, $0x38;
	[tilespmem:$0x1C200] =	vst v63  }
0x72: {  	_ =	swait.ge [sflag:s8], $0x2000  }
0x73: {  	[sflag:s8] =	ssyncset.done $0x0  }
0x74: {  	[sflag:s8] =	ssyncadd.s32 $0xFFFFE000  }
0x75: {  	[spmem:s21] =	stream.linear.scatter [tilespmem:s7], [sflag:$0x9], $0x2000, $0x38;
	[tilespmem:$0x1C200] =	vst v63  }
0x76: {  	_ =	swait.ge [sflag:s8], $0x2000  }
0x77: {  	[sflag:s8] =	ssyncset.done $0x0  }
0x78: {  	s24 =	rddreg [dreg:$0xd];
	[sflag:s8] =	ssyncadd.s32 $0xFFFFE000  }
0x79: {  	[spmem:s24] =	stream.linear.scatter [tilespmem:s7], [sflag:$0x9], $0x2000, $0x38;
	[tilespmem:$0x1C200] =	vst v63  }
0x7a: {  	_ =	swait.ge [sflag:s8], $0x2000  }
0x7b: {  	[sflag:s8] =	ssyncset.done $0x0  }
0x7c: {  	s18 =	rddreg [dreg:$0xe];
	[sflag:s8] =	ssyncadd.s32 $0xFFFFE000  }
0x7d: {  	[spmem:s18] =	stream.linear.scatter [tilespmem:s7], [sflag:$0x9], $0x2000, $0x38;
	[tilespmem:$0x1C200] =	vst v63  }
0x7e: {  	_ =	swait.ge [sflag:s8], $0x2000  }
0x7f: {  	[sflag:s8] =	ssyncset.done $0x0  }
0x80: {  	s19 =	rddreg [dreg:$0xf];
	[sflag:s8] =	ssyncadd.s32 $0xFFFFE000  }
0x81: {  	[spmem:s19] =	stream.linear.scatter [tilespmem:s7], [sflag:$0x9], $0x2000, $0x38;
	[tilespmem:$0x1C200] =	vst v63  }
0x82: {  	_ =	swait.ge [sflag:s8], $0x2000  }
0x83: {  	[sflag:s8] =	ssyncset.done $0x0  }
0x84: {  	s25 =	smov.u32 s20;
	s20 =	rddreg [dreg:$0x10];
	[sflag:s8] =	ssyncadd.s32 $0xFFFFE000  }
0x85: {  	[spmem:s20] =	stream.linear.scatter [tilespmem:s7], [sflag:$0x9], $0x2000, $0x38;
	[tilespmem:$0x1C200] =	vst v63  }
0x86: {  	_ =	swait.ge [sflag:s8], $0x2000  }
0x87: {  	[sflag:s8] =	ssyncset.done $0x0  }
0x88: {  	s26 =	smov.u32 s21;
	s21 =	rddreg [dreg:$0x11];
	[sflag:s8] =	ssyncadd.s32 $0xFFFFE000  }
0x89: {  	[spmem:s21] =	stream.linear.scatter [tilespmem:s7], [sflag:$0x9], $0x2000, $0x38;
	[tilespmem:$0x1C200] =	vst v63  }
0x8a: {  	_ =	swait.ge [sflag:s8], $0x2000  }
0x8b: {  	[sflag:s8] =	ssyncset.done $0x0  }
0x8c: {  	s22 =	rddreg [dreg:$0x12];
	[sflag:s8] =	ssyncadd.s32 $0xFFFFE000  }
0x8d: {  	[spmem:s22] =	stream.linear.scatter [tilespmem:s7], [sflag:$0x9], $0x2000, $0x38;
	[tilespmem:$0x1C200] =	vst v63  }
0x8e: {  	_ =	swait.ge [sflag:s8], $0x2000  }
0x8f: {  	[sflag:s8] =	ssyncset.done $0x0  }
0x90: {  	s23 =	rddreg [dreg:$0x13];
	[sflag:s8] =	ssyncadd.s32 $0xFFFFE000  }
0x91: {  	[spmem:s23] =	stream.linear.scatter [tilespmem:s7], [sflag:$0x9], $0x2000, $0x38;
	[tilespmem:$0x1C200] =	vst v63  }
0x92: {  	_ =	swait.ge [sflag:s8], $0x2000  }
0x93: {  	[sflag:s8] =	ssyncset.done $0x0  }
0x94: {  	[sflag:s8] =	ssyncadd.s32 $0xFFFFE000  }
0x95: {  	[spmem:s28] =	stream.linear.scatter [tilespmem:s7], [sflag:$0x9], $0x2000, $0x38;
	[tilespmem:$0x1C200] =	vst v63  }
0x96: {  	_ =	swait.ge [sflag:s8], $0x2000  }
0x97: {  	[sflag:s8] =	ssyncset.done $0x0  }
0x98: {  	[sflag:s8] =	ssyncadd.s32 $0xFFFFE000  }
0x99: {  	[bflag:$0x0] =	sbarrier.arrive $0xFFFF  }
0x9a: {  	s13 =	simm.s32 $0x0;
	s18 =	rddreg [dreg:$0x14]  }
0x9b: {  	[tilespmem:s13], [sflag:$0x1] =	stream.linear.gather [hbm4b:s18+s13], $0x40, $0x38;
	[tilespmem:$0x1C200] =	vst v63  }
0x9c: {  	s19 =	simm.s32 $0x80;
	s24 =	rddreg [dreg:$0x15]  }
0x9d: {  	[tilespmem:s19], [sflag:$0x2] =	stream.linear.gather [hbm4b:s24+s13], $0x40, $0x38;
	[tilespmem:$0x1C200] =	vst v63  }
0x9e: {  	s19 =	rddreg [dreg:$0x16]  }
0x9f: {  	[tilespmem:s7], [sflag:$0x4] =	stream.linear.gather [hbm4b:s19+s13], $0x2000, $0x38;
	[tilespmem:$0x1C200] =	vst v63  }
0xa0: {  	s20 =	rddreg [dreg:$0x17]  }
0xa1: {  	[tilespmem:s9], [sflag:$0x5] =	stream.linear.gather [hbm4b:s20+s13], $0x40, $0x38;
	[tilespmem:$0x1C200] =	vst v63  }
0xa2: {  	s21 =	rddreg [dreg:$0x18]  }
0xa3: {  	[tilespmem:s10], [sflag:$0x6] =	stream.linear.gather [hbm4b:s21+s13], $0x40, $0x38;
	[tilespmem:$0x1C200] =	vst v63  }
0xa4: {  	s23 =	simm.s32 $0x1;
	s22 =	rddreg [dreg:$0x19]  }
0xa5: {  	[tilespmem:s11], [sflag:$0x8] =	stream.linear.gather [hbm4b:s22+s13], $0x2000, $0x38;
	[tilespmem:$0x1C200] =	vst v63  }
0xa6: {  	_ =	swait.ge [sflag:s23], $0x40  }
0xa7: {  	[sflag:s23] =	ssyncset.done $0x0  }
0xa8: {  	s24 =	simm.s32 $0x200;
	[sflag:s23] =	ssyncadd.s32 $0xFFFFFFC0  }
0xa9: {  	[tilespmem:s24], [sflag:$0x3] =	stream.indirect.gather [hbm4b:s14+s29], $0x80, s13, s29, $0xb8;
	[tilespmem:$0x1C200] =	vst v63  }
0xaa: {  	_ =	swait.ge [sflag:s30], $0x40  }
0xab: {  	[sflag:s30] =	ssyncset.done $0x0  }
0xac: {  	[sflag:s30] =	ssyncadd.s32 $0xFFFFFFC0  }
0xad: {  	[tilespmem:s31], [sflag:$0x7] =	stream.indirect.gather [hbm4b:s14+s29], $0x80, s9, s29, $0xb8;
	[tilespmem:$0x1C200] =	vst v63  }
.LBB2_4:
0xae: {  	_ =	swait.ge [sflag:s1], $0x2000  }
0xaf: {  	[sflag:s1] =	ssyncset.done $0x0  }
0xb0: {  	s18 =	sshll.u32 s13, $0x7;
	p0 =	seq.s32 s13, $0x9C;
	[sflag:s1] =	ssyncadd.s32 $0xFFFFE000  }
0xb1: {  	s19 =	sadd.s32 @!p0 s18, s4;
	_ =	swait.ge [sflag:s0], $0x2000  }
0xb2: {  	s20 =	sshrl.u32 @!p0 s19, $0x3;
	[sflag:s0] =	ssyncset.done $0x0  }
0xb3: {  	s22 =	simm.s32 @!p0 $0x0;
	s21 =	sadd.s32 @!p0 s16, s20;
	[sflag:s0] =	ssyncadd.s32 $0xFFFFE000  }
0xb4: {  	[tilespmem:s22], [sflag:$0x1] =	stream.linear.gather @!p0 [hbm4b:s21+s22], $0x40, $0x38;
	[tilespmem:$0x1C200] =	vst v63  }
0xb5: {  	s21 =	simm.s32 $0x0  }
0xb6: {  	v7 =	vld [tilespmem:s21+$0x200]  }
0xb7: {  	v12 =	vld [tilespmem:s21+$0x210]  }
0xb8: {  	v6 =	vld [tilespmem:s21+$0x220]  }
0xb9: {  	v5 =	vld [tilespmem:s21+$0x230]  }
0xba: {  	v4 =	vld [tilespmem:s21+$0x240]  }
0xbb: {  	v3 =	vld [tilespmem:s21+$0x250]  }
0xbc: {  	v2 =	vld [tilespmem:s21+$0x260]  }
0xbd: {  	v1 =	vld [tilespmem:s21+$0x270]  }
0xbe: {  	v13 =	vld [tilespmem:s21+$0x2200]  }
0xbf: {  	v14 =	vld [tilespmem:s21+$0x2210]  }
0xc0: {  	v11 =	vld [tilespmem:s21+$0x2220]  }
0xc1: {  	v10 =	vld [tilespmem:s21+$0x2230]  }
0xc2: {  	v9 =	vld [tilespmem:s21+$0x2240]  }
0xc3: {  	v8 =	vld [tilespmem:s21+$0x2250];
	v13 =	vadd.f32 v13, v7  }
0xc4: {  	s22 =	simm.s32 $0x200;
	v12 =	vadd.f32 v14, v12;
	v7 =	vld [tilespmem:s21+$0x2260]  }
.LBB2_5:
0xc5: {  	s23 =	sshra.s32 s22, $0x2;
	p1 =	sne.s32 s22, $0x7E00;
	v13 =	vmax.f32 v13, $0.0e+00;
	v6 =	vadd.f32 v11, v6;
	v11 =	vld [tilespmem:s21+$0x2270]  }
0xc6: {  	v14 =	vld [tilespmem:s23+$0x200];
	[tilespmem:s21+$0x2200] =	vst v13;
	v12 =	vmax.f32 v12, $0.0e+00;
	v5 =	vadd.f32 v10, v5  }
0xc7: {  	v15 =	vld [tilespmem:s23+$0x210];
	[tilespmem:s21+$0x2210] =	vst v12;
	v10 =	vmax.f32 v6, $0.0e+00;
	v4 =	vadd.f32 v9, v4  }
0xc8: {  	v6 =	vld [tilespmem:s23+$0x220];
	[tilespmem:s21+$0x2220] =	vst v10;
	v9 =	vmax.f32 v5, $0.0e+00;
	v3 =	vadd.f32 v8, v3  }
0xc9: {  	v5 =	vld [tilespmem:s23+$0x230];
	[tilespmem:s21+$0x2230] =	vst v9;
	v8 =	vmax.f32 v4, $0.0e+00;
	v2 =	vadd.f32 v7, v2  }
0xca: {  	v4 =	vld [tilespmem:s23+$0x240];
	[tilespmem:s21+$0x2240] =	vst v8;
	v7 =	vmax.f32 v3, $0.0e+00;
	v1 =	vadd.f32 v11, v1  }
0xcb: {  	v3 =	vld [tilespmem:s23+$0x250];
	[tilespmem:s21+$0x2250] =	vst v7;
	v7 =	vmax.f32 v2, $0.0e+00  }
0xcc: {  	v2 =	vld [tilespmem:s23+$0x260];
	[tilespmem:s21+$0x2260] =	vst v7;
	v7 =	vmax.f32 v1, $0.0e+00  }
0xcd: {  	v1 =	vld [tilespmem:s23+$0x270];
	[tilespmem:s21+$0x2270] =	vst v7;
	s21 =	smov.u32 s23  }
0xce: {  	v7 =	vld [tilespmem:s21+$0x2200]  }
0xcf: {  	v12 =	vld [tilespmem:s21+$0x2210]  }
.Ltmp3:
0xd0: {  	v11 =	vld [tilespmem:s21+$0x2220];
	(pc) =	sbr.rel @p1 .LBB2_5-.Ltmp3, $4  }
0xd1: {  	v10 =	vld [tilespmem:s21+$0x2230]  }
0xd2: {  	v9 =	vld [tilespmem:s21+$0x2240]  }
0xd3: {  	v13 =	vadd.f32 v7, v14;
	v8 =	vld [tilespmem:s21+$0x2250]  }
0xd4: {  	s22 =	sadd.s32 $0x200, s22;
	v12 =	vadd.f32 v12, v15;
	v7 =	vld [tilespmem:s21+$0x2260]  }
0xd5: {  	v13 =	vmax.f32 v13, $0.0e+00;
	v6 =	vadd.f32 v11, v6;
	v11 =	vld [tilespmem:s21+$0x2270]  }
0xd6: {  	[tilespmem:s21+$0x2200] =	vst v13;
	v12 =	vmax.f32 v12, $0.0e+00;
	v5 =	vadd.f32 v10, v5  }
0xd7: {  	[tilespmem:s21+$0x2210] =	vst v12;
	v6 =	vmax.f32 v6, $0.0e+00;
	v4 =	vadd.f32 v9, v4  }
0xd8: {  	[tilespmem:s21+$0x2220] =	vst v6;
	v5 =	vmax.f32 v5, $0.0e+00;
	v3 =	vadd.f32 v8, v3  }
0xd9: {  	[tilespmem:s21+$0x2230] =	vst v5;
	v4 =	vmax.f32 v4, $0.0e+00;
	v2 =	vadd.f32 v7, v2  }
0xda: {  	[tilespmem:s21+$0x2240] =	vst v4;
	v3 =	vmax.f32 v3, $0.0e+00;
	v1 =	vadd.f32 v11, v1  }
0xdb: {  	[tilespmem:s21+$0x2250] =	vst v3;
	v2 =	vmax.f32 v2, $0.0e+00  }
0xdc: {  	[tilespmem:s21+$0x2260] =	vst v2;
	v1 =	vmax.f32 v1, $0.0e+00  }
0xdd: {  	[tilespmem:s21+$0x2270] =	vst v1;
	s21 =	simm.s32 @p0 $0x2  }
0xde: {  	_ =	swait.ge @p0 [sflag:s21], $0x40  }
0xdf: {  	s22 =	simm.s32 @p0 $0x80;
	[sflag:s21] =	ssyncset.done @p0 $0x0  }
0xe0: {  	s23 =	simm.s32 @p0 $0x2200;
	[sflag:s21] =	ssyncadd.s32 @p0 $0xFFFFFFC0;
	s21 =	simm.s32 @p0 $0x40  }
0xe1: {  	[spmem:s2] =	stream.indirect.scatter.add.f32 @p0 [tilespmem:s23], [sflag:$0x9], $0x80, s22, s21, $0xb8;
	[tilespmem:$0x1C200] =	vst v63  }
0xe2: {  	s21 =	simm.s32 @p0 $0x9  }
0xe3: {  	_ =	swait.ge @p0 [sflag:s21], $0x2000  }
0xe4: {  	[sflag:s21] =	ssyncset.done @p0 $0x0  }
0xe5: {  	[sflag:s21] =	ssyncadd.s32 @p0 $0xFFFFE000;
	s21 =	simm.s32 @p0 $0x7  }
0xe6: {  	_ =	swait.ge @p0 [sflag:s21], $0x2000  }
0xe7: {  	[sflag:s21] =	ssyncset.done @p0 $0x0  }
0xe8: {  	[sflag:s21] =	ssyncadd.s32 @p0 $0xFFFFE000;
	s21 =	simm.s32 @p0 $0x8  }
0xe9: {  	_ =	swait.ge @p0 [sflag:s21], $0x2000  }
0xea: {  	[sflag:s21] =	ssyncset.done @p0 $0x0  }
0xeb: {  	[sflag:s21] =	ssyncadd.s32 @p0 $0xFFFFE000;
	s21 =	simm.s32 @!p0 $0x1  }
0xec: {  	_ =	swait.ge @!p0 [sflag:s21], $0x40  }
0xed: {  	s22 =	simm.s32 @!p0 $0x0;
	[sflag:s21] =	ssyncset.done @!p0 $0x0  }
0xee: {  	s23 =	simm.s32 @!p0 $0x200;
	[sflag:s21] =	ssyncadd.s32 @!p0 $0xFFFFFFC0;
	s21 =	simm.s32 @!p0 $0x40  }
0xef: {  	[tilespmem:s23], [sflag:$0x3] =	stream.indirect.gather @!p0 [hbm4b:s14+s21], $0x80, s22, s21, $0xb8;
	[tilespmem:$0x1C200] =	vst v63  }
0xf0: {  	s23 =	simm.s32 @!p0 $0x2  }
0xf1: {  	_ =	swait.ge @!p0 [sflag:s23], $0x40  }
0xf2: {  	[sflag:s23] =	ssyncset.done @!p0 $0x0  }
0xf3: {  	s24 =	simm.s32 @!p0 $0x2200;
	[sflag:s23] =	ssyncadd.s32 @!p0 $0xFFFFFFC0;
	s23 =	simm.s32 @!p0 $0x80  }
0xf4: {  	[spmem:s2] =	stream.indirect.scatter.add.f32 @!p0 [tilespmem:s24], [sflag:$0x9], $0x80, s23, s21, $0xb8;
	[tilespmem:$0x1C200] =	vst v63  }
0xf5: {  	s21 =	simm.s32 @!p0 $0x9  }
0xf6: {  	_ =	swait.ge @!p0 [sflag:s21], $0x2000  }
0xf7: {  	[sflag:s21] =	ssyncset.done @!p0 $0x0  }
0xf8: {  	s20 =	sadd.s32 @!p0 s17, s20;
	s19 =	sshll.u32 @!p0 s19, $0x4;
	[sflag:s21] =	ssyncadd.s32 @!p0 $0xFFFFE000  }
0xf9: {  	[tilespmem:s23], [sflag:$0x2] =	stream.linear.gather @!p0 [hbm4b:s20+s22], $0x40, $0x38;
	[tilespmem:$0x1C200] =	vst v63  }
0xfa: {  	s19 =	sadd.s32 @!p0 s15, s19  }
0xfb: {  	[tilespmem:s24], [sflag:$0x4] =	stream.linear.gather @!p0 [hbm4b:s19+s22], $0x2000, $0x38;
	[tilespmem:$0x1C200] =	vst v63  }
0xfc: {  	s19 =	simm.s32 @!p0 $0x7  }
0xfd: {  	_ =	swait.ge @!p0 [sflag:s19], $0x2000  }
0xfe: {  	[sflag:s19] =	ssyncset.done @!p0 $0x0  }
0xff: {  	[sflag:s19] =	ssyncadd.s32 @!p0 $0xFFFFE000;
	s19 =	simm.s32 @!p0 $0x8  }
0x100: {  	s20 =	sadd.s32 @!p0 s18, s5;
	_ =	swait.ge @!p0 [sflag:s19], $0x2000  }
0x101: {  	s20 =	sshrl.u32 @!p0 s20, $0x3;
	[sflag:s19] =	ssyncset.done @!p0 $0x0  }
0x102: {  	[sflag:s19] =	ssyncadd.s32 @!p0 $0xFFFFE000;
	s19 =	sadd.s32 @!p0 s16, s20;
	s20 =	simm.s32 @!p0 $0x100  }
0x103: {  	[tilespmem:s20], [sflag:$0x5] =	stream.linear.gather @!p0 [hbm4b:s19+s22], $0x40, $0x38;
	[tilespmem:$0x1C200] =	vst v63  }
0x104: {  	s19 =	simm.s32 $0x0  }
0x105: {  	v7 =	vld [tilespmem:s19+$0x4200]  }
0x106: {  	v12 =	vld [tilespmem:s19+$0x4210]  }
0x107: {  	v6 =	vld [tilespmem:s19+$0x4220]  }
0x108: {  	v5 =	vld [tilespmem:s19+$0x4230]  }
0x109: {  	v4 =	vld [tilespmem:s19+$0x4240]  }
0x10a: {  	v3 =	vld [tilespmem:s19+$0x4250]  }
0x10b: {  	v2 =	vld [tilespmem:s19+$0x4260]  }
0x10c: {  	v1 =	vld [tilespmem:s19+$0x4270]  }
0x10d: {  	v13 =	vld [tilespmem:s19+$0x6200]  }
0x10e: {  	v14 =	vld [tilespmem:s19+$0x6210]  }
0x10f: {  	v11 =	vld [tilespmem:s19+$0x6220]  }
0x110: {  	v10 =	vld [tilespmem:s19+$0x6230]  }
0x111: {  	v9 =	vld [tilespmem:s19+$0x6240]  }
0x112: {  	v8 =	vld [tilespmem:s19+$0x6250];
	v13 =	vadd.f32 v13, v7  }
0x113: {  	s20 =	simm.s32 $0x200;
	v12 =	vadd.f32 v14, v12;
	v7 =	vld [tilespmem:s19+$0x6260]  }
.LBB2_7:
0x114: {  	s21 =	sshra.s32 s20, $0x2;
	p1 =	sne.s32 s20, $0x7E00;
	v13 =	vmax.f32 v13, $0.0e+00;
	v6 =	vadd.f32 v11, v6;
	v11 =	vld [tilespmem:s19+$0x6270]  }
0x115: {  	v14 =	vld [tilespmem:s21+$0x4200];
	[tilespmem:s19+$0x6200] =	vst v13;
	v12 =	vmax.f32 v12, $0.0e+00;
	v5 =	vadd.f32 v10, v5  }
0x116: {  	v15 =	vld [tilespmem:s21+$0x4210];
	[tilespmem:s19+$0x6210] =	vst v12;
	v10 =	vmax.f32 v6, $0.0e+00;
	v4 =	vadd.f32 v9, v4  }
0x117: {  	v6 =	vld [tilespmem:s21+$0x4220];
	[tilespmem:s19+$0x6220] =	vst v10;
	v9 =	vmax.f32 v5, $0.0e+00;
	v3 =	vadd.f32 v8, v3  }
0x118: {  	v5 =	vld [tilespmem:s21+$0x4230];
	[tilespmem:s19+$0x6230] =	vst v9;
	v8 =	vmax.f32 v4, $0.0e+00;
	v2 =	vadd.f32 v7, v2  }
0x119: {  	v4 =	vld [tilespmem:s21+$0x4240];
	[tilespmem:s19+$0x6240] =	vst v8;
	v7 =	vmax.f32 v3, $0.0e+00;
	v1 =	vadd.f32 v11, v1  }
0x11a: {  	v3 =	vld [tilespmem:s21+$0x4250];
	[tilespmem:s19+$0x6250] =	vst v7;
	v7 =	vmax.f32 v2, $0.0e+00  }
0x11b: {  	v2 =	vld [tilespmem:s21+$0x4260];
	[tilespmem:s19+$0x6260] =	vst v7;
	v7 =	vmax.f32 v1, $0.0e+00  }
0x11c: {  	v1 =	vld [tilespmem:s21+$0x4270];
	[tilespmem:s19+$0x6270] =	vst v7;
	s19 =	smov.u32 s21  }
0x11d: {  	v7 =	vld [tilespmem:s19+$0x6200]  }
0x11e: {  	v12 =	vld [tilespmem:s19+$0x6210]  }
.Ltmp4:
0x11f: {  	v11 =	vld [tilespmem:s19+$0x6220];
	(pc) =	sbr.rel @p1 .LBB2_7-.Ltmp4, $4  }
0x120: {  	v10 =	vld [tilespmem:s19+$0x6230]  }
0x121: {  	v9 =	vld [tilespmem:s19+$0x6240]  }
0x122: {  	v13 =	vadd.f32 v7, v14;
	v8 =	vld [tilespmem:s19+$0x6250]  }
0x123: {  	s20 =	sadd.s32 $0x200, s20;
	v12 =	vadd.f32 v12, v15;
	v7 =	vld [tilespmem:s19+$0x6260]  }
0x124: {  	v13 =	vmax.f32 v13, $0.0e+00;
	v6 =	vadd.f32 v11, v6;
	v63 =	vld [tilespmem:s19+$0x6270]  }
0x125: {  	[tilespmem:s19+$0x6200] =	vst v13;
	v12 =	vmax.f32 v12, $0.0e+00;
	v5 =	vadd.f32 v10, v5  }
0x126: {  	[tilespmem:s19+$0x6210] =	vst v12;
	v6 =	vmax.f32 v6, $0.0e+00;
	v4 =	vadd.f32 v9, v4  }
0x127: {  	[tilespmem:s19+$0x6220] =	vst v6;
	v5 =	vmax.f32 v5, $0.0e+00;
	v3 =	vadd.f32 v8, v3  }
.Ltmp5:
0x128: {  	[tilespmem:s19+$0x6230] =	vst v5;
	v4 =	vmax.f32 v4, $0.0e+00;
	v2 =	vadd.f32 v7, v2;
	(pc) =	sbr.rel @p0 .LBB2_10-.Ltmp5, $4  }
0x129: {  	[tilespmem:s19+$0x6240] =	vst v4;
	v3 =	vmax.f32 v3, $0.0e+00;
	v1 =	vadd.f32 v63, v1  }
0x12a: {  	[tilespmem:s19+$0x6250] =	vst v3;
	v2 =	vmax.f32 v2, $0.0e+00  }
0x12b: {  	[tilespmem:s19+$0x6260] =	vst v2;
	v1 =	vmax.f32 v1, $0.0e+00  }
0x12c: {  	[tilespmem:s19+$0x6270] =	vst v1  }
0x12d: {  	_ =	swait.ge [sflag:s30], $0x40  }
0x12e: {  	[sflag:s30] =	ssyncset.done $0x0  }
0x12f: {  	[sflag:s30] =	ssyncadd.s32 $0xFFFFFFC0  }
0x130: {  	[tilespmem:s31], [sflag:$0x7] =	stream.indirect.gather [hbm4b:s14+s29], $0x80, s9, s29, $0xb8;
	[tilespmem:$0x1C200] =	vst v63  }
0x131: {  	_ =	swait.ge [sflag:s3], $0x40  }
0x132: {  	[sflag:s3] =	ssyncset.done $0x0  }
0x133: {  	[sflag:s3] =	ssyncadd.s32 $0xFFFFFFC0  }
0x134: {  	[spmem:s2] =	stream.indirect.scatter.add.f32 [tilespmem:s11], [sflag:$0x9], $0x80, s10, s29, $0xb8;
	[tilespmem:$0x1C200] =	vst v63  }
0x135: {  	s18 =	sadd.s32 s18, s5;
	_ =	swait.ge [sflag:s8], $0x2000  }
.Ltmp6:
0x136: {  	s19 =	sshrl.u32 s18, $0x3;
	[sflag:s8] =	ssyncset.done $0x0;
	(pc) =	sbr.rel .LBB2_4-.Ltmp6, $4  }
0x137: {  	s18 =	sshll.u32 s18, $0x4;
	s19 =	sadd.s32 s17, s19;
	[sflag:s8] =	ssyncadd.s32 $0xFFFFE000  }
0x138: {  	[tilespmem:s10], [sflag:$0x6] =	stream.linear.gather [hbm4b:s19+s12], $0x40, $0x38;
	[tilespmem:$0x1C200] =	vst v63  }
0x139: {  	s13 =	sadd.s32 $0x1, s13;
	s18 =	sadd.s32 s15, s18  }
0x13a: {  	[tilespmem:s11], [sflag:$0x8] =	stream.linear.gather [hbm4b:s18+s12], $0x2000, $0x38;
	[tilespmem:$0x1C200] =	vst v63  }
.LBB2_11:
0x13b: {  	_ =	sfence.sel $0x180000  }
0x13c: {  	[bflag:$0x0] =	sbarrier.arrive $0xFFFF  }
0x13d: {  	_ =	strace $0x9000004D  }
0x13e: {  	s0 =	stileid.u32;
	[bflag:$0x2] =	sbarrier.arrive $0xFFFF  }
0x13f: {  	p0 =	sne.s32 s0, $0x0;
	s0 =	rddreg [dreg:$0x2]  }
0x140: {  	s0 =	sadd.s32 @!p0 $0x100000, s0  }
0x141: {  	[sflag:s0] =	ssyncadd.tile.s32 @!p0 $0x1;
	_ =	shalt  }
.Lfunc_end2:
_tile_overlayer_lowered:
.L_overlay_start_2:
0x142: {  	(tag) =	ssettag $0x2  }
0x143: {  	s0 =	rddreg [dreg:$0x0];
	s2 =	stileid.u32  }
0x144: {  	s1 =	rddreg [dreg:$0x1];
	p0 =	sne.s32 s2, $0x0  }
0x145: {  	s3 =	rddreg [dreg:$0x2];
	[bflag:$0x3] =	sbarrier.arrive $0xFFFF;
	s2 =	simm.s32 @!p0 $0x1C09  }
0x146: {  	[timem:s3], [sflag:s2] =	dma.local @!p0 [hbm:s0], s1  }
0x147: {  	s0 =	simm.s32 @!p0 $0x9  }
0x148: {  	_ =	swait.ge @!p0 [sflag:s0], s1  }
0x149: {  	s1 =	ssub.s32 @!p0 $0x0, s1;
	[sflag:s0] =	ssyncset.done @!p0 $0x0  }
0x14a: {  	[sflag:s0] =	ssyncadd.s32 @!p0 s1  }
0x14b: {  	[bflag:$0x3] =	sbarrier.arrive $0xFFFF  }
0x14c: {  	_ =	shalt  }

</sc_bundles>
